<compile_context>
chip_gen: v7x
topology: tpu7x:2x2x1
jax: 0.10.2.dev20260603
libtpu: 0.0.44.dev20260713+nightly
codegen_flags: <defaults>
</compile_context>

<pallas_src>
import functools

import jax
import jax.numpy as jnp
from jax import lax
from jax.experimental import pallas as pl
from jax.experimental.pallas import tpu as pltpu
from jax.experimental.pallas import tpu_sc as plsc

N = 1_600_000
S = 100_000
NTILES = 32
LANES = 16
NWORK = NTILES * LANES
SEG = 196
SP = NWORK * SEG
SEG_T = LANES * SEG
K = 512
R = 128
NB = 544
ACC_W = SEG * 4 * LANES


def _sc_compact_body(x2d_hbm, bounds_hbm, x_hbm,
                     bounds_v, xpad_v, xcomp_v, sem_a, sem_o):
    cid = lax.axis_index("c")
    sid = lax.axis_index("s")
    t = sid * 2 + cid
    t16 = t * LANES

    pltpu.sync_copy(bounds_hbm, bounds_v)
    iota = lax.iota(jnp.int32, LANES)
    lane_lo = plsc.load_gather(bounds_v, [t16 + iota])
    lane_hi = plsc.load_gather(bounds_v, [t16 + 1 + iota])
    astart = lane_lo & jnp.int32(-8)

    alo = astart[0]
    ahi = lane_hi[LANES - 1]
    n_r = (ahi - alo + (R - 1)) // R

    def _row_start(j):
        return pl.multiple_of(jnp.minimum(alo + j * R, N - R), 8)

    def _fire(j):
        slot = lax.rem(j, 2)
        rs = _row_start(j)
        pltpu.async_copy(x2d_hbm.at[pl.ds(rs, R)], xpad_v.at[slot], sem_a)

    @pl.when(n_r > 0)
    def _():
        _fire(0)

    def _compact(j, c):
        slot = lax.rem(j, 2)
        oslot = lax.rem(j, 4)

        @pl.when(j + 1 < n_r)
        def _():
            _fire(j + 1)

        pltpu.make_async_copy(x2d_hbm.at[pl.ds(0, R)],
                              xpad_v.at[slot], sem_a).wait()

        @pl.when(j >= 4)
        def _():
            pltpu.make_async_copy(xcomp_v.at[pl.ds(0, R * 3)],
                                  x_hbm.at[pl.ds(0, R * 3)], sem_o).wait()

        slotv = jnp.full((LANES,), slot, jnp.int32)
        for j2 in range(R // LANES):
            r = iota + j2 * LANES
            for c3 in range(3):
                cvec = jnp.full((LANES,), c3, jnp.int32)
                vv = plsc.load_gather(xpad_v, [slotv, r, cvec])
                plsc.store_scatter(xcomp_v, [oslot * (R * 3) + r * 3 + c3], vv)
        rs = _row_start(j)
        pltpu.async_copy(xcomp_v.at[pl.ds(oslot * (R * 3), R * 3)],
                         x_hbm.at[pl.ds(pl.multiple_of(rs * 3, 8), R * 3)],
                         sem_o)
        return c
    lax.fori_loop(0, n_r, _compact, 0)

    def _drain(j, c):
        pltpu.make_async_copy(xcomp_v.at[pl.ds(0, R * 3)],
                              x_hbm.at[pl.ds(0, R * 3)], sem_o).wait()
        return c
    lax.fori_loop(0, jnp.minimum(n_r, 4), _drain, 0)


def _sc_body(x_hbm, ids_hbm, bounds_hbm, params_hbm, out_hbm,
             bounds_v, params_v, ids_v, x_v, acc, outv, sem, sem2):
    cid = lax.axis_index("c")
    sid = lax.axis_index("s")
    t = sid * 2 + cid
    t16 = t * LANES

    pltpu.sync_copy(bounds_hbm, bounds_v)
    pltpu.sync_copy(params_hbm, params_v)

    iota = lax.iota(jnp.int32, LANES)
    lane_lo = plsc.load_gather(bounds_v, [t16 + iota])
    lane_hi = plsc.load_gather(bounds_v, [t16 + 1 + iota])
    astart = lane_lo & jnp.int32(-8)
    seg_base = (t16 + iota) * SEG
    maxlen = jnp.max(lane_hi - astart)
    nchunks = (maxlen + (K - 1)) // K

    def _zero(i, c):
        acc[pl.ds(i * LANES, LANES)] = jnp.zeros((LANES,), jnp.float32)
        return c
    lax.fori_loop(0, ACC_W // LANES, _zero, 0)

    iota_k = iota * K
    iota_k3 = iota * (K * 3)

    def _fire_b(ci):
        slot = lax.rem(ci, 2)
        dvec = jnp.minimum(astart + ci * K, N - K)
        for l in range(LANES):
            dst = pl.multiple_of(dvec[l], 8)
            pltpu.async_copy(
                ids_hbm.at[pl.ds(dst, K)],
                ids_v.at[pl.ds(slot * (LANES * K) + l * K, K)], sem)
            pltpu.async_copy(
                x_hbm.at[pl.ds(pl.multiple_of(dst * 3, 8), K * 3)],
                x_v.at[pl.ds(slot * (LANES * K * 3) + l * (K * 3), K * 3)],
                sem2)

    @pl.when(nchunks > 0)
    def _():
        _fire_b(0)

    def _chunk(ci, c):
        s0 = ci * K
        slot = lax.rem(ci, 2)
        base_i = slot * (LANES * K)
        base_x = slot * (LANES * K * 3)

        @pl.when(ci + 1 < nchunks)
        def _():
            _fire_b(ci + 1)

        for l in range(LANES):
            pltpu.make_async_copy(
                ids_hbm.at[pl.ds(0, K)],
                ids_v.at[pl.ds(base_i + l * K, K)], sem).wait()
            pltpu.make_async_copy(
                x_hbm.at[pl.ds(0, K * 3)],
                x_v.at[pl.ds(base_x + l * (K * 3), K * 3)], sem2).wait()

        dvec = jnp.minimum(astart + s0, N - K)
        mlo = jnp.maximum(lane_lo, astart + s0)

        def _step(s, cc):
            ids = plsc.load_gather(ids_v, [base_i + iota_k + s])
            gx = dvec + s
            valid = (gx >= mlo) & (gx < lane_hi)
            lid = jnp.clip(ids - seg_base, 0, SEG - 1)
            aidx = lid * (4 * LANES) + iota
            xb = base_x + iota_k3 + s * 3
            xv = plsc.load_gather(x_v, [xb])
            yv = plsc.load_gather(x_v, [xb + 1])
            zv = plsc.load_gather(x_v, [xb + 2])
            zero = jnp.zeros((LANES,), jnp.float32)
            plsc.addupdate_scatter(acc, [aidx], jnp.where(valid, xv, zero))
            plsc.addupdate_scatter(acc, [aidx + LANES], jnp.where(valid, yv, zero))
            plsc.addupdate_scatter(acc, [aidx + 2 * LANES], jnp.where(valid, zv, zero))
            plsc.addupdate_scatter(acc, [aidx + 3 * LANES],
                                   jnp.where(valid, jnp.ones((LANES,), jnp.float32), zero))
            return cc
        lax.fori_loop(0, K, _step, 0, unroll=4)
        return c
    lax.fori_loop(0, nchunks, _chunk, 0)

    pv = params_v[pl.ds(0, LANES)]
    g0 = pv[0]
    g1 = pv[1]
    g2 = pv[2]
    b0 = pv[3]
    b1 = pv[4]
    b2 = pv[5]
    w0 = pv[6]
    w1 = pv[7]
    w2 = pv[8]
    bb = pv[9]

    def _head(lid, c):
        base = lid * (4 * LANES)
        sx = acc[pl.ds(base, LANES)]
        sy = acc[pl.ds(base + LANES, LANES)]
        sz = acc[pl.ds(base + 2 * LANES, LANES)]
        cn = acc[pl.ds(base + 3 * LANES, LANES)]
        cn1 = jnp.maximum(cn, 1.0)
        inv_n = 1.0 / cn1
        inv_n = inv_n * (2.0 - cn1 * inv_n)
        mx = sx * inv_n
        my = sy * inv_n
        mz = sz * inv_n
        mu = (mx + my + mz) * jnp.float32(1.0 / 3.0)
        dx = mx - mu
        dy = my - mu
        dz = mz - mu
        v = (dx * dx + dy * dy + dz * dz) * jnp.float32(1.0 / 3.0) + 1e-5
        vi = plsc.bitcast(v, jnp.int32)
        y = plsc.bitcast(jnp.int32(0x5F3759DF) - (vi >> 1), jnp.float32)
        for _ in range(4):
            y = y * (1.5 - 0.5 * v * y * y)
        h0 = dx * y * g0 + b0
        h1 = dy * y * g1 + b1
        h2 = dz * y * g2 + b2
        pred = h0 * w0 + h1 * w1 + h2 * w2 + bb
        plsc.store_scatter(outv, [iota * SEG + lid], pred)
        return c
    lax.fori_loop(0, SEG, _head, 0)

    pltpu.sync_copy(outv, out_hbm.at[pl.ds(t * SEG_T, SEG_T)])


@jax.jit
def _run(x2d, ids, bounds, params):
    mesh = plsc.VectorSubcoreMesh(core_axis_name="c", subcore_axis_name="s")
    compact_fn = pl.kernel(
        _sc_compact_body,
        out_type=jax.ShapeDtypeStruct((N * 3,), jnp.float32),
        mesh=mesh,
        compiler_params=pltpu.CompilerParams(needs_layout_passes=False),
        scratch_types=[
            pltpu.VMEM((NB,), jnp.int32),
            pltpu.VMEM((2, R, 3), jnp.float32),
            pltpu.VMEM((4 * R * 3,), jnp.float32),
            pltpu.SemaphoreType.DMA,
            pltpu.SemaphoreType.DMA,
        ],
    )
    x_flat = compact_fn(x2d, bounds)
    fn = pl.kernel(
        _sc_body,
        out_type=jax.ShapeDtypeStruct((SP,), jnp.float32),
        mesh=mesh,
        compiler_params=pltpu.CompilerParams(needs_layout_passes=False),
        scratch_types=[
            pltpu.VMEM((NB,), jnp.int32),
            pltpu.VMEM((LANES,), jnp.float32),
            pltpu.VMEM((2 * LANES * K,), jnp.int32),
            pltpu.VMEM((2 * LANES * K * 3,), jnp.float32),
            pltpu.VMEM((ACC_W,), jnp.float32),
            pltpu.VMEM((SEG_T,), jnp.float32),
            pltpu.SemaphoreType.DMA,
            pltpu.SemaphoreType.DMA,
        ],
    )
    return fn(x_flat, ids, bounds, params)


def kernel(x_t, batch, ln_scale, ln_bias, W, b):
    ids = batch.astype(jnp.int32)
    edges = jnp.arange(NWORK + 1, dtype=jnp.int32) * SEG
    bounds = jnp.searchsorted(ids, edges, side="left").astype(jnp.int32)
    bounds = jnp.pad(bounds, (0, NB - (NWORK + 1)))
    params = jnp.concatenate([
        ln_scale.astype(jnp.float32),
        ln_bias.astype(jnp.float32),
        W.reshape(-1).astype(jnp.float32),
        b.reshape(-1).astype(jnp.float32),
        jnp.zeros((6,), jnp.float32),
    ])
    out = _run(x_t.astype(jnp.float32), ids, bounds, params)
    return out[:S].reshape(S, 1)

# --- scband reference (transcript-rebuilt; emitter-appended) ---
"""Pipeline reference for scband-egnnmodel-wrapper-45767171506241 (READ-ONLY COPY).

The authoritative reference and input builder live on the scoring server;
editing this copy changes nothing except your own understanding.
"""

import jax, jax.numpy as jnp
import numpy as np

N = 1_600_000   # total ligand atoms across the batch
D = 3           # xyz coordinates (ConfidenceHead in_dim=3)
S = 100_000     # number of molecules (segments)


def setup_inputs(seed: int = 0) -> dict:
    key = jax.random.key(seed)
    k1, k2, k3 = jax.random.split(key, 3)
    x_t = jax.random.normal(k1, (N, D), dtype=jnp.float32)
    batch = jnp.sort(jax.random.randint(k2, (N,), 0, S, dtype=jnp.int64))
    # ConfidenceHead params: LayerNorm(3) + Linear(3, 1)
    ln_scale = jnp.ones((D,), dtype=jnp.float32)
    ln_bias = jnp.zeros((D,), dtype=jnp.float32)
    W = jax.random.normal(k3, (D, 1), dtype=jnp.float32) * (1.0 / np.sqrt(D))
    b = jnp.zeros((1,), dtype=jnp.float32)
    return {"x_t": x_t, "batch": batch, "ln_scale": ln_scale,
            "ln_bias": ln_bias, "W": W, "b": b}


def reference(x_t, batch, ln_scale, ln_bias, W, b):
    # scatter_mean(x_t, batch, dim=0): per-molecule mean of atom coordinates
    sums = jax.ops.segment_sum(x_t, batch, num_segments=S)
    counts = jax.ops.segment_sum(jnp.ones((x_t.shape[0],), dtype=x_t.dtype),
                                 batch, num_segments=S)
    mean = sums / jnp.clip(counts, 1.0, None)[:, None]
    # ConfidenceHead: LayerNorm then Linear
    mu = jnp.mean(mean, axis=-1, keepdims=True)
    var = jnp.var(mean, axis=-1, keepdims=True)
    h = (mean - mu) / jnp.sqrt(var + 1e-5) * ln_scale + ln_bias
    pred = h @ W + b
    return pred

if __name__ == "__main__":
    import jax
    _d = setup_inputs()
    print(jax.jit(kernel)(*tuple(_d.values())))

</pallas_src>

<mosaic_0001>
#map = affine_map<(d0, d1) -> (0, 0)>
#map1 = affine_map<(d0, d1) -> (0)>
module attributes {stable_mosaic.version = 14 : i64} {
  func.func @_sc_compact_body(%arg0: i32, %arg1: i32, %arg2: memref<1600000x3xf32, #tpu.memory_space<hbm>>, %arg3: memref<544xi32, #tpu.memory_space<hbm>>, %arg4: memref<4800000xf32, #tpu.memory_space<hbm>>, %arg5: memref<544xi32, #tpu.memory_space<vmem>>, %arg6: memref<2x128x3xf32, #tpu.memory_space<vmem>>, %arg7: memref<1536xf32, #tpu.memory_space<vmem>>, %arg8: memref<!tpu.dma_semaphore, #tpu.memory_space<semaphore_mem>>, %arg9: memref<!tpu.dma_semaphore, #tpu.memory_space<semaphore_mem>>) attributes {dimension_semantics = [#tpu.dimension_semantics<core_parallel>, #tpu.dimension_semantics<subcore_parallel>], iteration_bounds = array<i64: 2, 16>, scalar_prefetch = 0 : i64, scratch_operands = 5 : i64, tpu.core_type = #tpu.core_type<sc_vector_subcore>, window_params = [{transform_indices = #map}, {transform_indices = #map1}, {transform_indices = #map1}]} {
    %mul3A = arith.constant 2 : i32
    %mul3A_0 = arith.muli %arg1, %mul3A : i32
    %add3A = arith.addi %mul3A_0, %arg0 : i32
    %mul3A_1 = arith.constant 16 : i32
    %mul3A_2 = arith.muli %add3A, %mul3A_1 : i32
    "tpu.region"() ({
      %run_scoped3A = tpu.sem_alloc : memref<!tpu.dma_semaphore, #tpu.memory_space<semaphore_mem>>
      tpu.enqueue_dma source(%arg3 : memref<544xi32, #tpu.memory_space<hbm>>) target(%arg5 : memref<544xi32, #tpu.memory_space<vmem>>) target_semaphore(%run_scoped3A : memref<!tpu.dma_semaphore, #tpu.memory_space<semaphore_mem>>)
      tpu.wait_dma2 semaphore(%run_scoped3A : memref<!tpu.dma_semaphore, #tpu.memory_space<semaphore_mem>>) src(%arg3 : memref<544xi32, #tpu.memory_space<hbm>>) dst(%arg5 : memref<544xi32, #tpu.memory_space<vmem>>)
      tpu.yield
    }) : () -> ()
    %iota3A = tpu.iota {dimensions = array<i32: 0>} : vector<16xi32>
    %add3A_3 = vector.broadcast %mul3A_2 : i32 to vector<16xi32>
    %add3A_4 = arith.addi %add3A_3, %iota3A : vector<16xi32>
    %gather3A = tpu.vector_load_idx %arg5[%add3A_4] : memref<544xi32, #tpu.memory_space<vmem>>[vector<16xi32>], vector<16xi32>,
    %add3A_5 = arith.constant 1 : i32
    %add3A_6 = arith.addi %mul3A_2, %add3A_5 : i32
    %add3A_7 = vector.broadcast %add3A_6 : i32 to vector<16xi32>
    %add3A_8 = arith.addi %add3A_7, %iota3A : vector<16xi32>
    %gather3A_9 = tpu.vector_load_idx %arg5[%add3A_8] : memref<544xi32, #tpu.memory_space<vmem>>[vector<16xi32>], vector<16xi32>,
    %and3A = arith.constant -8 : i32
    %and3A_10 = vector.broadcast %and3A : i32 to vector<16xi32>
    %and3A_11 = arith.andi %gather3A, %and3A_10 : vector<16xi32>
    %slice3A = vector.extract_strided_slice %and3A_11 {offsets = [0], sizes = [1], strides = [1]} : vector<16xi32> to vector<1xi32>
    %squeeze3A = vector.extract %slice3A[0] : i32 from vector<1xi32>
    %slice3A_12 = vector.extract_strided_slice %gather3A_9 {offsets = [15], sizes = [1], strides = [1]} : vector<16xi32> to vector<1xi32>
    %squeeze3A_13 = vector.extract %slice3A_12[0] : i32 from vector<1xi32>
    %sub3A = arith.subi %squeeze3A_13, %squeeze3A : i32
    %add3A_14 = arith.constant 127 : i32
    %add3A_15 = arith.addi %sub3A, %add3A_14 : i32
    %jit3A = arith.constant 128 : i32
    %div3A = arith.divsi %add3A_15, %jit3A : i32
    %sign3A = arith.constant 0 : i32
    %sign3A_16 = arith.cmpi sgt, %add3A_15, %sign3A : i32
    %sign3A_17 = arith.extui %sign3A_16 : i1 to i32
    %sign3A_18 = arith.constant 0 : i32
    %sign3A_19 = arith.cmpi slt, %add3A_15, %sign3A_18 : i32
    %sign3A_20 = arith.extui %sign3A_19 : i1 to i32
    %sign3A_21 = arith.subi %sign3A_17, %sign3A_20 : i32
    %sign3A_22 = arith.constant 0 : i32
    %sign3A_23 = arith.cmpi sgt, %jit3A, %sign3A_22 : i32
    %sign3A_24 = arith.extui %sign3A_23 : i1 to i32
    %sign3A_25 = arith.constant 0 : i32
    %sign3A_26 = arith.cmpi slt, %jit3A, %sign3A_25 : i32
    %sign3A_27 = arith.extui %sign3A_26 : i1 to i32
    %sign3A_28 = arith.subi %sign3A_24, %sign3A_27 : i32
    %ne3A = arith.cmpi ne, %sign3A_21, %sign3A_28 : i32
    %rem3A = arith.remsi %add3A_15, %jit3A : i32
    %ne3A_29 = arith.constant 0 : i32
    %ne3A_30 = arith.cmpi ne, %rem3A, %ne3A_29 : i32
    %and3A_31 = arith.andi %ne3A, %ne3A_30 : i1
    %sub3A_32 = arith.constant 1 : i32
    %sub3A_33 = arith.subi %div3A, %sub3A_32 : i32
    %select_n3A = arith.select %and3A_31, %sub3A_33, %div3A : i32
    %gt3A = arith.constant 0 : i32
    %gt3A_34 = arith.cmpi sgt, %select_n3A, %gt3A : i32
    %convert_element_type3A = arith.extui %gt3A_34 : i1 to i32
    %cond3A = arith.constant 0 : i32
    %cond3A_35 = arith.cmpi ne, %convert_element_type3A, %cond3A : i32
    scf.if %cond3A_35 {
      %rem3A_56 = arith.constant 0 : i32
      %rem3A_57 = arith.constant 2 : i32
      %rem3A_58 = arith.remsi %rem3A_56, %rem3A_57 : i32
      %add3A_59 = arith.constant 0 : i32
      %add3A_60 = arith.addi %squeeze3A, %add3A_59 : i32
      %min3A_61 = arith.constant 1599872 : i32
      %min3A_62 = arith.minsi %add3A_60, %min3A_61 : i32
      %multiple_of3A = tpu.assume_multiple %min3A_62, 8 : i32
      %dma_start3A = arith.constant 0 : i32
      %dma_start3A_63 = arith.constant 0 : i32
      %dma_start3A_64 = tpu.memref_slice %arg6[%rem3A_58, %dma_start3A, %dma_start3A_63] : memref<2x128x3xf32, #tpu.memory_space<vmem>> -> memref<1x128x3xf32, #tpu.memory_space<vmem>>
      %dma_start3A_65 = tpu.memref_squeeze %dma_start3A_64 : memref<1x128x3xf32, #tpu.memory_space<vmem>> -> memref<128x3xf32, #tpu.memory_space<vmem>>
      %dma_start3A_66 = arith.constant 0 : i32
      %dma_start3A_67 = tpu.memref_slice %arg2[%multiple_of3A, %dma_start3A_66] : memref<1600000x3xf32, #tpu.memory_space<hbm>> -> memref<128x3xf32, #tpu.memory_space<hbm>>
      %dma_start3A_68 = arith.constant 0 : i32
      %dma_start3A_69 = arith.constant 0 : i32
      %dma_start3A_70 = tpu.memref_slice %arg6[%rem3A_58, %dma_start3A_68, %dma_start3A_69] : memref<2x128x3xf32, #tpu.memory_space<vmem>> -> memref<1x128x3xf32, #tpu.memory_space<vmem>>
      %dma_start3A_71 = tpu.memref_squeeze %dma_start3A_70 : memref<1x128x3xf32, #tpu.memory_space<vmem>> -> memref<128x3xf32, #tpu.memory_space<vmem>>
      %dma_start3A_72 = arith.constant 0 : i32
      %dma_start3A_73 = tpu.memref_slice %arg2[%multiple_of3A, %dma_start3A_72] : memref<1600000x3xf32, #tpu.memory_space<hbm>> -> memref<128x3xf32, #tpu.memory_space<hbm>>
      tpu.enqueue_dma source(%dma_start3A_73 : memref<128x3xf32, #tpu.memory_space<hbm>>) target(%dma_start3A_71 : memref<128x3xf32, #tpu.memory_space<vmem>>) target_semaphore(%arg8 : memref<!tpu.dma_semaphore, #tpu.memory_space<semaphore_mem>>)
    } else {
    }
    %while3A = arith.constant 0 : i32
    %while3A_36 = arith.constant 0 : i32
    %while3A_37 = arith.subi %select_n3A, %while3A_36 : i32
    %while3A_38 = arith.addi %while3A_36, %while3A_37 : i32
    %while3A_39 = arith.constant 1 : i32
    %while3A_40 = arith.divsi %while3A_37, %while3A_39 : i32
    %while3A_41 = arith.muli %while3A_40, %while3A_39 : i32
    %while3A_42 = arith.addi %while3A_36, %while3A_41 : i32
    %while3A_43 = arith.constant 1 : i32
    scf.for %while3A_56 = %while3A_36 to %while3A_42 step %while3A_43  : i32 {
      %rem3A_57 = arith.constant 2 : i32
      %rem3A_58 = arith.remsi %while3A_56, %rem3A_57 : i32
      %rem3A_59 = arith.constant 4 : i32
      %rem3A_60 = arith.remsi %while3A_56, %rem3A_59 : i32
      %add3A_61 = arith.constant 1 : i32
      %add3A_62 = arith.addi %while3A_56, %add3A_61 : i32
      %lt3A = arith.cmpi slt, %add3A_62, %select_n3A : i32
      %convert_element_type3A_63 = arith.extui %lt3A : i1 to i32
      %cond3A_64 = arith.constant 0 : i32
      %cond3A_65 = arith.cmpi ne, %convert_element_type3A_63, %cond3A_64 : i32
      scf.if %cond3A_65 {
        %add3A_432 = arith.constant 1 : i32
        %add3A_433 = arith.addi %while3A_56, %add3A_432 : i32
        %rem3A_434 = arith.constant 2 : i32
        %rem3A_435 = arith.remsi %add3A_433, %rem3A_434 : i32
        %mul3A_436 = arith.constant 128 : i32
        %mul3A_437 = arith.muli %add3A_433, %mul3A_436 : i32
        %add3A_438 = arith.addi %squeeze3A, %mul3A_437 : i32
        %min3A_439 = arith.constant 1599872 : i32
        %min3A_440 = arith.minsi %add3A_438, %min3A_439 : i32
        %multiple_of3A_441 = tpu.assume_multiple %min3A_440, 8 : i32
        %dma_start3A_442 = arith.constant 0 : i32
        %dma_start3A_443 = arith.constant 0 : i32
        %dma_start3A_444 = tpu.memref_slice %arg6[%rem3A_435, %dma_start3A_442, %dma_start3A_443] : memref<2x128x3xf32, #tpu.memory_space<vmem>> -> memref<1x128x3xf32, #tpu.memory_space<vmem>>
        %dma_start3A_445 = tpu.memref_squeeze %dma_start3A_444 : memref<1x128x3xf32, #tpu.memory_space<vmem>> -> memref<128x3xf32, #tpu.memory_space<vmem>>
        %dma_start3A_446 = arith.constant 0 : i32
        %dma_start3A_447 = tpu.memref_slice %arg2[%multiple_of3A_441, %dma_start3A_446] : memref<1600000x3xf32, #tpu.memory_space<hbm>> -> memref<128x3xf32, #tpu.memory_space<hbm>>
        %dma_start3A_448 = arith.constant 0 : i32
        %dma_start3A_449 = arith.constant 0 : i32
        %dma_start3A_450 = tpu.memref_slice %arg6[%rem3A_435, %dma_start3A_448, %dma_start3A_449] : memref<2x128x3xf32, #tpu.memory_space<vmem>> -> memref<1x128x3xf32, #tpu.memory_space<vmem>>
        %dma_start3A_451 = tpu.memref_squeeze %dma_start3A_450 : memref<1x128x3xf32, #tpu.memory_space<vmem>> -> memref<128x3xf32, #tpu.memory_space<vmem>>
        %dma_start3A_452 = arith.constant 0 : i32
        %dma_start3A_453 = tpu.memref_slice %arg2[%multiple_of3A_441, %dma_start3A_452] : memref<1600000x3xf32, #tpu.memory_space<hbm>> -> memref<128x3xf32, #tpu.memory_space<hbm>>
        tpu.enqueue_dma source(%dma_start3A_453 : memref<128x3xf32, #tpu.memory_space<hbm>>) target(%dma_start3A_451 : memref<128x3xf32, #tpu.memory_space<vmem>>) target_semaphore(%arg8 : memref<!tpu.dma_semaphore, #tpu.memory_space<semaphore_mem>>)
      } else {
      }
      %dma_wait3A = arith.constant 0 : i32
      %dma_wait3A_66 = arith.constant 0 : i32
      %dma_wait3A_67 = tpu.memref_slice %arg6[%rem3A_58, %dma_wait3A, %dma_wait3A_66] : memref<2x128x3xf32, #tpu.memory_space<vmem>> -> memref<1x128x3xf32, #tpu.memory_space<vmem>>
      %dma_wait3A_68 = tpu.memref_squeeze %dma_wait3A_67 : memref<1x128x3xf32, #tpu.memory_space<vmem>> -> memref<128x3xf32, #tpu.memory_space<vmem>>
      %dma_wait3A_69 = arith.constant 0 : i32
      %dma_wait3A_70 = arith.constant 0 : i32
      %dma_wait3A_71 = tpu.memref_slice %arg2[%dma_wait3A_69, %dma_wait3A_70] : memref<1600000x3xf32, #tpu.memory_space<hbm>> -> memref<128x3xf32, #tpu.memory_space<hbm>>
      %dma_wait3A_72 = arith.constant 0 : i32
      %dma_wait3A_73 = arith.constant 0 : i32
      %dma_wait3A_74 = tpu.memref_slice %arg6[%rem3A_58, %dma_wait3A_72, %dma_wait3A_73] : memref<2x128x3xf32, #tpu.memory_space<vmem>> -> memref<1x128x3xf32, #tpu.memory_space<vmem>>
      %dma_wait3A_75 = tpu.memref_squeeze %dma_wait3A_74 : memref<1x128x3xf32, #tpu.memory_space<vmem>> -> memref<128x3xf32, #tpu.memory_space<vmem>>
      %dma_wait3A_76 = arith.constant 0 : i32
      %dma_wait3A_77 = arith.constant 0 : i32
      %dma_wait3A_78 = tpu.memref_slice %arg2[%dma_wait3A_76, %dma_wait3A_77] : memref<1600000x3xf32, #tpu.memory_space<hbm>> -> memref<128x3xf32, #tpu.memory_space<hbm>>
      tpu.wait_dma2 semaphore(%arg8 : memref<!tpu.dma_semaphore, #tpu.memory_space<semaphore_mem>>) src(%dma_wait3A_78 : memref<128x3xf32, #tpu.memory_space<hbm>>) dst(%dma_wait3A_75 : memref<128x3xf32, #tpu.memory_space<vmem>>)
      %ge3A = arith.constant 4 : i32
      %ge3A_79 = arith.cmpi sge, %while3A_56, %ge3A : i32
      %convert_element_type3A_80 = arith.extui %ge3A_79 : i1 to i32
      %cond3A_81 = arith.constant 0 : i32
      %cond3A_82 = arith.cmpi ne, %convert_element_type3A_80, %cond3A_81 : i32
      scf.if %cond3A_82 {
        %dma_wait3A_432 = arith.constant 0 : i32
        %dma_wait3A_433 = tpu.memref_slice %arg7[%dma_wait3A_432] : memref<1536xf32, #tpu.memory_space<vmem>> -> memref<384xf32, #tpu.memory_space<vmem>>
        %dma_wait3A_434 = arith.constant 0 : i32
        %dma_wait3A_435 = tpu.memref_slice %arg4[%dma_wait3A_434] : memref<4800000xf32, #tpu.memory_space<hbm>> -> memref<384xf32, #tpu.memory_space<hbm>>
        %dma_wait3A_436 = arith.constant 0 : i32
        %dma_wait3A_437 = tpu.memref_slice %arg4[%dma_wait3A_436] : memref<4800000xf32, #tpu.memory_space<hbm>> -> memref<384xf32, #tpu.memory_space<hbm>>
        %dma_wait3A_438 = arith.constant 0 : i32
        %dma_wait3A_439 = tpu.memref_slice %arg7[%dma_wait3A_438] : memref<1536xf32, #tpu.memory_space<vmem>> -> memref<384xf32, #tpu.memory_space<vmem>>
        tpu.wait_dma2 semaphore(%arg9 : memref<!tpu.dma_semaphore, #tpu.memory_space<semaphore_mem>>) src(%dma_wait3A_439 : memref<384xf32, #tpu.memory_space<vmem>>) dst(%dma_wait3A_437 : memref<384xf32, #tpu.memory_space<hbm>>)
      } else {
      }
      %broadcast_in_dim3A = vector.broadcast %rem3A_58 : i32 to vector<16xi32>
      %add3A_83 = arith.constant 0 : i32
      %add3A_84 = vector.broadcast %add3A_83 : i32 to vector<16xi32>
      %add3A_85 = arith.addi %iota3A, %add3A_84 : vector<16xi32>
      %broadcast_in_dim3A_86 = arith.constant 0 : i32
      %broadcast_in_dim3A_87 = vector.broadcast %broadcast_in_dim3A_86 : i32 to vector<16xi32>
      %gather3A_88 = tpu.vector_load_idx %arg6[%broadcast_in_dim3A, %add3A_85, %broadcast_in_dim3A_87] : memref<2x128x3xf32, #tpu.memory_space<vmem>>[vector<16xi32>, vector<16xi32>, vector<16xi32>], vector<16xf32>,
      %mul3A_89 = arith.constant 384 : i32
      %mul3A_90 = arith.muli %rem3A_60, %mul3A_89 : i32
      %mul3A_91 = arith.constant 3 : i32
      %mul3A_92 = vector.broadcast %mul3A_91 : i32 to vector<16xi32>
      %mul3A_93 = arith.muli %add3A_85, %mul3A_92 : vector<16xi32>
      %add3A_94 = vector.broadcast %mul3A_90 : i32 to vector<16xi32>
      %add3A_95 = arith.addi %add3A_94, %mul3A_93 : vector<16xi32>
      %add3A_96 = arith.constant 0 : i32
      %add3A_97 = vector.broadcast %add3A_96 : i32 to vector<16xi32>
      %add3A_98 = arith.addi %add3A_95, %add3A_97 : vector<16xi32>
      tpu.vector_store_idx %arg7[%add3A_98], %gather3A_88 : memref<1536xf32, #tpu.memory_space<vmem>>[vector<16xi32>], vector<16xf32>,
      %broadcast_in_dim3A_99 = arith.constant 1 : i32
      %broadcast_in_dim3A_100 = vector.broadcast %broadcast_in_dim3A_99 : i32 to vector<16xi32>
      %gather3A_101 = tpu.vector_load_idx %arg6[%broadcast_in_dim3A, %add3A_85, %broadcast_in_dim3A_100] : memref<2x128x3xf32, #tpu.memory_space<vmem>>[vector<16xi32>, vector<16xi32>, vector<16xi32>], vector<16xf32>,
      %mul3A_102 = arith.constant 384 : i32
      %mul3A_103 = arith.muli %rem3A_60, %mul3A_102 : i32
      %mul3A_104 = arith.constant 3 : i32
      %mul3A_105 = vector.broadcast %mul3A_104 : i32 to vector<16xi32>
      %mul3A_106 = arith.muli %add3A_85, %mul3A_105 : vector<16xi32>
      %add3A_107 = vector.broadcast %mul3A_103 : i32 to vector<16xi32>
      %add3A_108 = arith.addi %add3A_107, %mul3A_106 : vector<16xi32>
      %add3A_109 = arith.constant 1 : i32
      %add3A_110 = vector.broadcast %add3A_109 : i32 to vector<16xi32>
      %add3A_111 = arith.addi %add3A_108, %add3A_110 : vector<16xi32>
      tpu.vector_store_idx %arg7[%add3A_111], %gather3A_101 : memref<1536xf32, #tpu.memory_space<vmem>>[vector<16xi32>], vector<16xf32>,
      %broadcast_in_dim3A_112 = arith.constant 2 : i32
      %broadcast_in_dim3A_113 = vector.broadcast %broadcast_in_dim3A_112 : i32 to vector<16xi32>
      %gather3A_114 = tpu.vector_load_idx %arg6[%broadcast_in_dim3A, %add3A_85, %broadcast_in_dim3A_113] : memref<2x128x3xf32, #tpu.memory_space<vmem>>[vector<16xi32>, vector<16xi32>, vector<16xi32>], vector<16xf32>,
      %mul3A_115 = arith.constant 384 : i32
      %mul3A_116 = arith.muli %rem3A_60, %mul3A_115 : i32
      %mul3A_117 = arith.constant 3 : i32
      %mul3A_118 = vector.broadcast %mul3A_117 : i32 to vector<16xi32>
      %mul3A_119 = arith.muli %add3A_85, %mul3A_118 : vector<16xi32>
      %add3A_120 = vector.broadcast %mul3A_116 : i32 to vector<16xi32>
      %add3A_121 = arith.addi %add3A_120, %mul3A_119 : vector<16xi32>
      %add3A_122 = arith.constant 2 : i32
      %add3A_123 = vector.broadcast %add3A_122 : i32 to vector<16xi32>
      %add3A_124 = arith.addi %add3A_121, %add3A_123 : vector<16xi32>
      tpu.vector_store_idx %arg7[%add3A_124], %gather3A_114 : memref<1536xf32, #tpu.memory_space<vmem>>[vector<16xi32>], vector<16xf32>,
      %add3A_125 = arith.constant 16 : i32
      %add3A_126 = vector.broadcast %add3A_125 : i32 to vector<16xi32>
      %add3A_127 = arith.addi %iota3A, %add3A_126 : vector<16xi32>
      %broadcast_in_dim3A_128 = arith.constant 0 : i32
      %broadcast_in_dim3A_129 = vector.broadcast %broadcast_in_dim3A_128 : i32 to vector<16xi32>
      %gather3A_130 = tpu.vector_load_idx %arg6[%broadcast_in_dim3A, %add3A_127, %broadcast_in_dim3A_129] : memref<2x128x3xf32, #tpu.memory_space<vmem>>[vector<16xi32>, vector<16xi32>, vector<16xi32>], vector<16xf32>,
      %mul3A_131 = arith.constant 384 : i32
      %mul3A_132 = arith.muli %rem3A_60, %mul3A_131 : i32
      %mul3A_133 = arith.constant 3 : i32
      %mul3A_134 = vector.broadcast %mul3A_133 : i32 to vector<16xi32>
      %mul3A_135 = arith.muli %add3A_127, %mul3A_134 : vector<16xi32>
      %add3A_136 = vector.broadcast %mul3A_132 : i32 to vector<16xi32>
      %add3A_137 = arith.addi %add3A_136, %mul3A_135 : vector<16xi32>
      %add3A_138 = arith.constant 0 : i32
      %add3A_139 = vector.broadcast %add3A_138 : i32 to vector<16xi32>
      %add3A_140 = arith.addi %add3A_137, %add3A_139 : vector<16xi32>
      tpu.vector_store_idx %arg7[%add3A_140], %gather3A_130 : memref<1536xf32, #tpu.memory_space<vmem>>[vector<16xi32>], vector<16xf32>,
      %broadcast_in_dim3A_141 = arith.constant 1 : i32
      %broadcast_in_dim3A_142 = vector.broadcast %broadcast_in_dim3A_141 : i32 to vector<16xi32>
      %gather3A_143 = tpu.vector_load_idx %arg6[%broadcast_in_dim3A, %add3A_127, %broadcast_in_dim3A_142] : memref<2x128x3xf32, #tpu.memory_space<vmem>>[vector<16xi32>, vector<16xi32>, vector<16xi32>], vector<16xf32>,
      %mul3A_144 = arith.constant 384 : i32
      %mul3A_145 = arith.muli %rem3A_60, %mul3A_144 : i32
      %mul3A_146 = arith.constant 3 : i32
      %mul3A_147 = vector.broadcast %mul3A_146 : i32 to vector<16xi32>
      %mul3A_148 = arith.muli %add3A_127, %mul3A_147 : vector<16xi32>
      %add3A_149 = vector.broadcast %mul3A_145 : i32 to vector<16xi32>
      %add3A_150 = arith.addi %add3A_149, %mul3A_148 : vector<16xi32>
      %add3A_151 = arith.constant 1 : i32
      %add3A_152 = vector.broadcast %add3A_151 : i32 to vector<16xi32>
      %add3A_153 = arith.addi %add3A_150, %add3A_152 : vector<16xi32>
      tpu.vector_store_idx %arg7[%add3A_153], %gather3A_143 : memref<1536xf32, #tpu.memory_space<vmem>>[vector<16xi32>], vector<16xf32>,
      %broadcast_in_dim3A_154 = arith.constant 2 : i32
      %broadcast_in_dim3A_155 = vector.broadcast %broadcast_in_dim3A_154 : i32 to vector<16xi32>
      %gather3A_156 = tpu.vector_load_idx %arg6[%broadcast_in_dim3A, %add3A_127, %broadcast_in_dim3A_155] : memref<2x128x3xf32, #tpu.memory_space<vmem>>[vector<16xi32>, vector<16xi32>, vector<16xi32>], vector<16xf32>,
      %mul3A_157 = arith.constant 384 : i32
      %mul3A_158 = arith.muli %rem3A_60, %mul3A_157 : i32
      %mul3A_159 = arith.constant 3 : i32
      %mul3A_160 = vector.broadcast %mul3A_159 : i32 to vector<16xi32>
      %mul3A_161 = arith.muli %add3A_127, %mul3A_160 : vector<16xi32>
      %add3A_162 = vector.broadcast %mul3A_158 : i32 to vector<16xi32>
      %add3A_163 = arith.addi %add3A_162, %mul3A_161 : vector<16xi32>
      %add3A_164 = arith.constant 2 : i32
      %add3A_165 = vector.broadcast %add3A_164 : i32 to vector<16xi32>
      %add3A_166 = arith.addi %add3A_163, %add3A_165 : vector<16xi32>
      tpu.vector_store_idx %arg7[%add3A_166], %gather3A_156 : memref<1536xf32, #tpu.memory_space<vmem>>[vector<16xi32>], vector<16xf32>,
      %add3A_167 = arith.constant 32 : i32
      %add3A_168 = vector.broadcast %add3A_167 : i32 to vector<16xi32>
      %add3A_169 = arith.addi %iota3A, %add3A_168 : vector<16xi32>
      %broadcast_in_dim3A_170 = arith.constant 0 : i32
      %broadcast_in_dim3A_171 = vector.broadcast %broadcast_in_dim3A_170 : i32 to vector<16xi32>
      %gather3A_172 = tpu.vector_load_idx %arg6[%broadcast_in_dim3A, %add3A_169, %broadcast_in_dim3A_171] : memref<2x128x3xf32, #tpu.memory_space<vmem>>[vector<16xi32>, vector<16xi32>, vector<16xi32>], vector<16xf32>,
      %mul3A_173 = arith.constant 384 : i32
      %mul3A_174 = arith.muli %rem3A_60, %mul3A_173 : i32
      %mul3A_175 = arith.constant 3 : i32
      %mul3A_176 = vector.broadcast %mul3A_175 : i32 to vector<16xi32>
      %mul3A_177 = arith.muli %add3A_169, %mul3A_176 : vector<16xi32>
      %add3A_178 = vector.broadcast %mul3A_174 : i32 to vector<16xi32>
      %add3A_179 = arith.addi %add3A_178, %mul3A_177 : vector<16xi32>
      %add3A_180 = arith.constant 0 : i32
      %add3A_181 = vector.broadcast %add3A_180 : i32 to vector<16xi32>
      %add3A_182 = arith.addi %add3A_179, %add3A_181 : vector<16xi32>
      tpu.vector_store_idx %arg7[%add3A_182], %gather3A_172 : memref<1536xf32, #tpu.memory_space<vmem>>[vector<16xi32>], vector<16xf32>,
      %broadcast_in_dim3A_183 = arith.constant 1 : i32
      %broadcast_in_dim3A_184 = vector.broadcast %broadcast_in_dim3A_183 : i32 to vector<16xi32>
      %gather3A_185 = tpu.vector_load_idx %arg6[%broadcast_in_dim3A, %add3A_169, %broadcast_in_dim3A_184] : memref<2x128x3xf32, #tpu.memory_space<vmem>>[vector<16xi32>, vector<16xi32>, vector<16xi32>], vector<16xf32>,
      %mul3A_186 = arith.constant 384 : i32
      %mul3A_187 = arith.muli %rem3A_60, %mul3A_186 : i32
      %mul3A_188 = arith.constant 3 : i32
      %mul3A_189 = vector.broadcast %mul3A_188 : i32 to vector<16xi32>
      %mul3A_190 = arith.muli %add3A_169, %mul3A_189 : vector<16xi32>
      %add3A_191 = vector.broadcast %mul3A_187 : i32 to vector<16xi32>
      %add3A_192 = arith.addi %add3A_191, %mul3A_190 : vector<16xi32>
      %add3A_193 = arith.constant 1 : i32
      %add3A_194 = vector.broadcast %add3A_193 : i32 to vector<16xi32>
      %add3A_195 = arith.addi %add3A_192, %add3A_194 : vector<16xi32>
      tpu.vector_store_idx %arg7[%add3A_195], %gather3A_185 : memref<1536xf32, #tpu.memory_space<vmem>>[vector<16xi32>], vector<16xf32>,
      %broadcast_in_dim3A_196 = arith.constant 2 : i32
      %broadcast_in_dim3A_197 = vector.broadcast %broadcast_in_dim3A_196 : i32 to vector<16xi32>
      %gather3A_198 = tpu.vector_load_idx %arg6[%broadcast_in_dim3A, %add3A_169, %broadcast_in_dim3A_197] : memref<2x128x3xf32, #tpu.memory_space<vmem>>[vector<16xi32>, vector<16xi32>, vector<16xi32>], vector<16xf32>,
      %mul3A_199 = arith.constant 384 : i32
      %mul3A_200 = arith.muli %rem3A_60, %mul3A_199 : i32
      %mul3A_201 = arith.constant 3 : i32
      %mul3A_202 = vector.broadcast %mul3A_201 : i32 to vector<16xi32>
      %mul3A_203 = arith.muli %add3A_169, %mul3A_202 : vector<16xi32>
      %add3A_204 = vector.broadcast %mul3A_200 : i32 to vector<16xi32>
      %add3A_205 = arith.addi %add3A_204, %mul3A_203 : vector<16xi32>
      %add3A_206 = arith.constant 2 : i32
      %add3A_207 = vector.broadcast %add3A_206 : i32 to vector<16xi32>
      %add3A_208 = arith.addi %add3A_205, %add3A_207 : vector<16xi32>
      tpu.vector_store_idx %arg7[%add3A_208], %gather3A_198 : memref<1536xf32, #tpu.memory_space<vmem>>[vector<16xi32>], vector<16xf32>,
      %add3A_209 = arith.constant 48 : i32
      %add3A_210 = vector.broadcast %add3A_209 : i32 to vector<16xi32>
      %add3A_211 = arith.addi %iota3A, %add3A_210 : vector<16xi32>
      %broadcast_in_dim3A_212 = arith.constant 0 : i32
      %broadcast_in_dim3A_213 = vector.broadcast %broadcast_in_dim3A_212 : i32 to vector<16xi32>
      %gather3A_214 = tpu.vector_load_idx %arg6[%broadcast_in_dim3A, %add3A_211, %broadcast_in_dim3A_213] : memref<2x128x3xf32, #tpu.memory_space<vmem>>[vector<16xi32>, vector<16xi32>, vector<16xi32>], vector<16xf32>,
      %mul3A_215 = arith.constant 384 : i32
      %mul3A_216 = arith.muli %rem3A_60, %mul3A_215 : i32
      %mul3A_217 = arith.constant 3 : i32
      %mul3A_218 = vector.broadcast %mul3A_217 : i32 to vector<16xi32>
      %mul3A_219 = arith.muli %add3A_211, %mul3A_218 : vector<16xi32>
      %add3A_220 = vector.broadcast %mul3A_216 : i32 to vector<16xi32>
      %add3A_221 = arith.addi %add3A_220, %mul3A_219 : vector<16xi32>
      %add3A_222 = arith.constant 0 : i32
      %add3A_223 = vector.broadcast %add3A_222 : i32 to vector<16xi32>
      %add3A_224 = arith.addi %add3A_221, %add3A_223 : vector<16xi32>
      tpu.vector_store_idx %arg7[%add3A_224], %gather3A_214 : memref<1536xf32, #tpu.memory_space<vmem>>[vector<16xi32>], vector<16xf32>,
      %broadcast_in_dim3A_225 = arith.constant 1 : i32
      %broadcast_in_dim3A_226 = vector.broadcast %broadcast_in_dim3A_225 : i32 to vector<16xi32>
      %gather3A_227 = tpu.vector_load_idx %arg6[%broadcast_in_dim3A, %add3A_211, %broadcast_in_dim3A_226] : memref<2x128x3xf32, #tpu.memory_space<vmem>>[vector<16xi32>, vector<16xi32>, vector<16xi32>], vector<16xf32>,
      %mul3A_228 = arith.constant 384 : i32
      %mul3A_229 = arith.muli %rem3A_60, %mul3A_228 : i32
      %mul3A_230 = arith.constant 3 : i32
      %mul3A_231 = vector.broadcast %mul3A_230 : i32 to vector<16xi32>
      %mul3A_232 = arith.muli %add3A_211, %mul3A_231 : vector<16xi32>
      %add3A_233 = vector.broadcast %mul3A_229 : i32 to vector<16xi32>
      %add3A_234 = arith.addi %add3A_233, %mul3A_232 : vector<16xi32>
      %add3A_235 = arith.constant 1 : i32
      %add3A_236 = vector.broadcast %add3A_235 : i32 to vector<16xi32>
      %add3A_237 = arith.addi %add3A_234, %add3A_236 : vector<16xi32>
      tpu.vector_store_idx %arg7[%add3A_237], %gather3A_227 : memref<1536xf32, #tpu.memory_space<vmem>>[vector<16xi32>], vector<16xf32>,
      %broadcast_in_dim3A_238 = arith.constant 2 : i32
      %broadcast_in_dim3A_239 = vector.broadcast %broadcast_in_dim3A_238 : i32 to vector<16xi32>
      %gather3A_240 = tpu.vector_load_idx %arg6[%broadcast_in_dim3A, %add3A_211, %broadcast_in_dim3A_239] : memref<2x128x3xf32, #tpu.memory_space<vmem>>[vector<16xi32>, vector<16xi32>, vector<16xi32>], vector<16xf32>,
      %mul3A_241 = arith.constant 384 : i32
      %mul3A_242 = arith.muli %rem3A_60, %mul3A_241 : i32
      %mul3A_243 = arith.constant 3 : i32
      %mul3A_244 = vector.broadcast %mul3A_243 : i32 to vector<16xi32>
      %mul3A_245 = arith.muli %add3A_211, %mul3A_244 : vector<16xi32>
      %add3A_246 = vector.broadcast %mul3A_242 : i32 to vector<16xi32>
      %add3A_247 = arith.addi %add3A_246, %mul3A_245 : vector<16xi32>
      %add3A_248 = arith.constant 2 : i32
      %add3A_249 = vector.broadcast %add3A_248 : i32 to vector<16xi32>
      %add3A_250 = arith.addi %add3A_247, %add3A_249 : vector<16xi32>
      tpu.vector_store_idx %arg7[%add3A_250], %gather3A_240 : memref<1536xf32, #tpu.memory_space<vmem>>[vector<16xi32>], vector<16xf32>,
      %add3A_251 = arith.constant 64 : i32
      %add3A_252 = vector.broadcast %add3A_251 : i32 to vector<16xi32>
      %add3A_253 = arith.addi %iota3A, %add3A_252 : vector<16xi32>
      %broadcast_in_dim3A_254 = arith.constant 0 : i32
      %broadcast_in_dim3A_255 = vector.broadcast %broadcast_in_dim3A_254 : i32 to vector<16xi32>
      %gather3A_256 = tpu.vector_load_idx %arg6[%broadcast_in_dim3A, %add3A_253, %broadcast_in_dim3A_255] : memref<2x128x3xf32, #tpu.memory_space<vmem>>[vector<16xi32>, vector<16xi32>, vector<16xi32>], vector<16xf32>,
      %mul3A_257 = arith.constant 384 : i32
      %mul3A_258 = arith.muli %rem3A_60, %mul3A_257 : i32
      %mul3A_259 = arith.constant 3 : i32
      %mul3A_260 = vector.broadcast %mul3A_259 : i32 to vector<16xi32>
      %mul3A_261 = arith.muli %add3A_253, %mul3A_260 : vector<16xi32>
      %add3A_262 = vector.broadcast %mul3A_258 : i32 to vector<16xi32>
      %add3A_263 = arith.addi %add3A_262, %mul3A_261 : vector<16xi32>
      %add3A_264 = arith.constant 0 : i32
      %add3A_265 = vector.broadcast %add3A_264 : i32 to vector<16xi32>
      %add3A_266 = arith.addi %add3A_263, %add3A_265 : vector<16xi32>
      tpu.vector_store_idx %arg7[%add3A_266], %gather3A_256 : memref<1536xf32, #tpu.memory_space<vmem>>[vector<16xi32>], vector<16xf32>,
      %broadcast_in_dim3A_267 = arith.constant 1 : i32
      %broadcast_in_dim3A_268 = vector.broadcast %broadcast_in_dim3A_267 : i32 to vector<16xi32>
      %gather3A_269 = tpu.vector_load_idx %arg6[%broadcast_in_dim3A, %add3A_253, %broadcast_in_dim3A_268] : memref<2x128x3xf32, #tpu.memory_space<vmem>>[vector<16xi32>, vector<16xi32>, vector<16xi32>], vector<16xf32>,
      %mul3A_270 = arith.constant 384 : i32
      %mul3A_271 = arith.muli %rem3A_60, %mul3A_270 : i32
      %mul3A_272 = arith.constant 3 : i32
      %mul3A_273 = vector.broadcast %mul3A_272 : i32 to vector<16xi32>
      %mul3A_274 = arith.muli %add3A_253, %mul3A_273 : vector<16xi32>
      %add3A_275 = vector.broadcast %mul3A_271 : i32 to vector<16xi32>
      %add3A_276 = arith.addi %add3A_275, %mul3A_274 : vector<16xi32>
      %add3A_277 = arith.constant 1 : i32
      %add3A_278 = vector.broadcast %add3A_277 : i32 to vector<16xi32>
      %add3A_279 = arith.addi %add3A_276, %add3A_278 : vector<16xi32>
      tpu.vector_store_idx %arg7[%add3A_279], %gather3A_269 : memref<1536xf32, #tpu.memory_space<vmem>>[vector<16xi32>], vector<16xf32>,
      %broadcast_in_dim3A_280 = arith.constant 2 : i32
      %broadcast_in_dim3A_281 = vector.broadcast %broadcast_in_dim3A_280 : i32 to vector<16xi32>
      %gather3A_282 = tpu.vector_load_idx %arg6[%broadcast_in_dim3A, %add3A_253, %broadcast_in_dim3A_281] : memref<2x128x3xf32, #tpu.memory_space<vmem>>[vector<16xi32>, vector<16xi32>, vector<16xi32>], vector<16xf32>,
      %mul3A_283 = arith.constant 384 : i32
      %mul3A_284 = arith.muli %rem3A_60, %mul3A_283 : i32
      %mul3A_285 = arith.constant 3 : i32
      %mul3A_286 = vector.broadcast %mul3A_285 : i32 to vector<16xi32>
      %mul3A_287 = arith.muli %add3A_253, %mul3A_286 : vector<16xi32>
      %add3A_288 = vector.broadcast %mul3A_284 : i32 to vector<16xi32>
      %add3A_289 = arith.addi %add3A_288, %mul3A_287 : vector<16xi32>
      %add3A_290 = arith.constant 2 : i32
      %add3A_291 = vector.broadcast %add3A_290 : i32 to vector<16xi32>
      %add3A_292 = arith.addi %add3A_289, %add3A_291 : vector<16xi32>
      tpu.vector_store_idx %arg7[%add3A_292], %gather3A_282 : memref<1536xf32, #tpu.memory_space<vmem>>[vector<16xi32>], vector<16xf32>,
      %add3A_293 = arith.constant 80 : i32
      %add3A_294 = vector.broadcast %add3A_293 : i32 to vector<16xi32>
      %add3A_295 = arith.addi %iota3A, %add3A_294 : vector<16xi32>
      %broadcast_in_dim3A_296 = arith.constant 0 : i32
      %broadcast_in_dim3A_297 = vector.broadcast %broadcast_in_dim3A_296 : i32 to vector<16xi32>
      %gather3A_298 = tpu.vector_load_idx %arg6[%broadcast_in_dim3A, %add3A_295, %broadcast_in_dim3A_297] : memref<2x128x3xf32, #tpu.memory_space<vmem>>[vector<16xi32>, vector<16xi32>, vector<16xi32>], vector<16xf32>,
      %mul3A_299 = arith.constant 384 : i32
      %mul3A_300 = arith.muli %rem3A_60, %mul3A_299 : i32
      %mul3A_301 = arith.constant 3 : i32
      %mul3A_302 = vector.broadcast %mul3A_301 : i32 to vector<16xi32>
      %mul3A_303 = arith.muli %add3A_295, %mul3A_302 : vector<16xi32>
      %add3A_304 = vector.broadcast %mul3A_300 : i32 to vector<16xi32>
      %add3A_305 = arith.addi %add3A_304, %mul3A_303 : vector<16xi32>
      %add3A_306 = arith.constant 0 : i32
      %add3A_307 = vector.broadcast %add3A_306 : i32 to vector<16xi32>
      %add3A_308 = arith.addi %add3A_305, %add3A_307 : vector<16xi32>
      tpu.vector_store_idx %arg7[%add3A_308], %gather3A_298 : memref<1536xf32, #tpu.memory_space<vmem>>[vector<16xi32>], vector<16xf32>,
      %broadcast_in_dim3A_309 = arith.constant 1 : i32
      %broadcast_in_dim3A_310 = vector.broadcast %broadcast_in_dim3A_309 : i32 to vector<16xi32>
      %gather3A_311 = tpu.vector_load_idx %arg6[%broadcast_in_dim3A, %add3A_295, %broadcast_in_dim3A_310] : memref<2x128x3xf32, #tpu.memory_space<vmem>>[vector<16xi32>, vector<16xi32>, vector<16xi32>], vector<16xf32>,
      %mul3A_312 = arith.constant 384 : i32
      %mul3A_313 = arith.muli %rem3A_60, %mul3A_312 : i32
      %mul3A_314 = arith.constant 3 : i32
      %mul3A_315 = vector.broadcast %mul3A_314 : i32 to vector<16xi32>
      %mul3A_316 = arith.muli %add3A_295, %mul3A_315 : vector<16xi32>
      %add3A_317 = vector.broadcast %mul3A_313 : i32 to vector<16xi32>
      %add3A_318 = arith.addi %add3A_317, %mul3A_316 : vector<16xi32>
      %add3A_319 = arith.constant 1 : i32
      %add3A_320 = vector.broadcast %add3A_319 : i32 to vector<16xi32>
      %add3A_321 = arith.addi %add3A_318, %add3A_320 : vector<16xi32>
      tpu.vector_store_idx %arg7[%add3A_321], %gather3A_311 : memref<1536xf32, #tpu.memory_space<vmem>>[vector<16xi32>], vector<16xf32>,
      %broadcast_in_dim3A_322 = arith.constant 2 : i32
      %broadcast_in_dim3A_323 = vector.broadcast %broadcast_in_dim3A_322 : i32 to vector<16xi32>
      %gather3A_324 = tpu.vector_load_idx %arg6[%broadcast_in_dim3A, %add3A_295, %broadcast_in_dim3A_323] : memref<2x128x3xf32, #tpu.memory_space<vmem>>[vector<16xi32>, vector<16xi32>, vector<16xi32>], vector<16xf32>,
      %mul3A_325 = arith.constant 384 : i32
      %mul3A_326 = arith.muli %rem3A_60, %mul3A_325 : i32
      %mul3A_327 = arith.constant 3 : i32
      %mul3A_328 = vector.broadcast %mul3A_327 : i32 to vector<16xi32>
      %mul3A_329 = arith.muli %add3A_295, %mul3A_328 : vector<16xi32>
      %add3A_330 = vector.broadcast %mul3A_326 : i32 to vector<16xi32>
      %add3A_331 = arith.addi %add3A_330, %mul3A_329 : vector<16xi32>
      %add3A_332 = arith.constant 2 : i32
      %add3A_333 = vector.broadcast %add3A_332 : i32 to vector<16xi32>
      %add3A_334 = arith.addi %add3A_331, %add3A_333 : vector<16xi32>
      tpu.vector_store_idx %arg7[%add3A_334], %gather3A_324 : memref<1536xf32, #tpu.memory_space<vmem>>[vector<16xi32>], vector<16xf32>,
      %add3A_335 = arith.constant 96 : i32
      %add3A_336 = vector.broadcast %add3A_335 : i32 to vector<16xi32>
      %add3A_337 = arith.addi %iota3A, %add3A_336 : vector<16xi32>
      %broadcast_in_dim3A_338 = arith.constant 0 : i32
      %broadcast_in_dim3A_339 = vector.broadcast %broadcast_in_dim3A_338 : i32 to vector<16xi32>
      %gather3A_340 = tpu.vector_load_idx %arg6[%broadcast_in_dim3A, %add3A_337, %broadcast_in_dim3A_339] : memref<2x128x3xf32, #tpu.memory_space<vmem>>[vector<16xi32>, vector<16xi32>, vector<16xi32>], vector<16xf32>,
      %mul3A_341 = arith.constant 384 : i32
      %mul3A_342 = arith.muli %rem3A_60, %mul3A_341 : i32
      %mul3A_343 = arith.constant 3 : i32
      %mul3A_344 = vector.broadcast %mul3A_343 : i32 to vector<16xi32>
      %mul3A_345 = arith.muli %add3A_337, %mul3A_344 : vector<16xi32>
      %add3A_346 = vector.broadcast %mul3A_342 : i32 to vector<16xi32>
      %add3A_347 = arith.addi %add3A_346, %mul3A_345 : vector<16xi32>
      %add3A_348 = arith.constant 0 : i32
      %add3A_349 = vector.broadcast %add3A_348 : i32 to vector<16xi32>
      %add3A_350 = arith.addi %add3A_347, %add3A_349 : vector<16xi32>
      tpu.vector_store_idx %arg7[%add3A_350], %gather3A_340 : memref<1536xf32, #tpu.memory_space<vmem>>[vector<16xi32>], vector<16xf32>,
      %broadcast_in_dim3A_351 = arith.constant 1 : i32
      %broadcast_in_dim3A_352 = vector.broadcast %broadcast_in_dim3A_351 : i32 to vector<16xi32>
      %gather3A_353 = tpu.vector_load_idx %arg6[%broadcast_in_dim3A, %add3A_337, %broadcast_in_dim3A_352] : memref<2x128x3xf32, #tpu.memory_space<vmem>>[vector<16xi32>, vector<16xi32>, vector<16xi32>], vector<16xf32>,
      %mul3A_354 = arith.constant 384 : i32
      %mul3A_355 = arith.muli %rem3A_60, %mul3A_354 : i32
      %mul3A_356 = arith.constant 3 : i32
      %mul3A_357 = vector.broadcast %mul3A_356 : i32 to vector<16xi32>
      %mul3A_358 = arith.muli %add3A_337, %mul3A_357 : vector<16xi32>
      %add3A_359 = vector.broadcast %mul3A_355 : i32 to vector<16xi32>
      %add3A_360 = arith.addi %add3A_359, %mul3A_358 : vector<16xi32>
      %add3A_361 = arith.constant 1 : i32
      %add3A_362 = vector.broadcast %add3A_361 : i32 to vector<16xi32>
      %add3A_363 = arith.addi %add3A_360, %add3A_362 : vector<16xi32>
      tpu.vector_store_idx %arg7[%add3A_363], %gather3A_353 : memref<1536xf32, #tpu.memory_space<vmem>>[vector<16xi32>], vector<16xf32>,
      %broadcast_in_dim3A_364 = arith.constant 2 : i32
      %broadcast_in_dim3A_365 = vector.broadcast %broadcast_in_dim3A_364 : i32 to vector<16xi32>
      %gather3A_366 = tpu.vector_load_idx %arg6[%broadcast_in_dim3A, %add3A_337, %broadcast_in_dim3A_365] : memref<2x128x3xf32, #tpu.memory_space<vmem>>[vector<16xi32>, vector<16xi32>, vector<16xi32>], vector<16xf32>,
      %mul3A_367 = arith.constant 384 : i32
      %mul3A_368 = arith.muli %rem3A_60, %mul3A_367 : i32
      %mul3A_369 = arith.constant 3 : i32
      %mul3A_370 = vector.broadcast %mul3A_369 : i32 to vector<16xi32>
      %mul3A_371 = arith.muli %add3A_337, %mul3A_370 : vector<16xi32>
      %add3A_372 = vector.broadcast %mul3A_368 : i32 to vector<16xi32>
      %add3A_373 = arith.addi %add3A_372, %mul3A_371 : vector<16xi32>
      %add3A_374 = arith.constant 2 : i32
      %add3A_375 = vector.broadcast %add3A_374 : i32 to vector<16xi32>
      %add3A_376 = arith.addi %add3A_373, %add3A_375 : vector<16xi32>
      tpu.vector_store_idx %arg7[%add3A_376], %gather3A_366 : memref<1536xf32, #tpu.memory_space<vmem>>[vector<16xi32>], vector<16xf32>,
      %add3A_377 = arith.constant 112 : i32
      %add3A_378 = vector.broadcast %add3A_377 : i32 to vector<16xi32>
      %add3A_379 = arith.addi %iota3A, %add3A_378 : vector<16xi32>
      %broadcast_in_dim3A_380 = arith.constant 0 : i32
      %broadcast_in_dim3A_381 = vector.broadcast %broadcast_in_dim3A_380 : i32 to vector<16xi32>
      %gather3A_382 = tpu.vector_load_idx %arg6[%broadcast_in_dim3A, %add3A_379, %broadcast_in_dim3A_381] : memref<2x128x3xf32, #tpu.memory_space<vmem>>[vector<16xi32>, vector<16xi32>, vector<16xi32>], vector<16xf32>,
      %mul3A_383 = arith.constant 384 : i32
      %mul3A_384 = arith.muli %rem3A_60, %mul3A_383 : i32
      %mul3A_385 = arith.constant 3 : i32
      %mul3A_386 = vector.broadcast %mul3A_385 : i32 to vector<16xi32>
      %mul3A_387 = arith.muli %add3A_379, %mul3A_386 : vector<16xi32>
      %add3A_388 = vector.broadcast %mul3A_384 : i32 to vector<16xi32>
      %add3A_389 = arith.addi %add3A_388, %mul3A_387 : vector<16xi32>
      %add3A_390 = arith.constant 0 : i32
      %add3A_391 = vector.broadcast %add3A_390 : i32 to vector<16xi32>
      %add3A_392 = arith.addi %add3A_389, %add3A_391 : vector<16xi32>
      tpu.vector_store_idx %arg7[%add3A_392], %gather3A_382 : memref<1536xf32, #tpu.memory_space<vmem>>[vector<16xi32>], vector<16xf32>,
      %broadcast_in_dim3A_393 = arith.constant 1 : i32
      %broadcast_in_dim3A_394 = vector.broadcast %broadcast_in_dim3A_393 : i32 to vector<16xi32>
      %gather3A_395 = tpu.vector_load_idx %arg6[%broadcast_in_dim3A, %add3A_379, %broadcast_in_dim3A_394] : memref<2x128x3xf32, #tpu.memory_space<vmem>>[vector<16xi32>, vector<16xi32>, vector<16xi32>], vector<16xf32>,
      %mul3A_396 = arith.constant 384 : i32
      %mul3A_397 = arith.muli %rem3A_60, %mul3A_396 : i32
      %mul3A_398 = arith.constant 3 : i32
      %mul3A_399 = vector.broadcast %mul3A_398 : i32 to vector<16xi32>
      %mul3A_400 = arith.muli %add3A_379, %mul3A_399 : vector<16xi32>
      %add3A_401 = vector.broadcast %mul3A_397 : i32 to vector<16xi32>
      %add3A_402 = arith.addi %add3A_401, %mul3A_400 : vector<16xi32>
      %add3A_403 = arith.constant 1 : i32
      %add3A_404 = vector.broadcast %add3A_403 : i32 to vector<16xi32>
      %add3A_405 = arith.addi %add3A_402, %add3A_404 : vector<16xi32>
      tpu.vector_store_idx %arg7[%add3A_405], %gather3A_395 : memref<1536xf32, #tpu.memory_space<vmem>>[vector<16xi32>], vector<16xf32>,
      %broadcast_in_dim3A_406 = arith.constant 2 : i32
      %broadcast_in_dim3A_407 = vector.broadcast %broadcast_in_dim3A_406 : i32 to vector<16xi32>
      %gather3A_408 = tpu.vector_load_idx %arg6[%broadcast_in_dim3A, %add3A_379, %broadcast_in_dim3A_407] : memref<2x128x3xf32, #tpu.memory_space<vmem>>[vector<16xi32>, vector<16xi32>, vector<16xi32>], vector<16xf32>,
      %mul3A_409 = arith.constant 384 : i32
      %mul3A_410 = arith.muli %rem3A_60, %mul3A_409 : i32
      %mul3A_411 = arith.constant 3 : i32
      %mul3A_412 = vector.broadcast %mul3A_411 : i32 to vector<16xi32>
      %mul3A_413 = arith.muli %add3A_379, %mul3A_412 : vector<16xi32>
      %add3A_414 = vector.broadcast %mul3A_410 : i32 to vector<16xi32>
      %add3A_415 = arith.addi %add3A_414, %mul3A_413 : vector<16xi32>
      %add3A_416 = arith.constant 2 : i32
      %add3A_417 = vector.broadcast %add3A_416 : i32 to vector<16xi32>
      %add3A_418 = arith.addi %add3A_415, %add3A_417 : vector<16xi32>
      tpu.vector_store_idx %arg7[%add3A_418], %gather3A_408 : memref<1536xf32, #tpu.memory_space<vmem>>[vector<16xi32>], vector<16xf32>,
      %mul3A_419 = arith.constant 128 : i32
      %mul3A_420 = arith.muli %while3A_56, %mul3A_419 : i32
      %add3A_421 = arith.addi %squeeze3A, %mul3A_420 : i32
      %min3A_422 = arith.constant 1599872 : i32
      %min3A_423 = arith.minsi %add3A_421, %min3A_422 : i32
      %multiple_of3A = tpu.assume_multiple %min3A_423, 8 : i32
      %mul3A_424 = arith.constant 384 : i32
      %mul3A_425 = arith.muli %rem3A_60, %mul3A_424 : i32
      %mul3A_426 = arith.constant 3 : i32
      %mul3A_427 = arith.muli %multiple_of3A, %mul3A_426 : i32
      %multiple_of3A_428 = tpu.assume_multiple %mul3A_427, 8 : i32
      %dma_start3A = tpu.memref_slice %arg7[%mul3A_425] : memref<1536xf32, #tpu.memory_space<vmem>> -> memref<384xf32, #tpu.memory_space<vmem>>
      %dma_start3A_429 = tpu.memref_slice %arg4[%multiple_of3A_428] : memref<4800000xf32, #tpu.memory_space<hbm>> -> memref<384xf32, #tpu.memory_space<hbm>>
      %dma_start3A_430 = tpu.memref_slice %arg4[%multiple_of3A_428] : memref<4800000xf32, #tpu.memory_space<hbm>> -> memref<384xf32, #tpu.memory_space<hbm>>
      %dma_start3A_431 = tpu.memref_slice %arg7[%mul3A_425] : memref<1536xf32, #tpu.memory_space<vmem>> -> memref<384xf32, #tpu.memory_space<vmem>>
      tpu.enqueue_dma source(%dma_start3A_431 : memref<384xf32, #tpu.memory_space<vmem>>) target(%dma_start3A_430 : memref<384xf32, #tpu.memory_space<hbm>>) target_semaphore(%arg9 : memref<!tpu.dma_semaphore, #tpu.memory_space<semaphore_mem>>)
    }
    %while3A_44 = arith.constant 1 : i32
    scf.for %while3A_56 = %while3A_42 to %while3A_38 step %while3A_44  : i32 {
      %rem3A_57 = arith.constant 2 : i32
      %rem3A_58 = arith.remsi %while3A_56, %rem3A_57 : i32
      %rem3A_59 = arith.constant 4 : i32
      %rem3A_60 = arith.remsi %while3A_56, %rem3A_59 : i32
      %add3A_61 = arith.constant 1 : i32
      %add3A_62 = arith.addi %while3A_56, %add3A_61 : i32
      %lt3A = arith.cmpi slt, %add3A_62, %select_n3A : i32
      %convert_element_type3A_63 = arith.extui %lt3A : i1 to i32
      %cond3A_64 = arith.constant 0 : i32
      %cond3A_65 = arith.cmpi ne, %convert_element_type3A_63, %cond3A_64 : i32
      scf.if %cond3A_65 {
        %add3A_432 = arith.constant 1 : i32
        %add3A_433 = arith.addi %while3A_56, %add3A_432 : i32
        %rem3A_434 = arith.constant 2 : i32
        %rem3A_435 = arith.remsi %add3A_433, %rem3A_434 : i32
        %mul3A_436 = arith.constant 128 : i32
        %mul3A_437 = arith.muli %add3A_433, %mul3A_436 : i32
        %add3A_438 = arith.addi %squeeze3A, %mul3A_437 : i32
        %min3A_439 = arith.constant 1599872 : i32
        %min3A_440 = arith.minsi %add3A_438, %min3A_439 : i32
        %multiple_of3A_441 = tpu.assume_multiple %min3A_440, 8 : i32
        %dma_start3A_442 = arith.constant 0 : i32
        %dma_start3A_443 = arith.constant 0 : i32
        %dma_start3A_444 = tpu.memref_slice %arg6[%rem3A_435, %dma_start3A_442, %dma_start3A_443] : memref<2x128x3xf32, #tpu.memory_space<vmem>> -> memref<1x128x3xf32, #tpu.memory_space<vmem>>
        %dma_start3A_445 = tpu.memref_squeeze %dma_start3A_444 : memref<1x128x3xf32, #tpu.memory_space<vmem>> -> memref<128x3xf32, #tpu.memory_space<vmem>>
        %dma_start3A_446 = arith.constant 0 : i32
        %dma_start3A_447 = tpu.memref_slice %arg2[%multiple_of3A_441, %dma_start3A_446] : memref<1600000x3xf32, #tpu.memory_space<hbm>> -> memref<128x3xf32, #tpu.memory_space<hbm>>
        %dma_start3A_448 = arith.constant 0 : i32
        %dma_start3A_449 = arith.constant 0 : i32
        %dma_start3A_450 = tpu.memref_slice %arg6[%rem3A_435, %dma_start3A_448, %dma_start3A_449] : memref<2x128x3xf32, #tpu.memory_space<vmem>> -> memref<1x128x3xf32, #tpu.memory_space<vmem>>
        %dma_start3A_451 = tpu.memref_squeeze %dma_start3A_450 : memref<1x128x3xf32, #tpu.memory_space<vmem>> -> memref<128x3xf32, #tpu.memory_space<vmem>>
        %dma_start3A_452 = arith.constant 0 : i32
        %dma_start3A_453 = tpu.memref_slice %arg2[%multiple_of3A_441, %dma_start3A_452] : memref<1600000x3xf32, #tpu.memory_space<hbm>> -> memref<128x3xf32, #tpu.memory_space<hbm>>
        tpu.enqueue_dma source(%dma_start3A_453 : memref<128x3xf32, #tpu.memory_space<hbm>>) target(%dma_start3A_451 : memref<128x3xf32, #tpu.memory_space<vmem>>) target_semaphore(%arg8 : memref<!tpu.dma_semaphore, #tpu.memory_space<semaphore_mem>>)
      } else {
      }
      %dma_wait3A = arith.constant 0 : i32
      %dma_wait3A_66 = arith.constant 0 : i32
      %dma_wait3A_67 = tpu.memref_slice %arg6[%rem3A_58, %dma_wait3A, %dma_wait3A_66] : memref<2x128x3xf32, #tpu.memory_space<vmem>> -> memref<1x128x3xf32, #tpu.memory_space<vmem>>
      %dma_wait3A_68 = tpu.memref_squeeze %dma_wait3A_67 : memref<1x128x3xf32, #tpu.memory_space<vmem>> -> memref<128x3xf32, #tpu.memory_space<vmem>>
      %dma_wait3A_69 = arith.constant 0 : i32
      %dma_wait3A_70 = arith.constant 0 : i32
      %dma_wait3A_71 = tpu.memref_slice %arg2[%dma_wait3A_69, %dma_wait3A_70] : memref<1600000x3xf32, #tpu.memory_space<hbm>> -> memref<128x3xf32, #tpu.memory_space<hbm>>
      %dma_wait3A_72 = arith.constant 0 : i32
      %dma_wait3A_73 = arith.constant 0 : i32
      %dma_wait3A_74 = tpu.memref_slice %arg6[%rem3A_58, %dma_wait3A_72, %dma_wait3A_73] : memref<2x128x3xf32, #tpu.memory_space<vmem>> -> memref<1x128x3xf32, #tpu.memory_space<vmem>>
      %dma_wait3A_75 = tpu.memref_squeeze %dma_wait3A_74 : memref<1x128x3xf32, #tpu.memory_space<vmem>> -> memref<128x3xf32, #tpu.memory_space<vmem>>
      %dma_wait3A_76 = arith.constant 0 : i32
      %dma_wait3A_77 = arith.constant 0 : i32
      %dma_wait3A_78 = tpu.memref_slice %arg2[%dma_wait3A_76, %dma_wait3A_77] : memref<1600000x3xf32, #tpu.memory_space<hbm>> -> memref<128x3xf32, #tpu.memory_space<hbm>>
      tpu.wait_dma2 semaphore(%arg8 : memref<!tpu.dma_semaphore, #tpu.memory_space<semaphore_mem>>) src(%dma_wait3A_78 : memref<128x3xf32, #tpu.memory_space<hbm>>) dst(%dma_wait3A_75 : memref<128x3xf32, #tpu.memory_space<vmem>>)
      %ge3A = arith.constant 4 : i32
      %ge3A_79 = arith.cmpi sge, %while3A_56, %ge3A : i32
      %convert_element_type3A_80 = arith.extui %ge3A_79 : i1 to i32
      %cond3A_81 = arith.constant 0 : i32
      %cond3A_82 = arith.cmpi ne, %convert_element_type3A_80, %cond3A_81 : i32
      scf.if %cond3A_82 {
        %dma_wait3A_432 = arith.constant 0 : i32
        %dma_wait3A_433 = tpu.memref_slice %arg7[%dma_wait3A_432] : memref<1536xf32, #tpu.memory_space<vmem>> -> memref<384xf32, #tpu.memory_space<vmem>>
        %dma_wait3A_434 = arith.constant 0 : i32
        %dma_wait3A_435 = tpu.memref_slice %arg4[%dma_wait3A_434] : memref<4800000xf32, #tpu.memory_space<hbm>> -> memref<384xf32, #tpu.memory_space<hbm>>
        %dma_wait3A_436 = arith.constant 0 : i32
        %dma_wait3A_437 = tpu.memref_slice %arg4[%dma_wait3A_436] : memref<4800000xf32, #tpu.memory_space<hbm>> -> memref<384xf32, #tpu.memory_space<hbm>>
        %dma_wait3A_438 = arith.constant 0 : i32
        %dma_wait3A_439 = tpu.memref_slice %arg7[%dma_wait3A_438] : memref<1536xf32, #tpu.memory_space<vmem>> -> memref<384xf32, #tpu.memory_space<vmem>>
        tpu.wait_dma2 semaphore(%arg9 : memref<!tpu.dma_semaphore, #tpu.memory_space<semaphore_mem>>) src(%dma_wait3A_439 : memref<384xf32, #tpu.memory_space<vmem>>) dst(%dma_wait3A_437 : memref<384xf32, #tpu.memory_space<hbm>>)
      } else {
      }
      %broadcast_in_dim3A = vector.broadcast %rem3A_58 : i32 to vector<16xi32>
      %add3A_83 = arith.constant 0 : i32
      %add3A_84 = vector.broadcast %add3A_83 : i32 to vector<16xi32>
      %add3A_85 = arith.addi %iota3A, %add3A_84 : vector<16xi32>
      %broadcast_in_dim3A_86 = arith.constant 0 : i32
      %broadcast_in_dim3A_87 = vector.broadcast %broadcast_in_dim3A_86 : i32 to vector<16xi32>
      %gather3A_88 = tpu.vector_load_idx %arg6[%broadcast_in_dim3A, %add3A_85, %broadcast_in_dim3A_87] : memref<2x128x3xf32, #tpu.memory_space<vmem>>[vector<16xi32>, vector<16xi32>, vector<16xi32>], vector<16xf32>,
      %mul3A_89 = arith.constant 384 : i32
      %mul3A_90 = arith.muli %rem3A_60, %mul3A_89 : i32
      %mul3A_91 = arith.constant 3 : i32
      %mul3A_92 = vector.broadcast %mul3A_91 : i32 to vector<16xi32>
      %mul3A_93 = arith.muli %add3A_85, %mul3A_92 : vector<16xi32>
      %add3A_94 = vector.broadcast %mul3A_90 : i32 to vector<16xi32>
      %add3A_95 = arith.addi %add3A_94, %mul3A_93 : vector<16xi32>
      %add3A_96 = arith.constant 0 : i32
      %add3A_97 = vector.broadcast %add3A_96 : i32 to vector<16xi32>
      %add3A_98 = arith.addi %add3A_95, %add3A_97 : vector<16xi32>
      tpu.vector_store_idx %arg7[%add3A_98], %gather3A_88 : memref<1536xf32, #tpu.memory_space<vmem>>[vector<16xi32>], vector<16xf32>,
      %broadcast_in_dim3A_99 = arith.constant 1 : i32
      %broadcast_in_dim3A_100 = vector.broadcast %broadcast_in_dim3A_99 : i32 to vector<16xi32>
      %gather3A_101 = tpu.vector_load_idx %arg6[%broadcast_in_dim3A, %add3A_85, %broadcast_in_dim3A_100] : memref<2x128x3xf32, #tpu.memory_space<vmem>>[vector<16xi32>, vector<16xi32>, vector<16xi32>], vector<16xf32>,
      %mul3A_102 = arith.constant 384 : i32
      %mul3A_103 = arith.muli %rem3A_60, %mul3A_102 : i32
      %mul3A_104 = arith.constant 3 : i32
      %mul3A_105 = vector.broadcast %mul3A_104 : i32 to vector<16xi32>
      %mul3A_106 = arith.muli %add3A_85, %mul3A_105 : vector<16xi32>
      %add3A_107 = vector.broadcast %mul3A_103 : i32 to vector<16xi32>
      %add3A_108 = arith.addi %add3A_107, %mul3A_106 : vector<16xi32>
      %add3A_109 = arith.constant 1 : i32
      %add3A_110 = vector.broadcast %add3A_109 : i32 to vector<16xi32>
      %add3A_111 = arith.addi %add3A_108, %add3A_110 : vector<16xi32>
      tpu.vector_store_idx %arg7[%add3A_111], %gather3A_101 : memref<1536xf32, #tpu.memory_space<vmem>>[vector<16xi32>], vector<16xf32>,
      %broadcast_in_dim3A_112 = arith.constant 2 : i32
      %broadcast_in_dim3A_113 = vector.broadcast %broadcast_in_dim3A_112 : i32 to vector<16xi32>
      %gather3A_114 = tpu.vector_load_idx %arg6[%broadcast_in_dim3A, %add3A_85, %broadcast_in_dim3A_113] : memref<2x128x3xf32, #tpu.memory_space<vmem>>[vector<16xi32>, vector<16xi32>, vector<16xi32>], vector<16xf32>,
      %mul3A_115 = arith.constant 384 : i32
      %mul3A_116 = arith.muli %rem3A_60, %mul3A_115 : i32
      %mul3A_117 = arith.constant 3 : i32
      %mul3A_118 = vector.broadcast %mul3A_117 : i32 to vector<16xi32>
      %mul3A_119 = arith.muli %add3A_85, %mul3A_118 : vector<16xi32>
      %add3A_120 = vector.broadcast %mul3A_116 : i32 to vector<16xi32>
      %add3A_121 = arith.addi %add3A_120, %mul3A_119 : vector<16xi32>
      %add3A_122 = arith.constant 2 : i32
      %add3A_123 = vector.broadcast %add3A_122 : i32 to vector<16xi32>
      %add3A_124 = arith.addi %add3A_121, %add3A_123 : vector<16xi32>
      tpu.vector_store_idx %arg7[%add3A_124], %gather3A_114 : memref<1536xf32, #tpu.memory_space<vmem>>[vector<16xi32>], vector<16xf32>,
      %add3A_125 = arith.constant 16 : i32
      %add3A_126 = vector.broadcast %add3A_125 : i32 to vector<16xi32>
      %add3A_127 = arith.addi %iota3A, %add3A_126 : vector<16xi32>
      %broadcast_in_dim3A_128 = arith.constant 0 : i32
      %broadcast_in_dim3A_129 = vector.broadcast %broadcast_in_dim3A_128 : i32 to vector<16xi32>
      %gather3A_130 = tpu.vector_load_idx %arg6[%broadcast_in_dim3A, %add3A_127, %broadcast_in_dim3A_129] : memref<2x128x3xf32, #tpu.memory_space<vmem>>[vector<16xi32>, vector<16xi32>, vector<16xi32>], vector<16xf32>,
      %mul3A_131 = arith.constant 384 : i32
      %mul3A_132 = arith.muli %rem3A_60, %mul3A_131 : i32
      %mul3A_133 = arith.constant 3 : i32
      %mul3A_134 = vector.broadcast %mul3A_133 : i32 to vector<16xi32>
      %mul3A_135 = arith.muli %add3A_127, %mul3A_134 : vector<16xi32>
      %add3A_136 = vector.broadcast %mul3A_132 : i32 to vector<16xi32>
      %add3A_137 = arith.addi %add3A_136, %mul3A_135 : vector<16xi32>
      %add3A_138 = arith.constant 0 : i32
      %add3A_139 = vector.broadcast %add3A_138 : i32 to vector<16xi32>
      %add3A_140 = arith.addi %add3A_137, %add3A_139 : vector<16xi32>
      tpu.vector_store_idx %arg7[%add3A_140], %gather3A_130 : memref<1536xf32, #tpu.memory_space<vmem>>[vector<16xi32>], vector<16xf32>,
      %broadcast_in_dim3A_141 = arith.constant 1 : i32
      %broadcast_in_dim3A_142 = vector.broadcast %broadcast_in_dim3A_141 : i32 to vector<16xi32>
      %gather3A_143 = tpu.vector_load_idx %arg6[%broadcast_in_dim3A, %add3A_127, %broadcast_in_dim3A_142] : memref<2x128x3xf32, #tpu.memory_space<vmem>>[vector<16xi32>, vector<16xi32>, vector<16xi32>], vector<16xf32>,
      %mul3A_144 = arith.constant 384 : i32
      %mul3A_145 = arith.muli %rem3A_60, %mul3A_144 : i32
      %mul3A_146 = arith.constant 3 : i32
      %mul3A_147 = vector.broadcast %mul3A_146 : i32 to vector<16xi32>
      %mul3A_148 = arith.muli %add3A_127, %mul3A_147 : vector<16xi32>
      %add3A_149 = vector.broadcast %mul3A_145 : i32 to vector<16xi32>
      %add3A_150 = arith.addi %add3A_149, %mul3A_148 : vector<16xi32>
      %add3A_151 = arith.constant 1 : i32
      %add3A_152 = vector.broadcast %add3A_151 : i32 to vector<16xi32>
      %add3A_153 = arith.addi %add3A_150, %add3A_152 : vector<16xi32>
      tpu.vector_store_idx %arg7[%add3A_153], %gather3A_143 : memref<1536xf32, #tpu.memory_space<vmem>>[vector<16xi32>], vector<16xf32>,
      %broadcast_in_dim3A_154 = arith.constant 2 : i32
      %broadcast_in_dim3A_155 = vector.broadcast %broadcast_in_dim3A_154 : i32 to vector<16xi32>
      %gather3A_156 = tpu.vector_load_idx %arg6[%broadcast_in_dim3A, %add3A_127, %broadcast_in_dim3A_155] : memref<2x128x3xf32, #tpu.memory_space<vmem>>[vector<16xi32>, vector<16xi32>, vector<16xi32>], vector<16xf32>,
      %mul3A_157 = arith.constant 384 : i32
      %mul3A_158 = arith.muli %rem3A_60, %mul3A_157 : i32
      %mul3A_159 = arith.constant 3 : i32
      %mul3A_160 = vector.broadcast %mul3A_159 : i32 to vector<16xi32>
      %mul3A_161 = arith.muli %add3A_127, %mul3A_160 : vector<16xi32>
      %add3A_162 = vector.broadcast %mul3A_158 : i32 to vector<16xi32>
      %add3A_163 = arith.addi %add3A_162, %mul3A_161 : vector<16xi32>
      %add3A_164 = arith.constant 2 : i32
      %add3A_165 = vector.broadcast %add3A_164 : i32 to vector<16xi32>
      %add3A_166 = arith.addi %add3A_163, %add3A_165 : vector<16xi32>
      tpu.vector_store_idx %arg7[%add3A_166], %gather3A_156 : memref<1536xf32, #tpu.memory_space<vmem>>[vector<16xi32>], vector<16xf32>,
      %add3A_167 = arith.constant 32 : i32
      %add3A_168 = vector.broadcast %add3A_167 : i32 to vector<16xi32>
      %add3A_169 = arith.addi %iota3A, %add3A_168 : vector<16xi32>
      %broadcast_in_dim3A_170 = arith.constant 0 : i32
      %broadcast_in_dim3A_171 = vector.broadcast %broadcast_in_dim3A_170 : i32 to vector<16xi32>
      %gather3A_172 = tpu.vector_load_idx %arg6[%broadcast_in_dim3A, %add3A_169, %broadcast_in_dim3A_171] : memref<2x128x3xf32, #tpu.memory_space<vmem>>[vector<16xi32>, vector<16xi32>, vector<16xi32>], vector<16xf32>,
      %mul3A_173 = arith.constant 384 : i32
      %mul3A_174 = arith.muli %rem3A_60, %mul3A_173 : i32
      %mul3A_175 = arith.constant 3 : i32
      %mul3A_176 = vector.broadcast %mul3A_175 : i32 to vector<16xi32>
      %mul3A_177 = arith.muli %add3A_169, %mul3A_176 : vector<16xi32>
      %add3A_178 = vector.broadcast %mul3A_174 : i32 to vector<16xi32>
      %add3A_179 = arith.addi %add3A_178, %mul3A_177 : vector<16xi32>
      %add3A_180 = arith.constant 0 : i32
      %add3A_181 = vector.broadcast %add3A_180 : i32 to vector<16xi32>
      %add3A_182 = arith.addi %add3A_179, %add3A_181 : vector<16xi32>
      tpu.vector_store_idx %arg7[%add3A_182], %gather3A_172 : memref<1536xf32, #tpu.memory_space<vmem>>[vector<16xi32>], vector<16xf32>,
      %broadcast_in_dim3A_183 = arith.constant 1 : i32
      %broadcast_in_dim3A_184 = vector.broadcast %broadcast_in_dim3A_183 : i32 to vector<16xi32>
      %gather3A_185 = tpu.vector_load_idx %arg6[%broadcast_in_dim3A, %add3A_169, %broadcast_in_dim3A_184] : memref<2x128x3xf32, #tpu.memory_space<vmem>>[vector<16xi32>, vector<16xi32>, vector<16xi32>], vector<16xf32>,
      %mul3A_186 = arith.constant 384 : i32
      %mul3A_187 = arith.muli %rem3A_60, %mul3A_186 : i32
      %mul3A_188 = arith.constant 3 : i32
      %mul3A_189 = vector.broadcast %mul3A_188 : i32 to vector<16xi32>
      %mul3A_190 = arith.muli %add3A_169, %mul3A_189 : vector<16xi32>
      %add3A_191 = vector.broadcast %mul3A_187 : i32 to vector<16xi32>
      %add3A_192 = arith.addi %add3A_191, %mul3A_190 : vector<16xi32>
      %add3A_193 = arith.constant 1 : i32
      %add3A_194 = vector.broadcast %add3A_193 : i32 to vector<16xi32>
      %add3A_195 = arith.addi %add3A_192, %add3A_194 : vector<16xi32>
      tpu.vector_store_idx %arg7[%add3A_195], %gather3A_185 : memref<1536xf32, #tpu.memory_space<vmem>>[vector<16xi32>], vector<16xf32>,
      %broadcast_in_dim3A_196 = arith.constant 2 : i32
      %broadcast_in_dim3A_197 = vector.broadcast %broadcast_in_dim3A_196 : i32 to vector<16xi32>
      %gather3A_198 = tpu.vector_load_idx %arg6[%broadcast_in_dim3A, %add3A_169, %broadcast_in_dim3A_197] : memref<2x128x3xf32, #tpu.memory_space<vmem>>[vector<16xi32>, vector<16xi32>, vector<16xi32>], vector<16xf32>,
      %mul3A_199 = arith.constant 384 : i32
      %mul3A_200 = arith.muli %rem3A_60, %mul3A_199 : i32
      %mul3A_201 = arith.constant 3 : i32
      %mul3A_202 = vector.broadcast %mul3A_201 : i32 to vector<16xi32>
      %mul3A_203 = arith.muli %add3A_169, %mul3A_202 : vector<16xi32>
      %add3A_204 = vector.broadcast %mul3A_200 : i32 to vector<16xi32>
      %add3A_205 = arith.addi %add3A_204, %mul3A_203 : vector<16xi32>
      %add3A_206 = arith.constant 2 : i32
      %add3A_207 = vector.broadcast %add3A_206 : i32 to vector<16xi32>
      %add3A_208 = arith.addi %add3A_205, %add3A_207 : vector<16xi32>
      tpu.vector_store_idx %arg7[%add3A_208], %gather3A_198 : memref<1536xf32, #tpu.memory_space<vmem>>[vector<16xi32>], vector<16xf32>,
      %add3A_209 = arith.constant 48 : i32
      %add3A_210 = vector.broadcast %add3A_209 : i32 to vector<16xi32>
      %add3A_211 = arith.addi %iota3A, %add3A_210 : vector<16xi32>
      %broadcast_in_dim3A_212 = arith.constant 0 : i32
      %broadcast_in_dim3A_213 = vector.broadcast %broadcast_in_dim3A_212 : i32 to vector<16xi32>
      %gather3A_214 = tpu.vector_load_idx %arg6[%broadcast_in_dim3A, %add3A_211, %broadcast_in_dim3A_213] : memref<2x128x3xf32, #tpu.memory_space<vmem>>[vector<16xi32>, vector<16xi32>, vector<16xi32>], vector<16xf32>,
      %mul3A_215 = arith.constant 384 : i32
      %mul3A_216 = arith.muli %rem3A_60, %mul3A_215 : i32
      %mul3A_217 = arith.constant 3 : i32
      %mul3A_218 = vector.broadcast %mul3A_217 : i32 to vector<16xi32>
      %mul3A_219 = arith.muli %add3A_211, %mul3A_218 : vector<16xi32>
      %add3A_220 = vector.broadcast %mul3A_216 : i32 to vector<16xi32>
      %add3A_221 = arith.addi %add3A_220, %mul3A_219 : vector<16xi32>
      %add3A_222 = arith.constant 0 : i32
      %add3A_223 = vector.broadcast %add3A_222 : i32 to vector<16xi32>
      %add3A_224 = arith.addi %add3A_221, %add3A_223 : vector<16xi32>
      tpu.vector_store_idx %arg7[%add3A_224], %gather3A_214 : memref<1536xf32, #tpu.memory_space<vmem>>[vector<16xi32>], vector<16xf32>,
      %broadcast_in_dim3A_225 = arith.constant 1 : i32
      %broadcast_in_dim3A_226 = vector.broadcast %broadcast_in_dim3A_225 : i32 to vector<16xi32>
      %gather3A_227 = tpu.vector_load_idx %arg6[%broadcast_in_dim3A, %add3A_211, %broadcast_in_dim3A_226] : memref<2x128x3xf32, #tpu.memory_space<vmem>>[vector<16xi32>, vector<16xi32>, vector<16xi32>], vector<16xf32>,
      %mul3A_228 = arith.constant 384 : i32
      %mul3A_229 = arith.muli %rem3A_60, %mul3A_228 : i32
      %mul3A_230 = arith.constant 3 : i32
      %mul3A_231 = vector.broadcast %mul3A_230 : i32 to vector<16xi32>
      %mul3A_232 = arith.muli %add3A_211, %mul3A_231 : vector<16xi32>
      %add3A_233 = vector.broadcast %mul3A_229 : i32 to vector<16xi32>
      %add3A_234 = arith.addi %add3A_233, %mul3A_232 : vector<16xi32>
      %add3A_235 = arith.constant 1 : i32
      %add3A_236 = vector.broadcast %add3A_235 : i32 to vector<16xi32>
      %add3A_237 = arith.addi %add3A_234, %add3A_236 : vector<16xi32>
      tpu.vector_store_idx %arg7[%add3A_237], %gather3A_227 : memref<1536xf32, #tpu.memory_space<vmem>>[vector<16xi32>], vector<16xf32>,
      %broadcast_in_dim3A_238 = arith.constant 2 : i32
      %broadcast_in_dim3A_239 = vector.broadcast %broadcast_in_dim3A_238 : i32 to vector<16xi32>
      %gather3A_240 = tpu.vector_load_idx %arg6[%broadcast_in_dim3A, %add3A_211, %broadcast_in_dim3A_239] : memref<2x128x3xf32, #tpu.memory_space<vmem>>[vector<16xi32>, vector<16xi32>, vector<16xi32>], vector<16xf32>,
      %mul3A_241 = arith.constant 384 : i32
      %mul3A_242 = arith.muli %rem3A_60, %mul3A_241 : i32
      %mul3A_243 = arith.constant 3 : i32
      %mul3A_244 = vector.broadcast %mul3A_243 : i32 to vector<16xi32>
      %mul3A_245 = arith.muli %add3A_211, %mul3A_244 : vector<16xi32>
      %add3A_246 = vector.broadcast %mul3A_242 : i32 to vector<16xi32>
      %add3A_247 = arith.addi %add3A_246, %mul3A_245 : vector<16xi32>
      %add3A_248 = arith.constant 2 : i32
      %add3A_249 = vector.broadcast %add3A_248 : i32 to vector<16xi32>
      %add3A_250 = arith.addi %add3A_247, %add3A_249 : vector<16xi32>
      tpu.vector_store_idx %arg7[%add3A_250], %gather3A_240 : memref<1536xf32, #tpu.memory_space<vmem>>[vector<16xi32>], vector<16xf32>,
      %add3A_251 = arith.constant 64 : i32
      %add3A_252 = vector.broadcast %add3A_251 : i32 to vector<16xi32>
      %add3A_253 = arith.addi %iota3A, %add3A_252 : vector<16xi32>
      %broadcast_in_dim3A_254 = arith.constant 0 : i32
      %broadcast_in_dim3A_255 = vector.broadcast %broadcast_in_dim3A_254 : i32 to vector<16xi32>
      %gather3A_256 = tpu.vector_load_idx %arg6[%broadcast_in_dim3A, %add3A_253, %broadcast_in_dim3A_255] : memref<2x128x3xf32, #tpu.memory_space<vmem>>[vector<16xi32>, vector<16xi32>, vector<16xi32>], vector<16xf32>,
      %mul3A_257 = arith.constant 384 : i32
      %mul3A_258 = arith.muli %rem3A_60, %mul3A_257 : i32
      %mul3A_259 = arith.constant 3 : i32
      %mul3A_260 = vector.broadcast %mul3A_259 : i32 to vector<16xi32>
      %mul3A_261 = arith.muli %add3A_253, %mul3A_260 : vector<16xi32>
      %add3A_262 = vector.broadcast %mul3A_258 : i32 to vector<16xi32>
      %add3A_263 = arith.addi %add3A_262, %mul3A_261 : vector<16xi32>
      %add3A_264 = arith.constant 0 : i32
      %add3A_265 = vector.broadcast %add3A_264 : i32 to vector<16xi32>
      %add3A_266 = arith.addi %add3A_263, %add3A_265 : vector<16xi32>
      tpu.vector_store_idx %arg7[%add3A_266], %gather3A_256 : memref<1536xf32, #tpu.memory_space<vmem>>[vector<16xi32>], vector<16xf32>,
      %broadcast_in_dim3A_267 = arith.constant 1 : i32
      %broadcast_in_dim3A_268 = vector.broadcast %broadcast_in_dim3A_267 : i32 to vector<16xi32>
      %gather3A_269 = tpu.vector_load_idx %arg6[%broadcast_in_dim3A, %add3A_253, %broadcast_in_dim3A_268] : memref<2x128x3xf32, #tpu.memory_space<vmem>>[vector<16xi32>, vector<16xi32>, vector<16xi32>], vector<16xf32>,
      %mul3A_270 = arith.constant 384 : i32
      %mul3A_271 = arith.muli %rem3A_60, %mul3A_270 : i32
      %mul3A_272 = arith.constant 3 : i32
      %mul3A_273 = vector.broadcast %mul3A_272 : i32 to vector<16xi32>
      %mul3A_274 = arith.muli %add3A_253, %mul3A_273 : vector<16xi32>
      %add3A_275 = vector.broadcast %mul3A_271 : i32 to vector<16xi32>
      %add3A_276 = arith.addi %add3A_275, %mul3A_274 : vector<16xi32>
      %add3A_277 = arith.constant 1 : i32
      %add3A_278 = vector.broadcast %add3A_277 : i32 to vector<16xi32>
      %add3A_279 = arith.addi %add3A_276, %add3A_278 : vector<16xi32>
      tpu.vector_store_idx %arg7[%add3A_279], %gather3A_269 : memref<1536xf32, #tpu.memory_space<vmem>>[vector<16xi32>], vector<16xf32>,
      %broadcast_in_dim3A_280 = arith.constant 2 : i32
      %broadcast_in_dim3A_281 = vector.broadcast %broadcast_in_dim3A_280 : i32 to vector<16xi32>
      %gather3A_282 = tpu.vector_load_idx %arg6[%broadcast_in_dim3A, %add3A_253, %broadcast_in_dim3A_281] : memref<2x128x3xf32, #tpu.memory_space<vmem>>[vector<16xi32>, vector<16xi32>, vector<16xi32>], vector<16xf32>,
      %mul3A_283 = arith.constant 384 : i32
      %mul3A_284 = arith.muli %rem3A_60, %mul3A_283 : i32
      %mul3A_285 = arith.constant 3 : i32
      %mul3A_286 = vector.broadcast %mul3A_285 : i32 to vector<16xi32>
      %mul3A_287 = arith.muli %add3A_253, %mul3A_286 : vector<16xi32>
      %add3A_288 = vector.broadcast %mul3A_284 : i32 to vector<16xi32>
      %add3A_289 = arith.addi %add3A_288, %mul3A_287 : vector<16xi32>
      %add3A_290 = arith.constant 2 : i32
      %add3A_291 = vector.broadcast %add3A_290 : i32 to vector<16xi32>
      %add3A_292 = arith.addi %add3A_289, %add3A_291 : vector<16xi32>
      tpu.vector_store_idx %arg7[%add3A_292], %gather3A_282 : memref<1536xf32, #tpu.memory_space<vmem>>[vector<16xi32>], vector<16xf32>,
      %add3A_293 = arith.constant 80 : i32
      %add3A_294 = vector.broadcast %add3A_293 : i32 to vector<16xi32>
      %add3A_295 = arith.addi %iota3A, %add3A_294 : vector<16xi32>
      %broadcast_in_dim3A_296 = arith.constant 0 : i32
      %broadcast_in_dim3A_297 = vector.broadcast %broadcast_in_dim3A_296 : i32 to vector<16xi32>
      %gather3A_298 = tpu.vector_load_idx %arg6[%broadcast_in_dim3A, %add3A_295, %broadcast_in_dim3A_297] : memref<2x128x3xf32, #tpu.memory_space<vmem>>[vector<16xi32>, vector<16xi32>, vector<16xi32>], vector<16xf32>,
      %mul3A_299 = arith.constant 384 : i32
      %mul3A_300 = arith.muli %rem3A_60, %mul3A_299 : i32
      %mul3A_301 = arith.constant 3 : i32
      %mul3A_302 = vector.broadcast %mul3A_301 : i32 to vector<16xi32>
      %mul3A_303 = arith.muli %add3A_295, %mul3A_302 : vector<16xi32>
      %add3A_304 = vector.broadcast %mul3A_300 : i32 to vector<16xi32>
      %add3A_305 = arith.addi %add3A_304, %mul3A_303 : vector<16xi32>
      %add3A_306 = arith.constant 0 : i32
      %add3A_307 = vector.broadcast %add3A_306 : i32 to vector<16xi32>
      %add3A_308 = arith.addi %add3A_305, %add3A_307 : vector<16xi32>
      tpu.vector_store_idx %arg7[%add3A_308], %gather3A_298 : memref<1536xf32, #tpu.memory_space<vmem>>[vector<16xi32>], vector<16xf32>,
      %broadcast_in_dim3A_309 = arith.constant 1 : i32
      %broadcast_in_dim3A_310 = vector.broadcast %broadcast_in_dim3A_309 : i32 to vector<16xi32>
      %gather3A_311 = tpu.vector_load_idx %arg6[%broadcast_in_dim3A, %add3A_295, %broadcast_in_dim3A_310] : memref<2x128x3xf32, #tpu.memory_space<vmem>>[vector<16xi32>, vector<16xi32>, vector<16xi32>], vector<16xf32>,
      %mul3A_312 = arith.constant 384 : i32
      %mul3A_313 = arith.muli %rem3A_60, %mul3A_312 : i32
      %mul3A_314 = arith.constant 3 : i32
      %mul3A_315 = vector.broadcast %mul3A_314 : i32 to vector<16xi32>
      %mul3A_316 = arith.muli %add3A_295, %mul3A_315 : vector<16xi32>
      %add3A_317 = vector.broadcast %mul3A_313 : i32 to vector<16xi32>
      %add3A_318 = arith.addi %add3A_317, %mul3A_316 : vector<16xi32>
      %add3A_319 = arith.constant 1 : i32
      %add3A_320 = vector.broadcast %add3A_319 : i32 to vector<16xi32>
      %add3A_321 = arith.addi %add3A_318, %add3A_320 : vector<16xi32>
      tpu.vector_store_idx %arg7[%add3A_321], %gather3A_311 : memref<1536xf32, #tpu.memory_space<vmem>>[vector<16xi32>], vector<16xf32>,
      %broadcast_in_dim3A_322 = arith.constant 2 : i32
      %broadcast_in_dim3A_323 = vector.broadcast %broadcast_in_dim3A_322 : i32 to vector<16xi32>
      %gather3A_324 = tpu.vector_load_idx %arg6[%broadcast_in_dim3A, %add3A_295, %broadcast_in_dim3A_323] : memref<2x128x3xf32, #tpu.memory_space<vmem>>[vector<16xi32>, vector<16xi32>, vector<16xi32>], vector<16xf32>,
      %mul3A_325 = arith.constant 384 : i32
      %mul3A_326 = arith.muli %rem3A_60, %mul3A_325 : i32
      %mul3A_327 = arith.constant 3 : i32
      %mul3A_328 = vector.broadcast %mul3A_327 : i32 to vector<16xi32>
      %mul3A_329 = arith.muli %add3A_295, %mul3A_328 : vector<16xi32>
      %add3A_330 = vector.broadcast %mul3A_326 : i32 to vector<16xi32>
      %add3A_331 = arith.addi %add3A_330, %mul3A_329 : vector<16xi32>
      %add3A_332 = arith.constant 2 : i32
      %add3A_333 = vector.broadcast %add3A_332 : i32 to vector<16xi32>
      %add3A_334 = arith.addi %add3A_331, %add3A_333 : vector<16xi32>
      tpu.vector_store_idx %arg7[%add3A_334], %gather3A_324 : memref<1536xf32, #tpu.memory_space<vmem>>[vector<16xi32>], vector<16xf32>,
      %add3A_335 = arith.constant 96 : i32
      %add3A_336 = vector.broadcast %add3A_335 : i32 to vector<16xi32>
      %add3A_337 = arith.addi %iota3A, %add3A_336 : vector<16xi32>
      %broadcast_in_dim3A_338 = arith.constant 0 : i32
      %broadcast_in_dim3A_339 = vector.broadcast %broadcast_in_dim3A_338 : i32 to vector<16xi32>
      %gather3A_340 = tpu.vector_load_idx %arg6[%broadcast_in_dim3A, %add3A_337, %broadcast_in_dim3A_339] : memref<2x128x3xf32, #tpu.memory_space<vmem>>[vector<16xi32>, vector<16xi32>, vector<16xi32>], vector<16xf32>,
      %mul3A_341 = arith.constant 384 : i32
      %mul3A_342 = arith.muli %rem3A_60, %mul3A_341 : i32
      %mul3A_343 = arith.constant 3 : i32
      %mul3A_344 = vector.broadcast %mul3A_343 : i32 to vector<16xi32>
      %mul3A_345 = arith.muli %add3A_337, %mul3A_344 : vector<16xi32>
      %add3A_346 = vector.broadcast %mul3A_342 : i32 to vector<16xi32>
      %add3A_347 = arith.addi %add3A_346, %mul3A_345 : vector<16xi32>
      %add3A_348 = arith.constant 0 : i32
      %add3A_349 = vector.broadcast %add3A_348 : i32 to vector<16xi32>
      %add3A_350 = arith.addi %add3A_347, %add3A_349 : vector<16xi32>
      tpu.vector_store_idx %arg7[%add3A_350], %gather3A_340 : memref<1536xf32, #tpu.memory_space<vmem>>[vector<16xi32>], vector<16xf32>,
      %broadcast_in_dim3A_351 = arith.constant 1 : i32
      %broadcast_in_dim3A_352 = vector.broadcast %broadcast_in_dim3A_351 : i32 to vector<16xi32>
      %gather3A_353 = tpu.vector_load_idx %arg6[%broadcast_in_dim3A, %add3A_337, %broadcast_in_dim3A_352] : memref<2x128x3xf32, #tpu.memory_space<vmem>>[vector<16xi32>, vector<16xi32>, vector<16xi32>], vector<16xf32>,
      %mul3A_354 = arith.constant 384 : i32
      %mul3A_355 = arith.muli %rem3A_60, %mul3A_354 : i32
      %mul3A_356 = arith.constant 3 : i32
      %mul3A_357 = vector.broadcast %mul3A_356 : i32 to vector<16xi32>
      %mul3A_358 = arith.muli %add3A_337, %mul3A_357 : vector<16xi32>
      %add3A_359 = vector.broadcast %mul3A_355 : i32 to vector<16xi32>
      %add3A_360 = arith.addi %add3A_359, %mul3A_358 : vector<16xi32>
      %add3A_361 = arith.constant 1 : i32
      %add3A_362 = vector.broadcast %add3A_361 : i32 to vector<16xi32>
      %add3A_363 = arith.addi %add3A_360, %add3A_362 : vector<16xi32>
      tpu.vector_store_idx %arg7[%add3A_363], %gather3A_353 : memref<1536xf32, #tpu.memory_space<vmem>>[vector<16xi32>], vector<16xf32>,
      %broadcast_in_dim3A_364 = arith.constant 2 : i32
      %broadcast_in_dim3A_365 = vector.broadcast %broadcast_in_dim3A_364 : i32 to vector<16xi32>
      %gather3A_366 = tpu.vector_load_idx %arg6[%broadcast_in_dim3A, %add3A_337, %broadcast_in_dim3A_365] : memref<2x128x3xf32, #tpu.memory_space<vmem>>[vector<16xi32>, vector<16xi32>, vector<16xi32>], vector<16xf32>,
      %mul3A_367 = arith.constant 384 : i32
      %mul3A_368 = arith.muli %rem3A_60, %mul3A_367 : i32
      %mul3A_369 = arith.constant 3 : i32
      %mul3A_370 = vector.broadcast %mul3A_369 : i32 to vector<16xi32>
      %mul3A_371 = arith.muli %add3A_337, %mul3A_370 : vector<16xi32>
      %add3A_372 = vector.broadcast %mul3A_368 : i32 to vector<16xi32>
      %add3A_373 = arith.addi %add3A_372, %mul3A_371 : vector<16xi32>
      %add3A_374 = arith.constant 2 : i32
      %add3A_375 = vector.broadcast %add3A_374 : i32 to vector<16xi32>
      %add3A_376 = arith.addi %add3A_373, %add3A_375 : vector<16xi32>
      tpu.vector_store_idx %arg7[%add3A_376], %gather3A_366 : memref<1536xf32, #tpu.memory_space<vmem>>[vector<16xi32>], vector<16xf32>,
      %add3A_377 = arith.constant 112 : i32
      %add3A_378 = vector.broadcast %add3A_377 : i32 to vector<16xi32>
      %add3A_379 = arith.addi %iota3A, %add3A_378 : vector<16xi32>
      %broadcast_in_dim3A_380 = arith.constant 0 : i32
      %broadcast_in_dim3A_381 = vector.broadcast %broadcast_in_dim3A_380 : i32 to vector<16xi32>
      %gather3A_382 = tpu.vector_load_idx %arg6[%broadcast_in_dim3A, %add3A_379, %broadcast_in_dim3A_381] : memref<2x128x3xf32, #tpu.memory_space<vmem>>[vector<16xi32>, vector<16xi32>, vector<16xi32>], vector<16xf32>,
      %mul3A_383 = arith.constant 384 : i32
      %mul3A_384 = arith.muli %rem3A_60, %mul3A_383 : i32
      %mul3A_385 = arith.constant 3 : i32
      %mul3A_386 = vector.broadcast %mul3A_385 : i32 to vector<16xi32>
      %mul3A_387 = arith.muli %add3A_379, %mul3A_386 : vector<16xi32>
      %add3A_388 = vector.broadcast %mul3A_384 : i32 to vector<16xi32>
      %add3A_389 = arith.addi %add3A_388, %mul3A_387 : vector<16xi32>
      %add3A_390 = arith.constant 0 : i32
      %add3A_391 = vector.broadcast %add3A_390 : i32 to vector<16xi32>
      %add3A_392 = arith.addi %add3A_389, %add3A_391 : vector<16xi32>
      tpu.vector_store_idx %arg7[%add3A_392], %gather3A_382 : memref<1536xf32, #tpu.memory_space<vmem>>[vector<16xi32>], vector<16xf32>,
      %broadcast_in_dim3A_393 = arith.constant 1 : i32
      %broadcast_in_dim3A_394 = vector.broadcast %broadcast_in_dim3A_393 : i32 to vector<16xi32>
      %gather3A_395 = tpu.vector_load_idx %arg6[%broadcast_in_dim3A, %add3A_379, %broadcast_in_dim3A_394] : memref<2x128x3xf32, #tpu.memory_space<vmem>>[vector<16xi32>, vector<16xi32>, vector<16xi32>], vector<16xf32>,
      %mul3A_396 = arith.constant 384 : i32
      %mul3A_397 = arith.muli %rem3A_60, %mul3A_396 : i32
      %mul3A_398 = arith.constant 3 : i32
      %mul3A_399 = vector.broadcast %mul3A_398 : i32 to vector<16xi32>
      %mul3A_400 = arith.muli %add3A_379, %mul3A_399 : vector<16xi32>
      %add3A_401 = vector.broadcast %mul3A_397 : i32 to vector<16xi32>
      %add3A_402 = arith.addi %add3A_401, %mul3A_400 : vector<16xi32>
      %add3A_403 = arith.constant 1 : i32
      %add3A_404 = vector.broadcast %add3A_403 : i32 to vector<16xi32>
      %add3A_405 = arith.addi %add3A_402, %add3A_404 : vector<16xi32>
      tpu.vector_store_idx %arg7[%add3A_405], %gather3A_395 : memref<1536xf32, #tpu.memory_space<vmem>>[vector<16xi32>], vector<16xf32>,
      %broadcast_in_dim3A_406 = arith.constant 2 : i32
      %broadcast_in_dim3A_407 = vector.broadcast %broadcast_in_dim3A_406 : i32 to vector<16xi32>
      %gather3A_408 = tpu.vector_load_idx %arg6[%broadcast_in_dim3A, %add3A_379, %broadcast_in_dim3A_407] : memref<2x128x3xf32, #tpu.memory_space<vmem>>[vector<16xi32>, vector<16xi32>, vector<16xi32>], vector<16xf32>,
      %mul3A_409 = arith.constant 384 : i32
      %mul3A_410 = arith.muli %rem3A_60, %mul3A_409 : i32
      %mul3A_411 = arith.constant 3 : i32
      %mul3A_412 = vector.broadcast %mul3A_411 : i32 to vector<16xi32>
      %mul3A_413 = arith.muli %add3A_379, %mul3A_412 : vector<16xi32>
      %add3A_414 = vector.broadcast %mul3A_410 : i32 to vector<16xi32>
      %add3A_415 = arith.addi %add3A_414, %mul3A_413 : vector<16xi32>
      %add3A_416 = arith.constant 2 : i32
      %add3A_417 = vector.broadcast %add3A_416 : i32 to vector<16xi32>
      %add3A_418 = arith.addi %add3A_415, %add3A_417 : vector<16xi32>
      tpu.vector_store_idx %arg7[%add3A_418], %gather3A_408 : memref<1536xf32, #tpu.memory_space<vmem>>[vector<16xi32>], vector<16xf32>,
      %mul3A_419 = arith.constant 128 : i32
      %mul3A_420 = arith.muli %while3A_56, %mul3A_419 : i32
      %add3A_421 = arith.addi %squeeze3A, %mul3A_420 : i32
      %min3A_422 = arith.constant 1599872 : i32
      %min3A_423 = arith.minsi %add3A_421, %min3A_422 : i32
      %multiple_of3A = tpu.assume_multiple %min3A_423, 8 : i32
      %mul3A_424 = arith.constant 384 : i32
      %mul3A_425 = arith.muli %rem3A_60, %mul3A_424 : i32
      %mul3A_426 = arith.constant 3 : i32
      %mul3A_427 = arith.muli %multiple_of3A, %mul3A_426 : i32
      %multiple_of3A_428 = tpu.assume_multiple %mul3A_427, 8 : i32
      %dma_start3A = tpu.memref_slice %arg7[%mul3A_425] : memref<1536xf32, #tpu.memory_space<vmem>> -> memref<384xf32, #tpu.memory_space<vmem>>
      %dma_start3A_429 = tpu.memref_slice %arg4[%multiple_of3A_428] : memref<4800000xf32, #tpu.memory_space<hbm>> -> memref<384xf32, #tpu.memory_space<hbm>>
      %dma_start3A_430 = tpu.memref_slice %arg4[%multiple_of3A_428] : memref<4800000xf32, #tpu.memory_space<hbm>> -> memref<384xf32, #tpu.memory_space<hbm>>
      %dma_start3A_431 = tpu.memref_slice %arg7[%mul3A_425] : memref<1536xf32, #tpu.memory_space<vmem>> -> memref<384xf32, #tpu.memory_space<vmem>>
      tpu.enqueue_dma source(%dma_start3A_431 : memref<384xf32, #tpu.memory_space<vmem>>) target(%dma_start3A_430 : memref<384xf32, #tpu.memory_space<hbm>>) target_semaphore(%arg9 : memref<!tpu.dma_semaphore, #tpu.memory_space<semaphore_mem>>)
    }
    %min3A = arith.constant 4 : i32
    %min3A_45 = arith.minsi %select_n3A, %min3A : i32
    %while3A_46 = arith.constant 0 : i32
    %while3A_47 = arith.constant 0 : i32
    %while3A_48 = arith.subi %min3A_45, %while3A_47 : i32
    %while3A_49 = arith.addi %while3A_47, %while3A_48 : i32
    %while3A_50 = arith.constant 1 : i32
    %while3A_51 = arith.divsi %while3A_48, %while3A_50 : i32
    %while3A_52 = arith.muli %while3A_51, %while3A_50 : i32
    %while3A_53 = arith.addi %while3A_47, %while3A_52 : i32
    %while3A_54 = arith.constant 1 : i32
    scf.for %while3A_56 = %while3A_47 to %while3A_53 step %while3A_54  : i32 {
      %dma_wait3A = arith.constant 0 : i32
      %dma_wait3A_57 = tpu.memref_slice %arg7[%dma_wait3A] : memref<1536xf32, #tpu.memory_space<vmem>> -> memref<384xf32, #tpu.memory_space<vmem>>
      %dma_wait3A_58 = arith.constant 0 : i32
      %dma_wait3A_59 = tpu.memref_slice %arg4[%dma_wait3A_58] : memref<4800000xf32, #tpu.memory_space<hbm>> -> memref<384xf32, #tpu.memory_space<hbm>>
      %dma_wait3A_60 = arith.constant 0 : i32
      %dma_wait3A_61 = tpu.memref_slice %arg4[%dma_wait3A_60] : memref<4800000xf32, #tpu.memory_space<hbm>> -> memref<384xf32, #tpu.memory_space<hbm>>
      %dma_wait3A_62 = arith.constant 0 : i32
      %dma_wait3A_63 = tpu.memref_slice %arg7[%dma_wait3A_62] : memref<1536xf32, #tpu.memory_space<vmem>> -> memref<384xf32, #tpu.memory_space<vmem>>
      tpu.wait_dma2 semaphore(%arg9 : memref<!tpu.dma_semaphore, #tpu.memory_space<semaphore_mem>>) src(%dma_wait3A_63 : memref<384xf32, #tpu.memory_space<vmem>>) dst(%dma_wait3A_61 : memref<384xf32, #tpu.memory_space<hbm>>)
    }
    %while3A_55 = arith.constant 1 : i32
    scf.for %while3A_56 = %while3A_53 to %while3A_49 step %while3A_55  : i32 {
      %dma_wait3A = arith.constant 0 : i32
      %dma_wait3A_57 = tpu.memref_slice %arg7[%dma_wait3A] : memref<1536xf32, #tpu.memory_space<vmem>> -> memref<384xf32, #tpu.memory_space<vmem>>
      %dma_wait3A_58 = arith.constant 0 : i32
      %dma_wait3A_59 = tpu.memref_slice %arg4[%dma_wait3A_58] : memref<4800000xf32, #tpu.memory_space<hbm>> -> memref<384xf32, #tpu.memory_space<hbm>>
      %dma_wait3A_60 = arith.constant 0 : i32
      %dma_wait3A_61 = tpu.memref_slice %arg4[%dma_wait3A_60] : memref<4800000xf32, #tpu.memory_space<hbm>> -> memref<384xf32, #tpu.memory_space<hbm>>
      %dma_wait3A_62 = arith.constant 0 : i32
      %dma_wait3A_63 = tpu.memref_slice %arg7[%dma_wait3A_62] : memref<1536xf32, #tpu.memory_space<vmem>> -> memref<384xf32, #tpu.memory_space<vmem>>
      tpu.wait_dma2 semaphore(%arg9 : memref<!tpu.dma_semaphore, #tpu.memory_space<semaphore_mem>>) src(%dma_wait3A_63 : memref<384xf32, #tpu.memory_space<vmem>>) dst(%dma_wait3A_61 : memref<384xf32, #tpu.memory_space<hbm>>)
    }
    return
  }
}

#map = affine_map<(d0, d1) -> (0)>
module attributes {stable_mosaic.version = 14 : i64} {
  func.func @_sc_body(%arg0: i32, %arg1: i32, %arg2: memref<4800000xf32, #tpu.memory_space<hbm>>, %arg3: memref<1600000xi32, #tpu.memory_space<hbm>>, %arg4: memref<544xi32, #tpu.memory_space<hbm>>, %arg5: memref<16xf32, #tpu.memory_space<hbm>>, %arg6: memref<100352xf32, #tpu.memory_space<hbm>>, %arg7: memref<544xi32, #tpu.memory_space<vmem>>, %arg8: memref<16xf32, #tpu.memory_space<vmem>>, %arg9: memref<16384xi32, #tpu.memory_space<vmem>>, %arg10: memref<49152xf32, #tpu.memory_space<vmem>>, %arg11: memref<12544xf32, #tpu.memory_space<vmem>>, %arg12: memref<3136xf32, #tpu.memory_space<vmem>>, %arg13: memref<!tpu.dma_semaphore, #tpu.memory_space<semaphore_mem>>, %arg14: memref<!tpu.dma_semaphore, #tpu.memory_space<semaphore_mem>>) attributes {dimension_semantics = [#tpu.dimension_semantics<core_parallel>, #tpu.dimension_semantics<subcore_parallel>], iteration_bounds = array<i64: 2, 16>, scalar_prefetch = 0 : i64, scratch_operands = 8 : i64, tpu.core_type = #tpu.core_type<sc_vector_subcore>, window_params = [{transform_indices = #map}, {transform_indices = #map}, {transform_indices = #map}, {transform_indices = #map}, {transform_indices = #map}]} {
    %mul3A = arith.constant 2 : i32
    %mul3A_0 = arith.muli %arg1, %mul3A : i32
    %add3A = arith.addi %mul3A_0, %arg0 : i32
    %mul3A_1 = arith.constant 16 : i32
    %mul3A_2 = arith.muli %add3A, %mul3A_1 : i32
    "tpu.region"() ({
      %run_scoped3A = tpu.sem_alloc : memref<!tpu.dma_semaphore, #tpu.memory_space<semaphore_mem>>
      tpu.enqueue_dma source(%arg4 : memref<544xi32, #tpu.memory_space<hbm>>) target(%arg7 : memref<544xi32, #tpu.memory_space<vmem>>) target_semaphore(%run_scoped3A : memref<!tpu.dma_semaphore, #tpu.memory_space<semaphore_mem>>)
      tpu.wait_dma2 semaphore(%run_scoped3A : memref<!tpu.dma_semaphore, #tpu.memory_space<semaphore_mem>>) src(%arg4 : memref<544xi32, #tpu.memory_space<hbm>>) dst(%arg7 : memref<544xi32, #tpu.memory_space<vmem>>)
      tpu.yield
    }) : () -> ()
    "tpu.region"() ({
      %run_scoped3A = tpu.sem_alloc : memref<!tpu.dma_semaphore, #tpu.memory_space<semaphore_mem>>
      tpu.enqueue_dma source(%arg5 : memref<16xf32, #tpu.memory_space<hbm>>) target(%arg8 : memref<16xf32, #tpu.memory_space<vmem>>) target_semaphore(%run_scoped3A : memref<!tpu.dma_semaphore, #tpu.memory_space<semaphore_mem>>)
      tpu.wait_dma2 semaphore(%run_scoped3A : memref<!tpu.dma_semaphore, #tpu.memory_space<semaphore_mem>>) src(%arg5 : memref<16xf32, #tpu.memory_space<hbm>>) dst(%arg8 : memref<16xf32, #tpu.memory_space<vmem>>)
      tpu.yield
    }) : () -> ()
    %iota3A = tpu.iota {dimensions = array<i32: 0>} : vector<16xi32>
    %add3A_3 = vector.broadcast %mul3A_2 : i32 to vector<16xi32>
    %add3A_4 = arith.addi %add3A_3, %iota3A : vector<16xi32>
    %gather3A = tpu.vector_load_idx %arg7[%add3A_4] : memref<544xi32, #tpu.memory_space<vmem>>[vector<16xi32>], vector<16xi32>,
    %add3A_5 = arith.constant 1 : i32
    %add3A_6 = arith.addi %mul3A_2, %add3A_5 : i32
    %add3A_7 = vector.broadcast %add3A_6 : i32 to vector<16xi32>
    %add3A_8 = arith.addi %add3A_7, %iota3A : vector<16xi32>
    %gather3A_9 = tpu.vector_load_idx %arg7[%add3A_8] : memref<544xi32, #tpu.memory_space<vmem>>[vector<16xi32>], vector<16xi32>,
    %and3A = arith.constant -8 : i32
    %and3A_10 = vector.broadcast %and3A : i32 to vector<16xi32>
    %and3A_11 = arith.andi %gather3A, %and3A_10 : vector<16xi32>
    %add3A_12 = vector.broadcast %mul3A_2 : i32 to vector<16xi32>
    %add3A_13 = arith.addi %add3A_12, %iota3A : vector<16xi32>
    %mul3A_14 = arith.constant 196 : i32
    %mul3A_15 = vector.broadcast %mul3A_14 : i32 to vector<16xi32>
    %mul3A_16 = arith.muli %add3A_13, %mul3A_15 : vector<16xi32>
    %sub3A = arith.subi %gather3A_9, %and3A_11 : vector<16xi32>
    %reduce_max3A = arith.constant true
    %reduce_max3A_17 = vector.broadcast %reduce_max3A : i1 to vector<16xi1>
    %reduce_max3A_18 = arith.constant -2147483648 : i32
    %reduce_max3A_19 = vector.broadcast %reduce_max3A_18 : i32 to vector<16xi32>
    %reduce_max3A_20 = arith.xori %sub3A, %reduce_max3A_19 : vector<16xi32>
    %reduce_max3A_21 = tpu.scan <max>, %reduce_max3A_20 masked %reduce_max3A_17 : vector<16xi32>, vector<16xi1> -> vector<16xi32>
    %reduce_max3A_22 = arith.xori %reduce_max3A_21, %reduce_max3A_19 : vector<16xi32>
    %reduce_max3A_23 = vector.extract %reduce_max3A_22[15] : i32 from vector<16xi32>
    %add3A_24 = arith.constant 511 : i32
    %add3A_25 = arith.addi %reduce_max3A_23, %add3A_24 : i32
    %jit3A = arith.constant 512 : i32
    %div3A = arith.divsi %add3A_25, %jit3A : i32
    %sign3A = arith.constant 0 : i32
    %sign3A_26 = arith.cmpi sgt, %add3A_25, %sign3A : i32
    %sign3A_27 = arith.extui %sign3A_26 : i1 to i32
    %sign3A_28 = arith.constant 0 : i32
    %sign3A_29 = arith.cmpi slt, %add3A_25, %sign3A_28 : i32
    %sign3A_30 = arith.extui %sign3A_29 : i1 to i32
    %sign3A_31 = arith.subi %sign3A_27, %sign3A_30 : i32
    %sign3A_32 = arith.constant 0 : i32
    %sign3A_33 = arith.cmpi sgt, %jit3A, %sign3A_32 : i32
    %sign3A_34 = arith.extui %sign3A_33 : i1 to i32
    %sign3A_35 = arith.constant 0 : i32
    %sign3A_36 = arith.cmpi slt, %jit3A, %sign3A_35 : i32
    %sign3A_37 = arith.extui %sign3A_36 : i1 to i32
    %sign3A_38 = arith.subi %sign3A_34, %sign3A_37 : i32
    %ne3A = arith.cmpi ne, %sign3A_31, %sign3A_38 : i32
    %rem3A = arith.remsi %add3A_25, %jit3A : i32
    %ne3A_39 = arith.constant 0 : i32
    %ne3A_40 = arith.cmpi ne, %rem3A, %ne3A_39 : i32
    %and3A_41 = arith.andi %ne3A, %ne3A_40 : i1
    %sub3A_42 = arith.constant 1 : i32
    %sub3A_43 = arith.subi %div3A, %sub3A_42 : i32
    %select_n3A = arith.select %and3A_41, %sub3A_43, %div3A : i32
    %scan3A = arith.constant 0 : i32
    %scan3A_44 = arith.constant 0 : i32
    %scan3A_45 = arith.constant 784 : i32
    %scan3A_46 = arith.addi %scan3A_44, %scan3A_45 : i32
    %scan3A_47 = arith.constant 1 : i32
    scf.for %scan3A_93 = %scan3A_44 to %scan3A_46 step %scan3A_47  : i32 {
      %broadcast_in_dim3A = arith.constant 0.000000e+00 : f32
      %broadcast_in_dim3A_94 = vector.broadcast %broadcast_in_dim3A : f32 to vector<16xf32>
      %mul3A_95 = arith.constant 16 : i32
      %mul3A_96 = arith.muli %scan3A_93, %mul3A_95 : i32
      %swap3A = arith.index_cast %mul3A_96 : i32 to index
      %swap3A_97 = tpu.vector_load %arg11[%swap3A] {strides = array<i32>} : memref<12544xf32, #tpu.memory_space<vmem>>, vector<16xf32>,
      tpu.vector_store %arg11[%swap3A], %broadcast_in_dim3A_94 {strides = array<i32>} : memref<12544xf32, #tpu.memory_space<vmem>>, vector<16xf32>,
    }
    %scan3A_48 = arith.constant 784 : i32
    %mul3A_49 = arith.constant 512 : i32
    %mul3A_50 = vector.broadcast %mul3A_49 : i32 to vector<16xi32>
    %mul3A_51 = arith.muli %iota3A, %mul3A_50 : vector<16xi32>
    %mul3A_52 = arith.constant 1536 : i32
    %mul3A_53 = vector.broadcast %mul3A_52 : i32 to vector<16xi32>
    %mul3A_54 = arith.muli %iota3A, %mul3A_53 : vector<16xi32>
    %gt3A = arith.constant 0 : i32
    %gt3A_55 = arith.cmpi sgt, %select_n3A, %gt3A : i32
    %convert_element_type3A = arith.extui %gt3A_55 : i1 to i32
    %cond3A = arith.constant 0 : i32
    %cond3A_56 = arith.cmpi ne, %convert_element_type3A, %cond3A : i32
    scf.if %cond3A_56 {
      %rem3A_93 = arith.constant 0 : i32
      %rem3A_94 = arith.constant 2 : i32
      %rem3A_95 = arith.remsi %rem3A_93, %rem3A_94 : i32
      %add3A_96 = arith.constant 0 : i32
      %add3A_97 = vector.broadcast %add3A_96 : i32 to vector<16xi32>
      %add3A_98 = arith.addi %and3A_11, %add3A_97 : vector<16xi32>
      %min3A = arith.constant 1599488 : i32
      %min3A_99 = vector.broadcast %min3A : i32 to vector<16xi32>
      %min3A_100 = arith.minsi %add3A_98, %min3A_99 : vector<16xi32>
      %slice3A_101 = vector.extract_strided_slice %min3A_100 {offsets = [0], sizes = [1], strides = [1]} : vector<16xi32> to vector<1xi32>
      %squeeze3A_102 = vector.extract %slice3A_101[0] : i32 from vector<1xi32>
      %multiple_of3A = tpu.assume_multiple %squeeze3A_102, 8 : i32
      %mul3A_103 = arith.constant 8192 : i32
      %mul3A_104 = arith.muli %rem3A_95, %mul3A_103 : i32
      %add3A_105 = arith.constant 0 : i32
      %add3A_106 = arith.addi %mul3A_104, %add3A_105 : i32
      %dma_start3A = tpu.memref_slice %arg9[%add3A_106] : memref<16384xi32, #tpu.memory_space<vmem>> -> memref<512xi32, #tpu.memory_space<vmem>>
      %dma_start3A_107 = tpu.memref_slice %arg3[%multiple_of3A] : memref<1600000xi32, #tpu.memory_space<hbm>> -> memref<512xi32, #tpu.memory_space<hbm>>
      %dma_start3A_108 = tpu.memref_slice %arg9[%add3A_106] : memref<16384xi32, #tpu.memory_space<vmem>> -> memref<512xi32, #tpu.memory_space<vmem>>
      %dma_start3A_109 = tpu.memref_slice %arg3[%multiple_of3A] : memref<1600000xi32, #tpu.memory_space<hbm>> -> memref<512xi32, #tpu.memory_space<hbm>>
      tpu.enqueue_dma source(%dma_start3A_109 : memref<512xi32, #tpu.memory_space<hbm>>) target(%dma_start3A_108 : memref<512xi32, #tpu.memory_space<vmem>>) target_semaphore(%arg13 : memref<!tpu.dma_semaphore, #tpu.memory_space<semaphore_mem>>)
      %mul3A_110 = arith.constant 3 : i32
      %mul3A_111 = arith.muli %multiple_of3A, %mul3A_110 : i32
      %multiple_of3A_112 = tpu.assume_multiple %mul3A_111, 8 : i32
      %mul3A_113 = arith.constant 24576 : i32
      %mul3A_114 = arith.muli %rem3A_95, %mul3A_113 : i32
      %add3A_115 = arith.constant 0 : i32
      %add3A_116 = arith.addi %mul3A_114, %add3A_115 : i32
      %dma_start3A_117 = tpu.memref_slice %arg10[%add3A_116] : memref<49152xf32, #tpu.memory_space<vmem>> -> memref<1536xf32, #tpu.memory_space<vmem>>
      %dma_start3A_118 = tpu.memref_slice %arg2[%multiple_of3A_112] : memref<4800000xf32, #tpu.memory_space<hbm>> -> memref<1536xf32, #tpu.memory_space<hbm>>
      %dma_start3A_119 = tpu.memref_slice %arg10[%add3A_116] : memref<49152xf32, #tpu.memory_space<vmem>> -> memref<1536xf32, #tpu.memory_space<vmem>>
      %dma_start3A_120 = tpu.memref_slice %arg2[%multiple_of3A_112] : memref<4800000xf32, #tpu.memory_space<hbm>> -> memref<1536xf32, #tpu.memory_space<hbm>>
      tpu.enqueue_dma source(%dma_start3A_120 : memref<1536xf32, #tpu.memory_space<hbm>>) target(%dma_start3A_119 : memref<1536xf32, #tpu.memory_space<vmem>>) target_semaphore(%arg14 : memref<!tpu.dma_semaphore, #tpu.memory_space<semaphore_mem>>)
      %slice3A_121 = vector.extract_strided_slice %min3A_100 {offsets = [1], sizes = [1], strides = [1]} : vector<16xi32> to vector<1xi32>
      %squeeze3A_122 = vector.extract %slice3A_121[0] : i32 from vector<1xi32>
      %multiple_of3A_123 = tpu.assume_multiple %squeeze3A_122, 8 : i32
      %mul3A_124 = arith.constant 8192 : i32
      %mul3A_125 = arith.muli %rem3A_95, %mul3A_124 : i32
      %add3A_126 = arith.constant 512 : i32
      %add3A_127 = arith.addi %mul3A_125, %add3A_126 : i32
      %dma_start3A_128 = tpu.memref_slice %arg9[%add3A_127] : memref<16384xi32, #tpu.memory_space<vmem>> -> memref<512xi32, #tpu.memory_space<vmem>>
      %dma_start3A_129 = tpu.memref_slice %arg3[%multiple_of3A_123] : memref<1600000xi32, #tpu.memory_space<hbm>> -> memref<512xi32, #tpu.memory_space<hbm>>
      %dma_start3A_130 = tpu.memref_slice %arg9[%add3A_127] : memref<16384xi32, #tpu.memory_space<vmem>> -> memref<512xi32, #tpu.memory_space<vmem>>
      %dma_start3A_131 = tpu.memref_slice %arg3[%multiple_of3A_123] : memref<1600000xi32, #tpu.memory_space<hbm>> -> memref<512xi32, #tpu.memory_space<hbm>>
      tpu.enqueue_dma source(%dma_start3A_131 : memref<512xi32, #tpu.memory_space<hbm>>) target(%dma_start3A_130 : memref<512xi32, #tpu.memory_space<vmem>>) target_semaphore(%arg13 : memref<!tpu.dma_semaphore, #tpu.memory_space<semaphore_mem>>)
      %mul3A_132 = arith.constant 3 : i32
      %mul3A_133 = arith.muli %multiple_of3A_123, %mul3A_132 : i32
      %multiple_of3A_134 = tpu.assume_multiple %mul3A_133, 8 : i32
      %mul3A_135 = arith.constant 24576 : i32
      %mul3A_136 = arith.muli %rem3A_95, %mul3A_135 : i32
      %add3A_137 = arith.constant 1536 : i32
      %add3A_138 = arith.addi %mul3A_136, %add3A_137 : i32
      %dma_start3A_139 = tpu.memref_slice %arg10[%add3A_138] : memref<49152xf32, #tpu.memory_space<vmem>> -> memref<1536xf32, #tpu.memory_space<vmem>>
      %dma_start3A_140 = tpu.memref_slice %arg2[%multiple_of3A_134] : memref<4800000xf32, #tpu.memory_space<hbm>> -> memref<1536xf32, #tpu.memory_space<hbm>>
      %dma_start3A_141 = tpu.memref_slice %arg10[%add3A_138] : memref<49152xf32, #tpu.memory_space<vmem>> -> memref<1536xf32, #tpu.memory_space<vmem>>
      %dma_start3A_142 = tpu.memref_slice %arg2[%multiple_of3A_134] : memref<4800000xf32, #tpu.memory_space<hbm>> -> memref<1536xf32, #tpu.memory_space<hbm>>
      tpu.enqueue_dma source(%dma_start3A_142 : memref<1536xf32, #tpu.memory_space<hbm>>) target(%dma_start3A_141 : memref<1536xf32, #tpu.memory_space<vmem>>) target_semaphore(%arg14 : memref<!tpu.dma_semaphore, #tpu.memory_space<semaphore_mem>>)
      %slice3A_143 = vector.extract_strided_slice %min3A_100 {offsets = [2], sizes = [1], strides = [1]} : vector<16xi32> to vector<1xi32>
      %squeeze3A_144 = vector.extract %slice3A_143[0] : i32 from vector<1xi32>
      %multiple_of3A_145 = tpu.assume_multiple %squeeze3A_144, 8 : i32
      %mul3A_146 = arith.constant 8192 : i32
      %mul3A_147 = arith.muli %rem3A_95, %mul3A_146 : i32
      %add3A_148 = arith.constant 1024 : i32
      %add3A_149 = arith.addi %mul3A_147, %add3A_148 : i32
      %dma_start3A_150 = tpu.memref_slice %arg9[%add3A_149] : memref<16384xi32, #tpu.memory_space<vmem>> -> memref<512xi32, #tpu.memory_space<vmem>>
      %dma_start3A_151 = tpu.memref_slice %arg3[%multiple_of3A_145] : memref<1600000xi32, #tpu.memory_space<hbm>> -> memref<512xi32, #tpu.memory_space<hbm>>
      %dma_start3A_152 = tpu.memref_slice %arg9[%add3A_149] : memref<16384xi32, #tpu.memory_space<vmem>> -> memref<512xi32, #tpu.memory_space<vmem>>
      %dma_start3A_153 = tpu.memref_slice %arg3[%multiple_of3A_145] : memref<1600000xi32, #tpu.memory_space<hbm>> -> memref<512xi32, #tpu.memory_space<hbm>>
      tpu.enqueue_dma source(%dma_start3A_153 : memref<512xi32, #tpu.memory_space<hbm>>) target(%dma_start3A_152 : memref<512xi32, #tpu.memory_space<vmem>>) target_semaphore(%arg13 : memref<!tpu.dma_semaphore, #tpu.memory_space<semaphore_mem>>)
      %mul3A_154 = arith.constant 3 : i32
      %mul3A_155 = arith.muli %multiple_of3A_145, %mul3A_154 : i32
      %multiple_of3A_156 = tpu.assume_multiple %mul3A_155, 8 : i32
      %mul3A_157 = arith.constant 24576 : i32
      %mul3A_158 = arith.muli %rem3A_95, %mul3A_157 : i32
      %add3A_159 = arith.constant 3072 : i32
      %add3A_160 = arith.addi %mul3A_158, %add3A_159 : i32
      %dma_start3A_161 = tpu.memref_slice %arg10[%add3A_160] : memref<49152xf32, #tpu.memory_space<vmem>> -> memref<1536xf32, #tpu.memory_space<vmem>>
      %dma_start3A_162 = tpu.memref_slice %arg2[%multiple_of3A_156] : memref<4800000xf32, #tpu.memory_space<hbm>> -> memref<1536xf32, #tpu.memory_space<hbm>>
      %dma_start3A_163 = tpu.memref_slice %arg10[%add3A_160] : memref<49152xf32, #tpu.memory_space<vmem>> -> memref<1536xf32, #tpu.memory_space<vmem>>
      %dma_start3A_164 = tpu.memref_slice %arg2[%multiple_of3A_156] : memref<4800000xf32, #tpu.memory_space<hbm>> -> memref<1536xf32, #tpu.memory_space<hbm>>
      tpu.enqueue_dma source(%dma_start3A_164 : memref<1536xf32, #tpu.memory_space<hbm>>) target(%dma_start3A_163 : memref<1536xf32, #tpu.memory_space<vmem>>) target_semaphore(%arg14 : memref<!tpu.dma_semaphore, #tpu.memory_space<semaphore_mem>>)
      %slice3A_165 = vector.extract_strided_slice %min3A_100 {offsets = [3], sizes = [1], strides = [1]} : vector<16xi32> to vector<1xi32>
      %squeeze3A_166 = vector.extract %slice3A_165[0] : i32 from vector<1xi32>
      %multiple_of3A_167 = tpu.assume_multiple %squeeze3A_166, 8 : i32
      %mul3A_168 = arith.constant 8192 : i32
      %mul3A_169 = arith.muli %rem3A_95, %mul3A_168 : i32
      %add3A_170 = arith.constant 1536 : i32
      %add3A_171 = arith.addi %mul3A_169, %add3A_170 : i32
      %dma_start3A_172 = tpu.memref_slice %arg9[%add3A_171] : memref<16384xi32, #tpu.memory_space<vmem>> -> memref<512xi32, #tpu.memory_space<vmem>>
      %dma_start3A_173 = tpu.memref_slice %arg3[%multiple_of3A_167] : memref<1600000xi32, #tpu.memory_space<hbm>> -> memref<512xi32, #tpu.memory_space<hbm>>
      %dma_start3A_174 = tpu.memref_slice %arg9[%add3A_171] : memref<16384xi32, #tpu.memory_space<vmem>> -> memref<512xi32, #tpu.memory_space<vmem>>
      %dma_start3A_175 = tpu.memref_slice %arg3[%multiple_of3A_167] : memref<1600000xi32, #tpu.memory_space<hbm>> -> memref<512xi32, #tpu.memory_space<hbm>>
      tpu.enqueue_dma source(%dma_start3A_175 : memref<512xi32, #tpu.memory_space<hbm>>) target(%dma_start3A_174 : memref<512xi32, #tpu.memory_space<vmem>>) target_semaphore(%arg13 : memref<!tpu.dma_semaphore, #tpu.memory_space<semaphore_mem>>)
      %mul3A_176 = arith.constant 3 : i32
      %mul3A_177 = arith.muli %multiple_of3A_167, %mul3A_176 : i32
      %multiple_of3A_178 = tpu.assume_multiple %mul3A_177, 8 : i32
      %mul3A_179 = arith.constant 24576 : i32
      %mul3A_180 = arith.muli %rem3A_95, %mul3A_179 : i32
      %add3A_181 = arith.constant 4608 : i32
      %add3A_182 = arith.addi %mul3A_180, %add3A_181 : i32
      %dma_start3A_183 = tpu.memref_slice %arg10[%add3A_182] : memref<49152xf32, #tpu.memory_space<vmem>> -> memref<1536xf32, #tpu.memory_space<vmem>>
      %dma_start3A_184 = tpu.memref_slice %arg2[%multiple_of3A_178] : memref<4800000xf32, #tpu.memory_space<hbm>> -> memref<1536xf32, #tpu.memory_space<hbm>>
      %dma_start3A_185 = tpu.memref_slice %arg10[%add3A_182] : memref<49152xf32, #tpu.memory_space<vmem>> -> memref<1536xf32, #tpu.memory_space<vmem>>
      %dma_start3A_186 = tpu.memref_slice %arg2[%multiple_of3A_178] : memref<4800000xf32, #tpu.memory_space<hbm>> -> memref<1536xf32, #tpu.memory_space<hbm>>
      tpu.enqueue_dma source(%dma_start3A_186 : memref<1536xf32, #tpu.memory_space<hbm>>) target(%dma_start3A_185 : memref<1536xf32, #tpu.memory_space<vmem>>) target_semaphore(%arg14 : memref<!tpu.dma_semaphore, #tpu.memory_space<semaphore_mem>>)
      %slice3A_187 = vector.extract_strided_slice %min3A_100 {offsets = [4], sizes = [1], strides = [1]} : vector<16xi32> to vector<1xi32>
      %squeeze3A_188 = vector.extract %slice3A_187[0] : i32 from vector<1xi32>
      %multiple_of3A_189 = tpu.assume_multiple %squeeze3A_188, 8 : i32
      %mul3A_190 = arith.constant 8192 : i32
      %mul3A_191 = arith.muli %rem3A_95, %mul3A_190 : i32
      %add3A_192 = arith.constant 2048 : i32
      %add3A_193 = arith.addi %mul3A_191, %add3A_192 : i32
      %dma_start3A_194 = tpu.memref_slice %arg9[%add3A_193] : memref<16384xi32, #tpu.memory_space<vmem>> -> memref<512xi32, #tpu.memory_space<vmem>>
      %dma_start3A_195 = tpu.memref_slice %arg3[%multiple_of3A_189] : memref<1600000xi32, #tpu.memory_space<hbm>> -> memref<512xi32, #tpu.memory_space<hbm>>
      %dma_start3A_196 = tpu.memref_slice %arg9[%add3A_193] : memref<16384xi32, #tpu.memory_space<vmem>> -> memref<512xi32, #tpu.memory_space<vmem>>
      %dma_start3A_197 = tpu.memref_slice %arg3[%multiple_of3A_189] : memref<1600000xi32, #tpu.memory_space<hbm>> -> memref<512xi32, #tpu.memory_space<hbm>>
      tpu.enqueue_dma source(%dma_start3A_197 : memref<512xi32, #tpu.memory_space<hbm>>) target(%dma_start3A_196 : memref<512xi32, #tpu.memory_space<vmem>>) target_semaphore(%arg13 : memref<!tpu.dma_semaphore, #tpu.memory_space<semaphore_mem>>)
      %mul3A_198 = arith.constant 3 : i32
      %mul3A_199 = arith.muli %multiple_of3A_189, %mul3A_198 : i32
      %multiple_of3A_200 = tpu.assume_multiple %mul3A_199, 8 : i32
      %mul3A_201 = arith.constant 24576 : i32
      %mul3A_202 = arith.muli %rem3A_95, %mul3A_201 : i32
      %add3A_203 = arith.constant 6144 : i32
      %add3A_204 = arith.addi %mul3A_202, %add3A_203 : i32
      %dma_start3A_205 = tpu.memref_slice %arg10[%add3A_204] : memref<49152xf32, #tpu.memory_space<vmem>> -> memref<1536xf32, #tpu.memory_space<vmem>>
      %dma_start3A_206 = tpu.memref_slice %arg2[%multiple_of3A_200] : memref<4800000xf32, #tpu.memory_space<hbm>> -> memref<1536xf32, #tpu.memory_space<hbm>>
      %dma_start3A_207 = tpu.memref_slice %arg10[%add3A_204] : memref<49152xf32, #tpu.memory_space<vmem>> -> memref<1536xf32, #tpu.memory_space<vmem>>
      %dma_start3A_208 = tpu.memref_slice %arg2[%multiple_of3A_200] : memref<4800000xf32, #tpu.memory_space<hbm>> -> memref<1536xf32, #tpu.memory_space<hbm>>
      tpu.enqueue_dma source(%dma_start3A_208 : memref<1536xf32, #tpu.memory_space<hbm>>) target(%dma_start3A_207 : memref<1536xf32, #tpu.memory_space<vmem>>) target_semaphore(%arg14 : memref<!tpu.dma_semaphore, #tpu.memory_space<semaphore_mem>>)
      %slice3A_209 = vector.extract_strided_slice %min3A_100 {offsets = [5], sizes = [1], strides = [1]} : vector<16xi32> to vector<1xi32>
      %squeeze3A_210 = vector.extract %slice3A_209[0] : i32 from vector<1xi32>
      %multiple_of3A_211 = tpu.assume_multiple %squeeze3A_210, 8 : i32
      %mul3A_212 = arith.constant 8192 : i32
      %mul3A_213 = arith.muli %rem3A_95, %mul3A_212 : i32
      %add3A_214 = arith.constant 2560 : i32
      %add3A_215 = arith.addi %mul3A_213, %add3A_214 : i32
      %dma_start3A_216 = tpu.memref_slice %arg9[%add3A_215] : memref<16384xi32, #tpu.memory_space<vmem>> -> memref<512xi32, #tpu.memory_space<vmem>>
      %dma_start3A_217 = tpu.memref_slice %arg3[%multiple_of3A_211] : memref<1600000xi32, #tpu.memory_space<hbm>> -> memref<512xi32, #tpu.memory_space<hbm>>
      %dma_start3A_218 = tpu.memref_slice %arg9[%add3A_215] : memref<16384xi32, #tpu.memory_space<vmem>> -> memref<512xi32, #tpu.memory_space<vmem>>
      %dma_start3A_219 = tpu.memref_slice %arg3[%multiple_of3A_211] : memref<1600000xi32, #tpu.memory_space<hbm>> -> memref<512xi32, #tpu.memory_space<hbm>>
      tpu.enqueue_dma source(%dma_start3A_219 : memref<512xi32, #tpu.memory_space<hbm>>) target(%dma_start3A_218 : memref<512xi32, #tpu.memory_space<vmem>>) target_semaphore(%arg13 : memref<!tpu.dma_semaphore, #tpu.memory_space<semaphore_mem>>)
      %mul3A_220 = arith.constant 3 : i32
      %mul3A_221 = arith.muli %multiple_of3A_211, %mul3A_220 : i32
      %multiple_of3A_222 = tpu.assume_multiple %mul3A_221, 8 : i32
      %mul3A_223 = arith.constant 24576 : i32
      %mul3A_224 = arith.muli %rem3A_95, %mul3A_223 : i32
      %add3A_225 = arith.constant 7680 : i32
      %add3A_226 = arith.addi %mul3A_224, %add3A_225 : i32
      %dma_start3A_227 = tpu.memref_slice %arg10[%add3A_226] : memref<49152xf32, #tpu.memory_space<vmem>> -> memref<1536xf32, #tpu.memory_space<vmem>>
      %dma_start3A_228 = tpu.memref_slice %arg2[%multiple_of3A_222] : memref<4800000xf32, #tpu.memory_space<hbm>> -> memref<1536xf32, #tpu.memory_space<hbm>>
      %dma_start3A_229 = tpu.memref_slice %arg10[%add3A_226] : memref<49152xf32, #tpu.memory_space<vmem>> -> memref<1536xf32, #tpu.memory_space<vmem>>
      %dma_start3A_230 = tpu.memref_slice %arg2[%multiple_of3A_222] : memref<4800000xf32, #tpu.memory_space<hbm>> -> memref<1536xf32, #tpu.memory_space<hbm>>
      tpu.enqueue_dma source(%dma_start3A_230 : memref<1536xf32, #tpu.memory_space<hbm>>) target(%dma_start3A_229 : memref<1536xf32, #tpu.memory_space<vmem>>) target_semaphore(%arg14 : memref<!tpu.dma_semaphore, #tpu.memory_space<semaphore_mem>>)
      %slice3A_231 = vector.extract_strided_slice %min3A_100 {offsets = [6], sizes = [1], strides = [1]} : vector<16xi32> to vector<1xi32>
      %squeeze3A_232 = vector.extract %slice3A_231[0] : i32 from vector<1xi32>
      %multiple_of3A_233 = tpu.assume_multiple %squeeze3A_232, 8 : i32
      %mul3A_234 = arith.constant 8192 : i32
      %mul3A_235 = arith.muli %rem3A_95, %mul3A_234 : i32
      %add3A_236 = arith.constant 3072 : i32
      %add3A_237 = arith.addi %mul3A_235, %add3A_236 : i32
      %dma_start3A_238 = tpu.memref_slice %arg9[%add3A_237] : memref<16384xi32, #tpu.memory_space<vmem>> -> memref<512xi32, #tpu.memory_space<vmem>>
      %dma_start3A_239 = tpu.memref_slice %arg3[%multiple_of3A_233] : memref<1600000xi32, #tpu.memory_space<hbm>> -> memref<512xi32, #tpu.memory_space<hbm>>
      %dma_start3A_240 = tpu.memref_slice %arg9[%add3A_237] : memref<16384xi32, #tpu.memory_space<vmem>> -> memref<512xi32, #tpu.memory_space<vmem>>
      %dma_start3A_241 = tpu.memref_slice %arg3[%multiple_of3A_233] : memref<1600000xi32, #tpu.memory_space<hbm>> -> memref<512xi32, #tpu.memory_space<hbm>>
      tpu.enqueue_dma source(%dma_start3A_241 : memref<512xi32, #tpu.memory_space<hbm>>) target(%dma_start3A_240 : memref<512xi32, #tpu.memory_space<vmem>>) target_semaphore(%arg13 : memref<!tpu.dma_semaphore, #tpu.memory_space<semaphore_mem>>)
      %mul3A_242 = arith.constant 3 : i32
      %mul3A_243 = arith.muli %multiple_of3A_233, %mul3A_242 : i32
      %multiple_of3A_244 = tpu.assume_multiple %mul3A_243, 8 : i32
      %mul3A_245 = arith.constant 24576 : i32
      %mul3A_246 = arith.muli %rem3A_95, %mul3A_245 : i32
      %add3A_247 = arith.constant 9216 : i32
      %add3A_248 = arith.addi %mul3A_246, %add3A_247 : i32
      %dma_start3A_249 = tpu.memref_slice %arg10[%add3A_248] : memref<49152xf32, #tpu.memory_space<vmem>> -> memref<1536xf32, #tpu.memory_space<vmem>>
      %dma_start3A_250 = tpu.memref_slice %arg2[%multiple_of3A_244] : memref<4800000xf32, #tpu.memory_space<hbm>> -> memref<1536xf32, #tpu.memory_space<hbm>>
      %dma_start3A_251 = tpu.memref_slice %arg10[%add3A_248] : memref<49152xf32, #tpu.memory_space<vmem>> -> memref<1536xf32, #tpu.memory_space<vmem>>
      %dma_start3A_252 = tpu.memref_slice %arg2[%multiple_of3A_244] : memref<4800000xf32, #tpu.memory_space<hbm>> -> memref<1536xf32, #tpu.memory_space<hbm>>
      tpu.enqueue_dma source(%dma_start3A_252 : memref<1536xf32, #tpu.memory_space<hbm>>) target(%dma_start3A_251 : memref<1536xf32, #tpu.memory_space<vmem>>) target_semaphore(%arg14 : memref<!tpu.dma_semaphore, #tpu.memory_space<semaphore_mem>>)
      %slice3A_253 = vector.extract_strided_slice %min3A_100 {offsets = [7], sizes = [1], strides = [1]} : vector<16xi32> to vector<1xi32>
      %squeeze3A_254 = vector.extract %slice3A_253[0] : i32 from vector<1xi32>
      %multiple_of3A_255 = tpu.assume_multiple %squeeze3A_254, 8 : i32
      %mul3A_256 = arith.constant 8192 : i32
      %mul3A_257 = arith.muli %rem3A_95, %mul3A_256 : i32
      %add3A_258 = arith.constant 3584 : i32
      %add3A_259 = arith.addi %mul3A_257, %add3A_258 : i32
      %dma_start3A_260 = tpu.memref_slice %arg9[%add3A_259] : memref<16384xi32, #tpu.memory_space<vmem>> -> memref<512xi32, #tpu.memory_space<vmem>>
      %dma_start3A_261 = tpu.memref_slice %arg3[%multiple_of3A_255] : memref<1600000xi32, #tpu.memory_space<hbm>> -> memref<512xi32, #tpu.memory_space<hbm>>
      %dma_start3A_262 = tpu.memref_slice %arg9[%add3A_259] : memref<16384xi32, #tpu.memory_space<vmem>> -> memref<512xi32, #tpu.memory_space<vmem>>
      %dma_start3A_263 = tpu.memref_slice %arg3[%multiple_of3A_255] : memref<1600000xi32, #tpu.memory_space<hbm>> -> memref<512xi32, #tpu.memory_space<hbm>>
      tpu.enqueue_dma source(%dma_start3A_263 : memref<512xi32, #tpu.memory_space<hbm>>) target(%dma_start3A_262 : memref<512xi32, #tpu.memory_space<vmem>>) target_semaphore(%arg13 : memref<!tpu.dma_semaphore, #tpu.memory_space<semaphore_mem>>)
      %mul3A_264 = arith.constant 3 : i32
      %mul3A_265 = arith.muli %multiple_of3A_255, %mul3A_264 : i32
      %multiple_of3A_266 = tpu.assume_multiple %mul3A_265, 8 : i32
      %mul3A_267 = arith.constant 24576 : i32
      %mul3A_268 = arith.muli %rem3A_95, %mul3A_267 : i32
      %add3A_269 = arith.constant 10752 : i32
      %add3A_270 = arith.addi %mul3A_268, %add3A_269 : i32
      %dma_start3A_271 = tpu.memref_slice %arg10[%add3A_270] : memref<49152xf32, #tpu.memory_space<vmem>> -> memref<1536xf32, #tpu.memory_space<vmem>>
      %dma_start3A_272 = tpu.memref_slice %arg2[%multiple_of3A_266] : memref<4800000xf32, #tpu.memory_space<hbm>> -> memref<1536xf32, #tpu.memory_space<hbm>>
      %dma_start3A_273 = tpu.memref_slice %arg10[%add3A_270] : memref<49152xf32, #tpu.memory_space<vmem>> -> memref<1536xf32, #tpu.memory_space<vmem>>
      %dma_start3A_274 = tpu.memref_slice %arg2[%multiple_of3A_266] : memref<4800000xf32, #tpu.memory_space<hbm>> -> memref<1536xf32, #tpu.memory_space<hbm>>
      tpu.enqueue_dma source(%dma_start3A_274 : memref<1536xf32, #tpu.memory_space<hbm>>) target(%dma_start3A_273 : memref<1536xf32, #tpu.memory_space<vmem>>) target_semaphore(%arg14 : memref<!tpu.dma_semaphore, #tpu.memory_space<semaphore_mem>>)
      %slice3A_275 = vector.extract_strided_slice %min3A_100 {offsets = [8], sizes = [1], strides = [1]} : vector<16xi32> to vector<1xi32>
      %squeeze3A_276 = vector.extract %slice3A_275[0] : i32 from vector<1xi32>
      %multiple_of3A_277 = tpu.assume_multiple %squeeze3A_276, 8 : i32
      %mul3A_278 = arith.constant 8192 : i32
      %mul3A_279 = arith.muli %rem3A_95, %mul3A_278 : i32
      %add3A_280 = arith.constant 4096 : i32
      %add3A_281 = arith.addi %mul3A_279, %add3A_280 : i32
      %dma_start3A_282 = tpu.memref_slice %arg9[%add3A_281] : memref<16384xi32, #tpu.memory_space<vmem>> -> memref<512xi32, #tpu.memory_space<vmem>>
      %dma_start3A_283 = tpu.memref_slice %arg3[%multiple_of3A_277] : memref<1600000xi32, #tpu.memory_space<hbm>> -> memref<512xi32, #tpu.memory_space<hbm>>
      %dma_start3A_284 = tpu.memref_slice %arg9[%add3A_281] : memref<16384xi32, #tpu.memory_space<vmem>> -> memref<512xi32, #tpu.memory_space<vmem>>
      %dma_start3A_285 = tpu.memref_slice %arg3[%multiple_of3A_277] : memref<1600000xi32, #tpu.memory_space<hbm>> -> memref<512xi32, #tpu.memory_space<hbm>>
      tpu.enqueue_dma source(%dma_start3A_285 : memref<512xi32, #tpu.memory_space<hbm>>) target(%dma_start3A_284 : memref<512xi32, #tpu.memory_space<vmem>>) target_semaphore(%arg13 : memref<!tpu.dma_semaphore, #tpu.memory_space<semaphore_mem>>)
      %mul3A_286 = arith.constant 3 : i32
      %mul3A_287 = arith.muli %multiple_of3A_277, %mul3A_286 : i32
      %multiple_of3A_288 = tpu.assume_multiple %mul3A_287, 8 : i32
      %mul3A_289 = arith.constant 24576 : i32
      %mul3A_290 = arith.muli %rem3A_95, %mul3A_289 : i32
      %add3A_291 = arith.constant 12288 : i32
      %add3A_292 = arith.addi %mul3A_290, %add3A_291 : i32
      %dma_start3A_293 = tpu.memref_slice %arg10[%add3A_292] : memref<49152xf32, #tpu.memory_space<vmem>> -> memref<1536xf32, #tpu.memory_space<vmem>>
      %dma_start3A_294 = tpu.memref_slice %arg2[%multiple_of3A_288] : memref<4800000xf32, #tpu.memory_space<hbm>> -> memref<1536xf32, #tpu.memory_space<hbm>>
      %dma_start3A_295 = tpu.memref_slice %arg10[%add3A_292] : memref<49152xf32, #tpu.memory_space<vmem>> -> memref<1536xf32, #tpu.memory_space<vmem>>
      %dma_start3A_296 = tpu.memref_slice %arg2[%multiple_of3A_288] : memref<4800000xf32, #tpu.memory_space<hbm>> -> memref<1536xf32, #tpu.memory_space<hbm>>
      tpu.enqueue_dma source(%dma_start3A_296 : memref<1536xf32, #tpu.memory_space<hbm>>) target(%dma_start3A_295 : memref<1536xf32, #tpu.memory_space<vmem>>) target_semaphore(%arg14 : memref<!tpu.dma_semaphore, #tpu.memory_space<semaphore_mem>>)
      %slice3A_297 = vector.extract_strided_slice %min3A_100 {offsets = [9], sizes = [1], strides = [1]} : vector<16xi32> to vector<1xi32>
      %squeeze3A_298 = vector.extract %slice3A_297[0] : i32 from vector<1xi32>
      %multiple_of3A_299 = tpu.assume_multiple %squeeze3A_298, 8 : i32
      %mul3A_300 = arith.constant 8192 : i32
      %mul3A_301 = arith.muli %rem3A_95, %mul3A_300 : i32
      %add3A_302 = arith.constant 4608 : i32
      %add3A_303 = arith.addi %mul3A_301, %add3A_302 : i32
      %dma_start3A_304 = tpu.memref_slice %arg9[%add3A_303] : memref<16384xi32, #tpu.memory_space<vmem>> -> memref<512xi32, #tpu.memory_space<vmem>>
      %dma_start3A_305 = tpu.memref_slice %arg3[%multiple_of3A_299] : memref<1600000xi32, #tpu.memory_space<hbm>> -> memref<512xi32, #tpu.memory_space<hbm>>
      %dma_start3A_306 = tpu.memref_slice %arg9[%add3A_303] : memref<16384xi32, #tpu.memory_space<vmem>> -> memref<512xi32, #tpu.memory_space<vmem>>
      %dma_start3A_307 = tpu.memref_slice %arg3[%multiple_of3A_299] : memref<1600000xi32, #tpu.memory_space<hbm>> -> memref<512xi32, #tpu.memory_space<hbm>>
      tpu.enqueue_dma source(%dma_start3A_307 : memref<512xi32, #tpu.memory_space<hbm>>) target(%dma_start3A_306 : memref<512xi32, #tpu.memory_space<vmem>>) target_semaphore(%arg13 : memref<!tpu.dma_semaphore, #tpu.memory_space<semaphore_mem>>)
      %mul3A_308 = arith.constant 3 : i32
      %mul3A_309 = arith.muli %multiple_of3A_299, %mul3A_308 : i32
      %multiple_of3A_310 = tpu.assume_multiple %mul3A_309, 8 : i32
      %mul3A_311 = arith.constant 24576 : i32
      %mul3A_312 = arith.muli %rem3A_95, %mul3A_311 : i32
      %add3A_313 = arith.constant 13824 : i32
      %add3A_314 = arith.addi %mul3A_312, %add3A_313 : i32
      %dma_start3A_315 = tpu.memref_slice %arg10[%add3A_314] : memref<49152xf32, #tpu.memory_space<vmem>> -> memref<1536xf32, #tpu.memory_space<vmem>>
      %dma_start3A_316 = tpu.memref_slice %arg2[%multiple_of3A_310] : memref<4800000xf32, #tpu.memory_space<hbm>> -> memref<1536xf32, #tpu.memory_space<hbm>>
      %dma_start3A_317 = tpu.memref_slice %arg10[%add3A_314] : memref<49152xf32, #tpu.memory_space<vmem>> -> memref<1536xf32, #tpu.memory_space<vmem>>
      %dma_start3A_318 = tpu.memref_slice %arg2[%multiple_of3A_310] : memref<4800000xf32, #tpu.memory_space<hbm>> -> memref<1536xf32, #tpu.memory_space<hbm>>
      tpu.enqueue_dma source(%dma_start3A_318 : memref<1536xf32, #tpu.memory_space<hbm>>) target(%dma_start3A_317 : memref<1536xf32, #tpu.memory_space<vmem>>) target_semaphore(%arg14 : memref<!tpu.dma_semaphore, #tpu.memory_space<semaphore_mem>>)
      %slice3A_319 = vector.extract_strided_slice %min3A_100 {offsets = [10], sizes = [1], strides = [1]} : vector<16xi32> to vector<1xi32>
      %squeeze3A_320 = vector.extract %slice3A_319[0] : i32 from vector<1xi32>
      %multiple_of3A_321 = tpu.assume_multiple %squeeze3A_320, 8 : i32
      %mul3A_322 = arith.constant 8192 : i32
      %mul3A_323 = arith.muli %rem3A_95, %mul3A_322 : i32
      %add3A_324 = arith.constant 5120 : i32
      %add3A_325 = arith.addi %mul3A_323, %add3A_324 : i32
      %dma_start3A_326 = tpu.memref_slice %arg9[%add3A_325] : memref<16384xi32, #tpu.memory_space<vmem>> -> memref<512xi32, #tpu.memory_space<vmem>>
      %dma_start3A_327 = tpu.memref_slice %arg3[%multiple_of3A_321] : memref<1600000xi32, #tpu.memory_space<hbm>> -> memref<512xi32, #tpu.memory_space<hbm>>
      %dma_start3A_328 = tpu.memref_slice %arg9[%add3A_325] : memref<16384xi32, #tpu.memory_space<vmem>> -> memref<512xi32, #tpu.memory_space<vmem>>
      %dma_start3A_329 = tpu.memref_slice %arg3[%multiple_of3A_321] : memref<1600000xi32, #tpu.memory_space<hbm>> -> memref<512xi32, #tpu.memory_space<hbm>>
      tpu.enqueue_dma source(%dma_start3A_329 : memref<512xi32, #tpu.memory_space<hbm>>) target(%dma_start3A_328 : memref<512xi32, #tpu.memory_space<vmem>>) target_semaphore(%arg13 : memref<!tpu.dma_semaphore, #tpu.memory_space<semaphore_mem>>)
      %mul3A_330 = arith.constant 3 : i32
      %mul3A_331 = arith.muli %multiple_of3A_321, %mul3A_330 : i32
      %multiple_of3A_332 = tpu.assume_multiple %mul3A_331, 8 : i32
      %mul3A_333 = arith.constant 24576 : i32
      %mul3A_334 = arith.muli %rem3A_95, %mul3A_333 : i32
      %add3A_335 = arith.constant 15360 : i32
      %add3A_336 = arith.addi %mul3A_334, %add3A_335 : i32
      %dma_start3A_337 = tpu.memref_slice %arg10[%add3A_336] : memref<49152xf32, #tpu.memory_space<vmem>> -> memref<1536xf32, #tpu.memory_space<vmem>>
      %dma_start3A_338 = tpu.memref_slice %arg2[%multiple_of3A_332] : memref<4800000xf32, #tpu.memory_space<hbm>> -> memref<1536xf32, #tpu.memory_space<hbm>>
      %dma_start3A_339 = tpu.memref_slice %arg10[%add3A_336] : memref<49152xf32, #tpu.memory_space<vmem>> -> memref<1536xf32, #tpu.memory_space<vmem>>
      %dma_start3A_340 = tpu.memref_slice %arg2[%multiple_of3A_332] : memref<4800000xf32, #tpu.memory_space<hbm>> -> memref<1536xf32, #tpu.memory_space<hbm>>
      tpu.enqueue_dma source(%dma_start3A_340 : memref<1536xf32, #tpu.memory_space<hbm>>) target(%dma_start3A_339 : memref<1536xf32, #tpu.memory_space<vmem>>) target_semaphore(%arg14 : memref<!tpu.dma_semaphore, #tpu.memory_space<semaphore_mem>>)
      %slice3A_341 = vector.extract_strided_slice %min3A_100 {offsets = [11], sizes = [1], strides = [1]} : vector<16xi32> to vector<1xi32>
      %squeeze3A_342 = vector.extract %slice3A_341[0] : i32 from vector<1xi32>
      %multiple_of3A_343 = tpu.assume_multiple %squeeze3A_342, 8 : i32
      %mul3A_344 = arith.constant 8192 : i32
      %mul3A_345 = arith.muli %rem3A_95, %mul3A_344 : i32
      %add3A_346 = arith.constant 5632 : i32
      %add3A_347 = arith.addi %mul3A_345, %add3A_346 : i32
      %dma_start3A_348 = tpu.memref_slice %arg9[%add3A_347] : memref<16384xi32, #tpu.memory_space<vmem>> -> memref<512xi32, #tpu.memory_space<vmem>>
      %dma_start3A_349 = tpu.memref_slice %arg3[%multiple_of3A_343] : memref<1600000xi32, #tpu.memory_space<hbm>> -> memref<512xi32, #tpu.memory_space<hbm>>
      %dma_start3A_350 = tpu.memref_slice %arg9[%add3A_347] : memref<16384xi32, #tpu.memory_space<vmem>> -> memref<512xi32, #tpu.memory_space<vmem>>
      %dma_start3A_351 = tpu.memref_slice %arg3[%multiple_of3A_343] : memref<1600000xi32, #tpu.memory_space<hbm>> -> memref<512xi32, #tpu.memory_space<hbm>>
      tpu.enqueue_dma source(%dma_start3A_351 : memref<512xi32, #tpu.memory_space<hbm>>) target(%dma_start3A_350 : memref<512xi32, #tpu.memory_space<vmem>>) target_semaphore(%arg13 : memref<!tpu.dma_semaphore, #tpu.memory_space<semaphore_mem>>)
      %mul3A_352 = arith.constant 3 : i32
      %mul3A_353 = arith.muli %multiple_of3A_343, %mul3A_352 : i32
      %multiple_of3A_354 = tpu.assume_multiple %mul3A_353, 8 : i32
      %mul3A_355 = arith.constant 24576 : i32
      %mul3A_356 = arith.muli %rem3A_95, %mul3A_355 : i32
      %add3A_357 = arith.constant 16896 : i32
      %add3A_358 = arith.addi %mul3A_356, %add3A_357 : i32
      %dma_start3A_359 = tpu.memref_slice %arg10[%add3A_358] : memref<49152xf32, #tpu.memory_space<vmem>> -> memref<1536xf32, #tpu.memory_space<vmem>>
      %dma_start3A_360 = tpu.memref_slice %arg2[%multiple_of3A_354] : memref<4800000xf32, #tpu.memory_space<hbm>> -> memref<1536xf32, #tpu.memory_space<hbm>>
      %dma_start3A_361 = tpu.memref_slice %arg10[%add3A_358] : memref<49152xf32, #tpu.memory_space<vmem>> -> memref<1536xf32, #tpu.memory_space<vmem>>
      %dma_start3A_362 = tpu.memref_slice %arg2[%multiple_of3A_354] : memref<4800000xf32, #tpu.memory_space<hbm>> -> memref<1536xf32, #tpu.memory_space<hbm>>
      tpu.enqueue_dma source(%dma_start3A_362 : memref<1536xf32, #tpu.memory_space<hbm>>) target(%dma_start3A_361 : memref<1536xf32, #tpu.memory_space<vmem>>) target_semaphore(%arg14 : memref<!tpu.dma_semaphore, #tpu.memory_space<semaphore_mem>>)
      %slice3A_363 = vector.extract_strided_slice %min3A_100 {offsets = [12], sizes = [1], strides = [1]} : vector<16xi32> to vector<1xi32>
      %squeeze3A_364 = vector.extract %slice3A_363[0] : i32 from vector<1xi32>
      %multiple_of3A_365 = tpu.assume_multiple %squeeze3A_364, 8 : i32
      %mul3A_366 = arith.constant 8192 : i32
      %mul3A_367 = arith.muli %rem3A_95, %mul3A_366 : i32
      %add3A_368 = arith.constant 6144 : i32
      %add3A_369 = arith.addi %mul3A_367, %add3A_368 : i32
      %dma_start3A_370 = tpu.memref_slice %arg9[%add3A_369] : memref<16384xi32, #tpu.memory_space<vmem>> -> memref<512xi32, #tpu.memory_space<vmem>>
      %dma_start3A_371 = tpu.memref_slice %arg3[%multiple_of3A_365] : memref<1600000xi32, #tpu.memory_space<hbm>> -> memref<512xi32, #tpu.memory_space<hbm>>
      %dma_start3A_372 = tpu.memref_slice %arg9[%add3A_369] : memref<16384xi32, #tpu.memory_space<vmem>> -> memref<512xi32, #tpu.memory_space<vmem>>
      %dma_start3A_373 = tpu.memref_slice %arg3[%multiple_of3A_365] : memref<1600000xi32, #tpu.memory_space<hbm>> -> memref<512xi32, #tpu.memory_space<hbm>>
      tpu.enqueue_dma source(%dma_start3A_373 : memref<512xi32, #tpu.memory_space<hbm>>) target(%dma_start3A_372 : memref<512xi32, #tpu.memory_space<vmem>>) target_semaphore(%arg13 : memref<!tpu.dma_semaphore, #tpu.memory_space<semaphore_mem>>)
      %mul3A_374 = arith.constant 3 : i32
      %mul3A_375 = arith.muli %multiple_of3A_365, %mul3A_374 : i32
      %multiple_of3A_376 = tpu.assume_multiple %mul3A_375, 8 : i32
      %mul3A_377 = arith.constant 24576 : i32
      %mul3A_378 = arith.muli %rem3A_95, %mul3A_377 : i32
      %add3A_379 = arith.constant 18432 : i32
      %add3A_380 = arith.addi %mul3A_378, %add3A_379 : i32
      %dma_start3A_381 = tpu.memref_slice %arg10[%add3A_380] : memref<49152xf32, #tpu.memory_space<vmem>> -> memref<1536xf32, #tpu.memory_space<vmem>>
      %dma_start3A_382 = tpu.memref_slice %arg2[%multiple_of3A_376] : memref<4800000xf32, #tpu.memory_space<hbm>> -> memref<1536xf32, #tpu.memory_space<hbm>>
      %dma_start3A_383 = tpu.memref_slice %arg10[%add3A_380] : memref<49152xf32, #tpu.memory_space<vmem>> -> memref<1536xf32, #tpu.memory_space<vmem>>
      %dma_start3A_384 = tpu.memref_slice %arg2[%multiple_of3A_376] : memref<4800000xf32, #tpu.memory_space<hbm>> -> memref<1536xf32, #tpu.memory_space<hbm>>
      tpu.enqueue_dma source(%dma_start3A_384 : memref<1536xf32, #tpu.memory_space<hbm>>) target(%dma_start3A_383 : memref<1536xf32, #tpu.memory_space<vmem>>) target_semaphore(%arg14 : memref<!tpu.dma_semaphore, #tpu.memory_space<semaphore_mem>>)
      %slice3A_385 = vector.extract_strided_slice %min3A_100 {offsets = [13], sizes = [1], strides = [1]} : vector<16xi32> to vector<1xi32>
      %squeeze3A_386 = vector.extract %slice3A_385[0] : i32 from vector<1xi32>
      %multiple_of3A_387 = tpu.assume_multiple %squeeze3A_386, 8 : i32
      %mul3A_388 = arith.constant 8192 : i32
      %mul3A_389 = arith.muli %rem3A_95, %mul3A_388 : i32
      %add3A_390 = arith.constant 6656 : i32
      %add3A_391 = arith.addi %mul3A_389, %add3A_390 : i32
      %dma_start3A_392 = tpu.memref_slice %arg9[%add3A_391] : memref<16384xi32, #tpu.memory_space<vmem>> -> memref<512xi32, #tpu.memory_space<vmem>>
      %dma_start3A_393 = tpu.memref_slice %arg3[%multiple_of3A_387] : memref<1600000xi32, #tpu.memory_space<hbm>> -> memref<512xi32, #tpu.memory_space<hbm>>
      %dma_start3A_394 = tpu.memref_slice %arg9[%add3A_391] : memref<16384xi32, #tpu.memory_space<vmem>> -> memref<512xi32, #tpu.memory_space<vmem>>
      %dma_start3A_395 = tpu.memref_slice %arg3[%multiple_of3A_387] : memref<1600000xi32, #tpu.memory_space<hbm>> -> memref<512xi32, #tpu.memory_space<hbm>>
      tpu.enqueue_dma source(%dma_start3A_395 : memref<512xi32, #tpu.memory_space<hbm>>) target(%dma_start3A_394 : memref<512xi32, #tpu.memory_space<vmem>>) target_semaphore(%arg13 : memref<!tpu.dma_semaphore, #tpu.memory_space<semaphore_mem>>)
      %mul3A_396 = arith.constant 3 : i32
      %mul3A_397 = arith.muli %multiple_of3A_387, %mul3A_396 : i32
      %multiple_of3A_398 = tpu.assume_multiple %mul3A_397, 8 : i32
      %mul3A_399 = arith.constant 24576 : i32
      %mul3A_400 = arith.muli %rem3A_95, %mul3A_399 : i32
      %add3A_401 = arith.constant 19968 : i32
      %add3A_402 = arith.addi %mul3A_400, %add3A_401 : i32
      %dma_start3A_403 = tpu.memref_slice %arg10[%add3A_402] : memref<49152xf32, #tpu.memory_space<vmem>> -> memref<1536xf32, #tpu.memory_space<vmem>>
      %dma_start3A_404 = tpu.memref_slice %arg2[%multiple_of3A_398] : memref<4800000xf32, #tpu.memory_space<hbm>> -> memref<1536xf32, #tpu.memory_space<hbm>>
      %dma_start3A_405 = tpu.memref_slice %arg10[%add3A_402] : memref<49152xf32, #tpu.memory_space<vmem>> -> memref<1536xf32, #tpu.memory_space<vmem>>
      %dma_start3A_406 = tpu.memref_slice %arg2[%multiple_of3A_398] : memref<4800000xf32, #tpu.memory_space<hbm>> -> memref<1536xf32, #tpu.memory_space<hbm>>
      tpu.enqueue_dma source(%dma_start3A_406 : memref<1536xf32, #tpu.memory_space<hbm>>) target(%dma_start3A_405 : memref<1536xf32, #tpu.memory_space<vmem>>) target_semaphore(%arg14 : memref<!tpu.dma_semaphore, #tpu.memory_space<semaphore_mem>>)
      %slice3A_407 = vector.extract_strided_slice %min3A_100 {offsets = [14], sizes = [1], strides = [1]} : vector<16xi32> to vector<1xi32>
      %squeeze3A_408 = vector.extract %slice3A_407[0] : i32 from vector<1xi32>
      %multiple_of3A_409 = tpu.assume_multiple %squeeze3A_408, 8 : i32
      %mul3A_410 = arith.constant 8192 : i32
      %mul3A_411 = arith.muli %rem3A_95, %mul3A_410 : i32
      %add3A_412 = arith.constant 7168 : i32
      %add3A_413 = arith.addi %mul3A_411, %add3A_412 : i32
      %dma_start3A_414 = tpu.memref_slice %arg9[%add3A_413] : memref<16384xi32, #tpu.memory_space<vmem>> -> memref<512xi32, #tpu.memory_space<vmem>>
      %dma_start3A_415 = tpu.memref_slice %arg3[%multiple_of3A_409] : memref<1600000xi32, #tpu.memory_space<hbm>> -> memref<512xi32, #tpu.memory_space<hbm>>
      %dma_start3A_416 = tpu.memref_slice %arg9[%add3A_413] : memref<16384xi32, #tpu.memory_space<vmem>> -> memref<512xi32, #tpu.memory_space<vmem>>
      %dma_start3A_417 = tpu.memref_slice %arg3[%multiple_of3A_409] : memref<1600000xi32, #tpu.memory_space<hbm>> -> memref<512xi32, #tpu.memory_space<hbm>>
      tpu.enqueue_dma source(%dma_start3A_417 : memref<512xi32, #tpu.memory_space<hbm>>) target(%dma_start3A_416 : memref<512xi32, #tpu.memory_space<vmem>>) target_semaphore(%arg13 : memref<!tpu.dma_semaphore, #tpu.memory_space<semaphore_mem>>)
      %mul3A_418 = arith.constant 3 : i32
      %mul3A_419 = arith.muli %multiple_of3A_409, %mul3A_418 : i32
      %multiple_of3A_420 = tpu.assume_multiple %mul3A_419, 8 : i32
      %mul3A_421 = arith.constant 24576 : i32
      %mul3A_422 = arith.muli %rem3A_95, %mul3A_421 : i32
      %add3A_423 = arith.constant 21504 : i32
      %add3A_424 = arith.addi %mul3A_422, %add3A_423 : i32
      %dma_start3A_425 = tpu.memref_slice %arg10[%add3A_424] : memref<49152xf32, #tpu.memory_space<vmem>> -> memref<1536xf32, #tpu.memory_space<vmem>>
      %dma_start3A_426 = tpu.memref_slice %arg2[%multiple_of3A_420] : memref<4800000xf32, #tpu.memory_space<hbm>> -> memref<1536xf32, #tpu.memory_space<hbm>>
      %dma_start3A_427 = tpu.memref_slice %arg10[%add3A_424] : memref<49152xf32, #tpu.memory_space<vmem>> -> memref<1536xf32, #tpu.memory_space<vmem>>
      %dma_start3A_428 = tpu.memref_slice %arg2[%multiple_of3A_420] : memref<4800000xf32, #tpu.memory_space<hbm>> -> memref<1536xf32, #tpu.memory_space<hbm>>
      tpu.enqueue_dma source(%dma_start3A_428 : memref<1536xf32, #tpu.memory_space<hbm>>) target(%dma_start3A_427 : memref<1536xf32, #tpu.memory_space<vmem>>) target_semaphore(%arg14 : memref<!tpu.dma_semaphore, #tpu.memory_space<semaphore_mem>>)
      %slice3A_429 = vector.extract_strided_slice %min3A_100 {offsets = [15], sizes = [1], strides = [1]} : vector<16xi32> to vector<1xi32>
      %squeeze3A_430 = vector.extract %slice3A_429[0] : i32 from vector<1xi32>
      %multiple_of3A_431 = tpu.assume_multiple %squeeze3A_430, 8 : i32
      %mul3A_432 = arith.constant 8192 : i32
      %mul3A_433 = arith.muli %rem3A_95, %mul3A_432 : i32
      %add3A_434 = arith.constant 7680 : i32
      %add3A_435 = arith.addi %mul3A_433, %add3A_434 : i32
      %dma_start3A_436 = tpu.memref_slice %arg9[%add3A_435] : memref<16384xi32, #tpu.memory_space<vmem>> -> memref<512xi32, #tpu.memory_space<vmem>>
      %dma_start3A_437 = tpu.memref_slice %arg3[%multiple_of3A_431] : memref<1600000xi32, #tpu.memory_space<hbm>> -> memref<512xi32, #tpu.memory_space<hbm>>
      %dma_start3A_438 = tpu.memref_slice %arg9[%add3A_435] : memref<16384xi32, #tpu.memory_space<vmem>> -> memref<512xi32, #tpu.memory_space<vmem>>
      %dma_start3A_439 = tpu.memref_slice %arg3[%multiple_of3A_431] : memref<1600000xi32, #tpu.memory_space<hbm>> -> memref<512xi32, #tpu.memory_space<hbm>>
      tpu.enqueue_dma source(%dma_start3A_439 : memref<512xi32, #tpu.memory_space<hbm>>) target(%dma_start3A_438 : memref<512xi32, #tpu.memory_space<vmem>>) target_semaphore(%arg13 : memref<!tpu.dma_semaphore, #tpu.memory_space<semaphore_mem>>)
      %mul3A_440 = arith.constant 3 : i32
      %mul3A_441 = arith.muli %multiple_of3A_431, %mul3A_440 : i32
      %multiple_of3A_442 = tpu.assume_multiple %mul3A_441, 8 : i32
      %mul3A_443 = arith.constant 24576 : i32
      %mul3A_444 = arith.muli %rem3A_95, %mul3A_443 : i32
      %add3A_445 = arith.constant 23040 : i32
      %add3A_446 = arith.addi %mul3A_444, %add3A_445 : i32
      %dma_start3A_447 = tpu.memref_slice %arg10[%add3A_446] : memref<49152xf32, #tpu.memory_space<vmem>> -> memref<1536xf32, #tpu.memory_space<vmem>>
      %dma_start3A_448 = tpu.memref_slice %arg2[%multiple_of3A_442] : memref<4800000xf32, #tpu.memory_space<hbm>> -> memref<1536xf32, #tpu.memory_space<hbm>>
      %dma_start3A_449 = tpu.memref_slice %arg10[%add3A_446] : memref<49152xf32, #tpu.memory_space<vmem>> -> memref<1536xf32, #tpu.memory_space<vmem>>
      %dma_start3A_450 = tpu.memref_slice %arg2[%multiple_of3A_442] : memref<4800000xf32, #tpu.memory_space<hbm>> -> memref<1536xf32, #tpu.memory_space<hbm>>
      tpu.enqueue_dma source(%dma_start3A_450 : memref<1536xf32, #tpu.memory_space<hbm>>) target(%dma_start3A_449 : memref<1536xf32, #tpu.memory_space<vmem>>) target_semaphore(%arg14 : memref<!tpu.dma_semaphore, #tpu.memory_space<semaphore_mem>>)
    } else {
    }
    %while3A = arith.constant 0 : i32
    %while3A_57 = arith.constant 0 : i32
    %while3A_58 = arith.subi %select_n3A, %while3A_57 : i32
    %while3A_59 = arith.addi %while3A_57, %while3A_58 : i32
    %while3A_60 = arith.constant 1 : i32
    %while3A_61 = arith.divsi %while3A_58, %while3A_60 : i32
    %while3A_62 = arith.muli %while3A_61, %while3A_60 : i32
    %while3A_63 = arith.addi %while3A_57, %while3A_62 : i32
    %while3A_64 = arith.constant 1 : i32
    scf.for %while3A_93 = %while3A_57 to %while3A_63 step %while3A_64  : i32 {
      %mul3A_94 = arith.constant 512 : i32
      %mul3A_95 = arith.muli %while3A_93, %mul3A_94 : i32
      %rem3A_96 = arith.constant 2 : i32
      %rem3A_97 = arith.remsi %while3A_93, %rem3A_96 : i32
      %mul3A_98 = arith.constant 8192 : i32
      %mul3A_99 = arith.muli %rem3A_97, %mul3A_98 : i32
      %mul3A_100 = arith.constant 24576 : i32
      %mul3A_101 = arith.muli %rem3A_97, %mul3A_100 : i32
      %add3A_102 = arith.constant 1 : i32
      %add3A_103 = arith.addi %while3A_93, %add3A_102 : i32
      %lt3A = arith.cmpi slt, %add3A_103, %select_n3A : i32
      %convert_element_type3A_104 = arith.extui %lt3A : i1 to i32
      %cond3A_105 = arith.constant 0 : i32
      %cond3A_106 = arith.cmpi ne, %convert_element_type3A_104, %cond3A_105 : i32
      scf.if %cond3A_106 {
        %add3A_374 = arith.constant 1 : i32
        %add3A_375 = arith.addi %while3A_93, %add3A_374 : i32
        %rem3A_376 = arith.constant 2 : i32
        %rem3A_377 = arith.remsi %add3A_375, %rem3A_376 : i32
        %mul3A_378 = arith.constant 512 : i32
        %mul3A_379 = arith.muli %add3A_375, %mul3A_378 : i32
        %add3A_380 = vector.broadcast %mul3A_379 : i32 to vector<16xi32>
        %add3A_381 = arith.addi %and3A_11, %add3A_380 : vector<16xi32>
        %min3A_382 = arith.constant 1599488 : i32
        %min3A_383 = vector.broadcast %min3A_382 : i32 to vector<16xi32>
        %min3A_384 = arith.minsi %add3A_381, %min3A_383 : vector<16xi32>
        %slice3A_385 = vector.extract_strided_slice %min3A_384 {offsets = [0], sizes = [1], strides = [1]} : vector<16xi32> to vector<1xi32>
        %squeeze3A_386 = vector.extract %slice3A_385[0] : i32 from vector<1xi32>
        %multiple_of3A = tpu.assume_multiple %squeeze3A_386, 8 : i32
        %mul3A_387 = arith.constant 8192 : i32
        %mul3A_388 = arith.muli %rem3A_377, %mul3A_387 : i32
        %add3A_389 = arith.constant 0 : i32
        %add3A_390 = arith.addi %mul3A_388, %add3A_389 : i32
        %dma_start3A = tpu.memref_slice %arg9[%add3A_390] : memref<16384xi32, #tpu.memory_space<vmem>> -> memref<512xi32, #tpu.memory_space<vmem>>
        %dma_start3A_391 = tpu.memref_slice %arg3[%multiple_of3A] : memref<1600000xi32, #tpu.memory_space<hbm>> -> memref<512xi32, #tpu.memory_space<hbm>>
        %dma_start3A_392 = tpu.memref_slice %arg9[%add3A_390] : memref<16384xi32, #tpu.memory_space<vmem>> -> memref<512xi32, #tpu.memory_space<vmem>>
        %dma_start3A_393 = tpu.memref_slice %arg3[%multiple_of3A] : memref<1600000xi32, #tpu.memory_space<hbm>> -> memref<512xi32, #tpu.memory_space<hbm>>
        tpu.enqueue_dma source(%dma_start3A_393 : memref<512xi32, #tpu.memory_space<hbm>>) target(%dma_start3A_392 : memref<512xi32, #tpu.memory_space<vmem>>) target_semaphore(%arg13 : memref<!tpu.dma_semaphore, #tpu.memory_space<semaphore_mem>>)
        %mul3A_394 = arith.constant 3 : i32
        %mul3A_395 = arith.muli %multiple_of3A, %mul3A_394 : i32
        %multiple_of3A_396 = tpu.assume_multiple %mul3A_395, 8 : i32
        %mul3A_397 = arith.constant 24576 : i32
        %mul3A_398 = arith.muli %rem3A_377, %mul3A_397 : i32
        %add3A_399 = arith.constant 0 : i32
        %add3A_400 = arith.addi %mul3A_398, %add3A_399 : i32
        %dma_start3A_401 = tpu.memref_slice %arg10[%add3A_400] : memref<49152xf32, #tpu.memory_space<vmem>> -> memref<1536xf32, #tpu.memory_space<vmem>>
        %dma_start3A_402 = tpu.memref_slice %arg2[%multiple_of3A_396] : memref<4800000xf32, #tpu.memory_space<hbm>> -> memref<1536xf32, #tpu.memory_space<hbm>>
        %dma_start3A_403 = tpu.memref_slice %arg10[%add3A_400] : memref<49152xf32, #tpu.memory_space<vmem>> -> memref<1536xf32, #tpu.memory_space<vmem>>
        %dma_start3A_404 = tpu.memref_slice %arg2[%multiple_of3A_396] : memref<4800000xf32, #tpu.memory_space<hbm>> -> memref<1536xf32, #tpu.memory_space<hbm>>
        tpu.enqueue_dma source(%dma_start3A_404 : memref<1536xf32, #tpu.memory_space<hbm>>) target(%dma_start3A_403 : memref<1536xf32, #tpu.memory_space<vmem>>) target_semaphore(%arg14 : memref<!tpu.dma_semaphore, #tpu.memory_space<semaphore_mem>>)
        %slice3A_405 = vector.extract_strided_slice %min3A_384 {offsets = [1], sizes = [1], strides = [1]} : vector<16xi32> to vector<1xi32>
        %squeeze3A_406 = vector.extract %slice3A_405[0] : i32 from vector<1xi32>
        %multiple_of3A_407 = tpu.assume_multiple %squeeze3A_406, 8 : i32
        %mul3A_408 = arith.constant 8192 : i32
        %mul3A_409 = arith.muli %rem3A_377, %mul3A_408 : i32
        %add3A_410 = arith.constant 512 : i32
        %add3A_411 = arith.addi %mul3A_409, %add3A_410 : i32
        %dma_start3A_412 = tpu.memref_slice %arg9[%add3A_411] : memref<16384xi32, #tpu.memory_space<vmem>> -> memref<512xi32, #tpu.memory_space<vmem>>
        %dma_start3A_413 = tpu.memref_slice %arg3[%multiple_of3A_407] : memref<1600000xi32, #tpu.memory_space<hbm>> -> memref<512xi32, #tpu.memory_space<hbm>>
        %dma_start3A_414 = tpu.memref_slice %arg9[%add3A_411] : memref<16384xi32, #tpu.memory_space<vmem>> -> memref<512xi32, #tpu.memory_space<vmem>>
        %dma_start3A_415 = tpu.memref_slice %arg3[%multiple_of3A_407] : memref<1600000xi32, #tpu.memory_space<hbm>> -> memref<512xi32, #tpu.memory_space<hbm>>
        tpu.enqueue_dma source(%dma_start3A_415 : memref<512xi32, #tpu.memory_space<hbm>>) target(%dma_start3A_414 : memref<512xi32, #tpu.memory_space<vmem>>) target_semaphore(%arg13 : memref<!tpu.dma_semaphore, #tpu.memory_space<semaphore_mem>>)
        %mul3A_416 = arith.constant 3 : i32
        %mul3A_417 = arith.muli %multiple_of3A_407, %mul3A_416 : i32
        %multiple_of3A_418 = tpu.assume_multiple %mul3A_417, 8 : i32
        %mul3A_419 = arith.constant 24576 : i32
        %mul3A_420 = arith.muli %rem3A_377, %mul3A_419 : i32
        %add3A_421 = arith.constant 1536 : i32
        %add3A_422 = arith.addi %mul3A_420, %add3A_421 : i32
        %dma_start3A_423 = tpu.memref_slice %arg10[%add3A_422] : memref<49152xf32, #tpu.memory_space<vmem>> -> memref<1536xf32, #tpu.memory_space<vmem>>
        %dma_start3A_424 = tpu.memref_slice %arg2[%multiple_of3A_418] : memref<4800000xf32, #tpu.memory_space<hbm>> -> memref<1536xf32, #tpu.memory_space<hbm>>
        %dma_start3A_425 = tpu.memref_slice %arg10[%add3A_422] : memref<49152xf32, #tpu.memory_space<vmem>> -> memref<1536xf32, #tpu.memory_space<vmem>>
        %dma_start3A_426 = tpu.memref_slice %arg2[%multiple_of3A_418] : memref<4800000xf32, #tpu.memory_space<hbm>> -> memref<1536xf32, #tpu.memory_space<hbm>>
        tpu.enqueue_dma source(%dma_start3A_426 : memref<1536xf32, #tpu.memory_space<hbm>>) target(%dma_start3A_425 : memref<1536xf32, #tpu.memory_space<vmem>>) target_semaphore(%arg14 : memref<!tpu.dma_semaphore, #tpu.memory_space<semaphore_mem>>)
        %slice3A_427 = vector.extract_strided_slice %min3A_384 {offsets = [2], sizes = [1], strides = [1]} : vector<16xi32> to vector<1xi32>
        %squeeze3A_428 = vector.extract %slice3A_427[0] : i32 from vector<1xi32>
        %multiple_of3A_429 = tpu.assume_multiple %squeeze3A_428, 8 : i32
        %mul3A_430 = arith.constant 8192 : i32
        %mul3A_431 = arith.muli %rem3A_377, %mul3A_430 : i32
        %add3A_432 = arith.constant 1024 : i32
        %add3A_433 = arith.addi %mul3A_431, %add3A_432 : i32
        %dma_start3A_434 = tpu.memref_slice %arg9[%add3A_433] : memref<16384xi32, #tpu.memory_space<vmem>> -> memref<512xi32, #tpu.memory_space<vmem>>
        %dma_start3A_435 = tpu.memref_slice %arg3[%multiple_of3A_429] : memref<1600000xi32, #tpu.memory_space<hbm>> -> memref<512xi32, #tpu.memory_space<hbm>>
        %dma_start3A_436 = tpu.memref_slice %arg9[%add3A_433] : memref<16384xi32, #tpu.memory_space<vmem>> -> memref<512xi32, #tpu.memory_space<vmem>>
        %dma_start3A_437 = tpu.memref_slice %arg3[%multiple_of3A_429] : memref<1600000xi32, #tpu.memory_space<hbm>> -> memref<512xi32, #tpu.memory_space<hbm>>
        tpu.enqueue_dma source(%dma_start3A_437 : memref<512xi32, #tpu.memory_space<hbm>>) target(%dma_start3A_436 : memref<512xi32, #tpu.memory_space<vmem>>) target_semaphore(%arg13 : memref<!tpu.dma_semaphore, #tpu.memory_space<semaphore_mem>>)
        %mul3A_438 = arith.constant 3 : i32
        %mul3A_439 = arith.muli %multiple_of3A_429, %mul3A_438 : i32
        %multiple_of3A_440 = tpu.assume_multiple %mul3A_439, 8 : i32
        %mul3A_441 = arith.constant 24576 : i32
        %mul3A_442 = arith.muli %rem3A_377, %mul3A_441 : i32
        %add3A_443 = arith.constant 3072 : i32
        %add3A_444 = arith.addi %mul3A_442, %add3A_443 : i32
        %dma_start3A_445 = tpu.memref_slice %arg10[%add3A_444] : memref<49152xf32, #tpu.memory_space<vmem>> -> memref<1536xf32, #tpu.memory_space<vmem>>
        %dma_start3A_446 = tpu.memref_slice %arg2[%multiple_of3A_440] : memref<4800000xf32, #tpu.memory_space<hbm>> -> memref<1536xf32, #tpu.memory_space<hbm>>
        %dma_start3A_447 = tpu.memref_slice %arg10[%add3A_444] : memref<49152xf32, #tpu.memory_space<vmem>> -> memref<1536xf32, #tpu.memory_space<vmem>>
        %dma_start3A_448 = tpu.memref_slice %arg2[%multiple_of3A_440] : memref<4800000xf32, #tpu.memory_space<hbm>> -> memref<1536xf32, #tpu.memory_space<hbm>>
        tpu.enqueue_dma source(%dma_start3A_448 : memref<1536xf32, #tpu.memory_space<hbm>>) target(%dma_start3A_447 : memref<1536xf32, #tpu.memory_space<vmem>>) target_semaphore(%arg14 : memref<!tpu.dma_semaphore, #tpu.memory_space<semaphore_mem>>)
        %slice3A_449 = vector.extract_strided_slice %min3A_384 {offsets = [3], sizes = [1], strides = [1]} : vector<16xi32> to vector<1xi32>
        %squeeze3A_450 = vector.extract %slice3A_449[0] : i32 from vector<1xi32>
        %multiple_of3A_451 = tpu.assume_multiple %squeeze3A_450, 8 : i32
        %mul3A_452 = arith.constant 8192 : i32
        %mul3A_453 = arith.muli %rem3A_377, %mul3A_452 : i32
        %add3A_454 = arith.constant 1536 : i32
        %add3A_455 = arith.addi %mul3A_453, %add3A_454 : i32
        %dma_start3A_456 = tpu.memref_slice %arg9[%add3A_455] : memref<16384xi32, #tpu.memory_space<vmem>> -> memref<512xi32, #tpu.memory_space<vmem>>
        %dma_start3A_457 = tpu.memref_slice %arg3[%multiple_of3A_451] : memref<1600000xi32, #tpu.memory_space<hbm>> -> memref<512xi32, #tpu.memory_space<hbm>>
        %dma_start3A_458 = tpu.memref_slice %arg9[%add3A_455] : memref<16384xi32, #tpu.memory_space<vmem>> -> memref<512xi32, #tpu.memory_space<vmem>>
        %dma_start3A_459 = tpu.memref_slice %arg3[%multiple_of3A_451] : memref<1600000xi32, #tpu.memory_space<hbm>> -> memref<512xi32, #tpu.memory_space<hbm>>
        tpu.enqueue_dma source(%dma_start3A_459 : memref<512xi32, #tpu.memory_space<hbm>>) target(%dma_start3A_458 : memref<512xi32, #tpu.memory_space<vmem>>) target_semaphore(%arg13 : memref<!tpu.dma_semaphore, #tpu.memory_space<semaphore_mem>>)
        %mul3A_460 = arith.constant 3 : i32
        %mul3A_461 = arith.muli %multiple_of3A_451, %mul3A_460 : i32
        %multiple_of3A_462 = tpu.assume_multiple %mul3A_461, 8 : i32
        %mul3A_463 = arith.constant 24576 : i32
        %mul3A_464 = arith.muli %rem3A_377, %mul3A_463 : i32
        %add3A_465 = arith.constant 4608 : i32
        %add3A_466 = arith.addi %mul3A_464, %add3A_465 : i32
        %dma_start3A_467 = tpu.memref_slice %arg10[%add3A_466] : memref<49152xf32, #tpu.memory_space<vmem>> -> memref<1536xf32, #tpu.memory_space<vmem>>
        %dma_start3A_468 = tpu.memref_slice %arg2[%multiple_of3A_462] : memref<4800000xf32, #tpu.memory_space<hbm>> -> memref<1536xf32, #tpu.memory_space<hbm>>
        %dma_start3A_469 = tpu.memref_slice %arg10[%add3A_466] : memref<49152xf32, #tpu.memory_space<vmem>> -> memref<1536xf32, #tpu.memory_space<vmem>>
        %dma_start3A_470 = tpu.memref_slice %arg2[%multiple_of3A_462] : memref<4800000xf32, #tpu.memory_space<hbm>> -> memref<1536xf32, #tpu.memory_space<hbm>>
        tpu.enqueue_dma source(%dma_start3A_470 : memref<1536xf32, #tpu.memory_space<hbm>>) target(%dma_start3A_469 : memref<1536xf32, #tpu.memory_space<vmem>>) target_semaphore(%arg14 : memref<!tpu.dma_semaphore, #tpu.memory_space<semaphore_mem>>)
        %slice3A_471 = vector.extract_strided_slice %min3A_384 {offsets = [4], sizes = [1], strides = [1]} : vector<16xi32> to vector<1xi32>
        %squeeze3A_472 = vector.extract %slice3A_471[0] : i32 from vector<1xi32>
        %multiple_of3A_473 = tpu.assume_multiple %squeeze3A_472, 8 : i32
        %mul3A_474 = arith.constant 8192 : i32
        %mul3A_475 = arith.muli %rem3A_377, %mul3A_474 : i32
        %add3A_476 = arith.constant 2048 : i32
        %add3A_477 = arith.addi %mul3A_475, %add3A_476 : i32
        %dma_start3A_478 = tpu.memref_slice %arg9[%add3A_477] : memref<16384xi32, #tpu.memory_space<vmem>> -> memref<512xi32, #tpu.memory_space<vmem>>
        %dma_start3A_479 = tpu.memref_slice %arg3[%multiple_of3A_473] : memref<1600000xi32, #tpu.memory_space<hbm>> -> memref<512xi32, #tpu.memory_space<hbm>>
        %dma_start3A_480 = tpu.memref_slice %arg9[%add3A_477] : memref<16384xi32, #tpu.memory_space<vmem>> -> memref<512xi32, #tpu.memory_space<vmem>>
        %dma_start3A_481 = tpu.memref_slice %arg3[%multiple_of3A_473] : memref<1600000xi32, #tpu.memory_space<hbm>> -> memref<512xi32, #tpu.memory_space<hbm>>
        tpu.enqueue_dma source(%dma_start3A_481 : memref<512xi32, #tpu.memory_space<hbm>>) target(%dma_start3A_480 : memref<512xi32, #tpu.memory_space<vmem>>) target_semaphore(%arg13 : memref<!tpu.dma_semaphore, #tpu.memory_space<semaphore_mem>>)
        %mul3A_482 = arith.constant 3 : i32
        %mul3A_483 = arith.muli %multiple_of3A_473, %mul3A_482 : i32
        %multiple_of3A_484 = tpu.assume_multiple %mul3A_483, 8 : i32
        %mul3A_485 = arith.constant 24576 : i32
        %mul3A_486 = arith.muli %rem3A_377, %mul3A_485 : i32
        %add3A_487 = arith.constant 6144 : i32
        %add3A_488 = arith.addi %mul3A_486, %add3A_487 : i32
        %dma_start3A_489 = tpu.memref_slice %arg10[%add3A_488] : memref<49152xf32, #tpu.memory_space<vmem>> -> memref<1536xf32, #tpu.memory_space<vmem>>
        %dma_start3A_490 = tpu.memref_slice %arg2[%multiple_of3A_484] : memref<4800000xf32, #tpu.memory_space<hbm>> -> memref<1536xf32, #tpu.memory_space<hbm>>
        %dma_start3A_491 = tpu.memref_slice %arg10[%add3A_488] : memref<49152xf32, #tpu.memory_space<vmem>> -> memref<1536xf32, #tpu.memory_space<vmem>>
        %dma_start3A_492 = tpu.memref_slice %arg2[%multiple_of3A_484] : memref<4800000xf32, #tpu.memory_space<hbm>> -> memref<1536xf32, #tpu.memory_space<hbm>>
        tpu.enqueue_dma source(%dma_start3A_492 : memref<1536xf32, #tpu.memory_space<hbm>>) target(%dma_start3A_491 : memref<1536xf32, #tpu.memory_space<vmem>>) target_semaphore(%arg14 : memref<!tpu.dma_semaphore, #tpu.memory_space<semaphore_mem>>)
        %slice3A_493 = vector.extract_strided_slice %min3A_384 {offsets = [5], sizes = [1], strides = [1]} : vector<16xi32> to vector<1xi32>
        %squeeze3A_494 = vector.extract %slice3A_493[0] : i32 from vector<1xi32>
        %multiple_of3A_495 = tpu.assume_multiple %squeeze3A_494, 8 : i32
        %mul3A_496 = arith.constant 8192 : i32
        %mul3A_497 = arith.muli %rem3A_377, %mul3A_496 : i32
        %add3A_498 = arith.constant 2560 : i32
        %add3A_499 = arith.addi %mul3A_497, %add3A_498 : i32
        %dma_start3A_500 = tpu.memref_slice %arg9[%add3A_499] : memref<16384xi32, #tpu.memory_space<vmem>> -> memref<512xi32, #tpu.memory_space<vmem>>
        %dma_start3A_501 = tpu.memref_slice %arg3[%multiple_of3A_495] : memref<1600000xi32, #tpu.memory_space<hbm>> -> memref<512xi32, #tpu.memory_space<hbm>>
        %dma_start3A_502 = tpu.memref_slice %arg9[%add3A_499] : memref<16384xi32, #tpu.memory_space<vmem>> -> memref<512xi32, #tpu.memory_space<vmem>>
        %dma_start3A_503 = tpu.memref_slice %arg3[%multiple_of3A_495] : memref<1600000xi32, #tpu.memory_space<hbm>> -> memref<512xi32, #tpu.memory_space<hbm>>
        tpu.enqueue_dma source(%dma_start3A_503 : memref<512xi32, #tpu.memory_space<hbm>>) target(%dma_start3A_502 : memref<512xi32, #tpu.memory_space<vmem>>) target_semaphore(%arg13 : memref<!tpu.dma_semaphore, #tpu.memory_space<semaphore_mem>>)
        %mul3A_504 = arith.constant 3 : i32
        %mul3A_505 = arith.muli %multiple_of3A_495, %mul3A_504 : i32
        %multiple_of3A_506 = tpu.assume_multiple %mul3A_505, 8 : i32
        %mul3A_507 = arith.constant 24576 : i32
        %mul3A_508 = arith.muli %rem3A_377, %mul3A_507 : i32
        %add3A_509 = arith.constant 7680 : i32
        %add3A_510 = arith.addi %mul3A_508, %add3A_509 : i32
        %dma_start3A_511 = tpu.memref_slice %arg10[%add3A_510] : memref<49152xf32, #tpu.memory_space<vmem>> -> memref<1536xf32, #tpu.memory_space<vmem>>
        %dma_start3A_512 = tpu.memref_slice %arg2[%multiple_of3A_506] : memref<4800000xf32, #tpu.memory_space<hbm>> -> memref<1536xf32, #tpu.memory_space<hbm>>
        %dma_start3A_513 = tpu.memref_slice %arg10[%add3A_510] : memref<49152xf32, #tpu.memory_space<vmem>> -> memref<1536xf32, #tpu.memory_space<vmem>>
        %dma_start3A_514 = tpu.memref_slice %arg2[%multiple_of3A_506] : memref<4800000xf32, #tpu.memory_space<hbm>> -> memref<1536xf32, #tpu.memory_space<hbm>>
        tpu.enqueue_dma source(%dma_start3A_514 : memref<1536xf32, #tpu.memory_space<hbm>>) target(%dma_start3A_513 : memref<1536xf32, #tpu.memory_space<vmem>>) target_semaphore(%arg14 : memref<!tpu.dma_semaphore, #tpu.memory_space<semaphore_mem>>)
        %slice3A_515 = vector.extract_strided_slice %min3A_384 {offsets = [6], sizes = [1], strides = [1]} : vector<16xi32> to vector<1xi32>
        %squeeze3A_516 = vector.extract %slice3A_515[0] : i32 from vector<1xi32>
        %multiple_of3A_517 = tpu.assume_multiple %squeeze3A_516, 8 : i32
        %mul3A_518 = arith.constant 8192 : i32
        %mul3A_519 = arith.muli %rem3A_377, %mul3A_518 : i32
        %add3A_520 = arith.constant 3072 : i32
        %add3A_521 = arith.addi %mul3A_519, %add3A_520 : i32
        %dma_start3A_522 = tpu.memref_slice %arg9[%add3A_521] : memref<16384xi32, #tpu.memory_space<vmem>> -> memref<512xi32, #tpu.memory_space<vmem>>
        %dma_start3A_523 = tpu.memref_slice %arg3[%multiple_of3A_517] : memref<1600000xi32, #tpu.memory_space<hbm>> -> memref<512xi32, #tpu.memory_space<hbm>>
        %dma_start3A_524 = tpu.memref_slice %arg9[%add3A_521] : memref<16384xi32, #tpu.memory_space<vmem>> -> memref<512xi32, #tpu.memory_space<vmem>>
        %dma_start3A_525 = tpu.memref_slice %arg3[%multiple_of3A_517] : memref<1600000xi32, #tpu.memory_space<hbm>> -> memref<512xi32, #tpu.memory_space<hbm>>
        tpu.enqueue_dma source(%dma_start3A_525 : memref<512xi32, #tpu.memory_space<hbm>>) target(%dma_start3A_524 : memref<512xi32, #tpu.memory_space<vmem>>) target_semaphore(%arg13 : memref<!tpu.dma_semaphore, #tpu.memory_space<semaphore_mem>>)
        %mul3A_526 = arith.constant 3 : i32
        %mul3A_527 = arith.muli %multiple_of3A_517, %mul3A_526 : i32
        %multiple_of3A_528 = tpu.assume_multiple %mul3A_527, 8 : i32
        %mul3A_529 = arith.constant 24576 : i32
        %mul3A_530 = arith.muli %rem3A_377, %mul3A_529 : i32
        %add3A_531 = arith.constant 9216 : i32
        %add3A_532 = arith.addi %mul3A_530, %add3A_531 : i32
        %dma_start3A_533 = tpu.memref_slice %arg10[%add3A_532] : memref<49152xf32, #tpu.memory_space<vmem>> -> memref<1536xf32, #tpu.memory_space<vmem>>
        %dma_start3A_534 = tpu.memref_slice %arg2[%multiple_of3A_528] : memref<4800000xf32, #tpu.memory_space<hbm>> -> memref<1536xf32, #tpu.memory_space<hbm>>
        %dma_start3A_535 = tpu.memref_slice %arg10[%add3A_532] : memref<49152xf32, #tpu.memory_space<vmem>> -> memref<1536xf32, #tpu.memory_space<vmem>>
        %dma_start3A_536 = tpu.memref_slice %arg2[%multiple_of3A_528] : memref<4800000xf32, #tpu.memory_space<hbm>> -> memref<1536xf32, #tpu.memory_space<hbm>>
        tpu.enqueue_dma source(%dma_start3A_536 : memref<1536xf32, #tpu.memory_space<hbm>>) target(%dma_start3A_535 : memref<1536xf32, #tpu.memory_space<vmem>>) target_semaphore(%arg14 : memref<!tpu.dma_semaphore, #tpu.memory_space<semaphore_mem>>)
        %slice3A_537 = vector.extract_strided_slice %min3A_384 {offsets = [7], sizes = [1], strides = [1]} : vector<16xi32> to vector<1xi32>
        %squeeze3A_538 = vector.extract %slice3A_537[0] : i32 from vector<1xi32>
        %multiple_of3A_539 = tpu.assume_multiple %squeeze3A_538, 8 : i32
        %mul3A_540 = arith.constant 8192 : i32
        %mul3A_541 = arith.muli %rem3A_377, %mul3A_540 : i32
        %add3A_542 = arith.constant 3584 : i32
        %add3A_543 = arith.addi %mul3A_541, %add3A_542 : i32
        %dma_start3A_544 = tpu.memref_slice %arg9[%add3A_543] : memref<16384xi32, #tpu.memory_space<vmem>> -> memref<512xi32, #tpu.memory_space<vmem>>
        %dma_start3A_545 = tpu.memref_slice %arg3[%multiple_of3A_539] : memref<1600000xi32, #tpu.memory_space<hbm>> -> memref<512xi32, #tpu.memory_space<hbm>>
        %dma_start3A_546 = tpu.memref_slice %arg9[%add3A_543] : memref<16384xi32, #tpu.memory_space<vmem>> -> memref<512xi32, #tpu.memory_space<vmem>>
        %dma_start3A_547 = tpu.memref_slice %arg3[%multiple_of3A_539] : memref<1600000xi32, #tpu.memory_space<hbm>> -> memref<512xi32, #tpu.memory_space<hbm>>
        tpu.enqueue_dma source(%dma_start3A_547 : memref<512xi32, #tpu.memory_space<hbm>>) target(%dma_start3A_546 : memref<512xi32, #tpu.memory_space<vmem>>) target_semaphore(%arg13 : memref<!tpu.dma_semaphore, #tpu.memory_space<semaphore_mem>>)
        %mul3A_548 = arith.constant 3 : i32
        %mul3A_549 = arith.muli %multiple_of3A_539, %mul3A_548 : i32
        %multiple_of3A_550 = tpu.assume_multiple %mul3A_549, 8 : i32
        %mul3A_551 = arith.constant 24576 : i32
        %mul3A_552 = arith.muli %rem3A_377, %mul3A_551 : i32
        %add3A_553 = arith.constant 10752 : i32
        %add3A_554 = arith.addi %mul3A_552, %add3A_553 : i32
        %dma_start3A_555 = tpu.memref_slice %arg10[%add3A_554] : memref<49152xf32, #tpu.memory_space<vmem>> -> memref<1536xf32, #tpu.memory_space<vmem>>
        %dma_start3A_556 = tpu.memref_slice %arg2[%multiple_of3A_550] : memref<4800000xf32, #tpu.memory_space<hbm>> -> memref<1536xf32, #tpu.memory_space<hbm>>
        %dma_start3A_557 = tpu.memref_slice %arg10[%add3A_554] : memref<49152xf32, #tpu.memory_space<vmem>> -> memref<1536xf32, #tpu.memory_space<vmem>>
        %dma_start3A_558 = tpu.memref_slice %arg2[%multiple_of3A_550] : memref<4800000xf32, #tpu.memory_space<hbm>> -> memref<1536xf32, #tpu.memory_space<hbm>>
        tpu.enqueue_dma source(%dma_start3A_558 : memref<1536xf32, #tpu.memory_space<hbm>>) target(%dma_start3A_557 : memref<1536xf32, #tpu.memory_space<vmem>>) target_semaphore(%arg14 : memref<!tpu.dma_semaphore, #tpu.memory_space<semaphore_mem>>)
        %slice3A_559 = vector.extract_strided_slice %min3A_384 {offsets = [8], sizes = [1], strides = [1]} : vector<16xi32> to vector<1xi32>
        %squeeze3A_560 = vector.extract %slice3A_559[0] : i32 from vector<1xi32>
        %multiple_of3A_561 = tpu.assume_multiple %squeeze3A_560, 8 : i32
        %mul3A_562 = arith.constant 8192 : i32
        %mul3A_563 = arith.muli %rem3A_377, %mul3A_562 : i32
        %add3A_564 = arith.constant 4096 : i32
        %add3A_565 = arith.addi %mul3A_563, %add3A_564 : i32
        %dma_start3A_566 = tpu.memref_slice %arg9[%add3A_565] : memref<16384xi32, #tpu.memory_space<vmem>> -> memref<512xi32, #tpu.memory_space<vmem>>
        %dma_start3A_567 = tpu.memref_slice %arg3[%multiple_of3A_561] : memref<1600000xi32, #tpu.memory_space<hbm>> -> memref<512xi32, #tpu.memory_space<hbm>>
        %dma_start3A_568 = tpu.memref_slice %arg9[%add3A_565] : memref<16384xi32, #tpu.memory_space<vmem>> -> memref<512xi32, #tpu.memory_space<vmem>>
        %dma_start3A_569 = tpu.memref_slice %arg3[%multiple_of3A_561] : memref<1600000xi32, #tpu.memory_space<hbm>> -> memref<512xi32, #tpu.memory_space<hbm>>
        tpu.enqueue_dma source(%dma_start3A_569 : memref<512xi32, #tpu.memory_space<hbm>>) target(%dma_start3A_568 : memref<512xi32, #tpu.memory_space<vmem>>) target_semaphore(%arg13 : memref<!tpu.dma_semaphore, #tpu.memory_space<semaphore_mem>>)
        %mul3A_570 = arith.constant 3 : i32
        %mul3A_571 = arith.muli %multiple_of3A_561, %mul3A_570 : i32
        %multiple_of3A_572 = tpu.assume_multiple %mul3A_571, 8 : i32
        %mul3A_573 = arith.constant 24576 : i32
        %mul3A_574 = arith.muli %rem3A_377, %mul3A_573 : i32
        %add3A_575 = arith.constant 12288 : i32
        %add3A_576 = arith.addi %mul3A_574, %add3A_575 : i32
        %dma_start3A_577 = tpu.memref_slice %arg10[%add3A_576] : memref<49152xf32, #tpu.memory_space<vmem>> -> memref<1536xf32, #tpu.memory_space<vmem>>
        %dma_start3A_578 = tpu.memref_slice %arg2[%multiple_of3A_572] : memref<4800000xf32, #tpu.memory_space<hbm>> -> memref<1536xf32, #tpu.memory_space<hbm>>
        %dma_start3A_579 = tpu.memref_slice %arg10[%add3A_576] : memref<49152xf32, #tpu.memory_space<vmem>> -> memref<1536xf32, #tpu.memory_space<vmem>>
        %dma_start3A_580 = tpu.memref_slice %arg2[%multiple_of3A_572] : memref<4800000xf32, #tpu.memory_space<hbm>> -> memref<1536xf32, #tpu.memory_space<hbm>>
        tpu.enqueue_dma source(%dma_start3A_580 : memref<1536xf32, #tpu.memory_space<hbm>>) target(%dma_start3A_579 : memref<1536xf32, #tpu.memory_space<vmem>>) target_semaphore(%arg14 : memref<!tpu.dma_semaphore, #tpu.memory_space<semaphore_mem>>)
        %slice3A_581 = vector.extract_strided_slice %min3A_384 {offsets = [9], sizes = [1], strides = [1]} : vector<16xi32> to vector<1xi32>
        %squeeze3A_582 = vector.extract %slice3A_581[0] : i32 from vector<1xi32>
        %multiple_of3A_583 = tpu.assume_multiple %squeeze3A_582, 8 : i32
        %mul3A_584 = arith.constant 8192 : i32
        %mul3A_585 = arith.muli %rem3A_377, %mul3A_584 : i32
        %add3A_586 = arith.constant 4608 : i32
        %add3A_587 = arith.addi %mul3A_585, %add3A_586 : i32
        %dma_start3A_588 = tpu.memref_slice %arg9[%add3A_587] : memref<16384xi32, #tpu.memory_space<vmem>> -> memref<512xi32, #tpu.memory_space<vmem>>
        %dma_start3A_589 = tpu.memref_slice %arg3[%multiple_of3A_583] : memref<1600000xi32, #tpu.memory_space<hbm>> -> memref<512xi32, #tpu.memory_space<hbm>>
        %dma_start3A_590 = tpu.memref_slice %arg9[%add3A_587] : memref<16384xi32, #tpu.memory_space<vmem>> -> memref<512xi32, #tpu.memory_space<vmem>>
        %dma_start3A_591 = tpu.memref_slice %arg3[%multiple_of3A_583] : memref<1600000xi32, #tpu.memory_space<hbm>> -> memref<512xi32, #tpu.memory_space<hbm>>
        tpu.enqueue_dma source(%dma_start3A_591 : memref<512xi32, #tpu.memory_space<hbm>>) target(%dma_start3A_590 : memref<512xi32, #tpu.memory_space<vmem>>) target_semaphore(%arg13 : memref<!tpu.dma_semaphore, #tpu.memory_space<semaphore_mem>>)
        %mul3A_592 = arith.constant 3 : i32
        %mul3A_593 = arith.muli %multiple_of3A_583, %mul3A_592 : i32
        %multiple_of3A_594 = tpu.assume_multiple %mul3A_593, 8 : i32
        %mul3A_595 = arith.constant 24576 : i32
        %mul3A_596 = arith.muli %rem3A_377, %mul3A_595 : i32
        %add3A_597 = arith.constant 13824 : i32
        %add3A_598 = arith.addi %mul3A_596, %add3A_597 : i32
        %dma_start3A_599 = tpu.memref_slice %arg10[%add3A_598] : memref<49152xf32, #tpu.memory_space<vmem>> -> memref<1536xf32, #tpu.memory_space<vmem>>
        %dma_start3A_600 = tpu.memref_slice %arg2[%multiple_of3A_594] : memref<4800000xf32, #tpu.memory_space<hbm>> -> memref<1536xf32, #tpu.memory_space<hbm>>
        %dma_start3A_601 = tpu.memref_slice %arg10[%add3A_598] : memref<49152xf32, #tpu.memory_space<vmem>> -> memref<1536xf32, #tpu.memory_space<vmem>>
        %dma_start3A_602 = tpu.memref_slice %arg2[%multiple_of3A_594] : memref<4800000xf32, #tpu.memory_space<hbm>> -> memref<1536xf32, #tpu.memory_space<hbm>>
        tpu.enqueue_dma source(%dma_start3A_602 : memref<1536xf32, #tpu.memory_space<hbm>>) target(%dma_start3A_601 : memref<1536xf32, #tpu.memory_space<vmem>>) target_semaphore(%arg14 : memref<!tpu.dma_semaphore, #tpu.memory_space<semaphore_mem>>)
        %slice3A_603 = vector.extract_strided_slice %min3A_384 {offsets = [10], sizes = [1], strides = [1]} : vector<16xi32> to vector<1xi32>
        %squeeze3A_604 = vector.extract %slice3A_603[0] : i32 from vector<1xi32>
        %multiple_of3A_605 = tpu.assume_multiple %squeeze3A_604, 8 : i32
        %mul3A_606 = arith.constant 8192 : i32
        %mul3A_607 = arith.muli %rem3A_377, %mul3A_606 : i32
        %add3A_608 = arith.constant 5120 : i32
        %add3A_609 = arith.addi %mul3A_607, %add3A_608 : i32
        %dma_start3A_610 = tpu.memref_slice %arg9[%add3A_609] : memref<16384xi32, #tpu.memory_space<vmem>> -> memref<512xi32, #tpu.memory_space<vmem>>
        %dma_start3A_611 = tpu.memref_slice %arg3[%multiple_of3A_605] : memref<1600000xi32, #tpu.memory_space<hbm>> -> memref<512xi32, #tpu.memory_space<hbm>>
        %dma_start3A_612 = tpu.memref_slice %arg9[%add3A_609] : memref<16384xi32, #tpu.memory_space<vmem>> -> memref<512xi32, #tpu.memory_space<vmem>>
        %dma_start3A_613 = tpu.memref_slice %arg3[%multiple_of3A_605] : memref<1600000xi32, #tpu.memory_space<hbm>> -> memref<512xi32, #tpu.memory_space<hbm>>
        tpu.enqueue_dma source(%dma_start3A_613 : memref<512xi32, #tpu.memory_space<hbm>>) target(%dma_start3A_612 : memref<512xi32, #tpu.memory_space<vmem>>) target_semaphore(%arg13 : memref<!tpu.dma_semaphore, #tpu.memory_space<semaphore_mem>>)
        %mul3A_614 = arith.constant 3 : i32
        %mul3A_615 = arith.muli %multiple_of3A_605, %mul3A_614 : i32
        %multiple_of3A_616 = tpu.assume_multiple %mul3A_615, 8 : i32
        %mul3A_617 = arith.constant 24576 : i32
        %mul3A_618 = arith.muli %rem3A_377, %mul3A_617 : i32
        %add3A_619 = arith.constant 15360 : i32
        %add3A_620 = arith.addi %mul3A_618, %add3A_619 : i32
        %dma_start3A_621 = tpu.memref_slice %arg10[%add3A_620] : memref<49152xf32, #tpu.memory_space<vmem>> -> memref<1536xf32, #tpu.memory_space<vmem>>
        %dma_start3A_622 = tpu.memref_slice %arg2[%multiple_of3A_616] : memref<4800000xf32, #tpu.memory_space<hbm>> -> memref<1536xf32, #tpu.memory_space<hbm>>
        %dma_start3A_623 = tpu.memref_slice %arg10[%add3A_620] : memref<49152xf32, #tpu.memory_space<vmem>> -> memref<1536xf32, #tpu.memory_space<vmem>>
        %dma_start3A_624 = tpu.memref_slice %arg2[%multiple_of3A_616] : memref<4800000xf32, #tpu.memory_space<hbm>> -> memref<1536xf32, #tpu.memory_space<hbm>>
        tpu.enqueue_dma source(%dma_start3A_624 : memref<1536xf32, #tpu.memory_space<hbm>>) target(%dma_start3A_623 : memref<1536xf32, #tpu.memory_space<vmem>>) target_semaphore(%arg14 : memref<!tpu.dma_semaphore, #tpu.memory_space<semaphore_mem>>)
        %slice3A_625 = vector.extract_strided_slice %min3A_384 {offsets = [11], sizes = [1], strides = [1]} : vector<16xi32> to vector<1xi32>
        %squeeze3A_626 = vector.extract %slice3A_625[0] : i32 from vector<1xi32>
        %multiple_of3A_627 = tpu.assume_multiple %squeeze3A_626, 8 : i32
        %mul3A_628 = arith.constant 8192 : i32
        %mul3A_629 = arith.muli %rem3A_377, %mul3A_628 : i32
        %add3A_630 = arith.constant 5632 : i32
        %add3A_631 = arith.addi %mul3A_629, %add3A_630 : i32
        %dma_start3A_632 = tpu.memref_slice %arg9[%add3A_631] : memref<16384xi32, #tpu.memory_space<vmem>> -> memref<512xi32, #tpu.memory_space<vmem>>
        %dma_start3A_633 = tpu.memref_slice %arg3[%multiple_of3A_627] : memref<1600000xi32, #tpu.memory_space<hbm>> -> memref<512xi32, #tpu.memory_space<hbm>>
        %dma_start3A_634 = tpu.memref_slice %arg9[%add3A_631] : memref<16384xi32, #tpu.memory_space<vmem>> -> memref<512xi32, #tpu.memory_space<vmem>>
        %dma_start3A_635 = tpu.memref_slice %arg3[%multiple_of3A_627] : memref<1600000xi32, #tpu.memory_space<hbm>> -> memref<512xi32, #tpu.memory_space<hbm>>
        tpu.enqueue_dma source(%dma_start3A_635 : memref<512xi32, #tpu.memory_space<hbm>>) target(%dma_start3A_634 : memref<512xi32, #tpu.memory_space<vmem>>) target_semaphore(%arg13 : memref<!tpu.dma_semaphore, #tpu.memory_space<semaphore_mem>>)
        %mul3A_636 = arith.constant 3 : i32
        %mul3A_637 = arith.muli %multiple_of3A_627, %mul3A_636 : i32
        %multiple_of3A_638 = tpu.assume_multiple %mul3A_637, 8 : i32
        %mul3A_639 = arith.constant 24576 : i32
        %mul3A_640 = arith.muli %rem3A_377, %mul3A_639 : i32
        %add3A_641 = arith.constant 16896 : i32
        %add3A_642 = arith.addi %mul3A_640, %add3A_641 : i32
        %dma_start3A_643 = tpu.memref_slice %arg10[%add3A_642] : memref<49152xf32, #tpu.memory_space<vmem>> -> memref<1536xf32, #tpu.memory_space<vmem>>
        %dma_start3A_644 = tpu.memref_slice %arg2[%multiple_of3A_638] : memref<4800000xf32, #tpu.memory_space<hbm>> -> memref<1536xf32, #tpu.memory_space<hbm>>
        %dma_start3A_645 = tpu.memref_slice %arg10[%add3A_642] : memref<49152xf32, #tpu.memory_space<vmem>> -> memref<1536xf32, #tpu.memory_space<vmem>>
        %dma_start3A_646 = tpu.memref_slice %arg2[%multiple_of3A_638] : memref<4800000xf32, #tpu.memory_space<hbm>> -> memref<1536xf32, #tpu.memory_space<hbm>>
        tpu.enqueue_dma source(%dma_start3A_646 : memref<1536xf32, #tpu.memory_space<hbm>>) target(%dma_start3A_645 : memref<1536xf32, #tpu.memory_space<vmem>>) target_semaphore(%arg14 : memref<!tpu.dma_semaphore, #tpu.memory_space<semaphore_mem>>)
        %slice3A_647 = vector.extract_strided_slice %min3A_384 {offsets = [12], sizes = [1], strides = [1]} : vector<16xi32> to vector<1xi32>
        %squeeze3A_648 = vector.extract %slice3A_647[0] : i32 from vector<1xi32>
        %multiple_of3A_649 = tpu.assume_multiple %squeeze3A_648, 8 : i32
        %mul3A_650 = arith.constant 8192 : i32
        %mul3A_651 = arith.muli %rem3A_377, %mul3A_650 : i32
        %add3A_652 = arith.constant 6144 : i32
        %add3A_653 = arith.addi %mul3A_651, %add3A_652 : i32
        %dma_start3A_654 = tpu.memref_slice %arg9[%add3A_653] : memref<16384xi32, #tpu.memory_space<vmem>> -> memref<512xi32, #tpu.memory_space<vmem>>
        %dma_start3A_655 = tpu.memref_slice %arg3[%multiple_of3A_649] : memref<1600000xi32, #tpu.memory_space<hbm>> -> memref<512xi32, #tpu.memory_space<hbm>>
        %dma_start3A_656 = tpu.memref_slice %arg9[%add3A_653] : memref<16384xi32, #tpu.memory_space<vmem>> -> memref<512xi32, #tpu.memory_space<vmem>>
        %dma_start3A_657 = tpu.memref_slice %arg3[%multiple_of3A_649] : memref<1600000xi32, #tpu.memory_space<hbm>> -> memref<512xi32, #tpu.memory_space<hbm>>
        tpu.enqueue_dma source(%dma_start3A_657 : memref<512xi32, #tpu.memory_space<hbm>>) target(%dma_start3A_656 : memref<512xi32, #tpu.memory_space<vmem>>) target_semaphore(%arg13 : memref<!tpu.dma_semaphore, #tpu.memory_space<semaphore_mem>>)
        %mul3A_658 = arith.constant 3 : i32
        %mul3A_659 = arith.muli %multiple_of3A_649, %mul3A_658 : i32
        %multiple_of3A_660 = tpu.assume_multiple %mul3A_659, 8 : i32
        %mul3A_661 = arith.constant 24576 : i32
        %mul3A_662 = arith.muli %rem3A_377, %mul3A_661 : i32
        %add3A_663 = arith.constant 18432 : i32
        %add3A_664 = arith.addi %mul3A_662, %add3A_663 : i32
        %dma_start3A_665 = tpu.memref_slice %arg10[%add3A_664] : memref<49152xf32, #tpu.memory_space<vmem>> -> memref<1536xf32, #tpu.memory_space<vmem>>
        %dma_start3A_666 = tpu.memref_slice %arg2[%multiple_of3A_660] : memref<4800000xf32, #tpu.memory_space<hbm>> -> memref<1536xf32, #tpu.memory_space<hbm>>
        %dma_start3A_667 = tpu.memref_slice %arg10[%add3A_664] : memref<49152xf32, #tpu.memory_space<vmem>> -> memref<1536xf32, #tpu.memory_space<vmem>>
        %dma_start3A_668 = tpu.memref_slice %arg2[%multiple_of3A_660] : memref<4800000xf32, #tpu.memory_space<hbm>> -> memref<1536xf32, #tpu.memory_space<hbm>>
        tpu.enqueue_dma source(%dma_start3A_668 : memref<1536xf32, #tpu.memory_space<hbm>>) target(%dma_start3A_667 : memref<1536xf32, #tpu.memory_space<vmem>>) target_semaphore(%arg14 : memref<!tpu.dma_semaphore, #tpu.memory_space<semaphore_mem>>)
        %slice3A_669 = vector.extract_strided_slice %min3A_384 {offsets = [13], sizes = [1], strides = [1]} : vector<16xi32> to vector<1xi32>
        %squeeze3A_670 = vector.extract %slice3A_669[0] : i32 from vector<1xi32>
        %multiple_of3A_671 = tpu.assume_multiple %squeeze3A_670, 8 : i32
        %mul3A_672 = arith.constant 8192 : i32
        %mul3A_673 = arith.muli %rem3A_377, %mul3A_672 : i32
        %add3A_674 = arith.constant 6656 : i32
        %add3A_675 = arith.addi %mul3A_673, %add3A_674 : i32
        %dma_start3A_676 = tpu.memref_slice %arg9[%add3A_675] : memref<16384xi32, #tpu.memory_space<vmem>> -> memref<512xi32, #tpu.memory_space<vmem>>
        %dma_start3A_677 = tpu.memref_slice %arg3[%multiple_of3A_671] : memref<1600000xi32, #tpu.memory_space<hbm>> -> memref<512xi32, #tpu.memory_space<hbm>>
        %dma_start3A_678 = tpu.memref_slice %arg9[%add3A_675] : memref<16384xi32, #tpu.memory_space<vmem>> -> memref<512xi32, #tpu.memory_space<vmem>>
        %dma_start3A_679 = tpu.memref_slice %arg3[%multiple_of3A_671] : memref<1600000xi32, #tpu.memory_space<hbm>> -> memref<512xi32, #tpu.memory_space<hbm>>
        tpu.enqueue_dma source(%dma_start3A_679 : memref<512xi32, #tpu.memory_space<hbm>>) target(%dma_start3A_678 : memref<512xi32, #tpu.memory_space<vmem>>) target_semaphore(%arg13 : memref<!tpu.dma_semaphore, #tpu.memory_space<semaphore_mem>>)
        %mul3A_680 = arith.constant 3 : i32
        %mul3A_681 = arith.muli %multiple_of3A_671, %mul3A_680 : i32
        %multiple_of3A_682 = tpu.assume_multiple %mul3A_681, 8 : i32
        %mul3A_683 = arith.constant 24576 : i32
        %mul3A_684 = arith.muli %rem3A_377, %mul3A_683 : i32
        %add3A_685 = arith.constant 19968 : i32
        %add3A_686 = arith.addi %mul3A_684, %add3A_685 : i32
        %dma_start3A_687 = tpu.memref_slice %arg10[%add3A_686] : memref<49152xf32, #tpu.memory_space<vmem>> -> memref<1536xf32, #tpu.memory_space<vmem>>
        %dma_start3A_688 = tpu.memref_slice %arg2[%multiple_of3A_682] : memref<4800000xf32, #tpu.memory_space<hbm>> -> memref<1536xf32, #tpu.memory_space<hbm>>
        %dma_start3A_689 = tpu.memref_slice %arg10[%add3A_686] : memref<49152xf32, #tpu.memory_space<vmem>> -> memref<1536xf32, #tpu.memory_space<vmem>>
        %dma_start3A_690 = tpu.memref_slice %arg2[%multiple_of3A_682] : memref<4800000xf32, #tpu.memory_space<hbm>> -> memref<1536xf32, #tpu.memory_space<hbm>>
        tpu.enqueue_dma source(%dma_start3A_690 : memref<1536xf32, #tpu.memory_space<hbm>>) target(%dma_start3A_689 : memref<1536xf32, #tpu.memory_space<vmem>>) target_semaphore(%arg14 : memref<!tpu.dma_semaphore, #tpu.memory_space<semaphore_mem>>)
        %slice3A_691 = vector.extract_strided_slice %min3A_384 {offsets = [14], sizes = [1], strides = [1]} : vector<16xi32> to vector<1xi32>
        %squeeze3A_692 = vector.extract %slice3A_691[0] : i32 from vector<1xi32>
        %multiple_of3A_693 = tpu.assume_multiple %squeeze3A_692, 8 : i32
        %mul3A_694 = arith.constant 8192 : i32
        %mul3A_695 = arith.muli %rem3A_377, %mul3A_694 : i32
        %add3A_696 = arith.constant 7168 : i32
        %add3A_697 = arith.addi %mul3A_695, %add3A_696 : i32
        %dma_start3A_698 = tpu.memref_slice %arg9[%add3A_697] : memref<16384xi32, #tpu.memory_space<vmem>> -> memref<512xi32, #tpu.memory_space<vmem>>
        %dma_start3A_699 = tpu.memref_slice %arg3[%multiple_of3A_693] : memref<1600000xi32, #tpu.memory_space<hbm>> -> memref<512xi32, #tpu.memory_space<hbm>>
        %dma_start3A_700 = tpu.memref_slice %arg9[%add3A_697] : memref<16384xi32, #tpu.memory_space<vmem>> -> memref<512xi32, #tpu.memory_space<vmem>>
        %dma_start3A_701 = tpu.memref_slice %arg3[%multiple_of3A_693] : memref<1600000xi32, #tpu.memory_space<hbm>> -> memref<512xi32, #tpu.memory_space<hbm>>
        tpu.enqueue_dma source(%dma_start3A_701 : memref<512xi32, #tpu.memory_space<hbm>>) target(%dma_start3A_700 : memref<512xi32, #tpu.memory_space<vmem>>) target_semaphore(%arg13 : memref<!tpu.dma_semaphore, #tpu.memory_space<semaphore_mem>>)
        %mul3A_702 = arith.constant 3 : i32
        %mul3A_703 = arith.muli %multiple_of3A_693, %mul3A_702 : i32
        %multiple_of3A_704 = tpu.assume_multiple %mul3A_703, 8 : i32
        %mul3A_705 = arith.constant 24576 : i32
        %mul3A_706 = arith.muli %rem3A_377, %mul3A_705 : i32
        %add3A_707 = arith.constant 21504 : i32
        %add3A_708 = arith.addi %mul3A_706, %add3A_707 : i32
        %dma_start3A_709 = tpu.memref_slice %arg10[%add3A_708] : memref<49152xf32, #tpu.memory_space<vmem>> -> memref<1536xf32, #tpu.memory_space<vmem>>
        %dma_start3A_710 = tpu.memref_slice %arg2[%multiple_of3A_704] : memref<4800000xf32, #tpu.memory_space<hbm>> -> memref<1536xf32, #tpu.memory_space<hbm>>
        %dma_start3A_711 = tpu.memref_slice %arg10[%add3A_708] : memref<49152xf32, #tpu.memory_space<vmem>> -> memref<1536xf32, #tpu.memory_space<vmem>>
        %dma_start3A_712 = tpu.memref_slice %arg2[%multiple_of3A_704] : memref<4800000xf32, #tpu.memory_space<hbm>> -> memref<1536xf32, #tpu.memory_space<hbm>>
        tpu.enqueue_dma source(%dma_start3A_712 : memref<1536xf32, #tpu.memory_space<hbm>>) target(%dma_start3A_711 : memref<1536xf32, #tpu.memory_space<vmem>>) target_semaphore(%arg14 : memref<!tpu.dma_semaphore, #tpu.memory_space<semaphore_mem>>)
        %slice3A_713 = vector.extract_strided_slice %min3A_384 {offsets = [15], sizes = [1], strides = [1]} : vector<16xi32> to vector<1xi32>
        %squeeze3A_714 = vector.extract %slice3A_713[0] : i32 from vector<1xi32>
        %multiple_of3A_715 = tpu.assume_multiple %squeeze3A_714, 8 : i32
        %mul3A_716 = arith.constant 8192 : i32
        %mul3A_717 = arith.muli %rem3A_377, %mul3A_716 : i32
        %add3A_718 = arith.constant 7680 : i32
        %add3A_719 = arith.addi %mul3A_717, %add3A_718 : i32
        %dma_start3A_720 = tpu.memref_slice %arg9[%add3A_719] : memref<16384xi32, #tpu.memory_space<vmem>> -> memref<512xi32, #tpu.memory_space<vmem>>
        %dma_start3A_721 = tpu.memref_slice %arg3[%multiple_of3A_715] : memref<1600000xi32, #tpu.memory_space<hbm>> -> memref<512xi32, #tpu.memory_space<hbm>>
        %dma_start3A_722 = tpu.memref_slice %arg9[%add3A_719] : memref<16384xi32, #tpu.memory_space<vmem>> -> memref<512xi32, #tpu.memory_space<vmem>>
        %dma_start3A_723 = tpu.memref_slice %arg3[%multiple_of3A_715] : memref<1600000xi32, #tpu.memory_space<hbm>> -> memref<512xi32, #tpu.memory_space<hbm>>
        tpu.enqueue_dma source(%dma_start3A_723 : memref<512xi32, #tpu.memory_space<hbm>>) target(%dma_start3A_722 : memref<512xi32, #tpu.memory_space<vmem>>) target_semaphore(%arg13 : memref<!tpu.dma_semaphore, #tpu.memory_space<semaphore_mem>>)
        %mul3A_724 = arith.constant 3 : i32
        %mul3A_725 = arith.muli %multiple_of3A_715, %mul3A_724 : i32
        %multiple_of3A_726 = tpu.assume_multiple %mul3A_725, 8 : i32
        %mul3A_727 = arith.constant 24576 : i32
        %mul3A_728 = arith.muli %rem3A_377, %mul3A_727 : i32
        %add3A_729 = arith.constant 23040 : i32
        %add3A_730 = arith.addi %mul3A_728, %add3A_729 : i32
        %dma_start3A_731 = tpu.memref_slice %arg10[%add3A_730] : memref<49152xf32, #tpu.memory_space<vmem>> -> memref<1536xf32, #tpu.memory_space<vmem>>
        %dma_start3A_732 = tpu.memref_slice %arg2[%multiple_of3A_726] : memref<4800000xf32, #tpu.memory_space<hbm>> -> memref<1536xf32, #tpu.memory_space<hbm>>
        %dma_start3A_733 = tpu.memref_slice %arg10[%add3A_730] : memref<49152xf32, #tpu.memory_space<vmem>> -> memref<1536xf32, #tpu.memory_space<vmem>>
        %dma_start3A_734 = tpu.memref_slice %arg2[%multiple_of3A_726] : memref<4800000xf32, #tpu.memory_space<hbm>> -> memref<1536xf32, #tpu.memory_space<hbm>>
        tpu.enqueue_dma source(%dma_start3A_734 : memref<1536xf32, #tpu.memory_space<hbm>>) target(%dma_start3A_733 : memref<1536xf32, #tpu.memory_space<vmem>>) target_semaphore(%arg14 : memref<!tpu.dma_semaphore, #tpu.memory_space<semaphore_mem>>)
      } else {
      }
      %add3A_107 = arith.constant 0 : i32
      %add3A_108 = arith.addi %mul3A_99, %add3A_107 : i32
      %dma_wait3A = tpu.memref_slice %arg9[%add3A_108] : memref<16384xi32, #tpu.memory_space<vmem>> -> memref<512xi32, #tpu.memory_space<vmem>>
      %dma_wait3A_109 = arith.constant 0 : i32
      %dma_wait3A_110 = tpu.memref_slice %arg3[%dma_wait3A_109] : memref<1600000xi32, #tpu.memory_space<hbm>> -> memref<512xi32, #tpu.memory_space<hbm>>
      %dma_wait3A_111 = tpu.memref_slice %arg9[%add3A_108] : memref<16384xi32, #tpu.memory_space<vmem>> -> memref<512xi32, #tpu.memory_space<vmem>>
      %dma_wait3A_112 = arith.constant 0 : i32
      %dma_wait3A_113 = tpu.memref_slice %arg3[%dma_wait3A_112] : memref<1600000xi32, #tpu.memory_space<hbm>> -> memref<512xi32, #tpu.memory_space<hbm>>
      tpu.wait_dma2 semaphore(%arg13 : memref<!tpu.dma_semaphore, #tpu.memory_space<semaphore_mem>>) src(%dma_wait3A_113 : memref<512xi32, #tpu.memory_space<hbm>>) dst(%dma_wait3A_111 : memref<512xi32, #tpu.memory_space<vmem>>)
      %add3A_114 = arith.constant 0 : i32
      %add3A_115 = arith.addi %mul3A_101, %add3A_114 : i32
      %dma_wait3A_116 = tpu.memref_slice %arg10[%add3A_115] : memref<49152xf32, #tpu.memory_space<vmem>> -> memref<1536xf32, #tpu.memory_space<vmem>>
      %dma_wait3A_117 = arith.constant 0 : i32
      %dma_wait3A_118 = tpu.memref_slice %arg2[%dma_wait3A_117] : memref<4800000xf32, #tpu.memory_space<hbm>> -> memref<1536xf32, #tpu.memory_space<hbm>>
      %dma_wait3A_119 = tpu.memref_slice %arg10[%add3A_115] : memref<49152xf32, #tpu.memory_space<vmem>> -> memref<1536xf32, #tpu.memory_space<vmem>>
      %dma_wait3A_120 = arith.constant 0 : i32
      %dma_wait3A_121 = tpu.memref_slice %arg2[%dma_wait3A_120] : memref<4800000xf32, #tpu.memory_space<hbm>> -> memref<1536xf32, #tpu.memory_space<hbm>>
      tpu.wait_dma2 semaphore(%arg14 : memref<!tpu.dma_semaphore, #tpu.memory_space<semaphore_mem>>) src(%dma_wait3A_121 : memref<1536xf32, #tpu.memory_space<hbm>>) dst(%dma_wait3A_119 : memref<1536xf32, #tpu.memory_space<vmem>>)
      %add3A_122 = arith.constant 512 : i32
      %add3A_123 = arith.addi %mul3A_99, %add3A_122 : i32
      %dma_wait3A_124 = tpu.memref_slice %arg9[%add3A_123] : memref<16384xi32, #tpu.memory_space<vmem>> -> memref<512xi32, #tpu.memory_space<vmem>>
      %dma_wait3A_125 = arith.constant 0 : i32
      %dma_wait3A_126 = tpu.memref_slice %arg3[%dma_wait3A_125] : memref<1600000xi32, #tpu.memory_space<hbm>> -> memref<512xi32, #tpu.memory_space<hbm>>
      %dma_wait3A_127 = tpu.memref_slice %arg9[%add3A_123] : memref<16384xi32, #tpu.memory_space<vmem>> -> memref<512xi32, #tpu.memory_space<vmem>>
      %dma_wait3A_128 = arith.constant 0 : i32
      %dma_wait3A_129 = tpu.memref_slice %arg3[%dma_wait3A_128] : memref<1600000xi32, #tpu.memory_space<hbm>> -> memref<512xi32, #tpu.memory_space<hbm>>
      tpu.wait_dma2 semaphore(%arg13 : memref<!tpu.dma_semaphore, #tpu.memory_space<semaphore_mem>>) src(%dma_wait3A_129 : memref<512xi32, #tpu.memory_space<hbm>>) dst(%dma_wait3A_127 : memref<512xi32, #tpu.memory_space<vmem>>)
      %add3A_130 = arith.constant 1536 : i32
      %add3A_131 = arith.addi %mul3A_101, %add3A_130 : i32
      %dma_wait3A_132 = tpu.memref_slice %arg10[%add3A_131] : memref<49152xf32, #tpu.memory_space<vmem>> -> memref<1536xf32, #tpu.memory_space<vmem>>
      %dma_wait3A_133 = arith.constant 0 : i32
      %dma_wait3A_134 = tpu.memref_slice %arg2[%dma_wait3A_133] : memref<4800000xf32, #tpu.memory_space<hbm>> -> memref<1536xf32, #tpu.memory_space<hbm>>
      %dma_wait3A_135 = tpu.memref_slice %arg10[%add3A_131] : memref<49152xf32, #tpu.memory_space<vmem>> -> memref<1536xf32, #tpu.memory_space<vmem>>
      %dma_wait3A_136 = arith.constant 0 : i32
      %dma_wait3A_137 = tpu.memref_slice %arg2[%dma_wait3A_136] : memref<4800000xf32, #tpu.memory_space<hbm>> -> memref<1536xf32, #tpu.memory_space<hbm>>
      tpu.wait_dma2 semaphore(%arg14 : memref<!tpu.dma_semaphore, #tpu.memory_space<semaphore_mem>>) src(%dma_wait3A_137 : memref<1536xf32, #tpu.memory_space<hbm>>) dst(%dma_wait3A_135 : memref<1536xf32, #tpu.memory_space<vmem>>)
      %add3A_138 = arith.constant 1024 : i32
      %add3A_139 = arith.addi %mul3A_99, %add3A_138 : i32
      %dma_wait3A_140 = tpu.memref_slice %arg9[%add3A_139] : memref<16384xi32, #tpu.memory_space<vmem>> -> memref<512xi32, #tpu.memory_space<vmem>>
      %dma_wait3A_141 = arith.constant 0 : i32
      %dma_wait3A_142 = tpu.memref_slice %arg3[%dma_wait3A_141] : memref<1600000xi32, #tpu.memory_space<hbm>> -> memref<512xi32, #tpu.memory_space<hbm>>
      %dma_wait3A_143 = tpu.memref_slice %arg9[%add3A_139] : memref<16384xi32, #tpu.memory_space<vmem>> -> memref<512xi32, #tpu.memory_space<vmem>>
      %dma_wait3A_144 = arith.constant 0 : i32
      %dma_wait3A_145 = tpu.memref_slice %arg3[%dma_wait3A_144] : memref<1600000xi32, #tpu.memory_space<hbm>> -> memref<512xi32, #tpu.memory_space<hbm>>
      tpu.wait_dma2 semaphore(%arg13 : memref<!tpu.dma_semaphore, #tpu.memory_space<semaphore_mem>>) src(%dma_wait3A_145 : memref<512xi32, #tpu.memory_space<hbm>>) dst(%dma_wait3A_143 : memref<512xi32, #tpu.memory_space<vmem>>)
      %add3A_146 = arith.constant 3072 : i32
      %add3A_147 = arith.addi %mul3A_101, %add3A_146 : i32
      %dma_wait3A_148 = tpu.memref_slice %arg10[%add3A_147] : memref<49152xf32, #tpu.memory_space<vmem>> -> memref<1536xf32, #tpu.memory_space<vmem>>
      %dma_wait3A_149 = arith.constant 0 : i32
      %dma_wait3A_150 = tpu.memref_slice %arg2[%dma_wait3A_149] : memref<4800000xf32, #tpu.memory_space<hbm>> -> memref<1536xf32, #tpu.memory_space<hbm>>
      %dma_wait3A_151 = tpu.memref_slice %arg10[%add3A_147] : memref<49152xf32, #tpu.memory_space<vmem>> -> memref<1536xf32, #tpu.memory_space<vmem>>
      %dma_wait3A_152 = arith.constant 0 : i32
      %dma_wait3A_153 = tpu.memref_slice %arg2[%dma_wait3A_152] : memref<4800000xf32, #tpu.memory_space<hbm>> -> memref<1536xf32, #tpu.memory_space<hbm>>
      tpu.wait_dma2 semaphore(%arg14 : memref<!tpu.dma_semaphore, #tpu.memory_space<semaphore_mem>>) src(%dma_wait3A_153 : memref<1536xf32, #tpu.memory_space<hbm>>) dst(%dma_wait3A_151 : memref<1536xf32, #tpu.memory_space<vmem>>)
      %add3A_154 = arith.constant 1536 : i32
      %add3A_155 = arith.addi %mul3A_99, %add3A_154 : i32
      %dma_wait3A_156 = tpu.memref_slice %arg9[%add3A_155] : memref<16384xi32, #tpu.memory_space<vmem>> -> memref<512xi32, #tpu.memory_space<vmem>>
      %dma_wait3A_157 = arith.constant 0 : i32
      %dma_wait3A_158 = tpu.memref_slice %arg3[%dma_wait3A_157] : memref<1600000xi32, #tpu.memory_space<hbm>> -> memref<512xi32, #tpu.memory_space<hbm>>
      %dma_wait3A_159 = tpu.memref_slice %arg9[%add3A_155] : memref<16384xi32, #tpu.memory_space<vmem>> -> memref<512xi32, #tpu.memory_space<vmem>>
      %dma_wait3A_160 = arith.constant 0 : i32
      %dma_wait3A_161 = tpu.memref_slice %arg3[%dma_wait3A_160] : memref<1600000xi32, #tpu.memory_space<hbm>> -> memref<512xi32, #tpu.memory_space<hbm>>
      tpu.wait_dma2 semaphore(%arg13 : memref<!tpu.dma_semaphore, #tpu.memory_space<semaphore_mem>>) src(%dma_wait3A_161 : memref<512xi32, #tpu.memory_space<hbm>>) dst(%dma_wait3A_159 : memref<512xi32, #tpu.memory_space<vmem>>)
      %add3A_162 = arith.constant 4608 : i32
      %add3A_163 = arith.addi %mul3A_101, %add3A_162 : i32
      %dma_wait3A_164 = tpu.memref_slice %arg10[%add3A_163] : memref<49152xf32, #tpu.memory_space<vmem>> -> memref<1536xf32, #tpu.memory_space<vmem>>
      %dma_wait3A_165 = arith.constant 0 : i32
      %dma_wait3A_166 = tpu.memref_slice %arg2[%dma_wait3A_165] : memref<4800000xf32, #tpu.memory_space<hbm>> -> memref<1536xf32, #tpu.memory_space<hbm>>
      %dma_wait3A_167 = tpu.memref_slice %arg10[%add3A_163] : memref<49152xf32, #tpu.memory_space<vmem>> -> memref<1536xf32, #tpu.memory_space<vmem>>
      %dma_wait3A_168 = arith.constant 0 : i32
      %dma_wait3A_169 = tpu.memref_slice %arg2[%dma_wait3A_168] : memref<4800000xf32, #tpu.memory_space<hbm>> -> memref<1536xf32, #tpu.memory_space<hbm>>
      tpu.wait_dma2 semaphore(%arg14 : memref<!tpu.dma_semaphore, #tpu.memory_space<semaphore_mem>>) src(%dma_wait3A_169 : memref<1536xf32, #tpu.memory_space<hbm>>) dst(%dma_wait3A_167 : memref<1536xf32, #tpu.memory_space<vmem>>)
      %add3A_170 = arith.constant 2048 : i32
      %add3A_171 = arith.addi %mul3A_99, %add3A_170 : i32
      %dma_wait3A_172 = tpu.memref_slice %arg9[%add3A_171] : memref<16384xi32, #tpu.memory_space<vmem>> -> memref<512xi32, #tpu.memory_space<vmem>>
      %dma_wait3A_173 = arith.constant 0 : i32
      %dma_wait3A_174 = tpu.memref_slice %arg3[%dma_wait3A_173] : memref<1600000xi32, #tpu.memory_space<hbm>> -> memref<512xi32, #tpu.memory_space<hbm>>
      %dma_wait3A_175 = tpu.memref_slice %arg9[%add3A_171] : memref<16384xi32, #tpu.memory_space<vmem>> -> memref<512xi32, #tpu.memory_space<vmem>>
      %dma_wait3A_176 = arith.constant 0 : i32
      %dma_wait3A_177 = tpu.memref_slice %arg3[%dma_wait3A_176] : memref<1600000xi32, #tpu.memory_space<hbm>> -> memref<512xi32, #tpu.memory_space<hbm>>
      tpu.wait_dma2 semaphore(%arg13 : memref<!tpu.dma_semaphore, #tpu.memory_space<semaphore_mem>>) src(%dma_wait3A_177 : memref<512xi32, #tpu.memory_space<hbm>>) dst(%dma_wait3A_175 : memref<512xi32, #tpu.memory_space<vmem>>)
      %add3A_178 = arith.constant 6144 : i32
      %add3A_179 = arith.addi %mul3A_101, %add3A_178 : i32
      %dma_wait3A_180 = tpu.memref_slice %arg10[%add3A_179] : memref<49152xf32, #tpu.memory_space<vmem>> -> memref<1536xf32, #tpu.memory_space<vmem>>
      %dma_wait3A_181 = arith.constant 0 : i32
      %dma_wait3A_182 = tpu.memref_slice %arg2[%dma_wait3A_181] : memref<4800000xf32, #tpu.memory_space<hbm>> -> memref<1536xf32, #tpu.memory_space<hbm>>
      %dma_wait3A_183 = tpu.memref_slice %arg10[%add3A_179] : memref<49152xf32, #tpu.memory_space<vmem>> -> memref<1536xf32, #tpu.memory_space<vmem>>
      %dma_wait3A_184 = arith.constant 0 : i32
      %dma_wait3A_185 = tpu.memref_slice %arg2[%dma_wait3A_184] : memref<4800000xf32, #tpu.memory_space<hbm>> -> memref<1536xf32, #tpu.memory_space<hbm>>
      tpu.wait_dma2 semaphore(%arg14 : memref<!tpu.dma_semaphore, #tpu.memory_space<semaphore_mem>>) src(%dma_wait3A_185 : memref<1536xf32, #tpu.memory_space<hbm>>) dst(%dma_wait3A_183 : memref<1536xf32, #tpu.memory_space<vmem>>)
      %add3A_186 = arith.constant 2560 : i32
      %add3A_187 = arith.addi %mul3A_99, %add3A_186 : i32
      %dma_wait3A_188 = tpu.memref_slice %arg9[%add3A_187] : memref<16384xi32, #tpu.memory_space<vmem>> -> memref<512xi32, #tpu.memory_space<vmem>>
      %dma_wait3A_189 = arith.constant 0 : i32
      %dma_wait3A_190 = tpu.memref_slice %arg3[%dma_wait3A_189] : memref<1600000xi32, #tpu.memory_space<hbm>> -> memref<512xi32, #tpu.memory_space<hbm>>
      %dma_wait3A_191 = tpu.memref_slice %arg9[%add3A_187] : memref<16384xi32, #tpu.memory_space<vmem>> -> memref<512xi32, #tpu.memory_space<vmem>>
      %dma_wait3A_192 = arith.constant 0 : i32
      %dma_wait3A_193 = tpu.memref_slice %arg3[%dma_wait3A_192] : memref<1600000xi32, #tpu.memory_space<hbm>> -> memref<512xi32, #tpu.memory_space<hbm>>
      tpu.wait_dma2 semaphore(%arg13 : memref<!tpu.dma_semaphore, #tpu.memory_space<semaphore_mem>>) src(%dma_wait3A_193 : memref<512xi32, #tpu.memory_space<hbm>>) dst(%dma_wait3A_191 : memref<512xi32, #tpu.memory_space<vmem>>)
      %add3A_194 = arith.constant 7680 : i32
      %add3A_195 = arith.addi %mul3A_101, %add3A_194 : i32
      %dma_wait3A_196 = tpu.memref_slice %arg10[%add3A_195] : memref<49152xf32, #tpu.memory_space<vmem>> -> memref<1536xf32, #tpu.memory_space<vmem>>
      %dma_wait3A_197 = arith.constant 0 : i32
      %dma_wait3A_198 = tpu.memref_slice %arg2[%dma_wait3A_197] : memref<4800000xf32, #tpu.memory_space<hbm>> -> memref<1536xf32, #tpu.memory_space<hbm>>
      %dma_wait3A_199 = tpu.memref_slice %arg10[%add3A_195] : memref<49152xf32, #tpu.memory_space<vmem>> -> memref<1536xf32, #tpu.memory_space<vmem>>
      %dma_wait3A_200 = arith.constant 0 : i32
      %dma_wait3A_201 = tpu.memref_slice %arg2[%dma_wait3A_200] : memref<4800000xf32, #tpu.memory_space<hbm>> -> memref<1536xf32, #tpu.memory_space<hbm>>
      tpu.wait_dma2 semaphore(%arg14 : memref<!tpu.dma_semaphore, #tpu.memory_space<semaphore_mem>>) src(%dma_wait3A_201 : memref<1536xf32, #tpu.memory_space<hbm>>) dst(%dma_wait3A_199 : memref<1536xf32, #tpu.memory_space<vmem>>)
      %add3A_202 = arith.constant 3072 : i32
      %add3A_203 = arith.addi %mul3A_99, %add3A_202 : i32
      %dma_wait3A_204 = tpu.memref_slice %arg9[%add3A_203] : memref<16384xi32, #tpu.memory_space<vmem>> -> memref<512xi32, #tpu.memory_space<vmem>>
      %dma_wait3A_205 = arith.constant 0 : i32
      %dma_wait3A_206 = tpu.memref_slice %arg3[%dma_wait3A_205] : memref<1600000xi32, #tpu.memory_space<hbm>> -> memref<512xi32, #tpu.memory_space<hbm>>
      %dma_wait3A_207 = tpu.memref_slice %arg9[%add3A_203] : memref<16384xi32, #tpu.memory_space<vmem>> -> memref<512xi32, #tpu.memory_space<vmem>>
      %dma_wait3A_208 = arith.constant 0 : i32
      %dma_wait3A_209 = tpu.memref_slice %arg3[%dma_wait3A_208] : memref<1600000xi32, #tpu.memory_space<hbm>> -> memref<512xi32, #tpu.memory_space<hbm>>
      tpu.wait_dma2 semaphore(%arg13 : memref<!tpu.dma_semaphore, #tpu.memory_space<semaphore_mem>>) src(%dma_wait3A_209 : memref<512xi32, #tpu.memory_space<hbm>>) dst(%dma_wait3A_207 : memref<512xi32, #tpu.memory_space<vmem>>)
      %add3A_210 = arith.constant 9216 : i32
      %add3A_211 = arith.addi %mul3A_101, %add3A_210 : i32
      %dma_wait3A_212 = tpu.memref_slice %arg10[%add3A_211] : memref<49152xf32, #tpu.memory_space<vmem>> -> memref<1536xf32, #tpu.memory_space<vmem>>
      %dma_wait3A_213 = arith.constant 0 : i32
      %dma_wait3A_214 = tpu.memref_slice %arg2[%dma_wait3A_213] : memref<4800000xf32, #tpu.memory_space<hbm>> -> memref<1536xf32, #tpu.memory_space<hbm>>
      %dma_wait3A_215 = tpu.memref_slice %arg10[%add3A_211] : memref<49152xf32, #tpu.memory_space<vmem>> -> memref<1536xf32, #tpu.memory_space<vmem>>
      %dma_wait3A_216 = arith.constant 0 : i32
      %dma_wait3A_217 = tpu.memref_slice %arg2[%dma_wait3A_216] : memref<4800000xf32, #tpu.memory_space<hbm>> -> memref<1536xf32, #tpu.memory_space<hbm>>
      tpu.wait_dma2 semaphore(%arg14 : memref<!tpu.dma_semaphore, #tpu.memory_space<semaphore_mem>>) src(%dma_wait3A_217 : memref<1536xf32, #tpu.memory_space<hbm>>) dst(%dma_wait3A_215 : memref<1536xf32, #tpu.memory_space<vmem>>)
      %add3A_218 = arith.constant 3584 : i32
      %add3A_219 = arith.addi %mul3A_99, %add3A_218 : i32
      %dma_wait3A_220 = tpu.memref_slice %arg9[%add3A_219] : memref<16384xi32, #tpu.memory_space<vmem>> -> memref<512xi32, #tpu.memory_space<vmem>>
      %dma_wait3A_221 = arith.constant 0 : i32
      %dma_wait3A_222 = tpu.memref_slice %arg3[%dma_wait3A_221] : memref<1600000xi32, #tpu.memory_space<hbm>> -> memref<512xi32, #tpu.memory_space<hbm>>
      %dma_wait3A_223 = tpu.memref_slice %arg9[%add3A_219] : memref<16384xi32, #tpu.memory_space<vmem>> -> memref<512xi32, #tpu.memory_space<vmem>>
      %dma_wait3A_224 = arith.constant 0 : i32
      %dma_wait3A_225 = tpu.memref_slice %arg3[%dma_wait3A_224] : memref<1600000xi32, #tpu.memory_space<hbm>> -> memref<512xi32, #tpu.memory_space<hbm>>
      tpu.wait_dma2 semaphore(%arg13 : memref<!tpu.dma_semaphore, #tpu.memory_space<semaphore_mem>>) src(%dma_wait3A_225 : memref<512xi32, #tpu.memory_space<hbm>>) dst(%dma_wait3A_223 : memref<512xi32, #tpu.memory_space<vmem>>)
      %add3A_226 = arith.constant 10752 : i32
      %add3A_227 = arith.addi %mul3A_101, %add3A_226 : i32
      %dma_wait3A_228 = tpu.memref_slice %arg10[%add3A_227] : memref<49152xf32, #tpu.memory_space<vmem>> -> memref<1536xf32, #tpu.memory_space<vmem>>
      %dma_wait3A_229 = arith.constant 0 : i32
      %dma_wait3A_230 = tpu.memref_slice %arg2[%dma_wait3A_229] : memref<4800000xf32, #tpu.memory_space<hbm>> -> memref<1536xf32, #tpu.memory_space<hbm>>
      %dma_wait3A_231 = tpu.memref_slice %arg10[%add3A_227] : memref<49152xf32, #tpu.memory_space<vmem>> -> memref<1536xf32, #tpu.memory_space<vmem>>
      %dma_wait3A_232 = arith.constant 0 : i32
      %dma_wait3A_233 = tpu.memref_slice %arg2[%dma_wait3A_232] : memref<4800000xf32, #tpu.memory_space<hbm>> -> memref<1536xf32, #tpu.memory_space<hbm>>
      tpu.wait_dma2 semaphore(%arg14 : memref<!tpu.dma_semaphore, #tpu.memory_space<semaphore_mem>>) src(%dma_wait3A_233 : memref<1536xf32, #tpu.memory_space<hbm>>) dst(%dma_wait3A_231 : memref<1536xf32, #tpu.memory_space<vmem>>)
      %add3A_234 = arith.constant 4096 : i32
      %add3A_235 = arith.addi %mul3A_99, %add3A_234 : i32
      %dma_wait3A_236 = tpu.memref_slice %arg9[%add3A_235] : memref<16384xi32, #tpu.memory_space<vmem>> -> memref<512xi32, #tpu.memory_space<vmem>>
      %dma_wait3A_237 = arith.constant 0 : i32
      %dma_wait3A_238 = tpu.memref_slice %arg3[%dma_wait3A_237] : memref<1600000xi32, #tpu.memory_space<hbm>> -> memref<512xi32, #tpu.memory_space<hbm>>
      %dma_wait3A_239 = tpu.memref_slice %arg9[%add3A_235] : memref<16384xi32, #tpu.memory_space<vmem>> -> memref<512xi32, #tpu.memory_space<vmem>>
      %dma_wait3A_240 = arith.constant 0 : i32
      %dma_wait3A_241 = tpu.memref_slice %arg3[%dma_wait3A_240] : memref<1600000xi32, #tpu.memory_space<hbm>> -> memref<512xi32, #tpu.memory_space<hbm>>
      tpu.wait_dma2 semaphore(%arg13 : memref<!tpu.dma_semaphore, #tpu.memory_space<semaphore_mem>>) src(%dma_wait3A_241 : memref<512xi32, #tpu.memory_space<hbm>>) dst(%dma_wait3A_239 : memref<512xi32, #tpu.memory_space<vmem>>)
      %add3A_242 = arith.constant 12288 : i32
      %add3A_243 = arith.addi %mul3A_101, %add3A_242 : i32
      %dma_wait3A_244 = tpu.memref_slice %arg10[%add3A_243] : memref<49152xf32, #tpu.memory_space<vmem>> -> memref<1536xf32, #tpu.memory_space<vmem>>
      %dma_wait3A_245 = arith.constant 0 : i32
      %dma_wait3A_246 = tpu.memref_slice %arg2[%dma_wait3A_245] : memref<4800000xf32, #tpu.memory_space<hbm>> -> memref<1536xf32, #tpu.memory_space<hbm>>
      %dma_wait3A_247 = tpu.memref_slice %arg10[%add3A_243] : memref<49152xf32, #tpu.memory_space<vmem>> -> memref<1536xf32, #tpu.memory_space<vmem>>
      %dma_wait3A_248 = arith.constant 0 : i32
      %dma_wait3A_249 = tpu.memref_slice %arg2[%dma_wait3A_248] : memref<4800000xf32, #tpu.memory_space<hbm>> -> memref<1536xf32, #tpu.memory_space<hbm>>
      tpu.wait_dma2 semaphore(%arg14 : memref<!tpu.dma_semaphore, #tpu.memory_space<semaphore_mem>>) src(%dma_wait3A_249 : memref<1536xf32, #tpu.memory_space<hbm>>) dst(%dma_wait3A_247 : memref<1536xf32, #tpu.memory_space<vmem>>)
      %add3A_250 = arith.constant 4608 : i32
      %add3A_251 = arith.addi %mul3A_99, %add3A_250 : i32
      %dma_wait3A_252 = tpu.memref_slice %arg9[%add3A_251] : memref<16384xi32, #tpu.memory_space<vmem>> -> memref<512xi32, #tpu.memory_space<vmem>>
      %dma_wait3A_253 = arith.constant 0 : i32
      %dma_wait3A_254 = tpu.memref_slice %arg3[%dma_wait3A_253] : memref<1600000xi32, #tpu.memory_space<hbm>> -> memref<512xi32, #tpu.memory_space<hbm>>
      %dma_wait3A_255 = tpu.memref_slice %arg9[%add3A_251] : memref<16384xi32, #tpu.memory_space<vmem>> -> memref<512xi32, #tpu.memory_space<vmem>>
      %dma_wait3A_256 = arith.constant 0 : i32
      %dma_wait3A_257 = tpu.memref_slice %arg3[%dma_wait3A_256] : memref<1600000xi32, #tpu.memory_space<hbm>> -> memref<512xi32, #tpu.memory_space<hbm>>
      tpu.wait_dma2 semaphore(%arg13 : memref<!tpu.dma_semaphore, #tpu.memory_space<semaphore_mem>>) src(%dma_wait3A_257 : memref<512xi32, #tpu.memory_space<hbm>>) dst(%dma_wait3A_255 : memref<512xi32, #tpu.memory_space<vmem>>)
      %add3A_258 = arith.constant 13824 : i32
      %add3A_259 = arith.addi %mul3A_101, %add3A_258 : i32
      %dma_wait3A_260 = tpu.memref_slice %arg10[%add3A_259] : memref<49152xf32, #tpu.memory_space<vmem>> -> memref<1536xf32, #tpu.memory_space<vmem>>
      %dma_wait3A_261 = arith.constant 0 : i32
      %dma_wait3A_262 = tpu.memref_slice %arg2[%dma_wait3A_261] : memref<4800000xf32, #tpu.memory_space<hbm>> -> memref<1536xf32, #tpu.memory_space<hbm>>
      %dma_wait3A_263 = tpu.memref_slice %arg10[%add3A_259] : memref<49152xf32, #tpu.memory_space<vmem>> -> memref<1536xf32, #tpu.memory_space<vmem>>
      %dma_wait3A_264 = arith.constant 0 : i32
      %dma_wait3A_265 = tpu.memref_slice %arg2[%dma_wait3A_264] : memref<4800000xf32, #tpu.memory_space<hbm>> -> memref<1536xf32, #tpu.memory_space<hbm>>
      tpu.wait_dma2 semaphore(%arg14 : memref<!tpu.dma_semaphore, #tpu.memory_space<semaphore_mem>>) src(%dma_wait3A_265 : memref<1536xf32, #tpu.memory_space<hbm>>) dst(%dma_wait3A_263 : memref<1536xf32, #tpu.memory_space<vmem>>)
      %add3A_266 = arith.constant 5120 : i32
      %add3A_267 = arith.addi %mul3A_99, %add3A_266 : i32
      %dma_wait3A_268 = tpu.memref_slice %arg9[%add3A_267] : memref<16384xi32, #tpu.memory_space<vmem>> -> memref<512xi32, #tpu.memory_space<vmem>>
      %dma_wait3A_269 = arith.constant 0 : i32
      %dma_wait3A_270 = tpu.memref_slice %arg3[%dma_wait3A_269] : memref<1600000xi32, #tpu.memory_space<hbm>> -> memref<512xi32, #tpu.memory_space<hbm>>
      %dma_wait3A_271 = tpu.memref_slice %arg9[%add3A_267] : memref<16384xi32, #tpu.memory_space<vmem>> -> memref<512xi32, #tpu.memory_space<vmem>>
      %dma_wait3A_272 = arith.constant 0 : i32
      %dma_wait3A_273 = tpu.memref_slice %arg3[%dma_wait3A_272] : memref<1600000xi32, #tpu.memory_space<hbm>> -> memref<512xi32, #tpu.memory_space<hbm>>
      tpu.wait_dma2 semaphore(%arg13 : memref<!tpu.dma_semaphore, #tpu.memory_space<semaphore_mem>>) src(%dma_wait3A_273 : memref<512xi32, #tpu.memory_space<hbm>>) dst(%dma_wait3A_271 : memref<512xi32, #tpu.memory_space<vmem>>)
      %add3A_274 = arith.constant 15360 : i32
      %add3A_275 = arith.addi %mul3A_101, %add3A_274 : i32
      %dma_wait3A_276 = tpu.memref_slice %arg10[%add3A_275] : memref<49152xf32, #tpu.memory_space<vmem>> -> memref<1536xf32, #tpu.memory_space<vmem>>
      %dma_wait3A_277 = arith.constant 0 : i32
      %dma_wait3A_278 = tpu.memref_slice %arg2[%dma_wait3A_277] : memref<4800000xf32, #tpu.memory_space<hbm>> -> memref<1536xf32, #tpu.memory_space<hbm>>
      %dma_wait3A_279 = tpu.memref_slice %arg10[%add3A_275] : memref<49152xf32, #tpu.memory_space<vmem>> -> memref<1536xf32, #tpu.memory_space<vmem>>
      %dma_wait3A_280 = arith.constant 0 : i32
      %dma_wait3A_281 = tpu.memref_slice %arg2[%dma_wait3A_280] : memref<4800000xf32, #tpu.memory_space<hbm>> -> memref<1536xf32, #tpu.memory_space<hbm>>
      tpu.wait_dma2 semaphore(%arg14 : memref<!tpu.dma_semaphore, #tpu.memory_space<semaphore_mem>>) src(%dma_wait3A_281 : memref<1536xf32, #tpu.memory_space<hbm>>) dst(%dma_wait3A_279 : memref<1536xf32, #tpu.memory_space<vmem>>)
      %add3A_282 = arith.constant 5632 : i32
      %add3A_283 = arith.addi %mul3A_99, %add3A_282 : i32
      %dma_wait3A_284 = tpu.memref_slice %arg9[%add3A_283] : memref<16384xi32, #tpu.memory_space<vmem>> -> memref<512xi32, #tpu.memory_space<vmem>>
      %dma_wait3A_285 = arith.constant 0 : i32
      %dma_wait3A_286 = tpu.memref_slice %arg3[%dma_wait3A_285] : memref<1600000xi32, #tpu.memory_space<hbm>> -> memref<512xi32, #tpu.memory_space<hbm>>
      %dma_wait3A_287 = tpu.memref_slice %arg9[%add3A_283] : memref<16384xi32, #tpu.memory_space<vmem>> -> memref<512xi32, #tpu.memory_space<vmem>>
      %dma_wait3A_288 = arith.constant 0 : i32
      %dma_wait3A_289 = tpu.memref_slice %arg3[%dma_wait3A_288] : memref<1600000xi32, #tpu.memory_space<hbm>> -> memref<512xi32, #tpu.memory_space<hbm>>
      tpu.wait_dma2 semaphore(%arg13 : memref<!tpu.dma_semaphore, #tpu.memory_space<semaphore_mem>>) src(%dma_wait3A_289 : memref<512xi32, #tpu.memory_space<hbm>>) dst(%dma_wait3A_287 : memref<512xi32, #tpu.memory_space<vmem>>)
      %add3A_290 = arith.constant 16896 : i32
      %add3A_291 = arith.addi %mul3A_101, %add3A_290 : i32
      %dma_wait3A_292 = tpu.memref_slice %arg10[%add3A_291] : memref<49152xf32, #tpu.memory_space<vmem>> -> memref<1536xf32, #tpu.memory_space<vmem>>
      %dma_wait3A_293 = arith.constant 0 : i32
      %dma_wait3A_294 = tpu.memref_slice %arg2[%dma_wait3A_293] : memref<4800000xf32, #tpu.memory_space<hbm>> -> memref<1536xf32, #tpu.memory_space<hbm>>
      %dma_wait3A_295 = tpu.memref_slice %arg10[%add3A_291] : memref<49152xf32, #tpu.memory_space<vmem>> -> memref<1536xf32, #tpu.memory_space<vmem>>
      %dma_wait3A_296 = arith.constant 0 : i32
      %dma_wait3A_297 = tpu.memref_slice %arg2[%dma_wait3A_296] : memref<4800000xf32, #tpu.memory_space<hbm>> -> memref<1536xf32, #tpu.memory_space<hbm>>
      tpu.wait_dma2 semaphore(%arg14 : memref<!tpu.dma_semaphore, #tpu.memory_space<semaphore_mem>>) src(%dma_wait3A_297 : memref<1536xf32, #tpu.memory_space<hbm>>) dst(%dma_wait3A_295 : memref<1536xf32, #tpu.memory_space<vmem>>)
      %add3A_298 = arith.constant 6144 : i32
      %add3A_299 = arith.addi %mul3A_99, %add3A_298 : i32
      %dma_wait3A_300 = tpu.memref_slice %arg9[%add3A_299] : memref<16384xi32, #tpu.memory_space<vmem>> -> memref<512xi32, #tpu.memory_space<vmem>>
      %dma_wait3A_301 = arith.constant 0 : i32
      %dma_wait3A_302 = tpu.memref_slice %arg3[%dma_wait3A_301] : memref<1600000xi32, #tpu.memory_space<hbm>> -> memref<512xi32, #tpu.memory_space<hbm>>
      %dma_wait3A_303 = tpu.memref_slice %arg9[%add3A_299] : memref<16384xi32, #tpu.memory_space<vmem>> -> memref<512xi32, #tpu.memory_space<vmem>>
      %dma_wait3A_304 = arith.constant 0 : i32
      %dma_wait3A_305 = tpu.memref_slice %arg3[%dma_wait3A_304] : memref<1600000xi32, #tpu.memory_space<hbm>> -> memref<512xi32, #tpu.memory_space<hbm>>
      tpu.wait_dma2 semaphore(%arg13 : memref<!tpu.dma_semaphore, #tpu.memory_space<semaphore_mem>>) src(%dma_wait3A_305 : memref<512xi32, #tpu.memory_space<hbm>>) dst(%dma_wait3A_303 : memref<512xi32, #tpu.memory_space<vmem>>)
      %add3A_306 = arith.constant 18432 : i32
      %add3A_307 = arith.addi %mul3A_101, %add3A_306 : i32
      %dma_wait3A_308 = tpu.memref_slice %arg10[%add3A_307] : memref<49152xf32, #tpu.memory_space<vmem>> -> memref<1536xf32, #tpu.memory_space<vmem>>
      %dma_wait3A_309 = arith.constant 0 : i32
      %dma_wait3A_310 = tpu.memref_slice %arg2[%dma_wait3A_309] : memref<4800000xf32, #tpu.memory_space<hbm>> -> memref<1536xf32, #tpu.memory_space<hbm>>
      %dma_wait3A_311 = tpu.memref_slice %arg10[%add3A_307] : memref<49152xf32, #tpu.memory_space<vmem>> -> memref<1536xf32, #tpu.memory_space<vmem>>
      %dma_wait3A_312 = arith.constant 0 : i32
      %dma_wait3A_313 = tpu.memref_slice %arg2[%dma_wait3A_312] : memref<4800000xf32, #tpu.memory_space<hbm>> -> memref<1536xf32, #tpu.memory_space<hbm>>
      tpu.wait_dma2 semaphore(%arg14 : memref<!tpu.dma_semaphore, #tpu.memory_space<semaphore_mem>>) src(%dma_wait3A_313 : memref<1536xf32, #tpu.memory_space<hbm>>) dst(%dma_wait3A_311 : memref<1536xf32, #tpu.memory_space<vmem>>)
      %add3A_314 = arith.constant 6656 : i32
      %add3A_315 = arith.addi %mul3A_99, %add3A_314 : i32
      %dma_wait3A_316 = tpu.memref_slice %arg9[%add3A_315] : memref<16384xi32, #tpu.memory_space<vmem>> -> memref<512xi32, #tpu.memory_space<vmem>>
      %dma_wait3A_317 = arith.constant 0 : i32
      %dma_wait3A_318 = tpu.memref_slice %arg3[%dma_wait3A_317] : memref<1600000xi32, #tpu.memory_space<hbm>> -> memref<512xi32, #tpu.memory_space<hbm>>
      %dma_wait3A_319 = tpu.memref_slice %arg9[%add3A_315] : memref<16384xi32, #tpu.memory_space<vmem>> -> memref<512xi32, #tpu.memory_space<vmem>>
      %dma_wait3A_320 = arith.constant 0 : i32
      %dma_wait3A_321 = tpu.memref_slice %arg3[%dma_wait3A_320] : memref<1600000xi32, #tpu.memory_space<hbm>> -> memref<512xi32, #tpu.memory_space<hbm>>
      tpu.wait_dma2 semaphore(%arg13 : memref<!tpu.dma_semaphore, #tpu.memory_space<semaphore_mem>>) src(%dma_wait3A_321 : memref<512xi32, #tpu.memory_space<hbm>>) dst(%dma_wait3A_319 : memref<512xi32, #tpu.memory_space<vmem>>)
      %add3A_322 = arith.constant 19968 : i32
      %add3A_323 = arith.addi %mul3A_101, %add3A_322 : i32
      %dma_wait3A_324 = tpu.memref_slice %arg10[%add3A_323] : memref<49152xf32, #tpu.memory_space<vmem>> -> memref<1536xf32, #tpu.memory_space<vmem>>
      %dma_wait3A_325 = arith.constant 0 : i32
      %dma_wait3A_326 = tpu.memref_slice %arg2[%dma_wait3A_325] : memref<4800000xf32, #tpu.memory_space<hbm>> -> memref<1536xf32, #tpu.memory_space<hbm>>
      %dma_wait3A_327 = tpu.memref_slice %arg10[%add3A_323] : memref<49152xf32, #tpu.memory_space<vmem>> -> memref<1536xf32, #tpu.memory_space<vmem>>
      %dma_wait3A_328 = arith.constant 0 : i32
      %dma_wait3A_329 = tpu.memref_slice %arg2[%dma_wait3A_328] : memref<4800000xf32, #tpu.memory_space<hbm>> -> memref<1536xf32, #tpu.memory_space<hbm>>
      tpu.wait_dma2 semaphore(%arg14 : memref<!tpu.dma_semaphore, #tpu.memory_space<semaphore_mem>>) src(%dma_wait3A_329 : memref<1536xf32, #tpu.memory_space<hbm>>) dst(%dma_wait3A_327 : memref<1536xf32, #tpu.memory_space<vmem>>)
      %add3A_330 = arith.constant 7168 : i32
      %add3A_331 = arith.addi %mul3A_99, %add3A_330 : i32
      %dma_wait3A_332 = tpu.memref_slice %arg9[%add3A_331] : memref<16384xi32, #tpu.memory_space<vmem>> -> memref<512xi32, #tpu.memory_space<vmem>>
      %dma_wait3A_333 = arith.constant 0 : i32
      %dma_wait3A_334 = tpu.memref_slice %arg3[%dma_wait3A_333] : memref<1600000xi32, #tpu.memory_space<hbm>> -> memref<512xi32, #tpu.memory_space<hbm>>
      %dma_wait3A_335 = tpu.memref_slice %arg9[%add3A_331] : memref<16384xi32, #tpu.memory_space<vmem>> -> memref<512xi32, #tpu.memory_space<vmem>>
      %dma_wait3A_336 = arith.constant 0 : i32
      %dma_wait3A_337 = tpu.memref_slice %arg3[%dma_wait3A_336] : memref<1600000xi32, #tpu.memory_space<hbm>> -> memref<512xi32, #tpu.memory_space<hbm>>
      tpu.wait_dma2 semaphore(%arg13 : memref<!tpu.dma_semaphore, #tpu.memory_space<semaphore_mem>>) src(%dma_wait3A_337 : memref<512xi32, #tpu.memory_space<hbm>>) dst(%dma_wait3A_335 : memref<512xi32, #tpu.memory_space<vmem>>)
      %add3A_338 = arith.constant 21504 : i32
      %add3A_339 = arith.addi %mul3A_101, %add3A_338 : i32
      %dma_wait3A_340 = tpu.memref_slice %arg10[%add3A_339] : memref<49152xf32, #tpu.memory_space<vmem>> -> memref<1536xf32, #tpu.memory_space<vmem>>
      %dma_wait3A_341 = arith.constant 0 : i32
      %dma_wait3A_342 = tpu.memref_slice %arg2[%dma_wait3A_341] : memref<4800000xf32, #tpu.memory_space<hbm>> -> memref<1536xf32, #tpu.memory_space<hbm>>
      %dma_wait3A_343 = tpu.memref_slice %arg10[%add3A_339] : memref<49152xf32, #tpu.memory_space<vmem>> -> memref<1536xf32, #tpu.memory_space<vmem>>
      %dma_wait3A_344 = arith.constant 0 : i32
      %dma_wait3A_345 = tpu.memref_slice %arg2[%dma_wait3A_344] : memref<4800000xf32, #tpu.memory_space<hbm>> -> memref<1536xf32, #tpu.memory_space<hbm>>
      tpu.wait_dma2 semaphore(%arg14 : memref<!tpu.dma_semaphore, #tpu.memory_space<semaphore_mem>>) src(%dma_wait3A_345 : memref<1536xf32, #tpu.memory_space<hbm>>) dst(%dma_wait3A_343 : memref<1536xf32, #tpu.memory_space<vmem>>)
      %add3A_346 = arith.constant 7680 : i32
      %add3A_347 = arith.addi %mul3A_99, %add3A_346 : i32
      %dma_wait3A_348 = tpu.memref_slice %arg9[%add3A_347] : memref<16384xi32, #tpu.memory_space<vmem>> -> memref<512xi32, #tpu.memory_space<vmem>>
      %dma_wait3A_349 = arith.constant 0 : i32
      %dma_wait3A_350 = tpu.memref_slice %arg3[%dma_wait3A_349] : memref<1600000xi32, #tpu.memory_space<hbm>> -> memref<512xi32, #tpu.memory_space<hbm>>
      %dma_wait3A_351 = tpu.memref_slice %arg9[%add3A_347] : memref<16384xi32, #tpu.memory_space<vmem>> -> memref<512xi32, #tpu.memory_space<vmem>>
      %dma_wait3A_352 = arith.constant 0 : i32
      %dma_wait3A_353 = tpu.memref_slice %arg3[%dma_wait3A_352] : memref<1600000xi32, #tpu.memory_space<hbm>> -> memref<512xi32, #tpu.memory_space<hbm>>
      tpu.wait_dma2 semaphore(%arg13 : memref<!tpu.dma_semaphore, #tpu.memory_space<semaphore_mem>>) src(%dma_wait3A_353 : memref<512xi32, #tpu.memory_space<hbm>>) dst(%dma_wait3A_351 : memref<512xi32, #tpu.memory_space<vmem>>)
      %add3A_354 = arith.constant 23040 : i32
      %add3A_355 = arith.addi %mul3A_101, %add3A_354 : i32
      %dma_wait3A_356 = tpu.memref_slice %arg10[%add3A_355] : memref<49152xf32, #tpu.memory_space<vmem>> -> memref<1536xf32, #tpu.memory_space<vmem>>
      %dma_wait3A_357 = arith.constant 0 : i32
      %dma_wait3A_358 = tpu.memref_slice %arg2[%dma_wait3A_357] : memref<4800000xf32, #tpu.memory_space<hbm>> -> memref<1536xf32, #tpu.memory_space<hbm>>
      %dma_wait3A_359 = tpu.memref_slice %arg10[%add3A_355] : memref<49152xf32, #tpu.memory_space<vmem>> -> memref<1536xf32, #tpu.memory_space<vmem>>
      %dma_wait3A_360 = arith.constant 0 : i32
      %dma_wait3A_361 = tpu.memref_slice %arg2[%dma_wait3A_360] : memref<4800000xf32, #tpu.memory_space<hbm>> -> memref<1536xf32, #tpu.memory_space<hbm>>
      tpu.wait_dma2 semaphore(%arg14 : memref<!tpu.dma_semaphore, #tpu.memory_space<semaphore_mem>>) src(%dma_wait3A_361 : memref<1536xf32, #tpu.memory_space<hbm>>) dst(%dma_wait3A_359 : memref<1536xf32, #tpu.memory_space<vmem>>)
      %add3A_362 = vector.broadcast %mul3A_95 : i32 to vector<16xi32>
      %add3A_363 = arith.addi %and3A_11, %add3A_362 : vector<16xi32>
      %min3A = arith.constant 1599488 : i32
      %min3A_364 = vector.broadcast %min3A : i32 to vector<16xi32>
      %min3A_365 = arith.minsi %add3A_363, %min3A_364 : vector<16xi32>
      %add3A_366 = vector.broadcast %mul3A_95 : i32 to vector<16xi32>
      %add3A_367 = arith.addi %and3A_11, %add3A_366 : vector<16xi32>
      %max3A = arith.maxsi %gather3A, %add3A_367 : vector<16xi32>
      %scan3A_368 = arith.constant 0 : i32
      %scan3A_369 = arith.constant 0 : i32
      %scan3A_370 = arith.constant 512 : i32
      %scan3A_371 = arith.addi %scan3A_369, %scan3A_370 : i32
      %scan3A_372 = arith.constant 4 : i32
      scf.for %scan3A_374 = %scan3A_369 to %scan3A_371 step %scan3A_372  : i32 {
        %add3A_375 = vector.broadcast %mul3A_99 : i32 to vector<16xi32>
        %add3A_376 = arith.addi %add3A_375, %mul3A_51 : vector<16xi32>
        %add3A_377 = vector.broadcast %scan3A_374 : i32 to vector<16xi32>
        %add3A_378 = arith.addi %add3A_376, %add3A_377 : vector<16xi32>
        %gather3A_379 = tpu.vector_load_idx %arg9[%add3A_378] : memref<16384xi32, #tpu.memory_space<vmem>>[vector<16xi32>], vector<16xi32>,
        %add3A_380 = vector.broadcast %scan3A_374 : i32 to vector<16xi32>
        %add3A_381 = arith.addi %min3A_365, %add3A_380 : vector<16xi32>
        %ge3A = arith.cmpi sge, %add3A_381, %max3A : vector<16xi32>
        %lt3A_382 = arith.cmpi slt, %add3A_381, %gather3A_9 : vector<16xi32>
        %and3A_383 = arith.andi %ge3A, %lt3A_382 : vector<16xi1>
        %sub3A_384 = arith.subi %gather3A_379, %mul3A_16 : vector<16xi32>
        %jit3A_385 = arith.constant 0 : i32
        %jit3A_386 = arith.constant 195 : i32
        %max3A_387 = vector.broadcast %jit3A_385 : i32 to vector<16xi32>
        %max3A_388 = arith.maxsi %max3A_387, %sub3A_384 : vector<16xi32>
        %min3A_389 = vector.broadcast %jit3A_386 : i32 to vector<16xi32>
        %min3A_390 = arith.minsi %min3A_389, %max3A_388 : vector<16xi32>
        %mul3A_391 = arith.constant 64 : i32
        %mul3A_392 = vector.broadcast %mul3A_391 : i32 to vector<16xi32>
        %mul3A_393 = arith.muli %min3A_390, %mul3A_392 : vector<16xi32>
        %add3A_394 = arith.addi %mul3A_393, %iota3A : vector<16xi32>
        %add3A_395 = vector.broadcast %mul3A_101 : i32 to vector<16xi32>
        %add3A_396 = arith.addi %add3A_395, %mul3A_54 : vector<16xi32>
        %mul3A_397 = arith.constant 3 : i32
        %mul3A_398 = arith.muli %scan3A_374, %mul3A_397 : i32
        %add3A_399 = vector.broadcast %mul3A_398 : i32 to vector<16xi32>
        %add3A_400 = arith.addi %add3A_396, %add3A_399 : vector<16xi32>
        %gather3A_401 = tpu.vector_load_idx %arg10[%add3A_400] : memref<49152xf32, #tpu.memory_space<vmem>>[vector<16xi32>], vector<16xf32>,
        %add3A_402 = arith.constant 1 : i32
        %add3A_403 = vector.broadcast %add3A_402 : i32 to vector<16xi32>
        %add3A_404 = arith.addi %add3A_400, %add3A_403 : vector<16xi32>
        %gather3A_405 = tpu.vector_load_idx %arg10[%add3A_404] : memref<49152xf32, #tpu.memory_space<vmem>>[vector<16xi32>], vector<16xf32>,
        %add3A_406 = arith.constant 2 : i32
        %add3A_407 = vector.broadcast %add3A_406 : i32 to vector<16xi32>
        %add3A_408 = arith.addi %add3A_400, %add3A_407 : vector<16xi32>
        %gather3A_409 = tpu.vector_load_idx %arg10[%add3A_408] : memref<49152xf32, #tpu.memory_space<vmem>>[vector<16xi32>], vector<16xf32>,
        %broadcast_in_dim3A = arith.constant 0.000000e+00 : f32
        %broadcast_in_dim3A_410 = vector.broadcast %broadcast_in_dim3A : f32 to vector<16xf32>
        %select_n3A_411 = arith.select %and3A_383, %gather3A_401, %broadcast_in_dim3A_410 : vector<16xi1>, vector<16xf32>
        tpu.vector_store_idx %arg11[%add3A_394], %select_n3A_411 {add = true} : memref<12544xf32, #tpu.memory_space<vmem>>[vector<16xi32>], vector<16xf32>,
        %add3A_412 = arith.constant 16 : i32
        %add3A_413 = vector.broadcast %add3A_412 : i32 to vector<16xi32>
        %add3A_414 = arith.addi %add3A_394, %add3A_413 : vector<16xi32>
        %select_n3A_415 = arith.select %and3A_383, %gather3A_405, %broadcast_in_dim3A_410 : vector<16xi1>, vector<16xf32>
        tpu.vector_store_idx %arg11[%add3A_414], %select_n3A_415 {add = true} : memref<12544xf32, #tpu.memory_space<vmem>>[vector<16xi32>], vector<16xf32>,
        %add3A_416 = arith.constant 32 : i32
        %add3A_417 = vector.broadcast %add3A_416 : i32 to vector<16xi32>
        %add3A_418 = arith.addi %add3A_394, %add3A_417 : vector<16xi32>
        %select_n3A_419 = arith.select %and3A_383, %gather3A_409, %broadcast_in_dim3A_410 : vector<16xi1>, vector<16xf32>
        tpu.vector_store_idx %arg11[%add3A_418], %select_n3A_419 {add = true} : memref<12544xf32, #tpu.memory_space<vmem>>[vector<16xi32>], vector<16xf32>,
        %add3A_420 = arith.constant 48 : i32
        %add3A_421 = vector.broadcast %add3A_420 : i32 to vector<16xi32>
        %add3A_422 = arith.addi %add3A_394, %add3A_421 : vector<16xi32>
        %broadcast_in_dim3A_423 = arith.constant 1.000000e+00 : f32
        %broadcast_in_dim3A_424 = vector.broadcast %broadcast_in_dim3A_423 : f32 to vector<16xf32>
        %select_n3A_425 = arith.select %and3A_383, %broadcast_in_dim3A_424, %broadcast_in_dim3A_410 : vector<16xi1>, vector<16xf32>
        tpu.vector_store_idx %arg11[%add3A_422], %select_n3A_425 {add = true} : memref<12544xf32, #tpu.memory_space<vmem>>[vector<16xi32>], vector<16xf32>,
        %scan3A_426 = arith.constant 1 : i32
        %scan3A_427 = arith.addi %scan3A_374, %scan3A_426 : i32
        %add3A_428 = vector.broadcast %mul3A_99 : i32 to vector<16xi32>
        %add3A_429 = arith.addi %add3A_428, %mul3A_51 : vector<16xi32>
        %add3A_430 = vector.broadcast %scan3A_427 : i32 to vector<16xi32>
        %add3A_431 = arith.addi %add3A_429, %add3A_430 : vector<16xi32>
        %gather3A_432 = tpu.vector_load_idx %arg9[%add3A_431] : memref<16384xi32, #tpu.memory_space<vmem>>[vector<16xi32>], vector<16xi32>,
        %add3A_433 = vector.broadcast %scan3A_427 : i32 to vector<16xi32>
        %add3A_434 = arith.addi %min3A_365, %add3A_433 : vector<16xi32>
        %ge3A_435 = arith.cmpi sge, %add3A_434, %max3A : vector<16xi32>
        %lt3A_436 = arith.cmpi slt, %add3A_434, %gather3A_9 : vector<16xi32>
        %and3A_437 = arith.andi %ge3A_435, %lt3A_436 : vector<16xi1>
        %sub3A_438 = arith.subi %gather3A_432, %mul3A_16 : vector<16xi32>
        %jit3A_439 = arith.constant 0 : i32
        %jit3A_440 = arith.constant 195 : i32
        %max3A_441 = vector.broadcast %jit3A_439 : i32 to vector<16xi32>
        %max3A_442 = arith.maxsi %max3A_441, %sub3A_438 : vector<16xi32>
        %min3A_443 = vector.broadcast %jit3A_440 : i32 to vector<16xi32>
        %min3A_444 = arith.minsi %min3A_443, %max3A_442 : vector<16xi32>
        %mul3A_445 = arith.constant 64 : i32
        %mul3A_446 = vector.broadcast %mul3A_445 : i32 to vector<16xi32>
        %mul3A_447 = arith.muli %min3A_444, %mul3A_446 : vector<16xi32>
        %add3A_448 = arith.addi %mul3A_447, %iota3A : vector<16xi32>
        %add3A_449 = vector.broadcast %mul3A_101 : i32 to vector<16xi32>
        %add3A_450 = arith.addi %add3A_449, %mul3A_54 : vector<16xi32>
        %mul3A_451 = arith.constant 3 : i32
        %mul3A_452 = arith.muli %scan3A_427, %mul3A_451 : i32
        %add3A_453 = vector.broadcast %mul3A_452 : i32 to vector<16xi32>
        %add3A_454 = arith.addi %add3A_450, %add3A_453 : vector<16xi32>
        %gather3A_455 = tpu.vector_load_idx %arg10[%add3A_454] : memref<49152xf32, #tpu.memory_space<vmem>>[vector<16xi32>], vector<16xf32>,
        %add3A_456 = arith.constant 1 : i32
        %add3A_457 = vector.broadcast %add3A_456 : i32 to vector<16xi32>
        %add3A_458 = arith.addi %add3A_454, %add3A_457 : vector<16xi32>
        %gather3A_459 = tpu.vector_load_idx %arg10[%add3A_458] : memref<49152xf32, #tpu.memory_space<vmem>>[vector<16xi32>], vector<16xf32>,
        %add3A_460 = arith.constant 2 : i32
        %add3A_461 = vector.broadcast %add3A_460 : i32 to vector<16xi32>
        %add3A_462 = arith.addi %add3A_454, %add3A_461 : vector<16xi32>
        %gather3A_463 = tpu.vector_load_idx %arg10[%add3A_462] : memref<49152xf32, #tpu.memory_space<vmem>>[vector<16xi32>], vector<16xf32>,
        %broadcast_in_dim3A_464 = arith.constant 0.000000e+00 : f32
        %broadcast_in_dim3A_465 = vector.broadcast %broadcast_in_dim3A_464 : f32 to vector<16xf32>
        %select_n3A_466 = arith.select %and3A_437, %gather3A_455, %broadcast_in_dim3A_465 : vector<16xi1>, vector<16xf32>
        tpu.vector_store_idx %arg11[%add3A_448], %select_n3A_466 {add = true} : memref<12544xf32, #tpu.memory_space<vmem>>[vector<16xi32>], vector<16xf32>,
        %add3A_467 = arith.constant 16 : i32
        %add3A_468 = vector.broadcast %add3A_467 : i32 to vector<16xi32>
        %add3A_469 = arith.addi %add3A_448, %add3A_468 : vector<16xi32>
        %select_n3A_470 = arith.select %and3A_437, %gather3A_459, %broadcast_in_dim3A_465 : vector<16xi1>, vector<16xf32>
        tpu.vector_store_idx %arg11[%add3A_469], %select_n3A_470 {add = true} : memref<12544xf32, #tpu.memory_space<vmem>>[vector<16xi32>], vector<16xf32>,
        %add3A_471 = arith.constant 32 : i32
        %add3A_472 = vector.broadcast %add3A_471 : i32 to vector<16xi32>
        %add3A_473 = arith.addi %add3A_448, %add3A_472 : vector<16xi32>
        %select_n3A_474 = arith.select %and3A_437, %gather3A_463, %broadcast_in_dim3A_465 : vector<16xi1>, vector<16xf32>
        tpu.vector_store_idx %arg11[%add3A_473], %select_n3A_474 {add = true} : memref<12544xf32, #tpu.memory_space<vmem>>[vector<16xi32>], vector<16xf32>,
        %add3A_475 = arith.constant 48 : i32
        %add3A_476 = vector.broadcast %add3A_475 : i32 to vector<16xi32>
        %add3A_477 = arith.addi %add3A_448, %add3A_476 : vector<16xi32>
        %broadcast_in_dim3A_478 = arith.constant 1.000000e+00 : f32
        %broadcast_in_dim3A_479 = vector.broadcast %broadcast_in_dim3A_478 : f32 to vector<16xf32>
        %select_n3A_480 = arith.select %and3A_437, %broadcast_in_dim3A_479, %broadcast_in_dim3A_465 : vector<16xi1>, vector<16xf32>
        tpu.vector_store_idx %arg11[%add3A_477], %select_n3A_480 {add = true} : memref<12544xf32, #tpu.memory_space<vmem>>[vector<16xi32>], vector<16xf32>,
        %scan3A_481 = arith.constant 2 : i32
        %scan3A_482 = arith.addi %scan3A_374, %scan3A_481 : i32
        %add3A_483 = vector.broadcast %mul3A_99 : i32 to vector<16xi32>
        %add3A_484 = arith.addi %add3A_483, %mul3A_51 : vector<16xi32>
        %add3A_485 = vector.broadcast %scan3A_482 : i32 to vector<16xi32>
        %add3A_486 = arith.addi %add3A_484, %add3A_485 : vector<16xi32>
        %gather3A_487 = tpu.vector_load_idx %arg9[%add3A_486] : memref<16384xi32, #tpu.memory_space<vmem>>[vector<16xi32>], vector<16xi32>,
        %add3A_488 = vector.broadcast %scan3A_482 : i32 to vector<16xi32>
        %add3A_489 = arith.addi %min3A_365, %add3A_488 : vector<16xi32>
        %ge3A_490 = arith.cmpi sge, %add3A_489, %max3A : vector<16xi32>
        %lt3A_491 = arith.cmpi slt, %add3A_489, %gather3A_9 : vector<16xi32>
        %and3A_492 = arith.andi %ge3A_490, %lt3A_491 : vector<16xi1>
        %sub3A_493 = arith.subi %gather3A_487, %mul3A_16 : vector<16xi32>
        %jit3A_494 = arith.constant 0 : i32
        %jit3A_495 = arith.constant 195 : i32
        %max3A_496 = vector.broadcast %jit3A_494 : i32 to vector<16xi32>
        %max3A_497 = arith.maxsi %max3A_496, %sub3A_493 : vector<16xi32>
        %min3A_498 = vector.broadcast %jit3A_495 : i32 to vector<16xi32>
        %min3A_499 = arith.minsi %min3A_498, %max3A_497 : vector<16xi32>
        %mul3A_500 = arith.constant 64 : i32
        %mul3A_501 = vector.broadcast %mul3A_500 : i32 to vector<16xi32>
        %mul3A_502 = arith.muli %min3A_499, %mul3A_501 : vector<16xi32>
        %add3A_503 = arith.addi %mul3A_502, %iota3A : vector<16xi32>
        %add3A_504 = vector.broadcast %mul3A_101 : i32 to vector<16xi32>
        %add3A_505 = arith.addi %add3A_504, %mul3A_54 : vector<16xi32>
        %mul3A_506 = arith.constant 3 : i32
        %mul3A_507 = arith.muli %scan3A_482, %mul3A_506 : i32
        %add3A_508 = vector.broadcast %mul3A_507 : i32 to vector<16xi32>
        %add3A_509 = arith.addi %add3A_505, %add3A_508 : vector<16xi32>
        %gather3A_510 = tpu.vector_load_idx %arg10[%add3A_509] : memref<49152xf32, #tpu.memory_space<vmem>>[vector<16xi32>], vector<16xf32>,
        %add3A_511 = arith.constant 1 : i32
        %add3A_512 = vector.broadcast %add3A_511 : i32 to vector<16xi32>
        %add3A_513 = arith.addi %add3A_509, %add3A_512 : vector<16xi32>
        %gather3A_514 = tpu.vector_load_idx %arg10[%add3A_513] : memref<49152xf32, #tpu.memory_space<vmem>>[vector<16xi32>], vector<16xf32>,
        %add3A_515 = arith.constant 2 : i32
        %add3A_516 = vector.broadcast %add3A_515 : i32 to vector<16xi32>
        %add3A_517 = arith.addi %add3A_509, %add3A_516 : vector<16xi32>
        %gather3A_518 = tpu.vector_load_idx %arg10[%add3A_517] : memref<49152xf32, #tpu.memory_space<vmem>>[vector<16xi32>], vector<16xf32>,
        %broadcast_in_dim3A_519 = arith.constant 0.000000e+00 : f32
        %broadcast_in_dim3A_520 = vector.broadcast %broadcast_in_dim3A_519 : f32 to vector<16xf32>
        %select_n3A_521 = arith.select %and3A_492, %gather3A_510, %broadcast_in_dim3A_520 : vector<16xi1>, vector<16xf32>
        tpu.vector_store_idx %arg11[%add3A_503], %select_n3A_521 {add = true} : memref<12544xf32, #tpu.memory_space<vmem>>[vector<16xi32>], vector<16xf32>,
        %add3A_522 = arith.constant 16 : i32
        %add3A_523 = vector.broadcast %add3A_522 : i32 to vector<16xi32>
        %add3A_524 = arith.addi %add3A_503, %add3A_523 : vector<16xi32>
        %select_n3A_525 = arith.select %and3A_492, %gather3A_514, %broadcast_in_dim3A_520 : vector<16xi1>, vector<16xf32>
        tpu.vector_store_idx %arg11[%add3A_524], %select_n3A_525 {add = true} : memref<12544xf32, #tpu.memory_space<vmem>>[vector<16xi32>], vector<16xf32>,
        %add3A_526 = arith.constant 32 : i32
        %add3A_527 = vector.broadcast %add3A_526 : i32 to vector<16xi32>
        %add3A_528 = arith.addi %add3A_503, %add3A_527 : vector<16xi32>
        %select_n3A_529 = arith.select %and3A_492, %gather3A_518, %broadcast_in_dim3A_520 : vector<16xi1>, vector<16xf32>
        tpu.vector_store_idx %arg11[%add3A_528], %select_n3A_529 {add = true} : memref<12544xf32, #tpu.memory_space<vmem>>[vector<16xi32>], vector<16xf32>,
        %add3A_530 = arith.constant 48 : i32
        %add3A_531 = vector.broadcast %add3A_530 : i32 to vector<16xi32>
        %add3A_532 = arith.addi %add3A_503, %add3A_531 : vector<16xi32>
        %broadcast_in_dim3A_533 = arith.constant 1.000000e+00 : f32
        %broadcast_in_dim3A_534 = vector.broadcast %broadcast_in_dim3A_533 : f32 to vector<16xf32>
        %select_n3A_535 = arith.select %and3A_492, %broadcast_in_dim3A_534, %broadcast_in_dim3A_520 : vector<16xi1>, vector<16xf32>
        tpu.vector_store_idx %arg11[%add3A_532], %select_n3A_535 {add = true} : memref<12544xf32, #tpu.memory_space<vmem>>[vector<16xi32>], vector<16xf32>,
        %scan3A_536 = arith.constant 3 : i32
        %scan3A_537 = arith.addi %scan3A_374, %scan3A_536 : i32
        %add3A_538 = vector.broadcast %mul3A_99 : i32 to vector<16xi32>
        %add3A_539 = arith.addi %add3A_538, %mul3A_51 : vector<16xi32>
        %add3A_540 = vector.broadcast %scan3A_537 : i32 to vector<16xi32>
        %add3A_541 = arith.addi %add3A_539, %add3A_540 : vector<16xi32>
        %gather3A_542 = tpu.vector_load_idx %arg9[%add3A_541] : memref<16384xi32, #tpu.memory_space<vmem>>[vector<16xi32>], vector<16xi32>,
        %add3A_543 = vector.broadcast %scan3A_537 : i32 to vector<16xi32>
        %add3A_544 = arith.addi %min3A_365, %add3A_543 : vector<16xi32>
        %ge3A_545 = arith.cmpi sge, %add3A_544, %max3A : vector<16xi32>
        %lt3A_546 = arith.cmpi slt, %add3A_544, %gather3A_9 : vector<16xi32>
        %and3A_547 = arith.andi %ge3A_545, %lt3A_546 : vector<16xi1>
        %sub3A_548 = arith.subi %gather3A_542, %mul3A_16 : vector<16xi32>
        %jit3A_549 = arith.constant 0 : i32
        %jit3A_550 = arith.constant 195 : i32
        %max3A_551 = vector.broadcast %jit3A_549 : i32 to vector<16xi32>
        %max3A_552 = arith.maxsi %max3A_551, %sub3A_548 : vector<16xi32>
        %min3A_553 = vector.broadcast %jit3A_550 : i32 to vector<16xi32>
        %min3A_554 = arith.minsi %min3A_553, %max3A_552 : vector<16xi32>
        %mul3A_555 = arith.constant 64 : i32
        %mul3A_556 = vector.broadcast %mul3A_555 : i32 to vector<16xi32>
        %mul3A_557 = arith.muli %min3A_554, %mul3A_556 : vector<16xi32>
        %add3A_558 = arith.addi %mul3A_557, %iota3A : vector<16xi32>
        %add3A_559 = vector.broadcast %mul3A_101 : i32 to vector<16xi32>
        %add3A_560 = arith.addi %add3A_559, %mul3A_54 : vector<16xi32>
        %mul3A_561 = arith.constant 3 : i32
        %mul3A_562 = arith.muli %scan3A_537, %mul3A_561 : i32
        %add3A_563 = vector.broadcast %mul3A_562 : i32 to vector<16xi32>
        %add3A_564 = arith.addi %add3A_560, %add3A_563 : vector<16xi32>
        %gather3A_565 = tpu.vector_load_idx %arg10[%add3A_564] : memref<49152xf32, #tpu.memory_space<vmem>>[vector<16xi32>], vector<16xf32>,
        %add3A_566 = arith.constant 1 : i32
        %add3A_567 = vector.broadcast %add3A_566 : i32 to vector<16xi32>
        %add3A_568 = arith.addi %add3A_564, %add3A_567 : vector<16xi32>
        %gather3A_569 = tpu.vector_load_idx %arg10[%add3A_568] : memref<49152xf32, #tpu.memory_space<vmem>>[vector<16xi32>], vector<16xf32>,
        %add3A_570 = arith.constant 2 : i32
        %add3A_571 = vector.broadcast %add3A_570 : i32 to vector<16xi32>
        %add3A_572 = arith.addi %add3A_564, %add3A_571 : vector<16xi32>
        %gather3A_573 = tpu.vector_load_idx %arg10[%add3A_572] : memref<49152xf32, #tpu.memory_space<vmem>>[vector<16xi32>], vector<16xf32>,
        %broadcast_in_dim3A_574 = arith.constant 0.000000e+00 : f32
        %broadcast_in_dim3A_575 = vector.broadcast %broadcast_in_dim3A_574 : f32 to vector<16xf32>
        %select_n3A_576 = arith.select %and3A_547, %gather3A_565, %broadcast_in_dim3A_575 : vector<16xi1>, vector<16xf32>
        tpu.vector_store_idx %arg11[%add3A_558], %select_n3A_576 {add = true} : memref<12544xf32, #tpu.memory_space<vmem>>[vector<16xi32>], vector<16xf32>,
        %add3A_577 = arith.constant 16 : i32
        %add3A_578 = vector.broadcast %add3A_577 : i32 to vector<16xi32>
        %add3A_579 = arith.addi %add3A_558, %add3A_578 : vector<16xi32>
        %select_n3A_580 = arith.select %and3A_547, %gather3A_569, %broadcast_in_dim3A_575 : vector<16xi1>, vector<16xf32>
        tpu.vector_store_idx %arg11[%add3A_579], %select_n3A_580 {add = true} : memref<12544xf32, #tpu.memory_space<vmem>>[vector<16xi32>], vector<16xf32>,
        %add3A_581 = arith.constant 32 : i32
        %add3A_582 = vector.broadcast %add3A_581 : i32 to vector<16xi32>
        %add3A_583 = arith.addi %add3A_558, %add3A_582 : vector<16xi32>
        %select_n3A_584 = arith.select %and3A_547, %gather3A_573, %broadcast_in_dim3A_575 : vector<16xi1>, vector<16xf32>
        tpu.vector_store_idx %arg11[%add3A_583], %select_n3A_584 {add = true} : memref<12544xf32, #tpu.memory_space<vmem>>[vector<16xi32>], vector<16xf32>,
        %add3A_585 = arith.constant 48 : i32
        %add3A_586 = vector.broadcast %add3A_585 : i32 to vector<16xi32>
        %add3A_587 = arith.addi %add3A_558, %add3A_586 : vector<16xi32>
        %broadcast_in_dim3A_588 = arith.constant 1.000000e+00 : f32
        %broadcast_in_dim3A_589 = vector.broadcast %broadcast_in_dim3A_588 : f32 to vector<16xf32>
        %select_n3A_590 = arith.select %and3A_547, %broadcast_in_dim3A_589, %broadcast_in_dim3A_575 : vector<16xi1>, vector<16xf32>
        tpu.vector_store_idx %arg11[%add3A_587], %select_n3A_590 {add = true} : memref<12544xf32, #tpu.memory_space<vmem>>[vector<16xi32>], vector<16xf32>,
      }
      %scan3A_373 = arith.constant 512 : i32
    }
    %while3A_65 = arith.constant 1 : i32
    scf.for %while3A_93 = %while3A_63 to %while3A_59 step %while3A_65  : i32 {
      %mul3A_94 = arith.constant 512 : i32
      %mul3A_95 = arith.muli %while3A_93, %mul3A_94 : i32
      %rem3A_96 = arith.constant 2 : i32
      %rem3A_97 = arith.remsi %while3A_93, %rem3A_96 : i32
      %mul3A_98 = arith.constant 8192 : i32
      %mul3A_99 = arith.muli %rem3A_97, %mul3A_98 : i32
      %mul3A_100 = arith.constant 24576 : i32
      %mul3A_101 = arith.muli %rem3A_97, %mul3A_100 : i32
      %add3A_102 = arith.constant 1 : i32
      %add3A_103 = arith.addi %while3A_93, %add3A_102 : i32
      %lt3A = arith.cmpi slt, %add3A_103, %select_n3A : i32
      %convert_element_type3A_104 = arith.extui %lt3A : i1 to i32
      %cond3A_105 = arith.constant 0 : i32
      %cond3A_106 = arith.cmpi ne, %convert_element_type3A_104, %cond3A_105 : i32
      scf.if %cond3A_106 {
        %add3A_374 = arith.constant 1 : i32
        %add3A_375 = arith.addi %while3A_93, %add3A_374 : i32
        %rem3A_376 = arith.constant 2 : i32
        %rem3A_377 = arith.remsi %add3A_375, %rem3A_376 : i32
        %mul3A_378 = arith.constant 512 : i32
        %mul3A_379 = arith.muli %add3A_375, %mul3A_378 : i32
        %add3A_380 = vector.broadcast %mul3A_379 : i32 to vector<16xi32>
        %add3A_381 = arith.addi %and3A_11, %add3A_380 : vector<16xi32>
        %min3A_382 = arith.constant 1599488 : i32
        %min3A_383 = vector.broadcast %min3A_382 : i32 to vector<16xi32>
        %min3A_384 = arith.minsi %add3A_381, %min3A_383 : vector<16xi32>
        %slice3A_385 = vector.extract_strided_slice %min3A_384 {offsets = [0], sizes = [1], strides = [1]} : vector<16xi32> to vector<1xi32>
        %squeeze3A_386 = vector.extract %slice3A_385[0] : i32 from vector<1xi32>
        %multiple_of3A = tpu.assume_multiple %squeeze3A_386, 8 : i32
        %mul3A_387 = arith.constant 8192 : i32
        %mul3A_388 = arith.muli %rem3A_377, %mul3A_387 : i32
        %add3A_389 = arith.constant 0 : i32
        %add3A_390 = arith.addi %mul3A_388, %add3A_389 : i32
        %dma_start3A = tpu.memref_slice %arg9[%add3A_390] : memref<16384xi32, #tpu.memory_space<vmem>> -> memref<512xi32, #tpu.memory_space<vmem>>
        %dma_start3A_391 = tpu.memref_slice %arg3[%multiple_of3A] : memref<1600000xi32, #tpu.memory_space<hbm>> -> memref<512xi32, #tpu.memory_space<hbm>>
        %dma_start3A_392 = tpu.memref_slice %arg9[%add3A_390] : memref<16384xi32, #tpu.memory_space<vmem>> -> memref<512xi32, #tpu.memory_space<vmem>>
        %dma_start3A_393 = tpu.memref_slice %arg3[%multiple_of3A] : memref<1600000xi32, #tpu.memory_space<hbm>> -> memref<512xi32, #tpu.memory_space<hbm>>
        tpu.enqueue_dma source(%dma_start3A_393 : memref<512xi32, #tpu.memory_space<hbm>>) target(%dma_start3A_392 : memref<512xi32, #tpu.memory_space<vmem>>) target_semaphore(%arg13 : memref<!tpu.dma_semaphore, #tpu.memory_space<semaphore_mem>>)
        %mul3A_394 = arith.constant 3 : i32
        %mul3A_395 = arith.muli %multiple_of3A, %mul3A_394 : i32
        %multiple_of3A_396 = tpu.assume_multiple %mul3A_395, 8 : i32
        %mul3A_397 = arith.constant 24576 : i32
        %mul3A_398 = arith.muli %rem3A_377, %mul3A_397 : i32
        %add3A_399 = arith.constant 0 : i32
        %add3A_400 = arith.addi %mul3A_398, %add3A_399 : i32
        %dma_start3A_401 = tpu.memref_slice %arg10[%add3A_400] : memref<49152xf32, #tpu.memory_space<vmem>> -> memref<1536xf32, #tpu.memory_space<vmem>>
        %dma_start3A_402 = tpu.memref_slice %arg2[%multiple_of3A_396] : memref<4800000xf32, #tpu.memory_space<hbm>> -> memref<1536xf32, #tpu.memory_space<hbm>>
        %dma_start3A_403 = tpu.memref_slice %arg10[%add3A_400] : memref<49152xf32, #tpu.memory_space<vmem>> -> memref<1536xf32, #tpu.memory_space<vmem>>
        %dma_start3A_404 = tpu.memref_slice %arg2[%multiple_of3A_396] : memref<4800000xf32, #tpu.memory_space<hbm>> -> memref<1536xf32, #tpu.memory_space<hbm>>
        tpu.enqueue_dma source(%dma_start3A_404 : memref<1536xf32, #tpu.memory_space<hbm>>) target(%dma_start3A_403 : memref<1536xf32, #tpu.memory_space<vmem>>) target_semaphore(%arg14 : memref<!tpu.dma_semaphore, #tpu.memory_space<semaphore_mem>>)
        %slice3A_405 = vector.extract_strided_slice %min3A_384 {offsets = [1], sizes = [1], strides = [1]} : vector<16xi32> to vector<1xi32>
        %squeeze3A_406 = vector.extract %slice3A_405[0] : i32 from vector<1xi32>
        %multiple_of3A_407 = tpu.assume_multiple %squeeze3A_406, 8 : i32
        %mul3A_408 = arith.constant 8192 : i32
        %mul3A_409 = arith.muli %rem3A_377, %mul3A_408 : i32
        %add3A_410 = arith.constant 512 : i32
        %add3A_411 = arith.addi %mul3A_409, %add3A_410 : i32
        %dma_start3A_412 = tpu.memref_slice %arg9[%add3A_411] : memref<16384xi32, #tpu.memory_space<vmem>> -> memref<512xi32, #tpu.memory_space<vmem>>
        %dma_start3A_413 = tpu.memref_slice %arg3[%multiple_of3A_407] : memref<1600000xi32, #tpu.memory_space<hbm>> -> memref<512xi32, #tpu.memory_space<hbm>>
        %dma_start3A_414 = tpu.memref_slice %arg9[%add3A_411] : memref<16384xi32, #tpu.memory_space<vmem>> -> memref<512xi32, #tpu.memory_space<vmem>>
        %dma_start3A_415 = tpu.memref_slice %arg3[%multiple_of3A_407] : memref<1600000xi32, #tpu.memory_space<hbm>> -> memref<512xi32, #tpu.memory_space<hbm>>
        tpu.enqueue_dma source(%dma_start3A_415 : memref<512xi32, #tpu.memory_space<hbm>>) target(%dma_start3A_414 : memref<512xi32, #tpu.memory_space<vmem>>) target_semaphore(%arg13 : memref<!tpu.dma_semaphore, #tpu.memory_space<semaphore_mem>>)
        %mul3A_416 = arith.constant 3 : i32
        %mul3A_417 = arith.muli %multiple_of3A_407, %mul3A_416 : i32
        %multiple_of3A_418 = tpu.assume_multiple %mul3A_417, 8 : i32
        %mul3A_419 = arith.constant 24576 : i32
        %mul3A_420 = arith.muli %rem3A_377, %mul3A_419 : i32
        %add3A_421 = arith.constant 1536 : i32
        %add3A_422 = arith.addi %mul3A_420, %add3A_421 : i32
        %dma_start3A_423 = tpu.memref_slice %arg10[%add3A_422] : memref<49152xf32, #tpu.memory_space<vmem>> -> memref<1536xf32, #tpu.memory_space<vmem>>
        %dma_start3A_424 = tpu.memref_slice %arg2[%multiple_of3A_418] : memref<4800000xf32, #tpu.memory_space<hbm>> -> memref<1536xf32, #tpu.memory_space<hbm>>
        %dma_start3A_425 = tpu.memref_slice %arg10[%add3A_422] : memref<49152xf32, #tpu.memory_space<vmem>> -> memref<1536xf32, #tpu.memory_space<vmem>>
        %dma_start3A_426 = tpu.memref_slice %arg2[%multiple_of3A_418] : memref<4800000xf32, #tpu.memory_space<hbm>> -> memref<1536xf32, #tpu.memory_space<hbm>>
        tpu.enqueue_dma source(%dma_start3A_426 : memref<1536xf32, #tpu.memory_space<hbm>>) target(%dma_start3A_425 : memref<1536xf32, #tpu.memory_space<vmem>>) target_semaphore(%arg14 : memref<!tpu.dma_semaphore, #tpu.memory_space<semaphore_mem>>)
        %slice3A_427 = vector.extract_strided_slice %min3A_384 {offsets = [2], sizes = [1], strides = [1]} : vector<16xi32> to vector<1xi32>
        %squeeze3A_428 = vector.extract %slice3A_427[0] : i32 from vector<1xi32>
        %multiple_of3A_429 = tpu.assume_multiple %squeeze3A_428, 8 : i32
        %mul3A_430 = arith.constant 8192 : i32
        %mul3A_431 = arith.muli %rem3A_377, %mul3A_430 : i32
        %add3A_432 = arith.constant 1024 : i32
        %add3A_433 = arith.addi %mul3A_431, %add3A_432 : i32
        %dma_start3A_434 = tpu.memref_slice %arg9[%add3A_433] : memref<16384xi32, #tpu.memory_space<vmem>> -> memref<512xi32, #tpu.memory_space<vmem>>
        %dma_start3A_435 = tpu.memref_slice %arg3[%multiple_of3A_429] : memref<1600000xi32, #tpu.memory_space<hbm>> -> memref<512xi32, #tpu.memory_space<hbm>>
        %dma_start3A_436 = tpu.memref_slice %arg9[%add3A_433] : memref<16384xi32, #tpu.memory_space<vmem>> -> memref<512xi32, #tpu.memory_space<vmem>>
        %dma_start3A_437 = tpu.memref_slice %arg3[%multiple_of3A_429] : memref<1600000xi32, #tpu.memory_space<hbm>> -> memref<512xi32, #tpu.memory_space<hbm>>
        tpu.enqueue_dma source(%dma_start3A_437 : memref<512xi32, #tpu.memory_space<hbm>>) target(%dma_start3A_436 : memref<512xi32, #tpu.memory_space<vmem>>) target_semaphore(%arg13 : memref<!tpu.dma_semaphore, #tpu.memory_space<semaphore_mem>>)
        %mul3A_438 = arith.constant 3 : i32
        %mul3A_439 = arith.muli %multiple_of3A_429, %mul3A_438 : i32
        %multiple_of3A_440 = tpu.assume_multiple %mul3A_439, 8 : i32
        %mul3A_441 = arith.constant 24576 : i32
        %mul3A_442 = arith.muli %rem3A_377, %mul3A_441 : i32
        %add3A_443 = arith.constant 3072 : i32
        %add3A_444 = arith.addi %mul3A_442, %add3A_443 : i32
        %dma_start3A_445 = tpu.memref_slice %arg10[%add3A_444] : memref<49152xf32, #tpu.memory_space<vmem>> -> memref<1536xf32, #tpu.memory_space<vmem>>
        %dma_start3A_446 = tpu.memref_slice %arg2[%multiple_of3A_440] : memref<4800000xf32, #tpu.memory_space<hbm>> -> memref<1536xf32, #tpu.memory_space<hbm>>
        %dma_start3A_447 = tpu.memref_slice %arg10[%add3A_444] : memref<49152xf32, #tpu.memory_space<vmem>> -> memref<1536xf32, #tpu.memory_space<vmem>>
        %dma_start3A_448 = tpu.memref_slice %arg2[%multiple_of3A_440] : memref<4800000xf32, #tpu.memory_space<hbm>> -> memref<1536xf32, #tpu.memory_space<hbm>>
        tpu.enqueue_dma source(%dma_start3A_448 : memref<1536xf32, #tpu.memory_space<hbm>>) target(%dma_start3A_447 : memref<1536xf32, #tpu.memory_space<vmem>>) target_semaphore(%arg14 : memref<!tpu.dma_semaphore, #tpu.memory_space<semaphore_mem>>)
        %slice3A_449 = vector.extract_strided_slice %min3A_384 {offsets = [3], sizes = [1], strides = [1]} : vector<16xi32> to vector<1xi32>
        %squeeze3A_450 = vector.extract %slice3A_449[0] : i32 from vector<1xi32>
        %multiple_of3A_451 = tpu.assume_multiple %squeeze3A_450, 8 : i32
        %mul3A_452 = arith.constant 8192 : i32
        %mul3A_453 = arith.muli %rem3A_377, %mul3A_452 : i32
        %add3A_454 = arith.constant 1536 : i32
        %add3A_455 = arith.addi %mul3A_453, %add3A_454 : i32
        %dma_start3A_456 = tpu.memref_slice %arg9[%add3A_455] : memref<16384xi32, #tpu.memory_space<vmem>> -> memref<512xi32, #tpu.memory_space<vmem>>
        %dma_start3A_457 = tpu.memref_slice %arg3[%multiple_of3A_451] : memref<1600000xi32, #tpu.memory_space<hbm>> -> memref<512xi32, #tpu.memory_space<hbm>>
        %dma_start3A_458 = tpu.memref_slice %arg9[%add3A_455] : memref<16384xi32, #tpu.memory_space<vmem>> -> memref<512xi32, #tpu.memory_space<vmem>>
        %dma_start3A_459 = tpu.memref_slice %arg3[%multiple_of3A_451] : memref<1600000xi32, #tpu.memory_space<hbm>> -> memref<512xi32, #tpu.memory_space<hbm>>
        tpu.enqueue_dma source(%dma_start3A_459 : memref<512xi32, #tpu.memory_space<hbm>>) target(%dma_start3A_458 : memref<512xi32, #tpu.memory_space<vmem>>) target_semaphore(%arg13 : memref<!tpu.dma_semaphore, #tpu.memory_space<semaphore_mem>>)
        %mul3A_460 = arith.constant 3 : i32
        %mul3A_461 = arith.muli %multiple_of3A_451, %mul3A_460 : i32
        %multiple_of3A_462 = tpu.assume_multiple %mul3A_461, 8 : i32
        %mul3A_463 = arith.constant 24576 : i32
        %mul3A_464 = arith.muli %rem3A_377, %mul3A_463 : i32
        %add3A_465 = arith.constant 4608 : i32
        %add3A_466 = arith.addi %mul3A_464, %add3A_465 : i32
        %dma_start3A_467 = tpu.memref_slice %arg10[%add3A_466] : memref<49152xf32, #tpu.memory_space<vmem>> -> memref<1536xf32, #tpu.memory_space<vmem>>
        %dma_start3A_468 = tpu.memref_slice %arg2[%multiple_of3A_462] : memref<4800000xf32, #tpu.memory_space<hbm>> -> memref<1536xf32, #tpu.memory_space<hbm>>
        %dma_start3A_469 = tpu.memref_slice %arg10[%add3A_466] : memref<49152xf32, #tpu.memory_space<vmem>> -> memref<1536xf32, #tpu.memory_space<vmem>>
        %dma_start3A_470 = tpu.memref_slice %arg2[%multiple_of3A_462] : memref<4800000xf32, #tpu.memory_space<hbm>> -> memref<1536xf32, #tpu.memory_space<hbm>>
        tpu.enqueue_dma source(%dma_start3A_470 : memref<1536xf32, #tpu.memory_space<hbm>>) target(%dma_start3A_469 : memref<1536xf32, #tpu.memory_space<vmem>>) target_semaphore(%arg14 : memref<!tpu.dma_semaphore, #tpu.memory_space<semaphore_mem>>)
        %slice3A_471 = vector.extract_strided_slice %min3A_384 {offsets = [4], sizes = [1], strides = [1]} : vector<16xi32> to vector<1xi32>
        %squeeze3A_472 = vector.extract %slice3A_471[0] : i32 from vector<1xi32>
        %multiple_of3A_473 = tpu.assume_multiple %squeeze3A_472, 8 : i32
        %mul3A_474 = arith.constant 8192 : i32
        %mul3A_475 = arith.muli %rem3A_377, %mul3A_474 : i32
        %add3A_476 = arith.constant 2048 : i32
        %add3A_477 = arith.addi %mul3A_475, %add3A_476 : i32
        %dma_start3A_478 = tpu.memref_slice %arg9[%add3A_477] : memref<16384xi32, #tpu.memory_space<vmem>> -> memref<512xi32, #tpu.memory_space<vmem>>
        %dma_start3A_479 = tpu.memref_slice %arg3[%multiple_of3A_473] : memref<1600000xi32, #tpu.memory_space<hbm>> -> memref<512xi32, #tpu.memory_space<hbm>>
        %dma_start3A_480 = tpu.memref_slice %arg9[%add3A_477] : memref<16384xi32, #tpu.memory_space<vmem>> -> memref<512xi32, #tpu.memory_space<vmem>>
        %dma_start3A_481 = tpu.memref_slice %arg3[%multiple_of3A_473] : memref<1600000xi32, #tpu.memory_space<hbm>> -> memref<512xi32, #tpu.memory_space<hbm>>
        tpu.enqueue_dma source(%dma_start3A_481 : memref<512xi32, #tpu.memory_space<hbm>>) target(%dma_start3A_480 : memref<512xi32, #tpu.memory_space<vmem>>) target_semaphore(%arg13 : memref<!tpu.dma_semaphore, #tpu.memory_space<semaphore_mem>>)
        %mul3A_482 = arith.constant 3 : i32
        %mul3A_483 = arith.muli %multiple_of3A_473, %mul3A_482 : i32
        %multiple_of3A_484 = tpu.assume_multiple %mul3A_483, 8 : i32
        %mul3A_485 = arith.constant 24576 : i32
        %mul3A_486 = arith.muli %rem3A_377, %mul3A_485 : i32
        %add3A_487 = arith.constant 6144 : i32
        %add3A_488 = arith.addi %mul3A_486, %add3A_487 : i32
        %dma_start3A_489 = tpu.memref_slice %arg10[%add3A_488] : memref<49152xf32, #tpu.memory_space<vmem>> -> memref<1536xf32, #tpu.memory_space<vmem>>
        %dma_start3A_490 = tpu.memref_slice %arg2[%multiple_of3A_484] : memref<4800000xf32, #tpu.memory_space<hbm>> -> memref<1536xf32, #tpu.memory_space<hbm>>
        %dma_start3A_491 = tpu.memref_slice %arg10[%add3A_488] : memref<49152xf32, #tpu.memory_space<vmem>> -> memref<1536xf32, #tpu.memory_space<vmem>>
        %dma_start3A_492 = tpu.memref_slice %arg2[%multiple_of3A_484] : memref<4800000xf32, #tpu.memory_space<hbm>> -> memref<1536xf32, #tpu.memory_space<hbm>>
        tpu.enqueue_dma source(%dma_start3A_492 : memref<1536xf32, #tpu.memory_space<hbm>>) target(%dma_start3A_491 : memref<1536xf32, #tpu.memory_space<vmem>>) target_semaphore(%arg14 : memref<!tpu.dma_semaphore, #tpu.memory_space<semaphore_mem>>)
        %slice3A_493 = vector.extract_strided_slice %min3A_384 {offsets = [5], sizes = [1], strides = [1]} : vector<16xi32> to vector<1xi32>
        %squeeze3A_494 = vector.extract %slice3A_493[0] : i32 from vector<1xi32>
        %multiple_of3A_495 = tpu.assume_multiple %squeeze3A_494, 8 : i32
        %mul3A_496 = arith.constant 8192 : i32
        %mul3A_497 = arith.muli %rem3A_377, %mul3A_496 : i32
        %add3A_498 = arith.constant 2560 : i32
        %add3A_499 = arith.addi %mul3A_497, %add3A_498 : i32
        %dma_start3A_500 = tpu.memref_slice %arg9[%add3A_499] : memref<16384xi32, #tpu.memory_space<vmem>> -> memref<512xi32, #tpu.memory_space<vmem>>
        %dma_start3A_501 = tpu.memref_slice %arg3[%multiple_of3A_495] : memref<1600000xi32, #tpu.memory_space<hbm>> -> memref<512xi32, #tpu.memory_space<hbm>>
        %dma_start3A_502 = tpu.memref_slice %arg9[%add3A_499] : memref<16384xi32, #tpu.memory_space<vmem>> -> memref<512xi32, #tpu.memory_space<vmem>>
        %dma_start3A_503 = tpu.memref_slice %arg3[%multiple_of3A_495] : memref<1600000xi32, #tpu.memory_space<hbm>> -> memref<512xi32, #tpu.memory_space<hbm>>
        tpu.enqueue_dma source(%dma_start3A_503 : memref<512xi32, #tpu.memory_space<hbm>>) target(%dma_start3A_502 : memref<512xi32, #tpu.memory_space<vmem>>) target_semaphore(%arg13 : memref<!tpu.dma_semaphore, #tpu.memory_space<semaphore_mem>>)
        %mul3A_504 = arith.constant 3 : i32
        %mul3A_505 = arith.muli %multiple_of3A_495, %mul3A_504 : i32
        %multiple_of3A_506 = tpu.assume_multiple %mul3A_505, 8 : i32
        %mul3A_507 = arith.constant 24576 : i32
        %mul3A_508 = arith.muli %rem3A_377, %mul3A_507 : i32
        %add3A_509 = arith.constant 7680 : i32
        %add3A_510 = arith.addi %mul3A_508, %add3A_509 : i32
        %dma_start3A_511 = tpu.memref_slice %arg10[%add3A_510] : memref<49152xf32, #tpu.memory_space<vmem>> -> memref<1536xf32, #tpu.memory_space<vmem>>
        %dma_start3A_512 = tpu.memref_slice %arg2[%multiple_of3A_506] : memref<4800000xf32, #tpu.memory_space<hbm>> -> memref<1536xf32, #tpu.memory_space<hbm>>
        %dma_start3A_513 = tpu.memref_slice %arg10[%add3A_510] : memref<49152xf32, #tpu.memory_space<vmem>> -> memref<1536xf32, #tpu.memory_space<vmem>>
        %dma_start3A_514 = tpu.memref_slice %arg2[%multiple_of3A_506] : memref<4800000xf32, #tpu.memory_space<hbm>> -> memref<1536xf32, #tpu.memory_space<hbm>>
        tpu.enqueue_dma source(%dma_start3A_514 : memref<1536xf32, #tpu.memory_space<hbm>>) target(%dma_start3A_513 : memref<1536xf32, #tpu.memory_space<vmem>>) target_semaphore(%arg14 : memref<!tpu.dma_semaphore, #tpu.memory_space<semaphore_mem>>)
        %slice3A_515 = vector.extract_strided_slice %min3A_384 {offsets = [6], sizes = [1], strides = [1]} : vector<16xi32> to vector<1xi32>
        %squeeze3A_516 = vector.extract %slice3A_515[0] : i32 from vector<1xi32>
        %multiple_of3A_517 = tpu.assume_multiple %squeeze3A_516, 8 : i32
        %mul3A_518 = arith.constant 8192 : i32
        %mul3A_519 = arith.muli %rem3A_377, %mul3A_518 : i32
        %add3A_520 = arith.constant 3072 : i32
        %add3A_521 = arith.addi %mul3A_519, %add3A_520 : i32
        %dma_start3A_522 = tpu.memref_slice %arg9[%add3A_521] : memref<16384xi32, #tpu.memory_space<vmem>> -> memref<512xi32, #tpu.memory_space<vmem>>
        %dma_start3A_523 = tpu.memref_slice %arg3[%multiple_of3A_517] : memref<1600000xi32, #tpu.memory_space<hbm>> -> memref<512xi32, #tpu.memory_space<hbm>>
        %dma_start3A_524 = tpu.memref_slice %arg9[%add3A_521] : memref<16384xi32, #tpu.memory_space<vmem>> -> memref<512xi32, #tpu.memory_space<vmem>>
        %dma_start3A_525 = tpu.memref_slice %arg3[%multiple_of3A_517] : memref<1600000xi32, #tpu.memory_space<hbm>> -> memref<512xi32, #tpu.memory_space<hbm>>
        tpu.enqueue_dma source(%dma_start3A_525 : memref<512xi32, #tpu.memory_space<hbm>>) target(%dma_start3A_524 : memref<512xi32, #tpu.memory_space<vmem>>) target_semaphore(%arg13 : memref<!tpu.dma_semaphore, #tpu.memory_space<semaphore_mem>>)
        %mul3A_526 = arith.constant 3 : i32
        %mul3A_527 = arith.muli %multiple_of3A_517, %mul3A_526 : i32
        %multiple_of3A_528 = tpu.assume_multiple %mul3A_527, 8 : i32
        %mul3A_529 = arith.constant 24576 : i32
        %mul3A_530 = arith.muli %rem3A_377, %mul3A_529 : i32
        %add3A_531 = arith.constant 9216 : i32
        %add3A_532 = arith.addi %mul3A_530, %add3A_531 : i32
        %dma_start3A_533 = tpu.memref_slice %arg10[%add3A_532] : memref<49152xf32, #tpu.memory_space<vmem>> -> memref<1536xf32, #tpu.memory_space<vmem>>
        %dma_start3A_534 = tpu.memref_slice %arg2[%multiple_of3A_528] : memref<4800000xf32, #tpu.memory_space<hbm>> -> memref<1536xf32, #tpu.memory_space<hbm>>
        %dma_start3A_535 = tpu.memref_slice %arg10[%add3A_532] : memref<49152xf32, #tpu.memory_space<vmem>> -> memref<1536xf32, #tpu.memory_space<vmem>>
        %dma_start3A_536 = tpu.memref_slice %arg2[%multiple_of3A_528] : memref<4800000xf32, #tpu.memory_space<hbm>> -> memref<1536xf32, #tpu.memory_space<hbm>>
        tpu.enqueue_dma source(%dma_start3A_536 : memref<1536xf32, #tpu.memory_space<hbm>>) target(%dma_start3A_535 : memref<1536xf32, #tpu.memory_space<vmem>>) target_semaphore(%arg14 : memref<!tpu.dma_semaphore, #tpu.memory_space<semaphore_mem>>)
        %slice3A_537 = vector.extract_strided_slice %min3A_384 {offsets = [7], sizes = [1], strides = [1]} : vector<16xi32> to vector<1xi32>
        %squeeze3A_538 = vector.extract %slice3A_537[0] : i32 from vector<1xi32>
        %multiple_of3A_539 = tpu.assume_multiple %squeeze3A_538, 8 : i32
        %mul3A_540 = arith.constant 8192 : i32
        %mul3A_541 = arith.muli %rem3A_377, %mul3A_540 : i32
        %add3A_542 = arith.constant 3584 : i32
        %add3A_543 = arith.addi %mul3A_541, %add3A_542 : i32
        %dma_start3A_544 = tpu.memref_slice %arg9[%add3A_543] : memref<16384xi32, #tpu.memory_space<vmem>> -> memref<512xi32, #tpu.memory_space<vmem>>
        %dma_start3A_545 = tpu.memref_slice %arg3[%multiple_of3A_539] : memref<1600000xi32, #tpu.memory_space<hbm>> -> memref<512xi32, #tpu.memory_space<hbm>>
        %dma_start3A_546 = tpu.memref_slice %arg9[%add3A_543] : memref<16384xi32, #tpu.memory_space<vmem>> -> memref<512xi32, #tpu.memory_space<vmem>>
        %dma_start3A_547 = tpu.memref_slice %arg3[%multiple_of3A_539] : memref<1600000xi32, #tpu.memory_space<hbm>> -> memref<512xi32, #tpu.memory_space<hbm>>
        tpu.enqueue_dma source(%dma_start3A_547 : memref<512xi32, #tpu.memory_space<hbm>>) target(%dma_start3A_546 : memref<512xi32, #tpu.memory_space<vmem>>) target_semaphore(%arg13 : memref<!tpu.dma_semaphore, #tpu.memory_space<semaphore_mem>>)
        %mul3A_548 = arith.constant 3 : i32
        %mul3A_549 = arith.muli %multiple_of3A_539, %mul3A_548 : i32
        %multiple_of3A_550 = tpu.assume_multiple %mul3A_549, 8 : i32
        %mul3A_551 = arith.constant 24576 : i32
        %mul3A_552 = arith.muli %rem3A_377, %mul3A_551 : i32
        %add3A_553 = arith.constant 10752 : i32
        %add3A_554 = arith.addi %mul3A_552, %add3A_553 : i32
        %dma_start3A_555 = tpu.memref_slice %arg10[%add3A_554] : memref<49152xf32, #tpu.memory_space<vmem>> -> memref<1536xf32, #tpu.memory_space<vmem>>
        %dma_start3A_556 = tpu.memref_slice %arg2[%multiple_of3A_550] : memref<4800000xf32, #tpu.memory_space<hbm>> -> memref<1536xf32, #tpu.memory_space<hbm>>
        %dma_start3A_557 = tpu.memref_slice %arg10[%add3A_554] : memref<49152xf32, #tpu.memory_space<vmem>> -> memref<1536xf32, #tpu.memory_space<vmem>>
        %dma_start3A_558 = tpu.memref_slice %arg2[%multiple_of3A_550] : memref<4800000xf32, #tpu.memory_space<hbm>> -> memref<1536xf32, #tpu.memory_space<hbm>>
        tpu.enqueue_dma source(%dma_start3A_558 : memref<1536xf32, #tpu.memory_space<hbm>>) target(%dma_start3A_557 : memref<1536xf32, #tpu.memory_space<vmem>>) target_semaphore(%arg14 : memref<!tpu.dma_semaphore, #tpu.memory_space<semaphore_mem>>)
        %slice3A_559 = vector.extract_strided_slice %min3A_384 {offsets = [8], sizes = [1], strides = [1]} : vector<16xi32> to vector<1xi32>
        %squeeze3A_560 = vector.extract %slice3A_559[0] : i32 from vector<1xi32>
        %multiple_of3A_561 = tpu.assume_multiple %squeeze3A_560, 8 : i32
        %mul3A_562 = arith.constant 8192 : i32
        %mul3A_563 = arith.muli %rem3A_377, %mul3A_562 : i32
        %add3A_564 = arith.constant 4096 : i32
        %add3A_565 = arith.addi %mul3A_563, %add3A_564 : i32
        %dma_start3A_566 = tpu.memref_slice %arg9[%add3A_565] : memref<16384xi32, #tpu.memory_space<vmem>> -> memref<512xi32, #tpu.memory_space<vmem>>
        %dma_start3A_567 = tpu.memref_slice %arg3[%multiple_of3A_561] : memref<1600000xi32, #tpu.memory_space<hbm>> -> memref<512xi32, #tpu.memory_space<hbm>>
        %dma_start3A_568 = tpu.memref_slice %arg9[%add3A_565] : memref<16384xi32, #tpu.memory_space<vmem>> -> memref<512xi32, #tpu.memory_space<vmem>>
        %dma_start3A_569 = tpu.memref_slice %arg3[%multiple_of3A_561] : memref<1600000xi32, #tpu.memory_space<hbm>> -> memref<512xi32, #tpu.memory_space<hbm>>
        tpu.enqueue_dma source(%dma_start3A_569 : memref<512xi32, #tpu.memory_space<hbm>>) target(%dma_start3A_568 : memref<512xi32, #tpu.memory_space<vmem>>) target_semaphore(%arg13 : memref<!tpu.dma_semaphore, #tpu.memory_space<semaphore_mem>>)
        %mul3A_570 = arith.constant 3 : i32
        %mul3A_571 = arith.muli %multiple_of3A_561, %mul3A_570 : i32
        %multiple_of3A_572 = tpu.assume_multiple %mul3A_571, 8 : i32
        %mul3A_573 = arith.constant 24576 : i32
        %mul3A_574 = arith.muli %rem3A_377, %mul3A_573 : i32
        %add3A_575 = arith.constant 12288 : i32
        %add3A_576 = arith.addi %mul3A_574, %add3A_575 : i32
        %dma_start3A_577 = tpu.memref_slice %arg10[%add3A_576] : memref<49152xf32, #tpu.memory_space<vmem>> -> memref<1536xf32, #tpu.memory_space<vmem>>
        %dma_start3A_578 = tpu.memref_slice %arg2[%multiple_of3A_572] : memref<4800000xf32, #tpu.memory_space<hbm>> -> memref<1536xf32, #tpu.memory_space<hbm>>
        %dma_start3A_579 = tpu.memref_slice %arg10[%add3A_576] : memref<49152xf32, #tpu.memory_space<vmem>> -> memref<1536xf32, #tpu.memory_space<vmem>>
        %dma_start3A_580 = tpu.memref_slice %arg2[%multiple_of3A_572] : memref<4800000xf32, #tpu.memory_space<hbm>> -> memref<1536xf32, #tpu.memory_space<hbm>>
        tpu.enqueue_dma source(%dma_start3A_580 : memref<1536xf32, #tpu.memory_space<hbm>>) target(%dma_start3A_579 : memref<1536xf32, #tpu.memory_space<vmem>>) target_semaphore(%arg14 : memref<!tpu.dma_semaphore, #tpu.memory_space<semaphore_mem>>)
        %slice3A_581 = vector.extract_strided_slice %min3A_384 {offsets = [9], sizes = [1], strides = [1]} : vector<16xi32> to vector<1xi32>
        %squeeze3A_582 = vector.extract %slice3A_581[0] : i32 from vector<1xi32>
        %multiple_of3A_583 = tpu.assume_multiple %squeeze3A_582, 8 : i32
        %mul3A_584 = arith.constant 8192 : i32
        %mul3A_585 = arith.muli %rem3A_377, %mul3A_584 : i32
        %add3A_586 = arith.constant 4608 : i32
        %add3A_587 = arith.addi %mul3A_585, %add3A_586 : i32
        %dma_start3A_588 = tpu.memref_slice %arg9[%add3A_587] : memref<16384xi32, #tpu.memory_space<vmem>> -> memref<512xi32, #tpu.memory_space<vmem>>
        %dma_start3A_589 = tpu.memref_slice %arg3[%multiple_of3A_583] : memref<1600000xi32, #tpu.memory_space<hbm>> -> memref<512xi32, #tpu.memory_space<hbm>>
        %dma_start3A_590 = tpu.memref_slice %arg9[%add3A_587] : memref<16384xi32, #tpu.memory_space<vmem>> -> memref<512xi32, #tpu.memory_space<vmem>>
        %dma_start3A_591 = tpu.memref_slice %arg3[%multiple_of3A_583] : memref<1600000xi32, #tpu.memory_space<hbm>> -> memref<512xi32, #tpu.memory_space<hbm>>
        tpu.enqueue_dma source(%dma_start3A_591 : memref<512xi32, #tpu.memory_space<hbm>>) target(%dma_start3A_590 : memref<512xi32, #tpu.memory_space<vmem>>) target_semaphore(%arg13 : memref<!tpu.dma_semaphore, #tpu.memory_space<semaphore_mem>>)
        %mul3A_592 = arith.constant 3 : i32
        %mul3A_593 = arith.muli %multiple_of3A_583, %mul3A_592 : i32
        %multiple_of3A_594 = tpu.assume_multiple %mul3A_593, 8 : i32
        %mul3A_595 = arith.constant 24576 : i32
        %mul3A_596 = arith.muli %rem3A_377, %mul3A_595 : i32
        %add3A_597 = arith.constant 13824 : i32
        %add3A_598 = arith.addi %mul3A_596, %add3A_597 : i32
        %dma_start3A_599 = tpu.memref_slice %arg10[%add3A_598] : memref<49152xf32, #tpu.memory_space<vmem>> -> memref<1536xf32, #tpu.memory_space<vmem>>
        %dma_start3A_600 = tpu.memref_slice %arg2[%multiple_of3A_594] : memref<4800000xf32, #tpu.memory_space<hbm>> -> memref<1536xf32, #tpu.memory_space<hbm>>
        %dma_start3A_601 = tpu.memref_slice %arg10[%add3A_598] : memref<49152xf32, #tpu.memory_space<vmem>> -> memref<1536xf32, #tpu.memory_space<vmem>>
        %dma_start3A_602 = tpu.memref_slice %arg2[%multiple_of3A_594] : memref<4800000xf32, #tpu.memory_space<hbm>> -> memref<1536xf32, #tpu.memory_space<hbm>>
        tpu.enqueue_dma source(%dma_start3A_602 : memref<1536xf32, #tpu.memory_space<hbm>>) target(%dma_start3A_601 : memref<1536xf32, #tpu.memory_space<vmem>>) target_semaphore(%arg14 : memref<!tpu.dma_semaphore, #tpu.memory_space<semaphore_mem>>)
        %slice3A_603 = vector.extract_strided_slice %min3A_384 {offsets = [10], sizes = [1], strides = [1]} : vector<16xi32> to vector<1xi32>
        %squeeze3A_604 = vector.extract %slice3A_603[0] : i32 from vector<1xi32>
        %multiple_of3A_605 = tpu.assume_multiple %squeeze3A_604, 8 : i32
        %mul3A_606 = arith.constant 8192 : i32
        %mul3A_607 = arith.muli %rem3A_377, %mul3A_606 : i32
        %add3A_608 = arith.constant 5120 : i32
        %add3A_609 = arith.addi %mul3A_607, %add3A_608 : i32
        %dma_start3A_610 = tpu.memref_slice %arg9[%add3A_609] : memref<16384xi32, #tpu.memory_space<vmem>> -> memref<512xi32, #tpu.memory_space<vmem>>
        %dma_start3A_611 = tpu.memref_slice %arg3[%multiple_of3A_605] : memref<1600000xi32, #tpu.memory_space<hbm>> -> memref<512xi32, #tpu.memory_space<hbm>>
        %dma_start3A_612 = tpu.memref_slice %arg9[%add3A_609] : memref<16384xi32, #tpu.memory_space<vmem>> -> memref<512xi32, #tpu.memory_space<vmem>>
        %dma_start3A_613 = tpu.memref_slice %arg3[%multiple_of3A_605] : memref<1600000xi32, #tpu.memory_space<hbm>> -> memref<512xi32, #tpu.memory_space<hbm>>
        tpu.enqueue_dma source(%dma_start3A_613 : memref<512xi32, #tpu.memory_space<hbm>>) target(%dma_start3A_612 : memref<512xi32, #tpu.memory_space<vmem>>) target_semaphore(%arg13 : memref<!tpu.dma_semaphore, #tpu.memory_space<semaphore_mem>>)
        %mul3A_614 = arith.constant 3 : i32
        %mul3A_615 = arith.muli %multiple_of3A_605, %mul3A_614 : i32
        %multiple_of3A_616 = tpu.assume_multiple %mul3A_615, 8 : i32
        %mul3A_617 = arith.constant 24576 : i32
        %mul3A_618 = arith.muli %rem3A_377, %mul3A_617 : i32
        %add3A_619 = arith.constant 15360 : i32
        %add3A_620 = arith.addi %mul3A_618, %add3A_619 : i32
        %dma_start3A_621 = tpu.memref_slice %arg10[%add3A_620] : memref<49152xf32, #tpu.memory_space<vmem>> -> memref<1536xf32, #tpu.memory_space<vmem>>
        %dma_start3A_622 = tpu.memref_slice %arg2[%multiple_of3A_616] : memref<4800000xf32, #tpu.memory_space<hbm>> -> memref<1536xf32, #tpu.memory_space<hbm>>
        %dma_start3A_623 = tpu.memref_slice %arg10[%add3A_620] : memref<49152xf32, #tpu.memory_space<vmem>> -> memref<1536xf32, #tpu.memory_space<vmem>>
        %dma_start3A_624 = tpu.memref_slice %arg2[%multiple_of3A_616] : memref<4800000xf32, #tpu.memory_space<hbm>> -> memref<1536xf32, #tpu.memory_space<hbm>>
        tpu.enqueue_dma source(%dma_start3A_624 : memref<1536xf32, #tpu.memory_space<hbm>>) target(%dma_start3A_623 : memref<1536xf32, #tpu.memory_space<vmem>>) target_semaphore(%arg14 : memref<!tpu.dma_semaphore, #tpu.memory_space<semaphore_mem>>)
        %slice3A_625 = vector.extract_strided_slice %min3A_384 {offsets = [11], sizes = [1], strides = [1]} : vector<16xi32> to vector<1xi32>
        %squeeze3A_626 = vector.extract %slice3A_625[0] : i32 from vector<1xi32>
        %multiple_of3A_627 = tpu.assume_multiple %squeeze3A_626, 8 : i32
        %mul3A_628 = arith.constant 8192 : i32
        %mul3A_629 = arith.muli %rem3A_377, %mul3A_628 : i32
        %add3A_630 = arith.constant 5632 : i32
        %add3A_631 = arith.addi %mul3A_629, %add3A_630 : i32
        %dma_start3A_632 = tpu.memref_slice %arg9[%add3A_631] : memref<16384xi32, #tpu.memory_space<vmem>> -> memref<512xi32, #tpu.memory_space<vmem>>
        %dma_start3A_633 = tpu.memref_slice %arg3[%multiple_of3A_627] : memref<1600000xi32, #tpu.memory_space<hbm>> -> memref<512xi32, #tpu.memory_space<hbm>>
        %dma_start3A_634 = tpu.memref_slice %arg9[%add3A_631] : memref<16384xi32, #tpu.memory_space<vmem>> -> memref<512xi32, #tpu.memory_space<vmem>>
        %dma_start3A_635 = tpu.memref_slice %arg3[%multiple_of3A_627] : memref<1600000xi32, #tpu.memory_space<hbm>> -> memref<512xi32, #tpu.memory_space<hbm>>
        tpu.enqueue_dma source(%dma_start3A_635 : memref<512xi32, #tpu.memory_space<hbm>>) target(%dma_start3A_634 : memref<512xi32, #tpu.memory_space<vmem>>) target_semaphore(%arg13 : memref<!tpu.dma_semaphore, #tpu.memory_space<semaphore_mem>>)
        %mul3A_636 = arith.constant 3 : i32
        %mul3A_637 = arith.muli %multiple_of3A_627, %mul3A_636 : i32
        %multiple_of3A_638 = tpu.assume_multiple %mul3A_637, 8 : i32
        %mul3A_639 = arith.constant 24576 : i32
        %mul3A_640 = arith.muli %rem3A_377, %mul3A_639 : i32
        %add3A_641 = arith.constant 16896 : i32
        %add3A_642 = arith.addi %mul3A_640, %add3A_641 : i32
        %dma_start3A_643 = tpu.memref_slice %arg10[%add3A_642] : memref<49152xf32, #tpu.memory_space<vmem>> -> memref<1536xf32, #tpu.memory_space<vmem>>
        %dma_start3A_644 = tpu.memref_slice %arg2[%multiple_of3A_638] : memref<4800000xf32, #tpu.memory_space<hbm>> -> memref<1536xf32, #tpu.memory_space<hbm>>
        %dma_start3A_645 = tpu.memref_slice %arg10[%add3A_642] : memref<49152xf32, #tpu.memory_space<vmem>> -> memref<1536xf32, #tpu.memory_space<vmem>>
        %dma_start3A_646 = tpu.memref_slice %arg2[%multiple_of3A_638] : memref<4800000xf32, #tpu.memory_space<hbm>> -> memref<1536xf32, #tpu.memory_space<hbm>>
        tpu.enqueue_dma source(%dma_start3A_646 : memref<1536xf32, #tpu.memory_space<hbm>>) target(%dma_start3A_645 : memref<1536xf32, #tpu.memory_space<vmem>>) target_semaphore(%arg14 : memref<!tpu.dma_semaphore, #tpu.memory_space<semaphore_mem>>)
        %slice3A_647 = vector.extract_strided_slice %min3A_384 {offsets = [12], sizes = [1], strides = [1]} : vector<16xi32> to vector<1xi32>
        %squeeze3A_648 = vector.extract %slice3A_647[0] : i32 from vector<1xi32>
        %multiple_of3A_649 = tpu.assume_multiple %squeeze3A_648, 8 : i32
        %mul3A_650 = arith.constant 8192 : i32
        %mul3A_651 = arith.muli %rem3A_377, %mul3A_650 : i32
        %add3A_652 = arith.constant 6144 : i32
        %add3A_653 = arith.addi %mul3A_651, %add3A_652 : i32
        %dma_start3A_654 = tpu.memref_slice %arg9[%add3A_653] : memref<16384xi32, #tpu.memory_space<vmem>> -> memref<512xi32, #tpu.memory_space<vmem>>
        %dma_start3A_655 = tpu.memref_slice %arg3[%multiple_of3A_649] : memref<1600000xi32, #tpu.memory_space<hbm>> -> memref<512xi32, #tpu.memory_space<hbm>>
        %dma_start3A_656 = tpu.memref_slice %arg9[%add3A_653] : memref<16384xi32, #tpu.memory_space<vmem>> -> memref<512xi32, #tpu.memory_space<vmem>>
        %dma_start3A_657 = tpu.memref_slice %arg3[%multiple_of3A_649] : memref<1600000xi32, #tpu.memory_space<hbm>> -> memref<512xi32, #tpu.memory_space<hbm>>
        tpu.enqueue_dma source(%dma_start3A_657 : memref<512xi32, #tpu.memory_space<hbm>>) target(%dma_start3A_656 : memref<512xi32, #tpu.memory_space<vmem>>) target_semaphore(%arg13 : memref<!tpu.dma_semaphore, #tpu.memory_space<semaphore_mem>>)
        %mul3A_658 = arith.constant 3 : i32
        %mul3A_659 = arith.muli %multiple_of3A_649, %mul3A_658 : i32
        %multiple_of3A_660 = tpu.assume_multiple %mul3A_659, 8 : i32
        %mul3A_661 = arith.constant 24576 : i32
        %mul3A_662 = arith.muli %rem3A_377, %mul3A_661 : i32
        %add3A_663 = arith.constant 18432 : i32
        %add3A_664 = arith.addi %mul3A_662, %add3A_663 : i32
        %dma_start3A_665 = tpu.memref_slice %arg10[%add3A_664] : memref<49152xf32, #tpu.memory_space<vmem>> -> memref<1536xf32, #tpu.memory_space<vmem>>
        %dma_start3A_666 = tpu.memref_slice %arg2[%multiple_of3A_660] : memref<4800000xf32, #tpu.memory_space<hbm>> -> memref<1536xf32, #tpu.memory_space<hbm>>
        %dma_start3A_667 = tpu.memref_slice %arg10[%add3A_664] : memref<49152xf32, #tpu.memory_space<vmem>> -> memref<1536xf32, #tpu.memory_space<vmem>>
        %dma_start3A_668 = tpu.memref_slice %arg2[%multiple_of3A_660] : memref<4800000xf32, #tpu.memory_space<hbm>> -> memref<1536xf32, #tpu.memory_space<hbm>>
        tpu.enqueue_dma source(%dma_start3A_668 : memref<1536xf32, #tpu.memory_space<hbm>>) target(%dma_start3A_667 : memref<1536xf32, #tpu.memory_space<vmem>>) target_semaphore(%arg14 : memref<!tpu.dma_semaphore, #tpu.memory_space<semaphore_mem>>)
        %slice3A_669 = vector.extract_strided_slice %min3A_384 {offsets = [13], sizes = [1], strides = [1]} : vector<16xi32> to vector<1xi32>
        %squeeze3A_670 = vector.extract %slice3A_669[0] : i32 from vector<1xi32>
        %multiple_of3A_671 = tpu.assume_multiple %squeeze3A_670, 8 : i32
        %mul3A_672 = arith.constant 8192 : i32
        %mul3A_673 = arith.muli %rem3A_377, %mul3A_672 : i32
        %add3A_674 = arith.constant 6656 : i32
        %add3A_675 = arith.addi %mul3A_673, %add3A_674 : i32
        %dma_start3A_676 = tpu.memref_slice %arg9[%add3A_675] : memref<16384xi32, #tpu.memory_space<vmem>> -> memref<512xi32, #tpu.memory_space<vmem>>
        %dma_start3A_677 = tpu.memref_slice %arg3[%multiple_of3A_671] : memref<1600000xi32, #tpu.memory_space<hbm>> -> memref<512xi32, #tpu.memory_space<hbm>>
        %dma_start3A_678 = tpu.memref_slice %arg9[%add3A_675] : memref<16384xi32, #tpu.memory_space<vmem>> -> memref<512xi32, #tpu.memory_space<vmem>>
        %dma_start3A_679 = tpu.memref_slice %arg3[%multiple_of3A_671] : memref<1600000xi32, #tpu.memory_space<hbm>> -> memref<512xi32, #tpu.memory_space<hbm>>
        tpu.enqueue_dma source(%dma_start3A_679 : memref<512xi32, #tpu.memory_space<hbm>>) target(%dma_start3A_678 : memref<512xi32, #tpu.memory_space<vmem>>) target_semaphore(%arg13 : memref<!tpu.dma_semaphore, #tpu.memory_space<semaphore_mem>>)
        %mul3A_680 = arith.constant 3 : i32
        %mul3A_681 = arith.muli %multiple_of3A_671, %mul3A_680 : i32
        %multiple_of3A_682 = tpu.assume_multiple %mul3A_681, 8 : i32
        %mul3A_683 = arith.constant 24576 : i32
        %mul3A_684 = arith.muli %rem3A_377, %mul3A_683 : i32
        %add3A_685 = arith.constant 19968 : i32
        %add3A_686 = arith.addi %mul3A_684, %add3A_685 : i32
        %dma_start3A_687 = tpu.memref_slice %arg10[%add3A_686] : memref<49152xf32, #tpu.memory_space<vmem>> -> memref<1536xf32, #tpu.memory_space<vmem>>
        %dma_start3A_688 = tpu.memref_slice %arg2[%multiple_of3A_682] : memref<4800000xf32, #tpu.memory_space<hbm>> -> memref<1536xf32, #tpu.memory_space<hbm>>
        %dma_start3A_689 = tpu.memref_slice %arg10[%add3A_686] : memref<49152xf32, #tpu.memory_space<vmem>> -> memref<1536xf32, #tpu.memory_space<vmem>>
        %dma_start3A_690 = tpu.memref_slice %arg2[%multiple_of3A_682] : memref<4800000xf32, #tpu.memory_space<hbm>> -> memref<1536xf32, #tpu.memory_space<hbm>>
        tpu.enqueue_dma source(%dma_start3A_690 : memref<1536xf32, #tpu.memory_space<hbm>>) target(%dma_start3A_689 : memref<1536xf32, #tpu.memory_space<vmem>>) target_semaphore(%arg14 : memref<!tpu.dma_semaphore, #tpu.memory_space<semaphore_mem>>)
        %slice3A_691 = vector.extract_strided_slice %min3A_384 {offsets = [14], sizes = [1], strides = [1]} : vector<16xi32> to vector<1xi32>
        %squeeze3A_692 = vector.extract %slice3A_691[0] : i32 from vector<1xi32>
        %multiple_of3A_693 = tpu.assume_multiple %squeeze3A_692, 8 : i32
        %mul3A_694 = arith.constant 8192 : i32
        %mul3A_695 = arith.muli %rem3A_377, %mul3A_694 : i32
        %add3A_696 = arith.constant 7168 : i32
        %add3A_697 = arith.addi %mul3A_695, %add3A_696 : i32
        %dma_start3A_698 = tpu.memref_slice %arg9[%add3A_697] : memref<16384xi32, #tpu.memory_space<vmem>> -> memref<512xi32, #tpu.memory_space<vmem>>
        %dma_start3A_699 = tpu.memref_slice %arg3[%multiple_of3A_693] : memref<1600000xi32, #tpu.memory_space<hbm>> -> memref<512xi32, #tpu.memory_space<hbm>>
        %dma_start3A_700 = tpu.memref_slice %arg9[%add3A_697] : memref<16384xi32, #tpu.memory_space<vmem>> -> memref<512xi32, #tpu.memory_space<vmem>>
        %dma_start3A_701 = tpu.memref_slice %arg3[%multiple_of3A_693] : memref<1600000xi32, #tpu.memory_space<hbm>> -> memref<512xi32, #tpu.memory_space<hbm>>
        tpu.enqueue_dma source(%dma_start3A_701 : memref<512xi32, #tpu.memory_space<hbm>>) target(%dma_start3A_700 : memref<512xi32, #tpu.memory_space<vmem>>) target_semaphore(%arg13 : memref<!tpu.dma_semaphore, #tpu.memory_space<semaphore_mem>>)
        %mul3A_702 = arith.constant 3 : i32
        %mul3A_703 = arith.muli %multiple_of3A_693, %mul3A_702 : i32
        %multiple_of3A_704 = tpu.assume_multiple %mul3A_703, 8 : i32
        %mul3A_705 = arith.constant 24576 : i32
        %mul3A_706 = arith.muli %rem3A_377, %mul3A_705 : i32
        %add3A_707 = arith.constant 21504 : i32
        %add3A_708 = arith.addi %mul3A_706, %add3A_707 : i32
        %dma_start3A_709 = tpu.memref_slice %arg10[%add3A_708] : memref<49152xf32, #tpu.memory_space<vmem>> -> memref<1536xf32, #tpu.memory_space<vmem>>
        %dma_start3A_710 = tpu.memref_slice %arg2[%multiple_of3A_704] : memref<4800000xf32, #tpu.memory_space<hbm>> -> memref<1536xf32, #tpu.memory_space<hbm>>
        %dma_start3A_711 = tpu.memref_slice %arg10[%add3A_708] : memref<49152xf32, #tpu.memory_space<vmem>> -> memref<1536xf32, #tpu.memory_space<vmem>>
        %dma_start3A_712 = tpu.memref_slice %arg2[%multiple_of3A_704] : memref<4800000xf32, #tpu.memory_space<hbm>> -> memref<1536xf32, #tpu.memory_space<hbm>>
        tpu.enqueue_dma source(%dma_start3A_712 : memref<1536xf32, #tpu.memory_space<hbm>>) target(%dma_start3A_711 : memref<1536xf32, #tpu.memory_space<vmem>>) target_semaphore(%arg14 : memref<!tpu.dma_semaphore, #tpu.memory_space<semaphore_mem>>)
        %slice3A_713 = vector.extract_strided_slice %min3A_384 {offsets = [15], sizes = [1], strides = [1]} : vector<16xi32> to vector<1xi32>
        %squeeze3A_714 = vector.extract %slice3A_713[0] : i32 from vector<1xi32>
        %multiple_of3A_715 = tpu.assume_multiple %squeeze3A_714, 8 : i32
        %mul3A_716 = arith.constant 8192 : i32
        %mul3A_717 = arith.muli %rem3A_377, %mul3A_716 : i32
        %add3A_718 = arith.constant 7680 : i32
        %add3A_719 = arith.addi %mul3A_717, %add3A_718 : i32
        %dma_start3A_720 = tpu.memref_slice %arg9[%add3A_719] : memref<16384xi32, #tpu.memory_space<vmem>> -> memref<512xi32, #tpu.memory_space<vmem>>
        %dma_start3A_721 = tpu.memref_slice %arg3[%multiple_of3A_715] : memref<1600000xi32, #tpu.memory_space<hbm>> -> memref<512xi32, #tpu.memory_space<hbm>>
        %dma_start3A_722 = tpu.memref_slice %arg9[%add3A_719] : memref<16384xi32, #tpu.memory_space<vmem>> -> memref<512xi32, #tpu.memory_space<vmem>>
        %dma_start3A_723 = tpu.memref_slice %arg3[%multiple_of3A_715] : memref<1600000xi32, #tpu.memory_space<hbm>> -> memref<512xi32, #tpu.memory_space<hbm>>
        tpu.enqueue_dma source(%dma_start3A_723 : memref<512xi32, #tpu.memory_space<hbm>>) target(%dma_start3A_722 : memref<512xi32, #tpu.memory_space<vmem>>) target_semaphore(%arg13 : memref<!tpu.dma_semaphore, #tpu.memory_space<semaphore_mem>>)
        %mul3A_724 = arith.constant 3 : i32
        %mul3A_725 = arith.muli %multiple_of3A_715, %mul3A_724 : i32
        %multiple_of3A_726 = tpu.assume_multiple %mul3A_725, 8 : i32
        %mul3A_727 = arith.constant 24576 : i32
        %mul3A_728 = arith.muli %rem3A_377, %mul3A_727 : i32
        %add3A_729 = arith.constant 23040 : i32
        %add3A_730 = arith.addi %mul3A_728, %add3A_729 : i32
        %dma_start3A_731 = tpu.memref_slice %arg10[%add3A_730] : memref<49152xf32, #tpu.memory_space<vmem>> -> memref<1536xf32, #tpu.memory_space<vmem>>
        %dma_start3A_732 = tpu.memref_slice %arg2[%multiple_of3A_726] : memref<4800000xf32, #tpu.memory_space<hbm>> -> memref<1536xf32, #tpu.memory_space<hbm>>
        %dma_start3A_733 = tpu.memref_slice %arg10[%add3A_730] : memref<49152xf32, #tpu.memory_space<vmem>> -> memref<1536xf32, #tpu.memory_space<vmem>>
        %dma_start3A_734 = tpu.memref_slice %arg2[%multiple_of3A_726] : memref<4800000xf32, #tpu.memory_space<hbm>> -> memref<1536xf32, #tpu.memory_space<hbm>>
        tpu.enqueue_dma source(%dma_start3A_734 : memref<1536xf32, #tpu.memory_space<hbm>>) target(%dma_start3A_733 : memref<1536xf32, #tpu.memory_space<vmem>>) target_semaphore(%arg14 : memref<!tpu.dma_semaphore, #tpu.memory_space<semaphore_mem>>)
      } else {
      }
      %add3A_107 = arith.constant 0 : i32
      %add3A_108 = arith.addi %mul3A_99, %add3A_107 : i32
      %dma_wait3A = tpu.memref_slice %arg9[%add3A_108] : memref<16384xi32, #tpu.memory_space<vmem>> -> memref<512xi32, #tpu.memory_space<vmem>>
      %dma_wait3A_109 = arith.constant 0 : i32
      %dma_wait3A_110 = tpu.memref_slice %arg3[%dma_wait3A_109] : memref<1600000xi32, #tpu.memory_space<hbm>> -> memref<512xi32, #tpu.memory_space<hbm>>
      %dma_wait3A_111 = tpu.memref_slice %arg9[%add3A_108] : memref<16384xi32, #tpu.memory_space<vmem>> -> memref<512xi32, #tpu.memory_space<vmem>>
      %dma_wait3A_112 = arith.constant 0 : i32
      %dma_wait3A_113 = tpu.memref_slice %arg3[%dma_wait3A_112] : memref<1600000xi32, #tpu.memory_space<hbm>> -> memref<512xi32, #tpu.memory_space<hbm>>
      tpu.wait_dma2 semaphore(%arg13 : memref<!tpu.dma_semaphore, #tpu.memory_space<semaphore_mem>>) src(%dma_wait3A_113 : memref<512xi32, #tpu.memory_space<hbm>>) dst(%dma_wait3A_111 : memref<512xi32, #tpu.memory_space<vmem>>)
      %add3A_114 = arith.constant 0 : i32
      %add3A_115 = arith.addi %mul3A_101, %add3A_114 : i32
      %dma_wait3A_116 = tpu.memref_slice %arg10[%add3A_115] : memref<49152xf32, #tpu.memory_space<vmem>> -> memref<1536xf32, #tpu.memory_space<vmem>>
      %dma_wait3A_117 = arith.constant 0 : i32
      %dma_wait3A_118 = tpu.memref_slice %arg2[%dma_wait3A_117] : memref<4800000xf32, #tpu.memory_space<hbm>> -> memref<1536xf32, #tpu.memory_space<hbm>>
      %dma_wait3A_119 = tpu.memref_slice %arg10[%add3A_115] : memref<49152xf32, #tpu.memory_space<vmem>> -> memref<1536xf32, #tpu.memory_space<vmem>>
      %dma_wait3A_120 = arith.constant 0 : i32
      %dma_wait3A_121 = tpu.memref_slice %arg2[%dma_wait3A_120] : memref<4800000xf32, #tpu.memory_space<hbm>> -> memref<1536xf32, #tpu.memory_space<hbm>>
      tpu.wait_dma2 semaphore(%arg14 : memref<!tpu.dma_semaphore, #tpu.memory_space<semaphore_mem>>) src(%dma_wait3A_121 : memref<1536xf32, #tpu.memory_space<hbm>>) dst(%dma_wait3A_119 : memref<1536xf32, #tpu.memory_space<vmem>>)
      %add3A_122 = arith.constant 512 : i32
      %add3A_123 = arith.addi %mul3A_99, %add3A_122 : i32
      %dma_wait3A_124 = tpu.memref_slice %arg9[%add3A_123] : memref<16384xi32, #tpu.memory_space<vmem>> -> memref<512xi32, #tpu.memory_space<vmem>>
      %dma_wait3A_125 = arith.constant 0 : i32
      %dma_wait3A_126 = tpu.memref_slice %arg3[%dma_wait3A_125] : memref<1600000xi32, #tpu.memory_space<hbm>> -> memref<512xi32, #tpu.memory_space<hbm>>
      %dma_wait3A_127 = tpu.memref_slice %arg9[%add3A_123] : memref<16384xi32, #tpu.memory_space<vmem>> -> memref<512xi32, #tpu.memory_space<vmem>>
      %dma_wait3A_128 = arith.constant 0 : i32
      %dma_wait3A_129 = tpu.memref_slice %arg3[%dma_wait3A_128] : memref<1600000xi32, #tpu.memory_space<hbm>> -> memref<512xi32, #tpu.memory_space<hbm>>
      tpu.wait_dma2 semaphore(%arg13 : memref<!tpu.dma_semaphore, #tpu.memory_space<semaphore_mem>>) src(%dma_wait3A_129 : memref<512xi32, #tpu.memory_space<hbm>>) dst(%dma_wait3A_127 : memref<512xi32, #tpu.memory_space<vmem>>)
      %add3A_130 = arith.constant 1536 : i32
      %add3A_131 = arith.addi %mul3A_101, %add3A_130 : i32
      %dma_wait3A_132 = tpu.memref_slice %arg10[%add3A_131] : memref<49152xf32, #tpu.memory_space<vmem>> -> memref<1536xf32, #tpu.memory_space<vmem>>
      %dma_wait3A_133 = arith.constant 0 : i32
      %dma_wait3A_134 = tpu.memref_slice %arg2[%dma_wait3A_133] : memref<4800000xf32, #tpu.memory_space<hbm>> -> memref<1536xf32, #tpu.memory_space<hbm>>
      %dma_wait3A_135 = tpu.memref_slice %arg10[%add3A_131] : memref<49152xf32, #tpu.memory_space<vmem>> -> memref<1536xf32, #tpu.memory_space<vmem>>
      %dma_wait3A_136 = arith.constant 0 : i32
      %dma_wait3A_137 = tpu.memref_slice %arg2[%dma_wait3A_136] : memref<4800000xf32, #tpu.memory_space<hbm>> -> memref<1536xf32, #tpu.memory_space<hbm>>
      tpu.wait_dma2 semaphore(%arg14 : memref<!tpu.dma_semaphore, #tpu.memory_space<semaphore_mem>>) src(%dma_wait3A_137 : memref<1536xf32, #tpu.memory_space<hbm>>) dst(%dma_wait3A_135 : memref<1536xf32, #tpu.memory_space<vmem>>)
      %add3A_138 = arith.constant 1024 : i32
      %add3A_139 = arith.addi %mul3A_99, %add3A_138 : i32
      %dma_wait3A_140 = tpu.memref_slice %arg9[%add3A_139] : memref<16384xi32, #tpu.memory_space<vmem>> -> memref<512xi32, #tpu.memory_space<vmem>>
      %dma_wait3A_141 = arith.constant 0 : i32
      %dma_wait3A_142 = tpu.memref_slice %arg3[%dma_wait3A_141] : memref<1600000xi32, #tpu.memory_space<hbm>> -> memref<512xi32, #tpu.memory_space<hbm>>
      %dma_wait3A_143 = tpu.memref_slice %arg9[%add3A_139] : memref<16384xi32, #tpu.memory_space<vmem>> -> memref<512xi32, #tpu.memory_space<vmem>>
      %dma_wait3A_144 = arith.constant 0 : i32
      %dma_wait3A_145 = tpu.memref_slice %arg3[%dma_wait3A_144] : memref<1600000xi32, #tpu.memory_space<hbm>> -> memref<512xi32, #tpu.memory_space<hbm>>
      tpu.wait_dma2 semaphore(%arg13 : memref<!tpu.dma_semaphore, #tpu.memory_space<semaphore_mem>>) src(%dma_wait3A_145 : memref<512xi32, #tpu.memory_space<hbm>>) dst(%dma_wait3A_143 : memref<512xi32, #tpu.memory_space<vmem>>)
      %add3A_146 = arith.constant 3072 : i32
      %add3A_147 = arith.addi %mul3A_101, %add3A_146 : i32
      %dma_wait3A_148 = tpu.memref_slice %arg10[%add3A_147] : memref<49152xf32, #tpu.memory_space<vmem>> -> memref<1536xf32, #tpu.memory_space<vmem>>
      %dma_wait3A_149 = arith.constant 0 : i32
      %dma_wait3A_150 = tpu.memref_slice %arg2[%dma_wait3A_149] : memref<4800000xf32, #tpu.memory_space<hbm>> -> memref<1536xf32, #tpu.memory_space<hbm>>
      %dma_wait3A_151 = tpu.memref_slice %arg10[%add3A_147] : memref<49152xf32, #tpu.memory_space<vmem>> -> memref<1536xf32, #tpu.memory_space<vmem>>
      %dma_wait3A_152 = arith.constant 0 : i32
      %dma_wait3A_153 = tpu.memref_slice %arg2[%dma_wait3A_152] : memref<4800000xf32, #tpu.memory_space<hbm>> -> memref<1536xf32, #tpu.memory_space<hbm>>
      tpu.wait_dma2 semaphore(%arg14 : memref<!tpu.dma_semaphore, #tpu.memory_space<semaphore_mem>>) src(%dma_wait3A_153 : memref<1536xf32, #tpu.memory_space<hbm>>) dst(%dma_wait3A_151 : memref<1536xf32, #tpu.memory_space<vmem>>)
      %add3A_154 = arith.constant 1536 : i32
      %add3A_155 = arith.addi %mul3A_99, %add3A_154 : i32
      %dma_wait3A_156 = tpu.memref_slice %arg9[%add3A_155] : memref<16384xi32, #tpu.memory_space<vmem>> -> memref<512xi32, #tpu.memory_space<vmem>>
      %dma_wait3A_157 = arith.constant 0 : i32
      %dma_wait3A_158 = tpu.memref_slice %arg3[%dma_wait3A_157] : memref<1600000xi32, #tpu.memory_space<hbm>> -> memref<512xi32, #tpu.memory_space<hbm>>
      %dma_wait3A_159 = tpu.memref_slice %arg9[%add3A_155] : memref<16384xi32, #tpu.memory_space<vmem>> -> memref<512xi32, #tpu.memory_space<vmem>>
      %dma_wait3A_160 = arith.constant 0 : i32
      %dma_wait3A_161 = tpu.memref_slice %arg3[%dma_wait3A_160] : memref<1600000xi32, #tpu.memory_space<hbm>> -> memref<512xi32, #tpu.memory_space<hbm>>
      tpu.wait_dma2 semaphore(%arg13 : memref<!tpu.dma_semaphore, #tpu.memory_space<semaphore_mem>>) src(%dma_wait3A_161 : memref<512xi32, #tpu.memory_space<hbm>>) dst(%dma_wait3A_159 : memref<512xi32, #tpu.memory_space<vmem>>)
      %add3A_162 = arith.constant 4608 : i32
      %add3A_163 = arith.addi %mul3A_101, %add3A_162 : i32
      %dma_wait3A_164 = tpu.memref_slice %arg10[%add3A_163] : memref<49152xf32, #tpu.memory_space<vmem>> -> memref<1536xf32, #tpu.memory_space<vmem>>
      %dma_wait3A_165 = arith.constant 0 : i32
      %dma_wait3A_166 = tpu.memref_slice %arg2[%dma_wait3A_165] : memref<4800000xf32, #tpu.memory_space<hbm>> -> memref<1536xf32, #tpu.memory_space<hbm>>
      %dma_wait3A_167 = tpu.memref_slice %arg10[%add3A_163] : memref<49152xf32, #tpu.memory_space<vmem>> -> memref<1536xf32, #tpu.memory_space<vmem>>
      %dma_wait3A_168 = arith.constant 0 : i32
      %dma_wait3A_169 = tpu.memref_slice %arg2[%dma_wait3A_168] : memref<4800000xf32, #tpu.memory_space<hbm>> -> memref<1536xf32, #tpu.memory_space<hbm>>
      tpu.wait_dma2 semaphore(%arg14 : memref<!tpu.dma_semaphore, #tpu.memory_space<semaphore_mem>>) src(%dma_wait3A_169 : memref<1536xf32, #tpu.memory_space<hbm>>) dst(%dma_wait3A_167 : memref<1536xf32, #tpu.memory_space<vmem>>)
      %add3A_170 = arith.constant 2048 : i32
      %add3A_171 = arith.addi %mul3A_99, %add3A_170 : i32
      %dma_wait3A_172 = tpu.memref_slice %arg9[%add3A_171] : memref<16384xi32, #tpu.memory_space<vmem>> -> memref<512xi32, #tpu.memory_space<vmem>>
      %dma_wait3A_173 = arith.constant 0 : i32
      %dma_wait3A_174 = tpu.memref_slice %arg3[%dma_wait3A_173] : memref<1600000xi32, #tpu.memory_space<hbm>> -> memref<512xi32, #tpu.memory_space<hbm>>
      %dma_wait3A_175 = tpu.memref_slice %arg9[%add3A_171] : memref<16384xi32, #tpu.memory_space<vmem>> -> memref<512xi32, #tpu.memory_space<vmem>>
      %dma_wait3A_176 = arith.constant 0 : i32
      %dma_wait3A_177 = tpu.memref_slice %arg3[%dma_wait3A_176] : memref<1600000xi32, #tpu.memory_space<hbm>> -> memref<512xi32, #tpu.memory_space<hbm>>
      tpu.wait_dma2 semaphore(%arg13 : memref<!tpu.dma_semaphore, #tpu.memory_space<semaphore_mem>>) src(%dma_wait3A_177 : memref<512xi32, #tpu.memory_space<hbm>>) dst(%dma_wait3A_175 : memref<512xi32, #tpu.memory_space<vmem>>)
      %add3A_178 = arith.constant 6144 : i32
      %add3A_179 = arith.addi %mul3A_101, %add3A_178 : i32
      %dma_wait3A_180 = tpu.memref_slice %arg10[%add3A_179] : memref<49152xf32, #tpu.memory_space<vmem>> -> memref<1536xf32, #tpu.memory_space<vmem>>
      %dma_wait3A_181 = arith.constant 0 : i32
      %dma_wait3A_182 = tpu.memref_slice %arg2[%dma_wait3A_181] : memref<4800000xf32, #tpu.memory_space<hbm>> -> memref<1536xf32, #tpu.memory_space<hbm>>
      %dma_wait3A_183 = tpu.memref_slice %arg10[%add3A_179] : memref<49152xf32, #tpu.memory_space<vmem>> -> memref<1536xf32, #tpu.memory_space<vmem>>
      %dma_wait3A_184 = arith.constant 0 : i32
      %dma_wait3A_185 = tpu.memref_slice %arg2[%dma_wait3A_184] : memref<4800000xf32, #tpu.memory_space<hbm>> -> memref<1536xf32, #tpu.memory_space<hbm>>
      tpu.wait_dma2 semaphore(%arg14 : memref<!tpu.dma_semaphore, #tpu.memory_space<semaphore_mem>>) src(%dma_wait3A_185 : memref<1536xf32, #tpu.memory_space<hbm>>) dst(%dma_wait3A_183 : memref<1536xf32, #tpu.memory_space<vmem>>)
      %add3A_186 = arith.constant 2560 : i32
      %add3A_187 = arith.addi %mul3A_99, %add3A_186 : i32
      %dma_wait3A_188 = tpu.memref_slice %arg9[%add3A_187] : memref<16384xi32, #tpu.memory_space<vmem>> -> memref<512xi32, #tpu.memory_space<vmem>>
      %dma_wait3A_189 = arith.constant 0 : i32
      %dma_wait3A_190 = tpu.memref_slice %arg3[%dma_wait3A_189] : memref<1600000xi32, #tpu.memory_space<hbm>> -> memref<512xi32, #tpu.memory_space<hbm>>
      %dma_wait3A_191 = tpu.memref_slice %arg9[%add3A_187] : memref<16384xi32, #tpu.memory_space<vmem>> -> memref<512xi32, #tpu.memory_space<vmem>>
      %dma_wait3A_192 = arith.constant 0 : i32
      %dma_wait3A_193 = tpu.memref_slice %arg3[%dma_wait3A_192] : memref<1600000xi32, #tpu.memory_space<hbm>> -> memref<512xi32, #tpu.memory_space<hbm>>
      tpu.wait_dma2 semaphore(%arg13 : memref<!tpu.dma_semaphore, #tpu.memory_space<semaphore_mem>>) src(%dma_wait3A_193 : memref<512xi32, #tpu.memory_space<hbm>>) dst(%dma_wait3A_191 : memref<512xi32, #tpu.memory_space<vmem>>)
      %add3A_194 = arith.constant 7680 : i32
      %add3A_195 = arith.addi %mul3A_101, %add3A_194 : i32
      %dma_wait3A_196 = tpu.memref_slice %arg10[%add3A_195] : memref<49152xf32, #tpu.memory_space<vmem>> -> memref<1536xf32, #tpu.memory_space<vmem>>
      %dma_wait3A_197 = arith.constant 0 : i32
      %dma_wait3A_198 = tpu.memref_slice %arg2[%dma_wait3A_197] : memref<4800000xf32, #tpu.memory_space<hbm>> -> memref<1536xf32, #tpu.memory_space<hbm>>
      %dma_wait3A_199 = tpu.memref_slice %arg10[%add3A_195] : memref<49152xf32, #tpu.memory_space<vmem>> -> memref<1536xf32, #tpu.memory_space<vmem>>
      %dma_wait3A_200 = arith.constant 0 : i32
      %dma_wait3A_201 = tpu.memref_slice %arg2[%dma_wait3A_200] : memref<4800000xf32, #tpu.memory_space<hbm>> -> memref<1536xf32, #tpu.memory_space<hbm>>
      tpu.wait_dma2 semaphore(%arg14 : memref<!tpu.dma_semaphore, #tpu.memory_space<semaphore_mem>>) src(%dma_wait3A_201 : memref<1536xf32, #tpu.memory_space<hbm>>) dst(%dma_wait3A_199 : memref<1536xf32, #tpu.memory_space<vmem>>)
      %add3A_202 = arith.constant 3072 : i32
      %add3A_203 = arith.addi %mul3A_99, %add3A_202 : i32
      %dma_wait3A_204 = tpu.memref_slice %arg9[%add3A_203] : memref<16384xi32, #tpu.memory_space<vmem>> -> memref<512xi32, #tpu.memory_space<vmem>>
      %dma_wait3A_205 = arith.constant 0 : i32
      %dma_wait3A_206 = tpu.memref_slice %arg3[%dma_wait3A_205] : memref<1600000xi32, #tpu.memory_space<hbm>> -> memref<512xi32, #tpu.memory_space<hbm>>
      %dma_wait3A_207 = tpu.memref_slice %arg9[%add3A_203] : memref<16384xi32, #tpu.memory_space<vmem>> -> memref<512xi32, #tpu.memory_space<vmem>>
      %dma_wait3A_208 = arith.constant 0 : i32
      %dma_wait3A_209 = tpu.memref_slice %arg3[%dma_wait3A_208] : memref<1600000xi32, #tpu.memory_space<hbm>> -> memref<512xi32, #tpu.memory_space<hbm>>
      tpu.wait_dma2 semaphore(%arg13 : memref<!tpu.dma_semaphore, #tpu.memory_space<semaphore_mem>>) src(%dma_wait3A_209 : memref<512xi32, #tpu.memory_space<hbm>>) dst(%dma_wait3A_207 : memref<512xi32, #tpu.memory_space<vmem>>)
      %add3A_210 = arith.constant 9216 : i32
      %add3A_211 = arith.addi %mul3A_101, %add3A_210 : i32
      %dma_wait3A_212 = tpu.memref_slice %arg10[%add3A_211] : memref<49152xf32, #tpu.memory_space<vmem>> -> memref<1536xf32, #tpu.memory_space<vmem>>
      %dma_wait3A_213 = arith.constant 0 : i32
      %dma_wait3A_214 = tpu.memref_slice %arg2[%dma_wait3A_213] : memref<4800000xf32, #tpu.memory_space<hbm>> -> memref<1536xf32, #tpu.memory_space<hbm>>
      %dma_wait3A_215 = tpu.memref_slice %arg10[%add3A_211] : memref<49152xf32, #tpu.memory_space<vmem>> -> memref<1536xf32, #tpu.memory_space<vmem>>
      %dma_wait3A_216 = arith.constant 0 : i32
      %dma_wait3A_217 = tpu.memref_slice %arg2[%dma_wait3A_216] : memref<4800000xf32, #tpu.memory_space<hbm>> -> memref<1536xf32, #tpu.memory_space<hbm>>
      tpu.wait_dma2 semaphore(%arg14 : memref<!tpu.dma_semaphore, #tpu.memory_space<semaphore_mem>>) src(%dma_wait3A_217 : memref<1536xf32, #tpu.memory_space<hbm>>) dst(%dma_wait3A_215 : memref<1536xf32, #tpu.memory_space<vmem>>)
      %add3A_218 = arith.constant 3584 : i32
      %add3A_219 = arith.addi %mul3A_99, %add3A_218 : i32
      %dma_wait3A_220 = tpu.memref_slice %arg9[%add3A_219] : memref<16384xi32, #tpu.memory_space<vmem>> -> memref<512xi32, #tpu.memory_space<vmem>>
      %dma_wait3A_221 = arith.constant 0 : i32
      %dma_wait3A_222 = tpu.memref_slice %arg3[%dma_wait3A_221] : memref<1600000xi32, #tpu.memory_space<hbm>> -> memref<512xi32, #tpu.memory_space<hbm>>
      %dma_wait3A_223 = tpu.memref_slice %arg9[%add3A_219] : memref<16384xi32, #tpu.memory_space<vmem>> -> memref<512xi32, #tpu.memory_space<vmem>>
      %dma_wait3A_224 = arith.constant 0 : i32
      %dma_wait3A_225 = tpu.memref_slice %arg3[%dma_wait3A_224] : memref<1600000xi32, #tpu.memory_space<hbm>> -> memref<512xi32, #tpu.memory_space<hbm>>
      tpu.wait_dma2 semaphore(%arg13 : memref<!tpu.dma_semaphore, #tpu.memory_space<semaphore_mem>>) src(%dma_wait3A_225 : memref<512xi32, #tpu.memory_space<hbm>>) dst(%dma_wait3A_223 : memref<512xi32, #tpu.memory_space<vmem>>)
      %add3A_226 = arith.constant 10752 : i32
      %add3A_227 = arith.addi %mul3A_101, %add3A_226 : i32
      %dma_wait3A_228 = tpu.memref_slice %arg10[%add3A_227] : memref<49152xf32, #tpu.memory_space<vmem>> -> memref<1536xf32, #tpu.memory_space<vmem>>
      %dma_wait3A_229 = arith.constant 0 : i32
      %dma_wait3A_230 = tpu.memref_slice %arg2[%dma_wait3A_229] : memref<4800000xf32, #tpu.memory_space<hbm>> -> memref<1536xf32, #tpu.memory_space<hbm>>
      %dma_wait3A_231 = tpu.memref_slice %arg10[%add3A_227] : memref<49152xf32, #tpu.memory_space<vmem>> -> memref<1536xf32, #tpu.memory_space<vmem>>
      %dma_wait3A_232 = arith.constant 0 : i32
      %dma_wait3A_233 = tpu.memref_slice %arg2[%dma_wait3A_232] : memref<4800000xf32, #tpu.memory_space<hbm>> -> memref<1536xf32, #tpu.memory_space<hbm>>
      tpu.wait_dma2 semaphore(%arg14 : memref<!tpu.dma_semaphore, #tpu.memory_space<semaphore_mem>>) src(%dma_wait3A_233 : memref<1536xf32, #tpu.memory_space<hbm>>) dst(%dma_wait3A_231 : memref<1536xf32, #tpu.memory_space<vmem>>)
      %add3A_234 = arith.constant 4096 : i32
      %add3A_235 = arith.addi %mul3A_99, %add3A_234 : i32
      %dma_wait3A_236 = tpu.memref_slice %arg9[%add3A_235] : memref<16384xi32, #tpu.memory_space<vmem>> -> memref<512xi32, #tpu.memory_space<vmem>>
      %dma_wait3A_237 = arith.constant 0 : i32
      %dma_wait3A_238 = tpu.memref_slice %arg3[%dma_wait3A_237] : memref<1600000xi32, #tpu.memory_space<hbm>> -> memref<512xi32, #tpu.memory_space<hbm>>
      %dma_wait3A_239 = tpu.memref_slice %arg9[%add3A_235] : memref<16384xi32, #tpu.memory_space<vmem>> -> memref<512xi32, #tpu.memory_space<vmem>>
      %dma_wait3A_240 = arith.constant 0 : i32
      %dma_wait3A_241 = tpu.memref_slice %arg3[%dma_wait3A_240] : memref<1600000xi32, #tpu.memory_space<hbm>> -> memref<512xi32, #tpu.memory_space<hbm>>
      tpu.wait_dma2 semaphore(%arg13 : memref<!tpu.dma_semaphore, #tpu.memory_space<semaphore_mem>>) src(%dma_wait3A_241 : memref<512xi32, #tpu.memory_space<hbm>>) dst(%dma_wait3A_239 : memref<512xi32, #tpu.memory_space<vmem>>)
      %add3A_242 = arith.constant 12288 : i32
      %add3A_243 = arith.addi %mul3A_101, %add3A_242 : i32
      %dma_wait3A_244 = tpu.memref_slice %arg10[%add3A_243] : memref<49152xf32, #tpu.memory_space<vmem>> -> memref<1536xf32, #tpu.memory_space<vmem>>
      %dma_wait3A_245 = arith.constant 0 : i32
      %dma_wait3A_246 = tpu.memref_slice %arg2[%dma_wait3A_245] : memref<4800000xf32, #tpu.memory_space<hbm>> -> memref<1536xf32, #tpu.memory_space<hbm>>
      %dma_wait3A_247 = tpu.memref_slice %arg10[%add3A_243] : memref<49152xf32, #tpu.memory_space<vmem>> -> memref<1536xf32, #tpu.memory_space<vmem>>
      %dma_wait3A_248 = arith.constant 0 : i32
      %dma_wait3A_249 = tpu.memref_slice %arg2[%dma_wait3A_248] : memref<4800000xf32, #tpu.memory_space<hbm>> -> memref<1536xf32, #tpu.memory_space<hbm>>
      tpu.wait_dma2 semaphore(%arg14 : memref<!tpu.dma_semaphore, #tpu.memory_space<semaphore_mem>>) src(%dma_wait3A_249 : memref<1536xf32, #tpu.memory_space<hbm>>) dst(%dma_wait3A_247 : memref<1536xf32, #tpu.memory_space<vmem>>)
      %add3A_250 = arith.constant 4608 : i32
      %add3A_251 = arith.addi %mul3A_99, %add3A_250 : i32
      %dma_wait3A_252 = tpu.memref_slice %arg9[%add3A_251] : memref<16384xi32, #tpu.memory_space<vmem>> -> memref<512xi32, #tpu.memory_space<vmem>>
      %dma_wait3A_253 = arith.constant 0 : i32
      %dma_wait3A_254 = tpu.memref_slice %arg3[%dma_wait3A_253] : memref<1600000xi32, #tpu.memory_space<hbm>> -> memref<512xi32, #tpu.memory_space<hbm>>
      %dma_wait3A_255 = tpu.memref_slice %arg9[%add3A_251] : memref<16384xi32, #tpu.memory_space<vmem>> -> memref<512xi32, #tpu.memory_space<vmem>>
      %dma_wait3A_256 = arith.constant 0 : i32
      %dma_wait3A_257 = tpu.memref_slice %arg3[%dma_wait3A_256] : memref<1600000xi32, #tpu.memory_space<hbm>> -> memref<512xi32, #tpu.memory_space<hbm>>
      tpu.wait_dma2 semaphore(%arg13 : memref<!tpu.dma_semaphore, #tpu.memory_space<semaphore_mem>>) src(%dma_wait3A_257 : memref<512xi32, #tpu.memory_space<hbm>>) dst(%dma_wait3A_255 : memref<512xi32, #tpu.memory_space<vmem>>)
      %add3A_258 = arith.constant 13824 : i32
      %add3A_259 = arith.addi %mul3A_101, %add3A_258 : i32
      %dma_wait3A_260 = tpu.memref_slice %arg10[%add3A_259] : memref<49152xf32, #tpu.memory_space<vmem>> -> memref<1536xf32, #tpu.memory_space<vmem>>
      %dma_wait3A_261 = arith.constant 0 : i32
      %dma_wait3A_262 = tpu.memref_slice %arg2[%dma_wait3A_261] : memref<4800000xf32, #tpu.memory_space<hbm>> -> memref<1536xf32, #tpu.memory_space<hbm>>
      %dma_wait3A_263 = tpu.memref_slice %arg10[%add3A_259] : memref<49152xf32, #tpu.memory_space<vmem>> -> memref<1536xf32, #tpu.memory_space<vmem>>
      %dma_wait3A_264 = arith.constant 0 : i32
      %dma_wait3A_265 = tpu.memref_slice %arg2[%dma_wait3A_264] : memref<4800000xf32, #tpu.memory_space<hbm>> -> memref<1536xf32, #tpu.memory_space<hbm>>
      tpu.wait_dma2 semaphore(%arg14 : memref<!tpu.dma_semaphore, #tpu.memory_space<semaphore_mem>>) src(%dma_wait3A_265 : memref<1536xf32, #tpu.memory_space<hbm>>) dst(%dma_wait3A_263 : memref<1536xf32, #tpu.memory_space<vmem>>)
      %add3A_266 = arith.constant 5120 : i32
      %add3A_267 = arith.addi %mul3A_99, %add3A_266 : i32
      %dma_wait3A_268 = tpu.memref_slice %arg9[%add3A_267] : memref<16384xi32, #tpu.memory_space<vmem>> -> memref<512xi32, #tpu.memory_space<vmem>>
      %dma_wait3A_269 = arith.constant 0 : i32
      %dma_wait3A_270 = tpu.memref_slice %arg3[%dma_wait3A_269] : memref<1600000xi32, #tpu.memory_space<hbm>> -> memref<512xi32, #tpu.memory_space<hbm>>
      %dma_wait3A_271 = tpu.memref_slice %arg9[%add3A_267] : memref<16384xi32, #tpu.memory_space<vmem>> -> memref<512xi32, #tpu.memory_space<vmem>>
      %dma_wait3A_272 = arith.constant 0 : i32
      %dma_wait3A_273 = tpu.memref_slice %arg3[%dma_wait3A_272] : memref<1600000xi32, #tpu.memory_space<hbm>> -> memref<512xi32, #tpu.memory_space<hbm>>
      tpu.wait_dma2 semaphore(%arg13 : memref<!tpu.dma_semaphore, #tpu.memory_space<semaphore_mem>>) src(%dma_wait3A_273 : memref<512xi32, #tpu.memory_space<hbm>>) dst(%dma_wait3A_271 : memref<512xi32, #tpu.memory_space<vmem>>)
      %add3A_274 = arith.constant 15360 : i32
      %add3A_275 = arith.addi %mul3A_101, %add3A_274 : i32
      %dma_wait3A_276 = tpu.memref_slice %arg10[%add3A_275] : memref<49152xf32, #tpu.memory_space<vmem>> -> memref<1536xf32, #tpu.memory_space<vmem>>
      %dma_wait3A_277 = arith.constant 0 : i32
      %dma_wait3A_278 = tpu.memref_slice %arg2[%dma_wait3A_277] : memref<4800000xf32, #tpu.memory_space<hbm>> -> memref<1536xf32, #tpu.memory_space<hbm>>
      %dma_wait3A_279 = tpu.memref_slice %arg10[%add3A_275] : memref<49152xf32, #tpu.memory_space<vmem>> -> memref<1536xf32, #tpu.memory_space<vmem>>
      %dma_wait3A_280 = arith.constant 0 : i32
      %dma_wait3A_281 = tpu.memref_slice %arg2[%dma_wait3A_280] : memref<4800000xf32, #tpu.memory_space<hbm>> -> memref<1536xf32, #tpu.memory_space<hbm>>
      tpu.wait_dma2 semaphore(%arg14 : memref<!tpu.dma_semaphore, #tpu.memory_space<semaphore_mem>>) src(%dma_wait3A_281 : memref<1536xf32, #tpu.memory_space<hbm>>) dst(%dma_wait3A_279 : memref<1536xf32, #tpu.memory_space<vmem>>)
      %add3A_282 = arith.constant 5632 : i32
      %add3A_283 = arith.addi %mul3A_99, %add3A_282 : i32
      %dma_wait3A_284 = tpu.memref_slice %arg9[%add3A_283] : memref<16384xi32, #tpu.memory_space<vmem>> -> memref<512xi32, #tpu.memory_space<vmem>>
      %dma_wait3A_285 = arith.constant 0 : i32
      %dma_wait3A_286 = tpu.memref_slice %arg3[%dma_wait3A_285] : memref<1600000xi32, #tpu.memory_space<hbm>> -> memref<512xi32, #tpu.memory_space<hbm>>
      %dma_wait3A_287 = tpu.memref_slice %arg9[%add3A_283] : memref<16384xi32, #tpu.memory_space<vmem>> -> memref<512xi32, #tpu.memory_space<vmem>>
      %dma_wait3A_288 = arith.constant 0 : i32
      %dma_wait3A_289 = tpu.memref_slice %arg3[%dma_wait3A_288] : memref<1600000xi32, #tpu.memory_space<hbm>> -> memref<512xi32, #tpu.memory_space<hbm>>
      tpu.wait_dma2 semaphore(%arg13 : memref<!tpu.dma_semaphore, #tpu.memory_space<semaphore_mem>>) src(%dma_wait3A_289 : memref<512xi32, #tpu.memory_space<hbm>>) dst(%dma_wait3A_287 : memref<512xi32, #tpu.memory_space<vmem>>)
      %add3A_290 = arith.constant 16896 : i32
      %add3A_291 = arith.addi %mul3A_101, %add3A_290 : i32
      %dma_wait3A_292 = tpu.memref_slice %arg10[%add3A_291] : memref<49152xf32, #tpu.memory_space<vmem>> -> memref<1536xf32, #tpu.memory_space<vmem>>
      %dma_wait3A_293 = arith.constant 0 : i32
      %dma_wait3A_294 = tpu.memref_slice %arg2[%dma_wait3A_293] : memref<4800000xf32, #tpu.memory_space<hbm>> -> memref<1536xf32, #tpu.memory_space<hbm>>
      %dma_wait3A_295 = tpu.memref_slice %arg10[%add3A_291] : memref<49152xf32, #tpu.memory_space<vmem>> -> memref<1536xf32, #tpu.memory_space<vmem>>
      %dma_wait3A_296 = arith.constant 0 : i32
      %dma_wait3A_297 = tpu.memref_slice %arg2[%dma_wait3A_296] : memref<4800000xf32, #tpu.memory_space<hbm>> -> memref<1536xf32, #tpu.memory_space<hbm>>
      tpu.wait_dma2 semaphore(%arg14 : memref<!tpu.dma_semaphore, #tpu.memory_space<semaphore_mem>>) src(%dma_wait3A_297 : memref<1536xf32, #tpu.memory_space<hbm>>) dst(%dma_wait3A_295 : memref<1536xf32, #tpu.memory_space<vmem>>)
      %add3A_298 = arith.constant 6144 : i32
      %add3A_299 = arith.addi %mul3A_99, %add3A_298 : i32
      %dma_wait3A_300 = tpu.memref_slice %arg9[%add3A_299] : memref<16384xi32, #tpu.memory_space<vmem>> -> memref<512xi32, #tpu.memory_space<vmem>>
      %dma_wait3A_301 = arith.constant 0 : i32
      %dma_wait3A_302 = tpu.memref_slice %arg3[%dma_wait3A_301] : memref<1600000xi32, #tpu.memory_space<hbm>> -> memref<512xi32, #tpu.memory_space<hbm>>
      %dma_wait3A_303 = tpu.memref_slice %arg9[%add3A_299] : memref<16384xi32, #tpu.memory_space<vmem>> -> memref<512xi32, #tpu.memory_space<vmem>>
      %dma_wait3A_304 = arith.constant 0 : i32
      %dma_wait3A_305 = tpu.memref_slice %arg3[%dma_wait3A_304] : memref<1600000xi32, #tpu.memory_space<hbm>> -> memref<512xi32, #tpu.memory_space<hbm>>
      tpu.wait_dma2 semaphore(%arg13 : memref<!tpu.dma_semaphore, #tpu.memory_space<semaphore_mem>>) src(%dma_wait3A_305 : memref<512xi32, #tpu.memory_space<hbm>>) dst(%dma_wait3A_303 : memref<512xi32, #tpu.memory_space<vmem>>)
      %add3A_306 = arith.constant 18432 : i32
      %add3A_307 = arith.addi %mul3A_101, %add3A_306 : i32
      %dma_wait3A_308 = tpu.memref_slice %arg10[%add3A_307] : memref<49152xf32, #tpu.memory_space<vmem>> -> memref<1536xf32, #tpu.memory_space<vmem>>
      %dma_wait3A_309 = arith.constant 0 : i32
      %dma_wait3A_310 = tpu.memref_slice %arg2[%dma_wait3A_309] : memref<4800000xf32, #tpu.memory_space<hbm>> -> memref<1536xf32, #tpu.memory_space<hbm>>
      %dma_wait3A_311 = tpu.memref_slice %arg10[%add3A_307] : memref<49152xf32, #tpu.memory_space<vmem>> -> memref<1536xf32, #tpu.memory_space<vmem>>
      %dma_wait3A_312 = arith.constant 0 : i32
      %dma_wait3A_313 = tpu.memref_slice %arg2[%dma_wait3A_312] : memref<4800000xf32, #tpu.memory_space<hbm>> -> memref<1536xf32, #tpu.memory_space<hbm>>
      tpu.wait_dma2 semaphore(%arg14 : memref<!tpu.dma_semaphore, #tpu.memory_space<semaphore_mem>>) src(%dma_wait3A_313 : memref<1536xf32, #tpu.memory_space<hbm>>) dst(%dma_wait3A_311 : memref<1536xf32, #tpu.memory_space<vmem>>)
      %add3A_314 = arith.constant 6656 : i32
      %add3A_315 = arith.addi %mul3A_99, %add3A_314 : i32
      %dma_wait3A_316 = tpu.memref_slice %arg9[%add3A_315] : memref<16384xi32, #tpu.memory_space<vmem>> -> memref<512xi32, #tpu.memory_space<vmem>>
      %dma_wait3A_317 = arith.constant 0 : i32
      %dma_wait3A_318 = tpu.memref_slice %arg3[%dma_wait3A_317] : memref<1600000xi32, #tpu.memory_space<hbm>> -> memref<512xi32, #tpu.memory_space<hbm>>
      %dma_wait3A_319 = tpu.memref_slice %arg9[%add3A_315] : memref<16384xi32, #tpu.memory_space<vmem>> -> memref<512xi32, #tpu.memory_space<vmem>>
      %dma_wait3A_320 = arith.constant 0 : i32
      %dma_wait3A_321 = tpu.memref_slice %arg3[%dma_wait3A_320] : memref<1600000xi32, #tpu.memory_space<hbm>> -> memref<512xi32, #tpu.memory_space<hbm>>
      tpu.wait_dma2 semaphore(%arg13 : memref<!tpu.dma_semaphore, #tpu.memory_space<semaphore_mem>>) src(%dma_wait3A_321 : memref<512xi32, #tpu.memory_space<hbm>>) dst(%dma_wait3A_319 : memref<512xi32, #tpu.memory_space<vmem>>)
      %add3A_322 = arith.constant 19968 : i32
      %add3A_323 = arith.addi %mul3A_101, %add3A_322 : i32
      %dma_wait3A_324 = tpu.memref_slice %arg10[%add3A_323] : memref<49152xf32, #tpu.memory_space<vmem>> -> memref<1536xf32, #tpu.memory_space<vmem>>
      %dma_wait3A_325 = arith.constant 0 : i32
      %dma_wait3A_326 = tpu.memref_slice %arg2[%dma_wait3A_325] : memref<4800000xf32, #tpu.memory_space<hbm>> -> memref<1536xf32, #tpu.memory_space<hbm>>
      %dma_wait3A_327 = tpu.memref_slice %arg10[%add3A_323] : memref<49152xf32, #tpu.memory_space<vmem>> -> memref<1536xf32, #tpu.memory_space<vmem>>
      %dma_wait3A_328 = arith.constant 0 : i32
      %dma_wait3A_329 = tpu.memref_slice %arg2[%dma_wait3A_328] : memref<4800000xf32, #tpu.memory_space<hbm>> -> memref<1536xf32, #tpu.memory_space<hbm>>
      tpu.wait_dma2 semaphore(%arg14 : memref<!tpu.dma_semaphore, #tpu.memory_space<semaphore_mem>>) src(%dma_wait3A_329 : memref<1536xf32, #tpu.memory_space<hbm>>) dst(%dma_wait3A_327 : memref<1536xf32, #tpu.memory_space<vmem>>)
      %add3A_330 = arith.constant 7168 : i32
      %add3A_331 = arith.addi %mul3A_99, %add3A_330 : i32
      %dma_wait3A_332 = tpu.memref_slice %arg9[%add3A_331] : memref<16384xi32, #tpu.memory_space<vmem>> -> memref<512xi32, #tpu.memory_space<vmem>>
      %dma_wait3A_333 = arith.constant 0 : i32
      %dma_wait3A_334 = tpu.memref_slice %arg3[%dma_wait3A_333] : memref<1600000xi32, #tpu.memory_space<hbm>> -> memref<512xi32, #tpu.memory_space<hbm>>
      %dma_wait3A_335 = tpu.memref_slice %arg9[%add3A_331] : memref<16384xi32, #tpu.memory_space<vmem>> -> memref<512xi32, #tpu.memory_space<vmem>>
      %dma_wait3A_336 = arith.constant 0 : i32
      %dma_wait3A_337 = tpu.memref_slice %arg3[%dma_wait3A_336] : memref<1600000xi32, #tpu.memory_space<hbm>> -> memref<512xi32, #tpu.memory_space<hbm>>
      tpu.wait_dma2 semaphore(%arg13 : memref<!tpu.dma_semaphore, #tpu.memory_space<semaphore_mem>>) src(%dma_wait3A_337 : memref<512xi32, #tpu.memory_space<hbm>>) dst(%dma_wait3A_335 : memref<512xi32, #tpu.memory_space<vmem>>)
      %add3A_338 = arith.constant 21504 : i32
      %add3A_339 = arith.addi %mul3A_101, %add3A_338 : i32
      %dma_wait3A_340 = tpu.memref_slice %arg10[%add3A_339] : memref<49152xf32, #tpu.memory_space<vmem>> -> memref<1536xf32, #tpu.memory_space<vmem>>
      %dma_wait3A_341 = arith.constant 0 : i32
      %dma_wait3A_342 = tpu.memref_slice %arg2[%dma_wait3A_341] : memref<4800000xf32, #tpu.memory_space<hbm>> -> memref<1536xf32, #tpu.memory_space<hbm>>
      %dma_wait3A_343 = tpu.memref_slice %arg10[%add3A_339] : memref<49152xf32, #tpu.memory_space<vmem>> -> memref<1536xf32, #tpu.memory_space<vmem>>
      %dma_wait3A_344 = arith.constant 0 : i32
      %dma_wait3A_345 = tpu.memref_slice %arg2[%dma_wait3A_344] : memref<4800000xf32, #tpu.memory_space<hbm>> -> memref<1536xf32, #tpu.memory_space<hbm>>
      tpu.wait_dma2 semaphore(%arg14 : memref<!tpu.dma_semaphore, #tpu.memory_space<semaphore_mem>>) src(%dma_wait3A_345 : memref<1536xf32, #tpu.memory_space<hbm>>) dst(%dma_wait3A_343 : memref<1536xf32, #tpu.memory_space<vmem>>)
      %add3A_346 = arith.constant 7680 : i32
      %add3A_347 = arith.addi %mul3A_99, %add3A_346 : i32
      %dma_wait3A_348 = tpu.memref_slice %arg9[%add3A_347] : memref<16384xi32, #tpu.memory_space<vmem>> -> memref<512xi32, #tpu.memory_space<vmem>>
      %dma_wait3A_349 = arith.constant 0 : i32
      %dma_wait3A_350 = tpu.memref_slice %arg3[%dma_wait3A_349] : memref<1600000xi32, #tpu.memory_space<hbm>> -> memref<512xi32, #tpu.memory_space<hbm>>
      %dma_wait3A_351 = tpu.memref_slice %arg9[%add3A_347] : memref<16384xi32, #tpu.memory_space<vmem>> -> memref<512xi32, #tpu.memory_space<vmem>>
      %dma_wait3A_352 = arith.constant 0 : i32
      %dma_wait3A_353 = tpu.memref_slice %arg3[%dma_wait3A_352] : memref<1600000xi32, #tpu.memory_space<hbm>> -> memref<512xi32, #tpu.memory_space<hbm>>
      tpu.wait_dma2 semaphore(%arg13 : memref<!tpu.dma_semaphore, #tpu.memory_space<semaphore_mem>>) src(%dma_wait3A_353 : memref<512xi32, #tpu.memory_space<hbm>>) dst(%dma_wait3A_351 : memref<512xi32, #tpu.memory_space<vmem>>)
      %add3A_354 = arith.constant 23040 : i32
      %add3A_355 = arith.addi %mul3A_101, %add3A_354 : i32
      %dma_wait3A_356 = tpu.memref_slice %arg10[%add3A_355] : memref<49152xf32, #tpu.memory_space<vmem>> -> memref<1536xf32, #tpu.memory_space<vmem>>
      %dma_wait3A_357 = arith.constant 0 : i32
      %dma_wait3A_358 = tpu.memref_slice %arg2[%dma_wait3A_357] : memref<4800000xf32, #tpu.memory_space<hbm>> -> memref<1536xf32, #tpu.memory_space<hbm>>
      %dma_wait3A_359 = tpu.memref_slice %arg10[%add3A_355] : memref<49152xf32, #tpu.memory_space<vmem>> -> memref<1536xf32, #tpu.memory_space<vmem>>
      %dma_wait3A_360 = arith.constant 0 : i32
      %dma_wait3A_361 = tpu.memref_slice %arg2[%dma_wait3A_360] : memref<4800000xf32, #tpu.memory_space<hbm>> -> memref<1536xf32, #tpu.memory_space<hbm>>
      tpu.wait_dma2 semaphore(%arg14 : memref<!tpu.dma_semaphore, #tpu.memory_space<semaphore_mem>>) src(%dma_wait3A_361 : memref<1536xf32, #tpu.memory_space<hbm>>) dst(%dma_wait3A_359 : memref<1536xf32, #tpu.memory_space<vmem>>)
      %add3A_362 = vector.broadcast %mul3A_95 : i32 to vector<16xi32>
      %add3A_363 = arith.addi %and3A_11, %add3A_362 : vector<16xi32>
      %min3A = arith.constant 1599488 : i32
      %min3A_364 = vector.broadcast %min3A : i32 to vector<16xi32>
      %min3A_365 = arith.minsi %add3A_363, %min3A_364 : vector<16xi32>
      %add3A_366 = vector.broadcast %mul3A_95 : i32 to vector<16xi32>
      %add3A_367 = arith.addi %and3A_11, %add3A_366 : vector<16xi32>
      %max3A = arith.maxsi %gather3A, %add3A_367 : vector<16xi32>
      %scan3A_368 = arith.constant 0 : i32
      %scan3A_369 = arith.constant 0 : i32
      %scan3A_370 = arith.constant 512 : i32
      %scan3A_371 = arith.addi %scan3A_369, %scan3A_370 : i32
      %scan3A_372 = arith.constant 4 : i32
      scf.for %scan3A_374 = %scan3A_369 to %scan3A_371 step %scan3A_372  : i32 {
        %add3A_375 = vector.broadcast %mul3A_99 : i32 to vector<16xi32>
        %add3A_376 = arith.addi %add3A_375, %mul3A_51 : vector<16xi32>
        %add3A_377 = vector.broadcast %scan3A_374 : i32 to vector<16xi32>
        %add3A_378 = arith.addi %add3A_376, %add3A_377 : vector<16xi32>
        %gather3A_379 = tpu.vector_load_idx %arg9[%add3A_378] : memref<16384xi32, #tpu.memory_space<vmem>>[vector<16xi32>], vector<16xi32>,
        %add3A_380 = vector.broadcast %scan3A_374 : i32 to vector<16xi32>
        %add3A_381 = arith.addi %min3A_365, %add3A_380 : vector<16xi32>
        %ge3A = arith.cmpi sge, %add3A_381, %max3A : vector<16xi32>
        %lt3A_382 = arith.cmpi slt, %add3A_381, %gather3A_9 : vector<16xi32>
        %and3A_383 = arith.andi %ge3A, %lt3A_382 : vector<16xi1>
        %sub3A_384 = arith.subi %gather3A_379, %mul3A_16 : vector<16xi32>
        %jit3A_385 = arith.constant 0 : i32
        %jit3A_386 = arith.constant 195 : i32
        %max3A_387 = vector.broadcast %jit3A_385 : i32 to vector<16xi32>
        %max3A_388 = arith.maxsi %max3A_387, %sub3A_384 : vector<16xi32>
        %min3A_389 = vector.broadcast %jit3A_386 : i32 to vector<16xi32>
        %min3A_390 = arith.minsi %min3A_389, %max3A_388 : vector<16xi32>
        %mul3A_391 = arith.constant 64 : i32
        %mul3A_392 = vector.broadcast %mul3A_391 : i32 to vector<16xi32>
        %mul3A_393 = arith.muli %min3A_390, %mul3A_392 : vector<16xi32>
        %add3A_394 = arith.addi %mul3A_393, %iota3A : vector<16xi32>
        %add3A_395 = vector.broadcast %mul3A_101 : i32 to vector<16xi32>
        %add3A_396 = arith.addi %add3A_395, %mul3A_54 : vector<16xi32>
        %mul3A_397 = arith.constant 3 : i32
        %mul3A_398 = arith.muli %scan3A_374, %mul3A_397 : i32
        %add3A_399 = vector.broadcast %mul3A_398 : i32 to vector<16xi32>
        %add3A_400 = arith.addi %add3A_396, %add3A_399 : vector<16xi32>
        %gather3A_401 = tpu.vector_load_idx %arg10[%add3A_400] : memref<49152xf32, #tpu.memory_space<vmem>>[vector<16xi32>], vector<16xf32>,
        %add3A_402 = arith.constant 1 : i32
        %add3A_403 = vector.broadcast %add3A_402 : i32 to vector<16xi32>
        %add3A_404 = arith.addi %add3A_400, %add3A_403 : vector<16xi32>
        %gather3A_405 = tpu.vector_load_idx %arg10[%add3A_404] : memref<49152xf32, #tpu.memory_space<vmem>>[vector<16xi32>], vector<16xf32>,
        %add3A_406 = arith.constant 2 : i32
        %add3A_407 = vector.broadcast %add3A_406 : i32 to vector<16xi32>
        %add3A_408 = arith.addi %add3A_400, %add3A_407 : vector<16xi32>
        %gather3A_409 = tpu.vector_load_idx %arg10[%add3A_408] : memref<49152xf32, #tpu.memory_space<vmem>>[vector<16xi32>], vector<16xf32>,
        %broadcast_in_dim3A = arith.constant 0.000000e+00 : f32
        %broadcast_in_dim3A_410 = vector.broadcast %broadcast_in_dim3A : f32 to vector<16xf32>
        %select_n3A_411 = arith.select %and3A_383, %gather3A_401, %broadcast_in_dim3A_410 : vector<16xi1>, vector<16xf32>
        tpu.vector_store_idx %arg11[%add3A_394], %select_n3A_411 {add = true} : memref<12544xf32, #tpu.memory_space<vmem>>[vector<16xi32>], vector<16xf32>,
        %add3A_412 = arith.constant 16 : i32
        %add3A_413 = vector.broadcast %add3A_412 : i32 to vector<16xi32>
        %add3A_414 = arith.addi %add3A_394, %add3A_413 : vector<16xi32>
        %select_n3A_415 = arith.select %and3A_383, %gather3A_405, %broadcast_in_dim3A_410 : vector<16xi1>, vector<16xf32>
        tpu.vector_store_idx %arg11[%add3A_414], %select_n3A_415 {add = true} : memref<12544xf32, #tpu.memory_space<vmem>>[vector<16xi32>], vector<16xf32>,
        %add3A_416 = arith.constant 32 : i32
        %add3A_417 = vector.broadcast %add3A_416 : i32 to vector<16xi32>
        %add3A_418 = arith.addi %add3A_394, %add3A_417 : vector<16xi32>
        %select_n3A_419 = arith.select %and3A_383, %gather3A_409, %broadcast_in_dim3A_410 : vector<16xi1>, vector<16xf32>
        tpu.vector_store_idx %arg11[%add3A_418], %select_n3A_419 {add = true} : memref<12544xf32, #tpu.memory_space<vmem>>[vector<16xi32>], vector<16xf32>,
        %add3A_420 = arith.constant 48 : i32
        %add3A_421 = vector.broadcast %add3A_420 : i32 to vector<16xi32>
        %add3A_422 = arith.addi %add3A_394, %add3A_421 : vector<16xi32>
        %broadcast_in_dim3A_423 = arith.constant 1.000000e+00 : f32
        %broadcast_in_dim3A_424 = vector.broadcast %broadcast_in_dim3A_423 : f32 to vector<16xf32>
        %select_n3A_425 = arith.select %and3A_383, %broadcast_in_dim3A_424, %broadcast_in_dim3A_410 : vector<16xi1>, vector<16xf32>
        tpu.vector_store_idx %arg11[%add3A_422], %select_n3A_425 {add = true} : memref<12544xf32, #tpu.memory_space<vmem>>[vector<16xi32>], vector<16xf32>,
        %scan3A_426 = arith.constant 1 : i32
        %scan3A_427 = arith.addi %scan3A_374, %scan3A_426 : i32
        %add3A_428 = vector.broadcast %mul3A_99 : i32 to vector<16xi32>
        %add3A_429 = arith.addi %add3A_428, %mul3A_51 : vector<16xi32>
        %add3A_430 = vector.broadcast %scan3A_427 : i32 to vector<16xi32>
        %add3A_431 = arith.addi %add3A_429, %add3A_430 : vector<16xi32>
        %gather3A_432 = tpu.vector_load_idx %arg9[%add3A_431] : memref<16384xi32, #tpu.memory_space<vmem>>[vector<16xi32>], vector<16xi32>,
        %add3A_433 = vector.broadcast %scan3A_427 : i32 to vector<16xi32>
        %add3A_434 = arith.addi %min3A_365, %add3A_433 : vector<16xi32>
        %ge3A_435 = arith.cmpi sge, %add3A_434, %max3A : vector<16xi32>
        %lt3A_436 = arith.cmpi slt, %add3A_434, %gather3A_9 : vector<16xi32>
        %and3A_437 = arith.andi %ge3A_435, %lt3A_436 : vector<16xi1>
        %sub3A_438 = arith.subi %gather3A_432, %mul3A_16 : vector<16xi32>
        %jit3A_439 = arith.constant 0 : i32
        %jit3A_440 = arith.constant 195 : i32
        %max3A_441 = vector.broadcast %jit3A_439 : i32 to vector<16xi32>
        %max3A_442 = arith.maxsi %max3A_441, %sub3A_438 : vector<16xi32>
        %min3A_443 = vector.broadcast %jit3A_440 : i32 to vector<16xi32>
        %min3A_444 = arith.minsi %min3A_443, %max3A_442 : vector<16xi32>
        %mul3A_445 = arith.constant 64 : i32
        %mul3A_446 = vector.broadcast %mul3A_445 : i32 to vector<16xi32>
        %mul3A_447 = arith.muli %min3A_444, %mul3A_446 : vector<16xi32>
        %add3A_448 = arith.addi %mul3A_447, %iota3A : vector<16xi32>
        %add3A_449 = vector.broadcast %mul3A_101 : i32 to vector<16xi32>
        %add3A_450 = arith.addi %add3A_449, %mul3A_54 : vector<16xi32>
        %mul3A_451 = arith.constant 3 : i32
        %mul3A_452 = arith.muli %scan3A_427, %mul3A_451 : i32
        %add3A_453 = vector.broadcast %mul3A_452 : i32 to vector<16xi32>
        %add3A_454 = arith.addi %add3A_450, %add3A_453 : vector<16xi32>
        %gather3A_455 = tpu.vector_load_idx %arg10[%add3A_454] : memref<49152xf32, #tpu.memory_space<vmem>>[vector<16xi32>], vector<16xf32>,
        %add3A_456 = arith.constant 1 : i32
        %add3A_457 = vector.broadcast %add3A_456 : i32 to vector<16xi32>
        %add3A_458 = arith.addi %add3A_454, %add3A_457 : vector<16xi32>
        %gather3A_459 = tpu.vector_load_idx %arg10[%add3A_458] : memref<49152xf32, #tpu.memory_space<vmem>>[vector<16xi32>], vector<16xf32>,
        %add3A_460 = arith.constant 2 : i32
        %add3A_461 = vector.broadcast %add3A_460 : i32 to vector<16xi32>
        %add3A_462 = arith.addi %add3A_454, %add3A_461 : vector<16xi32>
        %gather3A_463 = tpu.vector_load_idx %arg10[%add3A_462] : memref<49152xf32, #tpu.memory_space<vmem>>[vector<16xi32>], vector<16xf32>,
        %broadcast_in_dim3A_464 = arith.constant 0.000000e+00 : f32
        %broadcast_in_dim3A_465 = vector.broadcast %broadcast_in_dim3A_464 : f32 to vector<16xf32>
        %select_n3A_466 = arith.select %and3A_437, %gather3A_455, %broadcast_in_dim3A_465 : vector<16xi1>, vector<16xf32>
        tpu.vector_store_idx %arg11[%add3A_448], %select_n3A_466 {add = true} : memref<12544xf32, #tpu.memory_space<vmem>>[vector<16xi32>], vector<16xf32>,
        %add3A_467 = arith.constant 16 : i32
        %add3A_468 = vector.broadcast %add3A_467 : i32 to vector<16xi32>
        %add3A_469 = arith.addi %add3A_448, %add3A_468 : vector<16xi32>
        %select_n3A_470 = arith.select %and3A_437, %gather3A_459, %broadcast_in_dim3A_465 : vector<16xi1>, vector<16xf32>
        tpu.vector_store_idx %arg11[%add3A_469], %select_n3A_470 {add = true} : memref<12544xf32, #tpu.memory_space<vmem>>[vector<16xi32>], vector<16xf32>,
        %add3A_471 = arith.constant 32 : i32
        %add3A_472 = vector.broadcast %add3A_471 : i32 to vector<16xi32>
        %add3A_473 = arith.addi %add3A_448, %add3A_472 : vector<16xi32>
        %select_n3A_474 = arith.select %and3A_437, %gather3A_463, %broadcast_in_dim3A_465 : vector<16xi1>, vector<16xf32>
        tpu.vector_store_idx %arg11[%add3A_473], %select_n3A_474 {add = true} : memref<12544xf32, #tpu.memory_space<vmem>>[vector<16xi32>], vector<16xf32>,
        %add3A_475 = arith.constant 48 : i32
        %add3A_476 = vector.broadcast %add3A_475 : i32 to vector<16xi32>
        %add3A_477 = arith.addi %add3A_448, %add3A_476 : vector<16xi32>
        %broadcast_in_dim3A_478 = arith.constant 1.000000e+00 : f32
        %broadcast_in_dim3A_479 = vector.broadcast %broadcast_in_dim3A_478 : f32 to vector<16xf32>
        %select_n3A_480 = arith.select %and3A_437, %broadcast_in_dim3A_479, %broadcast_in_dim3A_465 : vector<16xi1>, vector<16xf32>
        tpu.vector_store_idx %arg11[%add3A_477], %select_n3A_480 {add = true} : memref<12544xf32, #tpu.memory_space<vmem>>[vector<16xi32>], vector<16xf32>,
        %scan3A_481 = arith.constant 2 : i32
        %scan3A_482 = arith.addi %scan3A_374, %scan3A_481 : i32
        %add3A_483 = vector.broadcast %mul3A_99 : i32 to vector<16xi32>
        %add3A_484 = arith.addi %add3A_483, %mul3A_51 : vector<16xi32>
        %add3A_485 = vector.broadcast %scan3A_482 : i32 to vector<16xi32>
        %add3A_486 = arith.addi %add3A_484, %add3A_485 : vector<16xi32>
        %gather3A_487 = tpu.vector_load_idx %arg9[%add3A_486] : memref<16384xi32, #tpu.memory_space<vmem>>[vector<16xi32>], vector<16xi32>,
        %add3A_488 = vector.broadcast %scan3A_482 : i32 to vector<16xi32>
        %add3A_489 = arith.addi %min3A_365, %add3A_488 : vector<16xi32>
        %ge3A_490 = arith.cmpi sge, %add3A_489, %max3A : vector<16xi32>
        %lt3A_491 = arith.cmpi slt, %add3A_489, %gather3A_9 : vector<16xi32>
        %and3A_492 = arith.andi %ge3A_490, %lt3A_491 : vector<16xi1>
        %sub3A_493 = arith.subi %gather3A_487, %mul3A_16 : vector<16xi32>
        %jit3A_494 = arith.constant 0 : i32
        %jit3A_495 = arith.constant 195 : i32
        %max3A_496 = vector.broadcast %jit3A_494 : i32 to vector<16xi32>
        %max3A_497 = arith.maxsi %max3A_496, %sub3A_493 : vector<16xi32>
        %min3A_498 = vector.broadcast %jit3A_495 : i32 to vector<16xi32>
        %min3A_499 = arith.minsi %min3A_498, %max3A_497 : vector<16xi32>
        %mul3A_500 = arith.constant 64 : i32
        %mul3A_501 = vector.broadcast %mul3A_500 : i32 to vector<16xi32>
        %mul3A_502 = arith.muli %min3A_499, %mul3A_501 : vector<16xi32>
        %add3A_503 = arith.addi %mul3A_502, %iota3A : vector<16xi32>
        %add3A_504 = vector.broadcast %mul3A_101 : i32 to vector<16xi32>
        %add3A_505 = arith.addi %add3A_504, %mul3A_54 : vector<16xi32>
        %mul3A_506 = arith.constant 3 : i32
        %mul3A_507 = arith.muli %scan3A_482, %mul3A_506 : i32
        %add3A_508 = vector.broadcast %mul3A_507 : i32 to vector<16xi32>
        %add3A_509 = arith.addi %add3A_505, %add3A_508 : vector<16xi32>
        %gather3A_510 = tpu.vector_load_idx %arg10[%add3A_509] : memref<49152xf32, #tpu.memory_space<vmem>>[vector<16xi32>], vector<16xf32>,
        %add3A_511 = arith.constant 1 : i32
        %add3A_512 = vector.broadcast %add3A_511 : i32 to vector<16xi32>
        %add3A_513 = arith.addi %add3A_509, %add3A_512 : vector<16xi32>
        %gather3A_514 = tpu.vector_load_idx %arg10[%add3A_513] : memref<49152xf32, #tpu.memory_space<vmem>>[vector<16xi32>], vector<16xf32>,
        %add3A_515 = arith.constant 2 : i32
        %add3A_516 = vector.broadcast %add3A_515 : i32 to vector<16xi32>
        %add3A_517 = arith.addi %add3A_509, %add3A_516 : vector<16xi32>
        %gather3A_518 = tpu.vector_load_idx %arg10[%add3A_517] : memref<49152xf32, #tpu.memory_space<vmem>>[vector<16xi32>], vector<16xf32>,
        %broadcast_in_dim3A_519 = arith.constant 0.000000e+00 : f32
        %broadcast_in_dim3A_520 = vector.broadcast %broadcast_in_dim3A_519 : f32 to vector<16xf32>
        %select_n3A_521 = arith.select %and3A_492, %gather3A_510, %broadcast_in_dim3A_520 : vector<16xi1>, vector<16xf32>
        tpu.vector_store_idx %arg11[%add3A_503], %select_n3A_521 {add = true} : memref<12544xf32, #tpu.memory_space<vmem>>[vector<16xi32>], vector<16xf32>,
        %add3A_522 = arith.constant 16 : i32
        %add3A_523 = vector.broadcast %add3A_522 : i32 to vector<16xi32>
        %add3A_524 = arith.addi %add3A_503, %add3A_523 : vector<16xi32>
        %select_n3A_525 = arith.select %and3A_492, %gather3A_514, %broadcast_in_dim3A_520 : vector<16xi1>, vector<16xf32>
        tpu.vector_store_idx %arg11[%add3A_524], %select_n3A_525 {add = true} : memref<12544xf32, #tpu.memory_space<vmem>>[vector<16xi32>], vector<16xf32>,
        %add3A_526 = arith.constant 32 : i32
        %add3A_527 = vector.broadcast %add3A_526 : i32 to vector<16xi32>
        %add3A_528 = arith.addi %add3A_503, %add3A_527 : vector<16xi32>
        %select_n3A_529 = arith.select %and3A_492, %gather3A_518, %broadcast_in_dim3A_520 : vector<16xi1>, vector<16xf32>
        tpu.vector_store_idx %arg11[%add3A_528], %select_n3A_529 {add = true} : memref<12544xf32, #tpu.memory_space<vmem>>[vector<16xi32>], vector<16xf32>,
        %add3A_530 = arith.constant 48 : i32
        %add3A_531 = vector.broadcast %add3A_530 : i32 to vector<16xi32>
        %add3A_532 = arith.addi %add3A_503, %add3A_531 : vector<16xi32>
        %broadcast_in_dim3A_533 = arith.constant 1.000000e+00 : f32
        %broadcast_in_dim3A_534 = vector.broadcast %broadcast_in_dim3A_533 : f32 to vector<16xf32>
        %select_n3A_535 = arith.select %and3A_492, %broadcast_in_dim3A_534, %broadcast_in_dim3A_520 : vector<16xi1>, vector<16xf32>
        tpu.vector_store_idx %arg11[%add3A_532], %select_n3A_535 {add = true} : memref<12544xf32, #tpu.memory_space<vmem>>[vector<16xi32>], vector<16xf32>,
        %scan3A_536 = arith.constant 3 : i32
        %scan3A_537 = arith.addi %scan3A_374, %scan3A_536 : i32
        %add3A_538 = vector.broadcast %mul3A_99 : i32 to vector<16xi32>
        %add3A_539 = arith.addi %add3A_538, %mul3A_51 : vector<16xi32>
        %add3A_540 = vector.broadcast %scan3A_537 : i32 to vector<16xi32>
        %add3A_541 = arith.addi %add3A_539, %add3A_540 : vector<16xi32>
        %gather3A_542 = tpu.vector_load_idx %arg9[%add3A_541] : memref<16384xi32, #tpu.memory_space<vmem>>[vector<16xi32>], vector<16xi32>,
        %add3A_543 = vector.broadcast %scan3A_537 : i32 to vector<16xi32>
        %add3A_544 = arith.addi %min3A_365, %add3A_543 : vector<16xi32>
        %ge3A_545 = arith.cmpi sge, %add3A_544, %max3A : vector<16xi32>
        %lt3A_546 = arith.cmpi slt, %add3A_544, %gather3A_9 : vector<16xi32>
        %and3A_547 = arith.andi %ge3A_545, %lt3A_546 : vector<16xi1>
        %sub3A_548 = arith.subi %gather3A_542, %mul3A_16 : vector<16xi32>
        %jit3A_549 = arith.constant 0 : i32
        %jit3A_550 = arith.constant 195 : i32
        %max3A_551 = vector.broadcast %jit3A_549 : i32 to vector<16xi32>
        %max3A_552 = arith.maxsi %max3A_551, %sub3A_548 : vector<16xi32>
        %min3A_553 = vector.broadcast %jit3A_550 : i32 to vector<16xi32>
        %min3A_554 = arith.minsi %min3A_553, %max3A_552 : vector<16xi32>
        %mul3A_555 = arith.constant 64 : i32
        %mul3A_556 = vector.broadcast %mul3A_555 : i32 to vector<16xi32>
        %mul3A_557 = arith.muli %min3A_554, %mul3A_556 : vector<16xi32>
        %add3A_558 = arith.addi %mul3A_557, %iota3A : vector<16xi32>
        %add3A_559 = vector.broadcast %mul3A_101 : i32 to vector<16xi32>
        %add3A_560 = arith.addi %add3A_559, %mul3A_54 : vector<16xi32>
        %mul3A_561 = arith.constant 3 : i32
        %mul3A_562 = arith.muli %scan3A_537, %mul3A_561 : i32
        %add3A_563 = vector.broadcast %mul3A_562 : i32 to vector<16xi32>
        %add3A_564 = arith.addi %add3A_560, %add3A_563 : vector<16xi32>
        %gather3A_565 = tpu.vector_load_idx %arg10[%add3A_564] : memref<49152xf32, #tpu.memory_space<vmem>>[vector<16xi32>], vector<16xf32>,
        %add3A_566 = arith.constant 1 : i32
        %add3A_567 = vector.broadcast %add3A_566 : i32 to vector<16xi32>
        %add3A_568 = arith.addi %add3A_564, %add3A_567 : vector<16xi32>
        %gather3A_569 = tpu.vector_load_idx %arg10[%add3A_568] : memref<49152xf32, #tpu.memory_space<vmem>>[vector<16xi32>], vector<16xf32>,
        %add3A_570 = arith.constant 2 : i32
        %add3A_571 = vector.broadcast %add3A_570 : i32 to vector<16xi32>
        %add3A_572 = arith.addi %add3A_564, %add3A_571 : vector<16xi32>
        %gather3A_573 = tpu.vector_load_idx %arg10[%add3A_572] : memref<49152xf32, #tpu.memory_space<vmem>>[vector<16xi32>], vector<16xf32>,
        %broadcast_in_dim3A_574 = arith.constant 0.000000e+00 : f32
        %broadcast_in_dim3A_575 = vector.broadcast %broadcast_in_dim3A_574 : f32 to vector<16xf32>
        %select_n3A_576 = arith.select %and3A_547, %gather3A_565, %broadcast_in_dim3A_575 : vector<16xi1>, vector<16xf32>
        tpu.vector_store_idx %arg11[%add3A_558], %select_n3A_576 {add = true} : memref<12544xf32, #tpu.memory_space<vmem>>[vector<16xi32>], vector<16xf32>,
        %add3A_577 = arith.constant 16 : i32
        %add3A_578 = vector.broadcast %add3A_577 : i32 to vector<16xi32>
        %add3A_579 = arith.addi %add3A_558, %add3A_578 : vector<16xi32>
        %select_n3A_580 = arith.select %and3A_547, %gather3A_569, %broadcast_in_dim3A_575 : vector<16xi1>, vector<16xf32>
        tpu.vector_store_idx %arg11[%add3A_579], %select_n3A_580 {add = true} : memref<12544xf32, #tpu.memory_space<vmem>>[vector<16xi32>], vector<16xf32>,
        %add3A_581 = arith.constant 32 : i32
        %add3A_582 = vector.broadcast %add3A_581 : i32 to vector<16xi32>
        %add3A_583 = arith.addi %add3A_558, %add3A_582 : vector<16xi32>
        %select_n3A_584 = arith.select %and3A_547, %gather3A_573, %broadcast_in_dim3A_575 : vector<16xi1>, vector<16xf32>
        tpu.vector_store_idx %arg11[%add3A_583], %select_n3A_584 {add = true} : memref<12544xf32, #tpu.memory_space<vmem>>[vector<16xi32>], vector<16xf32>,
        %add3A_585 = arith.constant 48 : i32
        %add3A_586 = vector.broadcast %add3A_585 : i32 to vector<16xi32>
        %add3A_587 = arith.addi %add3A_558, %add3A_586 : vector<16xi32>
        %broadcast_in_dim3A_588 = arith.constant 1.000000e+00 : f32
        %broadcast_in_dim3A_589 = vector.broadcast %broadcast_in_dim3A_588 : f32 to vector<16xf32>
        %select_n3A_590 = arith.select %and3A_547, %broadcast_in_dim3A_589, %broadcast_in_dim3A_575 : vector<16xi1>, vector<16xf32>
        tpu.vector_store_idx %arg11[%add3A_587], %select_n3A_590 {add = true} : memref<12544xf32, #tpu.memory_space<vmem>>[vector<16xi32>], vector<16xf32>,
      }
      %scan3A_373 = arith.constant 512 : i32
    }
    %get3A = arith.constant 0 : index
    %get3A_66 = tpu.vector_load %arg8[%get3A] {strides = array<i32>} : memref<16xf32, #tpu.memory_space<vmem>>, vector<16xf32>,
    %slice3A = vector.extract_strided_slice %get3A_66 {offsets = [0], sizes = [1], strides = [1]} : vector<16xf32> to vector<1xf32>
    %squeeze3A = vector.extract %slice3A[0] : f32 from vector<1xf32>
    %slice3A_67 = vector.extract_strided_slice %get3A_66 {offsets = [1], sizes = [1], strides = [1]} : vector<16xf32> to vector<1xf32>
    %squeeze3A_68 = vector.extract %slice3A_67[0] : f32 from vector<1xf32>
    %slice3A_69 = vector.extract_strided_slice %get3A_66 {offsets = [2], sizes = [1], strides = [1]} : vector<16xf32> to vector<1xf32>
    %squeeze3A_70 = vector.extract %slice3A_69[0] : f32 from vector<1xf32>
    %slice3A_71 = vector.extract_strided_slice %get3A_66 {offsets = [3], sizes = [1], strides = [1]} : vector<16xf32> to vector<1xf32>
    %squeeze3A_72 = vector.extract %slice3A_71[0] : f32 from vector<1xf32>
    %slice3A_73 = vector.extract_strided_slice %get3A_66 {offsets = [4], sizes = [1], strides = [1]} : vector<16xf32> to vector<1xf32>
    %squeeze3A_74 = vector.extract %slice3A_73[0] : f32 from vector<1xf32>
    %slice3A_75 = vector.extract_strided_slice %get3A_66 {offsets = [5], sizes = [1], strides = [1]} : vector<16xf32> to vector<1xf32>
    %squeeze3A_76 = vector.extract %slice3A_75[0] : f32 from vector<1xf32>
    %slice3A_77 = vector.extract_strided_slice %get3A_66 {offsets = [6], sizes = [1], strides = [1]} : vector<16xf32> to vector<1xf32>
    %squeeze3A_78 = vector.extract %slice3A_77[0] : f32 from vector<1xf32>
    %slice3A_79 = vector.extract_strided_slice %get3A_66 {offsets = [7], sizes = [1], strides = [1]} : vector<16xf32> to vector<1xf32>
    %squeeze3A_80 = vector.extract %slice3A_79[0] : f32 from vector<1xf32>
    %slice3A_81 = vector.extract_strided_slice %get3A_66 {offsets = [8], sizes = [1], strides = [1]} : vector<16xf32> to vector<1xf32>
    %squeeze3A_82 = vector.extract %slice3A_81[0] : f32 from vector<1xf32>
    %slice3A_83 = vector.extract_strided_slice %get3A_66 {offsets = [9], sizes = [1], strides = [1]} : vector<16xf32> to vector<1xf32>
    %squeeze3A_84 = vector.extract %slice3A_83[0] : f32 from vector<1xf32>
    %scan3A_85 = arith.constant 0 : i32
    %scan3A_86 = arith.constant 0 : i32
    %scan3A_87 = arith.constant 196 : i32
    %scan3A_88 = arith.addi %scan3A_86, %scan3A_87 : i32
    %scan3A_89 = arith.constant 1 : i32
    scf.for %scan3A_93 = %scan3A_86 to %scan3A_88 step %scan3A_89  : i32 {
      %mul3A_94 = arith.constant 64 : i32
      %mul3A_95 = arith.muli %scan3A_93, %mul3A_94 : i32
      %get3A_96 = arith.index_cast %mul3A_95 : i32 to index
      %get3A_97 = tpu.vector_load %arg11[%get3A_96] {strides = array<i32>} : memref<12544xf32, #tpu.memory_space<vmem>>, vector<16xf32>,
      %add3A_98 = arith.constant 16 : i32
      %add3A_99 = arith.addi %mul3A_95, %add3A_98 : i32
      %get3A_100 = arith.index_cast %add3A_99 : i32 to index
      %get3A_101 = tpu.vector_load %arg11[%get3A_100] {strides = array<i32>} : memref<12544xf32, #tpu.memory_space<vmem>>, vector<16xf32>,
      %add3A_102 = arith.constant 32 : i32
      %add3A_103 = arith.addi %mul3A_95, %add3A_102 : i32
      %get3A_104 = arith.index_cast %add3A_103 : i32 to index
      %get3A_105 = tpu.vector_load %arg11[%get3A_104] {strides = array<i32>} : memref<12544xf32, #tpu.memory_space<vmem>>, vector<16xf32>,
      %add3A_106 = arith.constant 48 : i32
      %add3A_107 = arith.addi %mul3A_95, %add3A_106 : i32
      %get3A_108 = arith.index_cast %add3A_107 : i32 to index
      %get3A_109 = tpu.vector_load %arg11[%get3A_108] {strides = array<i32>} : memref<12544xf32, #tpu.memory_space<vmem>>, vector<16xf32>,
      %max3A = arith.constant 1.000000e+00 : f32
      %max3A_110 = vector.broadcast %max3A : f32 to vector<16xf32>
      %max3A_111 = arith.maximumf %get3A_109, %max3A_110 : vector<16xf32>
      %div3A_112 = arith.constant 1.000000e+00 : f32
      %div3A_113 = vector.broadcast %div3A_112 : f32 to vector<16xf32>
      %div3A_114 = arith.divf %div3A_113, %max3A_111 : vector<16xf32>
      %mul3A_115 = arith.mulf %max3A_111, %div3A_114 : vector<16xf32>
      %sub3A_116 = arith.constant 2.000000e+00 : f32
      %sub3A_117 = vector.broadcast %sub3A_116 : f32 to vector<16xf32>
      %sub3A_118 = arith.subf %sub3A_117, %mul3A_115 : vector<16xf32>
      %mul3A_119 = arith.mulf %div3A_114, %sub3A_118 : vector<16xf32>
      %mul3A_120 = arith.mulf %get3A_97, %mul3A_119 : vector<16xf32>
      %mul3A_121 = arith.mulf %get3A_101, %mul3A_119 : vector<16xf32>
      %mul3A_122 = arith.mulf %get3A_105, %mul3A_119 : vector<16xf32>
      %add3A_123 = arith.addf %mul3A_120, %mul3A_121 : vector<16xf32>
      %add3A_124 = arith.addf %add3A_123, %mul3A_122 : vector<16xf32>
      %mul3A_125 = arith.constant 0.333333343 : f32
      %mul3A_126 = vector.broadcast %mul3A_125 : f32 to vector<16xf32>
      %mul3A_127 = arith.mulf %add3A_124, %mul3A_126 : vector<16xf32>
      %sub3A_128 = arith.subf %mul3A_120, %mul3A_127 : vector<16xf32>
      %sub3A_129 = arith.subf %mul3A_121, %mul3A_127 : vector<16xf32>
      %sub3A_130 = arith.subf %mul3A_122, %mul3A_127 : vector<16xf32>
      %mul3A_131 = arith.mulf %sub3A_128, %sub3A_128 : vector<16xf32>
      %mul3A_132 = arith.mulf %sub3A_129, %sub3A_129 : vector<16xf32>
      %add3A_133 = arith.addf %mul3A_131, %mul3A_132 : vector<16xf32>
      %mul3A_134 = arith.mulf %sub3A_130, %sub3A_130 : vector<16xf32>
      %add3A_135 = arith.addf %add3A_133, %mul3A_134 : vector<16xf32>
      %mul3A_136 = arith.constant 0.333333343 : f32
      %mul3A_137 = vector.broadcast %mul3A_136 : f32 to vector<16xf32>
      %mul3A_138 = arith.mulf %add3A_135, %mul3A_137 : vector<16xf32>
      %add3A_139 = arith.constant 9.99999974E-6 : f32
      %add3A_140 = vector.broadcast %add3A_139 : f32 to vector<16xf32>
      %add3A_141 = arith.addf %mul3A_138, %add3A_140 : vector<16xf32>
      %bitcast3A = vector.bitcast %add3A_141 : vector<16xf32> to vector<16xi32>
      %shift_right_arithmetic3A = arith.constant 1 : i32
      %shift_right_arithmetic3A_142 = vector.broadcast %shift_right_arithmetic3A : i32 to vector<16xi32>
      %shift_right_arithmetic3A_143 = arith.shrsi %bitcast3A, %shift_right_arithmetic3A_142 : vector<16xi32>
      %sub3A_144 = arith.constant 1597463007 : i32
      %sub3A_145 = vector.broadcast %sub3A_144 : i32 to vector<16xi32>
      %sub3A_146 = arith.subi %sub3A_145, %shift_right_arithmetic3A_143 : vector<16xi32>
      %bitcast3A_147 = vector.bitcast %sub3A_146 : vector<16xi32> to vector<16xf32>
      %mul3A_148 = arith.constant 5.000000e-01 : f32
      %mul3A_149 = vector.broadcast %mul3A_148 : f32 to vector<16xf32>
      %mul3A_150 = arith.mulf %mul3A_149, %add3A_141 : vector<16xf32>
      %mul3A_151 = arith.mulf %mul3A_150, %bitcast3A_147 : vector<16xf32>
      %mul3A_152 = arith.mulf %mul3A_151, %bitcast3A_147 : vector<16xf32>
      %sub3A_153 = arith.constant 1.500000e+00 : f32
      %sub3A_154 = vector.broadcast %sub3A_153 : f32 to vector<16xf32>
      %sub3A_155 = arith.subf %sub3A_154, %mul3A_152 : vector<16xf32>
      %mul3A_156 = arith.mulf %bitcast3A_147, %sub3A_155 : vector<16xf32>
      %mul3A_157 = arith.constant 5.000000e-01 : f32
      %mul3A_158 = vector.broadcast %mul3A_157 : f32 to vector<16xf32>
      %mul3A_159 = arith.mulf %mul3A_158, %add3A_141 : vector<16xf32>
      %mul3A_160 = arith.mulf %mul3A_159, %mul3A_156 : vector<16xf32>
      %mul3A_161 = arith.mulf %mul3A_160, %mul3A_156 : vector<16xf32>
      %sub3A_162 = arith.constant 1.500000e+00 : f32
      %sub3A_163 = vector.broadcast %sub3A_162 : f32 to vector<16xf32>
      %sub3A_164 = arith.subf %sub3A_163, %mul3A_161 : vector<16xf32>
      %mul3A_165 = arith.mulf %mul3A_156, %sub3A_164 : vector<16xf32>
      %mul3A_166 = arith.constant 5.000000e-01 : f32
      %mul3A_167 = vector.broadcast %mul3A_166 : f32 to vector<16xf32>
      %mul3A_168 = arith.mulf %mul3A_167, %add3A_141 : vector<16xf32>
      %mul3A_169 = arith.mulf %mul3A_168, %mul3A_165 : vector<16xf32>
      %mul3A_170 = arith.mulf %mul3A_169, %mul3A_165 : vector<16xf32>
      %sub3A_171 = arith.constant 1.500000e+00 : f32
      %sub3A_172 = vector.broadcast %sub3A_171 : f32 to vector<16xf32>
      %sub3A_173 = arith.subf %sub3A_172, %mul3A_170 : vector<16xf32>
      %mul3A_174 = arith.mulf %mul3A_165, %sub3A_173 : vector<16xf32>
      %mul3A_175 = arith.constant 5.000000e-01 : f32
      %mul3A_176 = vector.broadcast %mul3A_175 : f32 to vector<16xf32>
      %mul3A_177 = arith.mulf %mul3A_176, %add3A_141 : vector<16xf32>
      %mul3A_178 = arith.mulf %mul3A_177, %mul3A_174 : vector<16xf32>
      %mul3A_179 = arith.mulf %mul3A_178, %mul3A_174 : vector<16xf32>
      %sub3A_180 = arith.constant 1.500000e+00 : f32
      %sub3A_181 = vector.broadcast %sub3A_180 : f32 to vector<16xf32>
      %sub3A_182 = arith.subf %sub3A_181, %mul3A_179 : vector<16xf32>
      %mul3A_183 = arith.mulf %mul3A_174, %sub3A_182 : vector<16xf32>
      %mul3A_184 = arith.mulf %sub3A_128, %mul3A_183 : vector<16xf32>
      %mul3A_185 = vector.broadcast %squeeze3A : f32 to vector<16xf32>
      %mul3A_186 = arith.mulf %mul3A_184, %mul3A_185 : vector<16xf32>
      %add3A_187 = vector.broadcast %squeeze3A_72 : f32 to vector<16xf32>
      %add3A_188 = arith.addf %mul3A_186, %add3A_187 : vector<16xf32>
      %mul3A_189 = arith.mulf %sub3A_129, %mul3A_183 : vector<16xf32>
      %mul3A_190 = vector.broadcast %squeeze3A_68 : f32 to vector<16xf32>
      %mul3A_191 = arith.mulf %mul3A_189, %mul3A_190 : vector<16xf32>
      %add3A_192 = vector.broadcast %squeeze3A_74 : f32 to vector<16xf32>
      %add3A_193 = arith.addf %mul3A_191, %add3A_192 : vector<16xf32>
      %mul3A_194 = arith.mulf %sub3A_130, %mul3A_183 : vector<16xf32>
      %mul3A_195 = vector.broadcast %squeeze3A_70 : f32 to vector<16xf32>
      %mul3A_196 = arith.mulf %mul3A_194, %mul3A_195 : vector<16xf32>
      %add3A_197 = vector.broadcast %squeeze3A_76 : f32 to vector<16xf32>
      %add3A_198 = arith.addf %mul3A_196, %add3A_197 : vector<16xf32>
      %mul3A_199 = vector.broadcast %squeeze3A_78 : f32 to vector<16xf32>
      %mul3A_200 = arith.mulf %add3A_188, %mul3A_199 : vector<16xf32>
      %mul3A_201 = vector.broadcast %squeeze3A_80 : f32 to vector<16xf32>
      %mul3A_202 = arith.mulf %add3A_193, %mul3A_201 : vector<16xf32>
      %add3A_203 = arith.addf %mul3A_200, %mul3A_202 : vector<16xf32>
      %mul3A_204 = vector.broadcast %squeeze3A_82 : f32 to vector<16xf32>
      %mul3A_205 = arith.mulf %add3A_198, %mul3A_204 : vector<16xf32>
      %add3A_206 = arith.addf %add3A_203, %mul3A_205 : vector<16xf32>
      %add3A_207 = vector.broadcast %squeeze3A_84 : f32 to vector<16xf32>
      %add3A_208 = arith.addf %add3A_206, %add3A_207 : vector<16xf32>
      %mul3A_209 = arith.constant 196 : i32
      %mul3A_210 = vector.broadcast %mul3A_209 : i32 to vector<16xi32>
      %mul3A_211 = arith.muli %iota3A, %mul3A_210 : vector<16xi32>
      %add3A_212 = vector.broadcast %scan3A_93 : i32 to vector<16xi32>
      %add3A_213 = arith.addi %mul3A_211, %add3A_212 : vector<16xi32>
      tpu.vector_store_idx %arg12[%add3A_213], %add3A_208 : memref<3136xf32, #tpu.memory_space<vmem>>[vector<16xi32>], vector<16xf32>,
    }
    %scan3A_90 = arith.constant 196 : i32
    %mul3A_91 = arith.constant 3136 : i32
    %mul3A_92 = arith.muli %add3A, %mul3A_91 : i32
    "tpu.region"() ({
      %run_scoped3A = tpu.sem_alloc : memref<!tpu.dma_semaphore, #tpu.memory_space<semaphore_mem>>
      %dma_start3A = tpu.memref_slice %arg6[%mul3A_92] : memref<100352xf32, #tpu.memory_space<hbm>> -> memref<3136xf32, #tpu.memory_space<hbm>>
      %dma_start3A_93 = tpu.memref_slice %arg6[%mul3A_92] : memref<100352xf32, #tpu.memory_space<hbm>> -> memref<3136xf32, #tpu.memory_space<hbm>>
      tpu.enqueue_dma source(%arg12 : memref<3136xf32, #tpu.memory_space<vmem>>) target(%dma_start3A_93 : memref<3136xf32, #tpu.memory_space<hbm>>) target_semaphore(%run_scoped3A : memref<!tpu.dma_semaphore, #tpu.memory_space<semaphore_mem>>)
      %dma_wait3A = tpu.memref_slice %arg6[%mul3A_92] : memref<100352xf32, #tpu.memory_space<hbm>> -> memref<3136xf32, #tpu.memory_space<hbm>>
      %dma_wait3A_94 = tpu.memref_slice %arg6[%mul3A_92] : memref<100352xf32, #tpu.memory_space<hbm>> -> memref<3136xf32, #tpu.memory_space<hbm>>
      tpu.wait_dma2 semaphore(%run_scoped3A : memref<!tpu.dma_semaphore, #tpu.memory_space<semaphore_mem>>) src(%arg12 : memref<3136xf32, #tpu.memory_space<vmem>>) dst(%dma_wait3A_94 : memref<3136xf32, #tpu.memory_space<hbm>>)
      tpu.yield
    }) : () -> ()
    return
  }
}

</mosaic_0001>

<sc_bundles>
// kernel: _run.4.cloned.1.call-start
scs
__scs_entry_jumppad:
0x0: {  	(pc) =	sbr.rel $0x88, $3  }
0x1: {  	(tag) =	ssettag $0x0;
	lr =	simm.s32 $0x1  }
0x2: {  	[smem:$0x3F9D] =	sst lr;
	_ =	strace $0xD0000000  }
0x3: {  	_ = 	snop  }
0x4: {  	_ = 	snop  }
0x5: {  	_ = 	snop  }
0x6: {  	_ = 	snop  }
0x7: {  	_ = 	snop  }
__scs_overlays_trampoline_lowered:
0x8: {  	[smem:$0x3FAC] =	sst s0  }
0x9: {  	[smem:$0x3FAD] =	sst s1  }
0xa: {  	[smem:$0x3FAE] =	sst s2  }
0xb: {  	[smem:$0x3FAF] =	sst s3  }
0xc: {  	[smem:$0x3FB0] =	sst s4  }
0xd: {  	[smem:$0x3FB1] =	sst s5  }
0xe: {  	[smem:$0x3FB2] =	sst s6  }
0xf: {  	[smem:$0x3FB3] =	sst s7  }
0x10: {  	[smem:$0x3FB4] =	sst s8  }
0x11: {  	[smem:$0x3FB5] =	sst s9;
	s0 =	simm.s32 @!p0 $0x0  }
0x12: {  	s1 =	sld [smem:$0x3F9B];
	s0 =	simm.s32 @p0 $0x1  }
0x13: {  	[smem:$0x3FB6] =	sst s0;
	s0 =	simm.s32 @!p1 $0x0  }
0x14: {  	s2 =	sld [smem:$0x3F9A];
	s0 =	simm.s32 @p1 $0x1  }
0x15: {  	[smem:$0x3FB7] =	sst s0;
	s0 =	simm.s32 @!p2 $0x0  }
0x16: {  	s3 =	sld [smem:$0x3FDB];
	s0 =	simm.s32 @p2 $0x1  }
0x17: {  	s4 =	simm.s32 $0x1BF5;
	[smem:$0x3FB9] =	sst s0  }
0x18: {  	s0 =	sld [smem:$0x3F9C];
	_ =	swait.ge [sflag:s4], $0x0  }
0x19: {  	s7 =	sld [smem:$0x3F9D]  }
0x1a: {  	s8 =	sadd.s32 $0xFFFFE003, lr  }
0x1b: {  	s9 =	sadd.s32 $0xFFFFFEF7, lr;
	s5 =	simm.s32 $0xFFFFFFFF;
	p2 =	slt.u32 s8, $0xFFFFF086  }
0x1c: {  	p1 =	slt.u32 s9, $0xF7A;
	s5 =	simm.s32 @!p2 $0x0  }
0x1d: {  	s5 =	simm.s32 @p1 $0x1;
	p0 =	seq.s32 s7, s2  }
0x1e: {  	s7 =	smul.u32 @!p0 $0xF7A, s2;
	p2 =	seq.s32 @!p0 s5, $0x0  }
0x1f: {  	s9 =	smul.u32 $0xF7A, s1;
	s8 =	simm.s32 @!p0 $0x1BF5;
	p2 =	por !p2, p0  }
0x20: {  	[sflag:s8] =	ssyncset.s32 @!p0 $0xFFFFF086;
	s6 =	sadd.s32 @!p0 s3, s7;
	s7 =	simm.s32 @!p0 $0x108  }
0x21: {  	s3 =	sadd.s32 s3, s9;
	s6 =	sadd.s32 @!p0 $0x88, s6;
	s7 =	simm.s32 @p2 $0x1082  }
0x22: {  	[simem:s7], [sflag:s8] =	dma.local @!p0 [hbm:s6], $0xF7A  }
0x23: {  	s9 =	sor.u32 $0xD0000000, s2;
	s6 =	simm.s32 $0x108;
	_ =	swait.ge @!p0 [sflag:s8], $0x0  }
0x24: {  	s3 =	sadd.s32 $0x88, s3;
	s6 =	simm.s32 @!p1 $0x1082;
	[sflag:s4] =	ssyncset.s32 $0xFFFFF086  }
0x25: {  	[simem:s6], [sflag:s4] =	dma.local [hbm:s3], $0xF7A  }
0x26: {  	[smem:$0x3F9D] =	sst s1;
	(tag) =	ssettag s2;
	_ =	strace s9  }
0x27: {  	s1 =	sld [smem:$0x3FAD]  }
0x28: {  	s2 =	sld [smem:$0x3FAE]  }
0x29: {  	s4 =	sld [smem:$0x3FB0]  }
0x2a: {  	p0 =	seq.s32 s5, $0x0;
	s5 =	sld [smem:$0x3FB1]  }
0x2b: {  	s6 =	sld [smem:$0x3FB2]  }
0x2c: {  	s7 =	sld [smem:$0x3FB3]  }
0x2d: {  	s3 =	simm.s32 $0x108;
	s8 =	sld [smem:$0x3FB4]  }
0x2e: {  	s3 =	simm.s32 @!p0 $0x1082;
	s9 =	sld [smem:$0x3FB5]  }
0x2f: {  	lr =	sadd.s32 s0, s3;
	s0 =	sld [smem:$0x3FAC]  }
0x30: {  	s3 =	sld [smem:$0x3FAF]  }
0x31: {  	[smem:$0x3FB8] =	sst s10  }
0x32: {  	s10 =	sld [smem:$0x3FB6];
	_ =	sdelay $0x3  }
0x33: {  	p0 =	seq.s32 s10, $0x1;
	s10 =	sld [smem:$0x3FB8];
	_ =	sdelay $0x3  }
0x34: {  	[smem:$0x3FB8] =	sst s10  }
0x35: {  	s10 =	sld [smem:$0x3FB7];
	_ =	sdelay $0x3  }
0x36: {  	p1 =	seq.s32 s10, $0x1;
	s10 =	sld [smem:$0x3FB8];
	_ =	sdelay $0x3  }
0x37: {  	[smem:$0x3FB8] =	sst s10  }
0x38: {  	s10 =	sld [smem:$0x3FB9]  }
0x39: {  	_ = 	snop;
	(pc) =	sbr.ind lr, $3  }
0x3a: {  	_ = 	snop  }
0x3b: {  	_ = 	snop  }
0x3c: {  	p2 =	seq.s32 s10, $0x1;
	s10 =	sld [smem:$0x3FB8]  }
0x3d: {  	_ =	shalt  }
0x3e: {  	_ =	shalt  }
0x3f: {  	_ =	shalt  }
0x40: {  	_ =	shalt  }
0x41: {  	_ =	shalt  }
0x42: {  	_ =	shalt  }
0x43: {  	_ =	shalt  }
0x44: {  	_ =	shalt  }
0x45: {  	_ =	shalt  }
0x46: {  	_ =	shalt  }
0x47: {  	_ =	shalt  }
0x48: {  	_ =	shalt  }
0x49: {  	_ =	shalt  }
0x4a: {  	_ =	shalt  }
0x4b: {  	_ =	shalt  }
0x4c: {  	_ =	shalt  }
0x4d: {  	_ =	shalt  }
0x4e: {  	_ =	shalt  }
0x4f: {  	_ =	shalt  }
0x50: {  	_ =	shalt  }
0x51: {  	_ =	shalt  }
0x52: {  	_ =	shalt  }
0x53: {  	_ =	shalt  }
0x54: {  	_ =	shalt  }
0x55: {  	_ =	shalt  }
0x56: {  	_ =	shalt  }
0x57: {  	_ =	shalt  }
0x58: {  	_ =	shalt  }
0x59: {  	_ =	shalt  }
0x5a: {  	_ =	shalt  }
0x5b: {  	_ =	shalt  }
0x5c: {  	_ =	shalt  }
0x5d: {  	_ =	shalt  }
0x5e: {  	_ =	shalt  }
0x5f: {  	_ =	shalt  }
0x60: {  	_ =	shalt  }
0x61: {  	_ =	shalt  }
0x62: {  	_ =	shalt  }
0x63: {  	_ =	shalt  }
0x64: {  	_ =	shalt  }
0x65: {  	_ =	shalt  }
0x66: {  	_ =	shalt  }
0x67: {  	_ =	shalt  }
0x68: {  	_ =	shalt  }
0x69: {  	_ =	shalt  }
0x6a: {  	_ =	shalt  }
0x6b: {  	_ =	shalt  }
0x6c: {  	_ =	shalt  }
0x6d: {  	_ =	shalt  }
0x6e: {  	_ =	shalt  }
0x6f: {  	_ =	shalt  }
0x70: {  	_ =	shalt  }
0x71: {  	_ =	shalt  }
0x72: {  	_ =	shalt  }
0x73: {  	_ =	shalt  }
0x74: {  	_ =	shalt  }
0x75: {  	_ =	shalt  }
0x76: {  	_ =	shalt  }
0x77: {  	_ =	shalt  }
0x78: {  	_ =	shalt  }
0x79: {  	_ =	shalt  }
0x7a: {  	_ =	shalt  }
0x7b: {  	_ =	shalt  }
0x7c: {  	_ =	shalt  }
0x7d: {  	_ =	shalt  }
0x7e: {  	_ =	shalt  }
0x7f: {  	_ =	shalt  }
0x80: {  	_ =	shalt  }
0x81: {  	_ =	shalt  }
0x82: {  	_ =	shalt  }
0x83: {  	_ =	shalt  }
0x84: {  	_ =	shalt  }
0x85: {  	_ =	shalt  }
0x86: {  	_ =	shalt  }
0x87: {  	_ =	shalt  }
.Lfunc_end0:
.L_simem_size_0:
called_computation_lowered:
.L_overlay_start_0:
0x88: {  	s2 =	sld [smem:$0x3FD9]  }
0x89: {  	s3 =	sld [smem:$0x3FFE];
	_ =	sdelay $0x1  }
0x8a: {  	s1 =	srdreg.scid  }
0x8b: {  	s0 =	sand.u32 $0x1, s1  }
0x8c: {  	s17 =	sshll.u32 s0, $0xA;
	s2 =	sadd.s32 s3, s2  }
0x8d: {  	s2 =	sadd.s32 s2, s17  }
0x8e: {  	[smem:$0x3FC4] =	sst s2  }
0x8f: {  	_ = 	snop  }
0x90: {  	s2 =	sld [smem:$0x3FC7];
	(tm) =	ssettm $0x1  }
0x91: {  	s18 =	sld [smem:$0x3FFB];
	_ =	sdelay $0x3  }
0x92: {  	_ =	strace s18  }
0x93: {  	s3 =	sld [smem:$0x3FFC];
	_ =	sdelay $0x3  }
0x94: {  	_ =	strace s3  }
0x95: {  	s3 =	sld [smem:$0x3FFD];
	_ =	sdelay $0x3  }
0x96: {  	_ =	strace s3  }
0x97: {  	_ =	strace $0x8FFFFFFF  }
0x98: {  	s19 =	sld [smem:$0x3FDB];
	_ =	sdelay $0x1  }
0x99: {  	s4 =	simm.s32 $_scs_section_size  }
0x9a: {  	s5 =	simm.s32 $_size__tile_overlayer_lowered;
	s6 =	simm.s32 $_tile_overlayer_lowered  }
0x9b: {  	s22 =	simm.s32 $0x1BFF;
	s21 =	sshll.u32 s6, $0x1;
	s3 =	sadd.s32 s4, s19  }
0x9c: {  	s7 =	simm.s32 $0x0;
	s20 =	sshll.u32 s5, $0x1;
	s5 =	sadd.s32 s21, s3  }
0x9d: {  	[timem:s7], [sflag:s22] =	dma.local [hbm:s5], s20  }
0x9e: {  	_ =	swait.ge [sflag:s22], s20  }
0x9f: {  	s4 =	ssub.s32 $0x0, s20;
	[sflag:s22] =	ssyncset.done $0x0  }
0xa0: {  	[sflag:s22] =	ssyncadd.s32 s4;
	_ =	sdelay $0x1  }
0xa1: {  	s23 =	simm.s32 $0x1B8B  }
0xa2: {  	_ =	swait.ge [sflag:s23], $0x1  }
0xa3: {  	[sflag:s23] =	ssyncset.done $0x0  }
0xa4: {  	s25 =	simm.s32 $0x1B8E;
	s24 =	sld [smem:$0x3FFE];
	[sflag:s23] =	ssyncadd.s32 $0xFFFFFFFF  }
0xa5: {  	s26 =	simm.s32 $execute0_lowered;
	[smem:$0x3FD2] =	sst s25  }
0xa6: {  	s5 =	sshll.u32 s26, $0x1;
	_ =	strace $0x80000046;
	[dreg:$0x1] =	wrdreg $0xFFFFFFFF  }
0xa7: {  	s28 =	simm.s32 $_size_execute0_lowered;
	s3 =	sadd.s32 s3, s5;
	[dreg:$0x0] =	wrdreg $0x0  }
0xa8: {  	s5 =	sshll.u32 s28, $0x1;
	[dreg:$0x2] =	wrdreg s3  }
0xa9: {  	[dreg:$0x3] =	wrdreg s5  }
0xaa: {  	[dreg:$0x4] =	wrdreg $0xC0  }
0xab: {  	_ =	task [dreg:s7], $0x5FFFF  }
0xac: {  	[dreg:$0x1] =	wrdreg $0xFFFFFFFF  }
0xad: {  	[dreg:$0x0] =	wrdreg $0x60  }
0xae: {  	[dreg:$0x2] =	wrdreg s24  }
0xaf: {  	[dreg:$0x3] =	wrdreg s2  }
0xb0: {  	[dreg:$0x4] =	wrdreg $0x9  }
0xb1: {  	_ =	task.clear_ibuf [dreg:s7], $0x5FFFF;
	_ =	strace $0x90000046  }
0xb2: {  	s29 =	simm.s32 $0x9;
	_ =	strace $0x80000048  }
0xb3: {  	_ =	swait.ge [sflag:s29], $0x1  }
0xb4: {  	[sflag:s29] =	ssyncadd.s32 $0xFFFFFFFF  }
0xb5: {  	_ =	strace $0x90000048  }
0xb6: {  	_ =	sfence  }
0xb7: {  	s30 =	sld [smem:$0x0];
	_ =	sdelay $0x2  }
0xb8: {  	s31 =	sshll.u32 s1, $0xD;
	s1 =	sshrl.u32 s1, $0x2  }
0xb9: {  	s3 =	sand.u32 $0x4000, s31;
	s1 =	sadd.s32 s1, s30  }
0xba: {  	s0 =	sor.u32 s3, s0;
	s1 =	sshll.u32 s1, $0x11  }
0xbb: {  	s0 =	sor.u32 s1, s0  }
0xbc: {  	s0 =	sadd.s32 $0x8F2B, s0  }
0xbd: {  	[sflag:s0] =	ssyncadd.remote.s32 $0x1  }
0xbe: {  	_ =	sfence.sel $0xFFFF  }
0xbf: {  	[dreg:$0x0] =	wrdreg $0xFFFFFFFF;
	(pc) =	sbr.abs _section_cstart, $3  }
0xc0: {  	[dreg:$0x1] =	wrdreg $0xFFFFFFFF  }
0xc1: {  	_ =	task.clear_ibuf [dreg:s7], $0x2FFFF;
	_ =	strace $0x9FFFFFFF  }
0xc2: {  	(tm) =	ssettm $0x7FFFFFFF  }
0xc3: {  	_ =	shalt  }
tec
execute0_lowered:
.L_overlay_start_1:
0x0: {  	(tag) =	ssettag $0x1  }
0x1: {  	v0 =	vlaneseq.u32;
	v55 =	vimm.s32 $0x17E7B78  }
0x2: {  	v56 =	vimm.s32 $0xD0A0704;
	v2 =	vimm.s32 $0x69666360;
	v3 =	vimm.s32 $0x75726F6C  }
0x3: {  	vm0 =	vcmask $0x1F10;
	v4 =	vimm.s32 $0x27F7C79;
	v5 =	vimm.s32 $0x7673706D  }
0x4: {  	v59 =	vimm.s32 $0x3007D7A;
	v63 =	vimm.s32 $0x110E0B08;
	v33 =	vimm.s32 $0x1D1A1714  }
0x5: {  	v34 =	vimm.s32 $0x79767370;
	v48 =	vimm.s32 $0x13100D0A;
	v7 =	vmul.u32 $0x80, v0  }
0x6: {  	v8 =	vmul.u32 $0x3, v0;
	v2 =	vunpack.c.0.s8.s32 v2;
	v3 =	vunpack.c.0.s8.s32 v3  }
0x7: {  	v58 =	vunpack.c.0.s8.s32 v4;
	v4 =	vimm.s32 $0x6A676461;
	v5 =	vunpack.c.0.s8.s32 v5  }
0x8: {  	v4 =	vunpack.c.0.s8.s32 v4;
	v9 =	vor.u32 $0x1, v7;
	v11 =	vadd.s32 $0x1, v8  }
0x9: {  	v12 =	vor.u32 $0x2, v7;
	v54 =	vadd.s32 $0x2, v8;
	v29 =	vor.u32 $0x800, v7  }
0xa: {  	v32 =	vadd.s32 $0x30, v8;
	v35 =	vor.u32 $0x801, v7;
	v30 =	vadd.s32 $0x31, v8  }
0xb: {  	v36 =	vor.u32 $0x802, v7;
	v37 =	vadd.s32 $0x32, v8;
	v38 =	vor.u32 $0x1000, v7  }
0xc: {  	v57 =	vsel vm0, v3, v2;
	v3 =	vimm.s32 $0xE0B0805;
	v10 =	vadd.s32 $0x60, v8  }
0xd: {  	v40 =	vor.u32 $0x1001, v7;
	v13 =	vadd.s32 $0x61, v8;
	v41 =	vor.u32 $0x1002, v7  }
0xe: {  	v14 =	vadd.s32 $0x62, v8;
	v43 =	vor.u32 $0x1800, v7;
	v15 =	vadd.s32 $0x90, v8  }
0xf: {  	v22 =	vadd.s32 $0x10, v8;
	v44 =	vor.u32 $0x1801, v7;
	v16 =	vadd.s32 $0x91, v8  }
0x10: {  	v21 =	vadd.s32 $0x11, v8;
	v46 =	vor.u32 $0x1802, v7;
	v17 =	vadd.s32 $0x92, v8  }
0x11: {  	s1 =	srdreg.scid;
	v20 =	vadd.s32 $0x12, v8;
	v47 =	vor.u32 $0x2000, v7;
	v25 =	vor.u32 $0xC0, v8  }
0x12: {  	s0 =	stileid.u32;
	s4 =	sand.u32 $0x1, s1;
	v19 =	vor.u32 $0x40, v8;
	v49 =	vor.u32 $0x2001, v7;
	v42 =	vadd.s32 $0xC1, v8  }
0x13: {  	s31 =	sshll.u32 s0, $0x5;
	s2 =	sshll.u32 s4, $0x4;
	v18 =	vadd.s32 $0x41, v8;
	v50 =	vor.u32 $0x2002, v7;
	v2 =	vunpack.c.0.s8.s32 v34  }
0x14: {  	s1 =	sor.u32 s2, s31;
	v52 =	vadd.s32 $0x42, v8;
	v53 =	vor.u32 $0x2800, v7;
	v34 =	vor.u32 $0x2801, v7  }
0x15: {  	s5 =	rddreg [dreg:$0x0];
	s3 =	simm.s32 $0x0;
	v6 =	vadd.s32 $0x121, v8;
	v26 =	vadd.s32 $0x21, v8;
	s2 =	sor.u32 $0x1, s1;
	v1 =	vor.u32 s1, v0;
	[tilespmem:$0x1FEC0] =	vst v54  }
0x16: {  	[smem:$0x7FF] =	sst s3;
	v27 =	vor.u32 $0x3002, v7;
	v28 =	vadd.s32 $0x122, v8;
	[tilespmem:$0x1FEA0] =	vst v1;
	v0 =	vadd.s32 s2, v0  }
0x17: {  	v3 =	vunpack.c.0.s8.s32 v3;
	v61 =	vsel vm0, v5, v4;
	v4 =	vimm.s32 $0x6B686562;
	s1 =	rddreg [dreg:$0x2];
	[tilespmem:$0x1FEB0] =	vst v0  }
0x18: {  	v5 =	vimm.s32 $0x7774716E;
	v54 =	vadd.s32 $0xC2, v8;
	v1 =	vunpack.c.0.s8.s32 v56;
	s2 =	rddreg [dreg:$0x1];
	_ =	strace $0x80000047;
	[tilespmem:$0x1FED0] =	vst v7  }
0x19: {  	v4 =	vunpack.c.0.s8.s32 v4;
	v5 =	vunpack.c.0.s8.s32 v5;
	v56 =	vadd.s32 $0xF0, v8;
	[tilespmem:$0x1FEE0] =	vst v8  }
0x1a: {  	v0 =	vunpack.c.0.s8.s32 v55;
	v60 =	vsel vm0, v3, v58;
	v3 =	vimm.s32 $0xF0C0906;
	[tilespmem:$0x1FEF0] =	vst v10  }
0x1b: {  	v58 =	vadd.s32 $0x20, v8;
	v3 =	vunpack.c.0.s8.s32 v3;
	v24 =	vcombine.low v61, v60;
	[tilespmem:$0x1FF10] =	vst v25  }
0x1c: {  	v62 =	vsel vm0, v5, v4;
	v4 =	vimm.s32 $0x120F0C09;
	v5 =	vimm.s32 $0x603007D;
	[tilespmem:$0x1FF20] =	vst v11  }
0x1d: {  	v60 =	vor.u32 $0x3800, v7;
	[tilespmem:$0x1FF50] =	vst v29;
	v0 =	vsel vm0, v1, v0;
	v45 =	vunpack.c.0.s8.s32 v4  }
0x1e: {  	[tilespmem:$0x1FF60] =	vst v32;
	v4 =	vimm.s32 $0x7A777471;
	v31 =	vcombine.low v57, v0;
	v0 =	vunpack.c.0.s8.s32 v59  }
0x1f: {  	v61 =	vadd.s32 $0x150, v8;
	[tilespmem:$0x1FF70] =	vst v35;
	v5 =	vunpack.c.0.s8.s32 v5;
	v4 =	vunpack.c.0.s8.s32 v4  }
0x20: {  	[tilespmem:$0x1FF80] =	vst v30;
	v1 =	vunpack.c.0.s8.s32 v33;
	v0 =	vsel vm0, v3, v0;
	v3 =	vimm.s32 $0x5027F7C  }
0x21: {  	[tilespmem:$0x1FF90] =	vst v36;
	v57 =	vadd.s32 $0xF1, v8;
	v55 =	vsel vm0, v5, v4;
	v3 =	vunpack.c.0.s8.s32 v3  }
0x22: {  	[tilespmem:$0x1FFA0] =	vst v37;
	v4 =	vimm.s32 $0x7B787572;
	v5 =	vimm.s32 $0x704017E;
	v23 =	vcombine.low v62, v0  }
0x23: {  	[tilespmem:$0x1FFB0] =	vst v38;
	v0 =	vunpack.c.0.s8.s32 v63;
	v39 =	vsel vm0, v3, v2;
	v3 =	vimm.s32 $0x1E1B1815  }
0x24: {  	[tilespmem:$0x1FFC0] =	vst v42;
	v4 =	vunpack.c.0.s8.s32 v4;
	v5 =	vunpack.c.0.s8.s32 v5;
	v3 =	vunpack.c.0.s8.s32 v3  }
0x25: {  	[tilespmem:$0x1FFD0] =	vst v54;
	v62 =	vadd.s32 $0xF2, v8;
	v63 =	vadd.s32 $0x50, v8;
	v0 =	vsel vm0, v1, v0  }
.Ltmp0:
0x26: {  	[tilespmem:$0x1FFE0] =	vst v13;
	v59 =	vsel vm0, v5, v4;
	v51 =	vsel vm0, v3, v45;
	v3 =	vimm.s32 $0x1F1C1916;
	(pc) =	sbr.rel .LBB2_1-.Ltmp0, $4  }
0x27: {  	s7 =	simm.s32 $0x3;
	s8 =	simm.s32 $0x1;
	s4 =	ssub.s32 $0x2, s4;
	[tilespmem:$0x1FFF0] =	vst v14;
	v33 =	vcombine.low v39, v0;
	v0 =	vunpack.c.0.s8.s32 v48;
	v3 =	vunpack.c.0.s8.s32 v3  }
0x28: {  	s9 =	simm.s32 $0x280;
	s10 =	simm.s32 $0x8280;
	s6 =	sshrl.u32 s4, $0x1;
	[tilespmem:$0x1FF00] =	vst v57;
	v4 =	vadd.s32 $0x120, v8;
	v39 =	vadd.s32 $0x22, v8;
	v45 =	vor.u32 $0x3000, v7  }
0x29: {  	s11 =	simm.s32 $0x2;
	s12 =	simm.s32 $0x0;
	s6 =	ssub.s32 s4, s6;
	[tilespmem:$0x1FF40] =	vst v4;
	v48 =	vcombine.low v55, v51;
	v51 =	vor.u32 $0x3801, v7;
	v0 =	vsel vm0, v3, v0  }
0x2a: {  	s4 =	sadd.s32 $0x800, s5;
	s5 =	sadd.s32 $0x186A800, s5;
	s6 =	smax.u32 s6, $0x1;
	v55 =	vor.u32 $0x2802, v7;
	[tilespmem:$0x1FF30] =	vst v51;
	v5 =	vcombine.low v59, v0;
	v59 =	vor.u32 $0x3001, v7  }
.LBB2_7:
0x2b: {  	[sflag:s11] =	ssyncadd.s32 $0xFFFFFE80;
	v29 =	vmovc v32;
	v32 =	vmovc v3;
	v35 =	vmov v30;
	v30 =	vmov v51;
	v6 =	vmov v2;
	v51 =	vld [tilespmem:$0x1FF30]  }
.LBB2_8:
0x2c: {  	s12 =	sadd.s32 $0x1, s12  }
0x2d: {  	p0 =	sne.s32 s12, s6  }
.Ltmp1:
0x2e: {  	_ = 	snop;
	(pc) =	sbr.rel @!p0 .LBB2_9-.Ltmp1, $1  }
0x2f: {  	_ =	sdelay $0x3  }
.LBB2_1:
0x30: {  	[tilespmem:s3], [sflag:$0x3] =	stream.linear.gather [hbm4b:s2+s3], $0x280, $0x38;
	[tilespmem:$0x8880] =	vst v63  }
0x31: {  	_ =	swait.ge [sflag:s7], $0x280  }
0x32: {  	v0 =	vld [tilespmem:$0x1FEA0]  }
0x33: {  	v1 =	vld [tilespmem:$0x1FEB0];
	_ =	sdelay $0x4  }
0x34: {  	[sflag:s7] =	ssyncset.done $0x0  }
0x35: {  	[sflag:s7] =	ssyncadd.s32 $0xFFFFFD80  }
0x36: {  	v0 =	vld.idx.msk [tilespmem:v0+s3+$0x0], $0xffff  }
0x37: {  	v1 =	vld.idx.msk [tilespmem:v1+s3+$0x0], $0xffff;
	_ =	sdelay $0x3  }
0x38: {  	(v2sf) =	vpush v0, $0x0  }
0x39: {  	(v2sf) =	vpush v1, $0xF;
	_ =	sdelay $0xd  }
0x3a: {  	s13 =	spop (v2sf)  }
0x3b: {  	s13 =	sand.u32 $0xFFFFFFF8, s13;
	s14 =	spop (v2sf)  }
0x3c: {  	s14 =	ssub.s32 s14, s13  }
0x3d: {  	s14 =	sadd.s32 $0x7F, s14  }
0x3e: {  	s15 =	sand.u32 $0x7F, s14  }
0x3f: {  	s31 =	sshra.s32 s14, $0x1F;
	p1 =	slt.s32 s14, $0x1;
	p0 =	sne.s32 s15, $0x0  }
0x40: {  	s15 =	sshrl.u32 s31, $0x19;
	p0 =	por !p1, !p0  }
0x41: {  	s14 =	sadd.s32 s15, s14;
	s15 =	simm.s32 $0x1;
	p0 =	por !p0, !p0  }
0x42: {  	s14 =	sshra.s32 s14, $0x7;
	s15 =	simm.s32 @!p0 $0x0  }
0x43: {  	s14 =	ssub.s32 s14, s15  }
0x44: {  	p0 =	slt.s32 s14, $0x1  }
.Ltmp2:
0x45: {  	_ = 	snop;
	(pc) =	sbr.rel @p0 .LBB2_8-.Ltmp2, $1  }
0x46: {  	_ =	sdelay $0x3  }
0x47: {  	p0 =	slt.s32 s13, $0x186980;
	s15 =	smov.u32 s13  }
0x48: {  	s15 =	simm.s32 @!p0 $0x186980;
	p0 =	sle.s32 s14, $0x1  }
0x49: {  	s15 =	sshll.u32 s15, $0x4;
	s17 =	sadd.s32 @!p0 $0x80, s13  }
0x4a: {  	s16 =	simm.s32 $0x0;
	s15 =	sadd.s32 s4, s15;
	p1 =	slt.s32 @!p0 s17, $0x186980  }
0x4b: {  	[tilespmem:s9], [sflag:$0x1] =	stream.linear.gather [hbm4b:s15+s16], $0x4000, $0x38;
	[tilespmem:$0x8880] =	vst v63  }
0x4c: {  	s15 =	simm.s32 $0x10000;
	p1 =	por !p1, p0  }
0x4d: {  	s18 =	sand.u32 @!p0 $0x10000, s15;
	s17 =	simm.s32 @p1 $0x186980  }
0x4e: {  	s19 =	sand.u32 $0x1, s16;
	s18 =	sshrl.u32 @!p0 s18, $0x2;
	s17 =	sshll.u32 @!p0 s17, $0x4  }
0x4f: {  	s20 =	simm.s32 @!p0 $0x0;
	s18 =	sor.u32 @!p0 $0x280, s18;
	s17 =	sadd.s32 @!p0 s4, s17  }
0x50: {  	[tilespmem:s18], [sflag:$0x1] =	stream.linear.gather @!p0 [hbm4b:s17+s20], $0x4000, $0x38;
	[tilespmem:$0x8880] =	vst v63  }
0x51: {  	s31 =	sshll.u32 s19, $0xE;
	_ =	swait.ge [sflag:s8], $0x4000  }
0x52: {  	v0 =	vor.u32 s31, v7;
	p0 =	por $0x1, $0x1;
	[sflag:s8] =	ssyncset.done $0x0  }
0x53: {  	s17 =	simm.s32 @!p0 $0x2;
	[sflag:s8] =	ssyncadd.s32 $0xFFFFC000  }
0x54: {  	s16 =	sand.u32 $0x3, s16;
	_ =	swait.ge @!p0 [sflag:s17], $0x180  }
0x55: {  	s16 =	smul.u32 $0x180, s16;
	[sflag:s17] =	ssyncset.done @!p0 $0x0  }
0x56: {  	[sflag:s17] =	ssyncadd.s32 @!p0 $0xFFFFFE80  }
0x57: {  	v1 =	vor.u32 s16, v8;
	v0 =	vld.idx.msk [tilespmem:v0+s9+$0x0], $0xffff  }
0x58: {  	v2 =	vor.u32 s31, v9;
	_ =	sdelay $0x3  }
0x59: {  	[tilespmem:v1+s10+$0x0] =	vst.idx.msk $0xffff, v0  }
0x5a: {  	v1 =	vor.u32 s16, v11;
	v0 =	vld.idx.msk [tilespmem:v2+s9+$0x0], $0xffff;
	_ =	sdelay $0x4  }
0x5b: {  	v2 =	vor.u32 s31, v12;
	[tilespmem:v1+s10+$0x0] =	vst.idx.msk $0xffff, v0;
	v1 =	vld [tilespmem:$0x1FEC0];
	_ =	sdelay $0x4  }
0x5c: {  	v0 =	vld.idx.msk [tilespmem:v2+s9+$0x0], $0xffff;
	v1 =	vor.u32 s16, v1  }
0x5d: {  	v2 =	vor.u32 s31, v29;
	_ =	sdelay $0x3  }
0x5e: {  	[tilespmem:v1+s10+$0x0] =	vst.idx.msk $0xffff, v0  }
0x5f: {  	v1 =	vor.u32 s16, v32;
	v0 =	vld.idx.msk [tilespmem:v2+s9+$0x0], $0xffff  }
0x60: {  	v2 =	vor.u32 s31, v35;
	_ =	sdelay $0x3  }
0x61: {  	[tilespmem:v1+s10+$0x0] =	vst.idx.msk $0xffff, v0  }
0x62: {  	v1 =	vor.u32 s16, v30;
	v0 =	vld.idx.msk [tilespmem:v2+s9+$0x0], $0xffff  }
0x63: {  	v2 =	vor.u32 s31, v36;
	_ =	sdelay $0x3  }
0x64: {  	[tilespmem:v1+s10+$0x0] =	vst.idx.msk $0xffff, v0  }
0x65: {  	v1 =	vor.u32 s16, v37;
	v0 =	vld.idx.msk [tilespmem:v2+s9+$0x0], $0xffff  }
0x66: {  	v2 =	vor.u32 s31, v38;
	_ =	sdelay $0x2  }
0x67: {  	v3 =	vadd.s32 s16, v10  }
0x68: {  	v3 =	vand.u32 $0xF80, v3;
	[tilespmem:v1+s10+$0x0] =	vst.idx.msk $0xffff, v0  }
0x69: {  	v1 =	vor.u32 v31, v3;
	v0 =	vld.idx.msk [tilespmem:v2+s9+$0x0], $0xffff  }
0x6a: {  	v2 =	vor.u32 s31, v40;
	_ =	sdelay $0x2  }
0x6b: {  	v3 =	vadd.s32 s16, v13  }
0x6c: {  	v3 =	vand.u32 $0xF80, v3;
	[tilespmem:v1+s10+$0x0] =	vst.idx.msk $0xffff, v0  }
0x6d: {  	v1 =	vor.u32 v24, v3;
	v0 =	vld.idx.msk [tilespmem:v2+s9+$0x0], $0xffff  }
0x6e: {  	v2 =	vor.u32 s31, v41;
	_ =	sdelay $0x2  }
0x6f: {  	v3 =	vadd.s32 s16, v14  }
0x70: {  	v3 =	vand.u32 $0xF80, v3;
	[tilespmem:v1+s10+$0x0] =	vst.idx.msk $0xffff, v0  }
0x71: {  	v1 =	vor.u32 v23, v3;
	v0 =	vld.idx.msk [tilespmem:v2+s9+$0x0], $0xffff  }
0x72: {  	v2 =	vor.u32 s31, v43;
	_ =	sdelay $0x2  }
0x73: {  	v3 =	vadd.s32 s16, v15  }
0x74: {  	v3 =	vand.u32 $0xF80, v3;
	[tilespmem:v1+s10+$0x0] =	vst.idx.msk $0xffff, v0  }
0x75: {  	v1 =	vor.u32 v22, v3;
	v0 =	vld.idx.msk [tilespmem:v2+s9+$0x0], $0xffff  }
0x76: {  	v2 =	vor.u32 s31, v44;
	_ =	sdelay $0x2  }
0x77: {  	v3 =	vadd.s32 s16, v16  }
0x78: {  	v3 =	vand.u32 $0xF80, v3;
	[tilespmem:v1+s10+$0x0] =	vst.idx.msk $0xffff, v0  }
0x79: {  	v1 =	vor.u32 v21, v3;
	v0 =	vld.idx.msk [tilespmem:v2+s9+$0x0], $0xffff  }
0x7a: {  	v2 =	vor.u32 s31, v46;
	_ =	sdelay $0x2  }
0x7b: {  	v3 =	vadd.s32 s16, v17  }
0x7c: {  	v3 =	vand.u32 $0xF80, v3;
	[tilespmem:v1+s10+$0x0] =	vst.idx.msk $0xffff, v0  }
0x7d: {  	v1 =	vor.u32 v20, v3;
	v0 =	vld.idx.msk [tilespmem:v2+s9+$0x0], $0xffff  }
0x7e: {  	v2 =	vor.u32 s31, v47;
	_ =	sdelay $0x2  }
0x7f: {  	v3 =	vadd.s32 s16, v25  }
0x80: {  	v3 =	vand.u32 $0xF80, v3;
	[tilespmem:v1+s10+$0x0] =	vst.idx.msk $0xffff, v0  }
0x81: {  	v1 =	vor.u32 v19, v3;
	v0 =	vld.idx.msk [tilespmem:v2+s9+$0x0], $0xffff  }
0x82: {  	v2 =	vor.u32 s31, v49;
	_ =	sdelay $0x2  }
0x83: {  	v3 =	vadd.s32 s16, v42  }
0x84: {  	v3 =	vand.u32 $0xF80, v3;
	[tilespmem:v1+s10+$0x0] =	vst.idx.msk $0xffff, v0  }
0x85: {  	v1 =	vor.u32 v18, v3;
	v0 =	vld.idx.msk [tilespmem:v2+s9+$0x0], $0xffff  }
0x86: {  	v2 =	vor.u32 s31, v50;
	_ =	sdelay $0x2  }
0x87: {  	v3 =	vadd.s32 s16, v54  }
0x88: {  	v3 =	vand.u32 $0xF80, v3;
	[tilespmem:v1+s10+$0x0] =	vst.idx.msk $0xffff, v0  }
0x89: {  	v1 =	vor.u32 v52, v3;
	v0 =	vld.idx.msk [tilespmem:v2+s9+$0x0], $0xffff  }
0x8a: {  	v2 =	vor.u32 s31, v53;
	_ =	sdelay $0x2  }
0x8b: {  	v3 =	vadd.s32 s16, v56  }
0x8c: {  	v3 =	vand.u32 $0xF80, v3;
	[tilespmem:v1+s10+$0x0] =	vst.idx.msk $0xffff, v0  }
0x8d: {  	v1 =	vor.u32 v33, v3;
	v0 =	vld.idx.msk [tilespmem:v2+s9+$0x0], $0xffff  }
0x8e: {  	v2 =	vor.u32 s31, v34;
	_ =	sdelay $0x2  }
0x8f: {  	v3 =	vadd.s32 s16, v57  }
0x90: {  	v3 =	vand.u32 $0xF80, v3;
	[tilespmem:v1+s10+$0x0] =	vst.idx.msk $0xffff, v0  }
0x91: {  	v1 =	vor.u32 v48, v3;
	v0 =	vld.idx.msk [tilespmem:v2+s9+$0x0], $0xffff  }
0x92: {  	v2 =	vor.u32 s31, v55;
	_ =	sdelay $0x2  }
0x93: {  	v3 =	vadd.s32 s16, v62  }
0x94: {  	v3 =	vand.u32 $0xF80, v3;
	[tilespmem:v1+s10+$0x0] =	vst.idx.msk $0xffff, v0  }
0x95: {  	v1 =	vor.u32 v5, v3;
	v0 =	vld.idx.msk [tilespmem:v2+s9+$0x0], $0xffff  }
0x96: {  	v2 =	vor.u32 s31, v45;
	_ =	sdelay $0x2  }
0x97: {  	v3 =	vadd.s32 s16, v4  }
0x98: {  	v3 =	vand.u32 $0xF80, v3;
	[tilespmem:v1+s10+$0x0] =	vst.idx.msk $0xffff, v0  }
0x99: {  	v1 =	vor.u32 v58, v3;
	v0 =	vld.idx.msk [tilespmem:v2+s9+$0x0], $0xffff  }
0x9a: {  	v2 =	vor.u32 s31, v59;
	_ =	sdelay $0x2  }
0x9b: {  	v3 =	vadd.s32 s16, v6  }
0x9c: {  	v3 =	vand.u32 $0xF80, v3;
	[tilespmem:v1+s10+$0x0] =	vst.idx.msk $0xffff, v0  }
0x9d: {  	v1 =	vor.u32 v26, v3;
	v0 =	vld.idx.msk [tilespmem:v2+s9+$0x0], $0xffff  }
0x9e: {  	v2 =	vor.u32 s31, v27;
	_ =	sdelay $0x2  }
0x9f: {  	v3 =	vadd.s32 s16, v28  }
0xa0: {  	v3 =	vand.u32 $0xF80, v3;
	[tilespmem:v1+s10+$0x0] =	vst.idx.msk $0xffff, v0  }
0xa1: {  	v1 =	vor.u32 v39, v3;
	v0 =	vld.idx.msk [tilespmem:v2+s9+$0x0], $0xffff  }
0xa2: {  	v2 =	vor.u32 s31, v60;
	_ =	sdelay $0x2  }
0xa3: {  	v3 =	vadd.s32 s16, v61  }
0xa4: {  	v3 =	vand.u32 $0xF80, v3;
	[tilespmem:v1+s10+$0x0] =	vst.idx.msk $0xffff, v0  }
0xa5: {  	v1 =	vor.u32 v63, v3;
	v0 =	vld.idx.msk [tilespmem:v2+s9+$0x0], $0xffff  }
0xa6: {  	v3 =	vor.u32 s31, v51;
	_ =	sdelay $0x1  }
0xa7: {  	v2 =	vadd.s32 $0x151, v8  }
0xa8: {  	[tilespmem:$0x1FE50] =	vst v2;
	v2 =	vadd.s32 s16, v2  }
0xa9: {  	v4 =	vand.u32 $0xF80, v2;
	[tilespmem:v1+s10+$0x0] =	vst.idx.msk $0xffff, v0;
	v0 =	vadd.s32 $0x51, v8  }
0xaa: {  	p0 =	sne.s32 s14, $0x1;
	v29 =	vadd.s32 $0x52, v8;
	v32 =	vmov v6;
	v3 =	vld.idx.msk [tilespmem:v3+s9+$0x0], $0xffff;
	v6 =	vor.u32 v0, v4  }
.Ltmp3:
0xab: {  	[tilespmem:$0x1FE90] =	vst v29;
	(pc) =	sbr.rel @!p0 .LBB2_3-.Ltmp3, $4  }
0xac: {  	[tilespmem:$0x1FE60] =	vst v0;
	v0 =	vadd.s32 $0x152, v8  }
0xad: {  	[tilespmem:$0x1FE70] =	vst v0;
	v1 =	vadd.s32 s16, v0;
	v0 =	vor.u32 $0x3802, v7  }
0xae: {  	[tilespmem:$0x1FE80] =	vst v0  }
0xaf: {  	s18 =	smov.u32 s13;
	s17 =	simm.s32 $0x1;
	v35 =	vmovc v51;
	v30 =	vmovc v61;
	v37 =	vmov v28;
	v1 =	vand.u32 $0xF80, v1;
	[tilespmem:v6+s10+$0x0] =	vst.idx.msk $0xffff, v3;
	v6 =	vor.u32 s31, v0  }
.LBB2_4:
0xb0: {  	_ =	sdelay $0x2  }
0xb1: {  	s20 =	smov.u32 s17;
	s17 =	sadd.s32 $0x1, s17  }
0xb2: {  	v6 =	vld.idx.msk [tilespmem:v6+s9+$0x0], $0xffff;
	v1 =	vor.u32 v29, v1;
	p0 =	slt.s32 s13, $0x186980;
	s18 =	sadd.s32 $0x80, s18;
	p1 =	sge.s32 s17, s14  }
0xb3: {  	s13 =	simm.s32 @!p0 $0x186980;
	s21 =	sadd.s32 @!p1 $0x80, s18  }
0xb4: {  	s13 =	smul.u32 $0x3, s13;
	p0 =	slt.s32 @!p1 s21, $0x186980  }
0xb5: {  	s15 =	sadd.s32 $0x10000, s15;
	s16 =	sadd.s32 $0x8280, s16;
	p2 =	por !p0, p1  }
0xb6: {  	s19 =	sand.u32 @!p1 $0x10000, s15;
	s22 =	sshrl.u32 s13, $0x3;
	s21 =	simm.s32 @p2 $0x186980  }
0xb7: {  	s19 =	sshrl.u32 @!p1 s19, $0x2;
	[tilespmem:v1+s10+$0x0] =	vst.idx.msk $0xffff, v6;
	s22 =	sadd.s32 s5, s22;
	s21 =	sshll.u32 @!p1 s21, $0x4  }
0xb8: {  	[hbm4b:s22+s3] =	stream.linear.scatter [tilespmem:s16], [sflag:$0x2], $0x180, $0x38;
	[tilespmem:$0x8880] =	vst v63  }
0xb9: {  	s19 =	sor.u32 @!p1 $0x280, s19;
	s22 =	simm.s32 @!p1 $0x0;
	s21 =	sadd.s32 @!p1 s4, s21  }
0xba: {  	[tilespmem:s19], [sflag:$0x1] =	stream.linear.gather @!p1 [hbm4b:s21+s22], $0x4000, $0x38;
	[tilespmem:$0x8880] =	vst v63  }
0xbb: {  	v0 =	vld [tilespmem:$0x1FE90];
	s30 =	sand.u32 $0x1, s20;
	_ =	swait.ge [sflag:s8], $0x4000  }
0xbc: {  	s31 =	sshll.u32 s30, $0xE;
	p1 =	slt.u32 s20, $0x4;
	[sflag:s8] =	ssyncset.done $0x0  }
0xbd: {  	v1 =	vor.u32 s31, v7;
	s16 =	simm.s32 @!p1 $0x2;
	[sflag:s8] =	ssyncadd.s32 $0xFFFFC000  }
0xbe: {  	_ =	swait.ge @!p1 [sflag:s16], $0x180  }
0xbf: {  	s20 =	sand.u32 $0x3, s20;
	[sflag:s16] =	ssyncset.done @!p1 $0x0  }
0xc0: {  	v28 =	vmovc v9;
	v3 =	vmovc v58;
	v58 =	vmov v19;
	v36 =	vmov v55;
	v55 =	vmov v20;
	[sflag:s16] =	ssyncadd.s32 @!p1 $0xFFFFFE80;
	s16 =	smul.u32 $0x180, s20  }
0xc1: {  	v2 =	vmovc v52;
	v52 =	vmovc v21;
	v4 =	vmov v17;
	v51 =	vmov v63;
	v63 =	vmov v60  }
0xc2: {  	v60 =	vmovc v39;
	v39 =	vmovc v27;
	v9 =	vor.u32 s31, v9;
	v1 =	vld.idx.msk [tilespmem:v1+s9+$0x0], $0xffff;
	v6 =	vor.u32 s16, v8;
	v7 =	vadd.s32 s16, v10  }
0xc3: {  	v27 =	vmovc v26;
	v26 =	vmovc v59;
	v8 =	vadd.s32 s16, v15;
	v10 =	vadd.s32 s16, v13;
	v19 =	vand.u32 $0xF80, v7  }
0xc4: {  	v59 =	vmovc v49;
	v49 =	vmovc v22;
	v7 =	vadd.s32 s16, v14;
	v21 =	vand.u32 $0xF80, v8;
	v8 =	vadd.s32 s16, v16  }
0xc5: {  	v61 =	vmovc v18;
	v38 =	vmovc v5;
	v22 =	vand.u32 $0xF80, v10;
	v20 =	vand.u32 $0xF80, v7;
	v7 =	vadd.s32 s16, v17  }
0xc6: {  	v5 =	vmovc v48;
	v48 =	vmovc v15;
	v18 =	vand.u32 $0xF80, v8;
	v8 =	vadd.s32 s16, v32;
	v17 =	vand.u32 $0xF80, v7  }
0xc7: {  	v7 =	vadd.s32 s16, v25;
	[tilespmem:v6+s10+$0x0] =	vst.idx.msk $0xffff, v1;
	v1 =	vadd.s32 s16, v42;
	v6 =	vadd.s32 s16, v54;
	v42 =	vmovc v32;
	v32 =	vmovc v56  }
0xc8: {  	v15 =	vand.u32 $0xF80, v1;
	v1 =	vadd.s32 s16, v56;
	v56 =	vmovc v47;
	v47 =	vmovc v43;
	v43 =	vmov v24;
	v24 =	vld [tilespmem:$0x1FE50]  }
0xc9: {  	v10 =	vmovc v16;
	v16 =	vand.u32 $0xF80, v7;
	v7 =	vld.idx.msk [tilespmem:v9+s9+$0x0], $0xffff;
	v14 =	vand.u32 $0xF80, v6;
	v6 =	vor.u32 s16, v11;
	_ =	sdelay $0x3  }
0xca: {  	v29 =	vmov v0;
	v24 =	vadd.s32 s16, v24  }
0xcb: {  	v0 =	vmovc v53;
	v53 =	vmovc v46;
	v46 =	vmov v23;
	v23 =	vor.u32 s31, v12;
	[tilespmem:v6+s10+$0x0] =	vst.idx.msk $0xffff, v7;
	v6 =	vand.u32 $0xF80, v24;
	v24 =	vld [tilespmem:$0x1FEC0]  }
0xcc: {  	v25 =	vld [tilespmem:$0x1FF50];
	_ =	sdelay $0x3  }
0xcd: {  	v23 =	vld.idx.msk [tilespmem:v23+s9+$0x0], $0xffff;
	v24 =	vor.u32 s16, v24  }
0xce: {  	v25 =	vor.u32 s31, v25;
	_ =	sdelay $0x3  }
0xcf: {  	[tilespmem:v24+s10+$0x0] =	vst.idx.msk $0xffff, v23;
	v24 =	vld [tilespmem:$0x1FF60]  }
0xd0: {  	v23 =	vld.idx.msk [tilespmem:v25+s9+$0x0], $0xffff  }
0xd1: {  	v25 =	vld [tilespmem:$0x1FF70];
	_ =	sdelay $0x3  }
0xd2: {  	v24 =	vor.u32 s16, v24  }
0xd3: {  	v25 =	vor.u32 s31, v25;
	_ =	sdelay $0x3  }
0xd4: {  	[tilespmem:v24+s10+$0x0] =	vst.idx.msk $0xffff, v23;
	v24 =	vld [tilespmem:$0x1FF80]  }
0xd5: {  	v23 =	vld.idx.msk [tilespmem:v25+s9+$0x0], $0xffff  }
0xd6: {  	v25 =	vld [tilespmem:$0x1FF90];
	_ =	sdelay $0x3  }
0xd7: {  	v24 =	vor.u32 s16, v24  }
0xd8: {  	v25 =	vor.u32 s31, v25;
	_ =	sdelay $0x3  }
0xd9: {  	[tilespmem:v24+s10+$0x0] =	vst.idx.msk $0xffff, v23;
	v24 =	vld [tilespmem:$0x1FFA0]  }
0xda: {  	v23 =	vld.idx.msk [tilespmem:v25+s9+$0x0], $0xffff  }
0xdb: {  	v25 =	vld [tilespmem:$0x1FFB0];
	_ =	sdelay $0x3  }
0xdc: {  	v24 =	vor.u32 s16, v24  }
0xdd: {  	v25 =	vor.u32 s31, v25;
	_ =	sdelay $0x3  }
0xde: {  	[tilespmem:v24+s10+$0x0] =	vst.idx.msk $0xffff, v23  }
0xdf: {  	v19 =	vor.u32 v31, v19;
	v23 =	vld.idx.msk [tilespmem:v25+s9+$0x0], $0xffff  }
0xe0: {  	v24 =	vor.u32 s31, v40;
	_ =	sdelay $0x2  }
0xe1: {  	v41 =	vmov v41  }
0xe2: {  	[tilespmem:v19+s10+$0x0] =	vst.idx.msk $0xffff, v23  }
0xe3: {  	v19 =	vld.idx.msk [tilespmem:v24+s9+$0x0], $0xffff;
	v24 =	vmov v43  }
0xe4: {  	v41 =	vmov v41;
	v22 =	vor.u32 v24, v22  }
0xe5: {  	v13 =	vand.u32 $0xF80, v1;
	v1 =	vadd.s32 s16, v57;
	v23 =	vor.u32 s31, v41  }
0xe6: {  	v57 =	vmov v12;
	v12 =	vand.u32 $0xF80, v1;
	v1 =	vadd.s32 s16, v62  }
0xe7: {  	v11 =	vand.u32 $0xF80, v1;
	v1 =	vld [tilespmem:$0x1FF40];
	_ =	sdelay $0x1  }
0xe8: {  	[tilespmem:v22+s10+$0x0] =	vst.idx.msk $0xffff, v19  }
0xe9: {  	v19 =	vld.idx.msk [tilespmem:v23+s9+$0x0], $0xffff;
	v23 =	vmov v46  }
0xea: {  	v43 =	vmov v47;
	v20 =	vor.u32 v23, v20  }
0xeb: {  	v1 =	vadd.s32 s16, v1;
	v22 =	vor.u32 s31, v43  }
0xec: {  	v9 =	vand.u32 $0xF80, v1;
	v1 =	vadd.s32 s16, v37  }
0xed: {  	v1 =	vand.u32 $0xF80, v1  }
0xee: {  	[tilespmem:$0x1FE40] =	vst v1  }
0xef: {  	v54 =	vmov v30;
	v1 =	vadd.s32 s16, v30;
	[tilespmem:v20+s10+$0x0] =	vst.idx.msk $0xffff, v19  }
0xf0: {  	v30 =	vmovc v37;
	v37 =	vmovc v62;
	v62 =	vmov v50;
	v50 =	vmov v44;
	v19 =	vld.idx.msk [tilespmem:v22+s9+$0x0], $0xffff;
	v22 =	vmov v49  }
0xf1: {  	v44 =	vmov v50;
	v20 =	vor.u32 v22, v21  }
0xf2: {  	v21 =	vor.u32 s31, v44;
	_ =	sdelay $0x3  }
0xf3: {  	[tilespmem:v20+s10+$0x0] =	vst.idx.msk $0xffff, v19  }
0xf4: {  	v19 =	vld.idx.msk [tilespmem:v21+s9+$0x0], $0xffff;
	v21 =	vmov v52  }
0xf5: {  	v46 =	vmov v53;
	v18 =	vor.u32 v21, v18  }
0xf6: {  	v20 =	vor.u32 s31, v46;
	_ =	sdelay $0x3  }
0xf7: {  	[tilespmem:v18+s10+$0x0] =	vst.idx.msk $0xffff, v19  }
0xf8: {  	v18 =	vld.idx.msk [tilespmem:v20+s9+$0x0], $0xffff;
	v20 =	vmov v55  }
0xf9: {  	v47 =	vmov v56;
	v17 =	vor.u32 v20, v17  }
0xfa: {  	v19 =	vor.u32 s31, v47;
	_ =	sdelay $0x3  }
0xfb: {  	[tilespmem:v17+s10+$0x0] =	vst.idx.msk $0xffff, v18  }
0xfc: {  	v17 =	vld.idx.msk [tilespmem:v19+s9+$0x0], $0xffff;
	v19 =	vmov v58  }
0xfd: {  	v49 =	vmov v59;
	v16 =	vor.u32 v19, v16  }
0xfe: {  	v18 =	vor.u32 s31, v49;
	_ =	sdelay $0x3  }
0xff: {  	[tilespmem:v16+s10+$0x0] =	vst.idx.msk $0xffff, v17  }
0x100: {  	v15 =	vor.u32 v61, v15;
	v50 =	vmov v62;
	v16 =	vld.idx.msk [tilespmem:v18+s9+$0x0], $0xffff  }
0x101: {  	v17 =	vor.u32 s31, v50;
	_ =	sdelay $0x3  }
0x102: {  	[tilespmem:v15+s10+$0x0] =	vst.idx.msk $0xffff, v16  }
0x103: {  	v14 =	vor.u32 v2, v14;
	v15 =	vld.idx.msk [tilespmem:v17+s9+$0x0], $0xffff  }
0x104: {  	v16 =	vor.u32 s31, v0;
	_ =	sdelay $0x3  }
0x105: {  	[tilespmem:v14+s10+$0x0] =	vst.idx.msk $0xffff, v15  }
0x106: {  	v13 =	vor.u32 v33, v13;
	v14 =	vld.idx.msk [tilespmem:v16+s9+$0x0], $0xffff  }
0x107: {  	v15 =	vor.u32 s31, v34;
	_ =	sdelay $0x3  }
0x108: {  	[tilespmem:v13+s10+$0x0] =	vst.idx.msk $0xffff, v14  }
0x109: {  	v13 =	vld.idx.msk [tilespmem:v15+s9+$0x0], $0xffff;
	v15 =	vmov v48;
	v48 =	vmov v5  }
0x10a: {  	v12 =	vor.u32 v48, v12  }
0x10b: {  	v14 =	vor.u32 s31, v36;
	_ =	sdelay $0x3  }
0x10c: {  	[tilespmem:v12+s10+$0x0] =	vst.idx.msk $0xffff, v13  }
0x10d: {  	v11 =	vor.u32 v38, v11;
	v12 =	vld.idx.msk [tilespmem:v14+s9+$0x0], $0xffff  }
0x10e: {  	v13 =	vor.u32 s31, v45;
	_ =	sdelay $0x3  }
0x10f: {  	[tilespmem:v11+s10+$0x0] =	vst.idx.msk $0xffff, v12  }
0x110: {  	v59 =	vmov v26;
	v16 =	vmov v10;
	v10 =	vor.u32 v3, v9;
	v11 =	vld.idx.msk [tilespmem:v13+s9+$0x0], $0xffff  }
0x111: {  	v12 =	vor.u32 s31, v59;
	_ =	sdelay $0x3  }
0x112: {  	v8 =	vand.u32 $0xF80, v8;
	v26 =	vmov v27;
	[tilespmem:v10+s10+$0x0] =	vst.idx.msk $0xffff, v11  }
0x113: {  	v27 =	vmov v39;
	v9 =	vor.u32 v26, v8;
	v10 =	vld.idx.msk [tilespmem:v12+s9+$0x0], $0xffff  }
0x114: {  	v53 =	vmov v0;
	v0 =	vld [tilespmem:$0x1FE40];
	v11 =	vor.u32 s31, v27;
	_ =	sdelay $0x3  }
0x115: {  	v39 =	vmov v60;
	[tilespmem:v9+s10+$0x0] =	vst.idx.msk $0xffff, v10  }
0x116: {  	v60 =	vmov v63;
	v8 =	vor.u32 v39, v0;
	v9 =	vld.idx.msk [tilespmem:v11+s9+$0x0], $0xffff  }
0x117: {  	v10 =	vor.u32 s31, v60;
	_ =	sdelay $0x2  }
0x118: {  	v7 =	vand.u32 $0xF80, v1;
	v1 =	vld [tilespmem:$0x1FE70]  }
0x119: {  	v62 =	vmov v37;
	v37 =	vmov v30;
	v30 =	vmov v54;
	v54 =	vld [tilespmem:$0x1FFD0];
	[tilespmem:v8+s10+$0x0] =	vst.idx.msk $0xffff, v9  }
0x11a: {  	v7 =	vor.u32 v51, v7;
	v8 =	vld.idx.msk [tilespmem:v10+s9+$0x0], $0xffff  }
0x11b: {  	v0 =	vld [tilespmem:$0x1FE60];
	v9 =	vor.u32 s31, v35  }
0x11c: {  	v25 =	vld [tilespmem:$0x1FF10]  }
0x11d: {  	v56 =	vmov v32;
	v32 =	vmov v42;
	v42 =	vld [tilespmem:$0x1FFC0]  }
0x11e: {  	v14 =	vld [tilespmem:$0x1FFF0]  }
0x11f: {  	v13 =	vld [tilespmem:$0x1FFE0];
	[tilespmem:v7+s10+$0x0] =	vst.idx.msk $0xffff, v8  }
0x120: {  	v8 =	vor.u32 v0, v6;
	v7 =	vld.idx.msk [tilespmem:v9+s9+$0x0], $0xffff  }
0x121: {  	p0 =	sne.s32 s14, s17;
	v0 =	vld [tilespmem:$0x1FE80]  }
.Ltmp4:
0x122: {  	v12 =	vmov v57;
	v57 =	vld [tilespmem:$0x1FF00];
	(pc) =	sbr.rel @p0 .LBB2_4-.Ltmp4, $4  }
0x123: {  	v11 =	vld [tilespmem:$0x1FF20]  }
0x124: {  	v1 =	vadd.s32 s16, v1;
	v10 =	vld [tilespmem:$0x1FEF0]  }
0x125: {  	v1 =	vand.u32 $0xF80, v1;
	v63 =	vmovc v51;
	v52 =	vmovc v2;
	v55 =	vmov v36;
	v58 =	vmov v3;
	[tilespmem:v8+s10+$0x0] =	vst.idx.msk $0xffff, v7;
	v8 =	vld [tilespmem:$0x1FEE0]  }
0x126: {  	s13 =	smov.u32 s18;
	v18 =	vmovc v61;
	v17 =	vmovc v4;
	v5 =	vmov v38;
	v9 =	vmov v28;
	v6 =	vor.u32 s31, v0;
	v7 =	vld [tilespmem:$0x1FED0]  }
.LBB2_5:
0x127: {  	_ =	sdelay $0x2  }
0x128: {  	v4 =	vld [tilespmem:$0x1FF40]  }
0x129: {  	v0 =	vld.idx.msk [tilespmem:v6+s9+$0x0], $0xffff;
	v1 =	vor.u32 v29, v1;
	p0 =	slt.s32 s13, $0x186980  }
0x12a: {  	v51 =	vld [tilespmem:$0x1FF80];
	s13 =	simm.s32 @!p0 $0x186980  }
0x12b: {  	v61 =	vmov v30;
	v30 =	vld [tilespmem:$0x1FF70];
	s31 =	smin.u32 s14, $0x4;
	s13 =	smul.u32 $0x3, s13  }
0x12c: {  	v3 =	vld [tilespmem:$0x1FF60];
	p0 =	sne.s32 s31, $0x1  }
.Ltmp5:
0x12d: {  	v2 =	vmov v32;
	v32 =	vld [tilespmem:$0x1FF50];
	s13 =	sshrl.u32 s13, $0x3;
	(pc) =	sbr.rel @!p0 .LBB2_7-.Ltmp5, $4  }
0x12e: {  	v38 =	vld [tilespmem:$0x1FFB0];
	s15 =	sadd.s32 $0x8280, s16;
	[tilespmem:v1+s10+$0x0] =	vst.idx.msk $0xffff, v0;
	s13 =	sadd.s32 s5, s13  }
0x12f: {  	v28 =	vmov v37;
	v37 =	vld [tilespmem:$0x1FFA0];
	[hbm4b:s13+s3] =	stream.linear.scatter [tilespmem:s15], [sflag:$0x2], $0x180, $0x38  }
0x130: {  	v36 =	vld [tilespmem:$0x1FF90];
	_ =	swait.ge [sflag:s11], $0x180  }
0x131: {  	s13 =	sadd.s32 $0xFFFFFFFF, s31;
	[sflag:s11] =	ssyncset.done $0x0  }
.LBB2_6:
0x132: {  	p0 =	sne.s32 s13, $0x1;
	s13 =	sadd.s32 $0xFFFFFFFF, s13;
	[sflag:s11] =	ssyncadd.s32 $0xFFFFFE80  }
.Ltmp6:
0x133: {  	(pc) =	sbr.rel @p0 .LBB2_6-.Ltmp6, $3  }
0x134: {  	_ =	sdelay $0x1  }
0x135: {  	_ =	swait.ge [sflag:s11], $0x180  }
0x136: {  	[sflag:s11] =	ssyncset.done $0x0  }
.Ltmp7:
0x137: {  	_ = 	snop;
	(pc) =	sbr.rel .LBB2_7-.Ltmp7, $1  }
0x138: {  	_ =	sdelay $0x3  }
.LBB2_3:
.Ltmp8:
0x139: {  	(pc) =	sbr.rel .LBB2_5-.Ltmp8, $2  }
0x13a: {  	_ =	sdelay $0x2  }
0x13b: {  	v29 =	vld [tilespmem:$0x1FE90]  }
.LBB2_9:
0x13c: {  	_ =	sfence.sel $0x180000  }
0x13d: {  	[bflag:$0x0] =	sbarrier.arrive $0xFFFF  }
0x13e: {  	p0 =	sne.s32 s0, $0x0;
	_ =	strace $0x90000047  }
0x13f: {  	s0 =	sadd.s32 @!p0 $0x100000, s1;
	[bflag:$0x2] =	sbarrier.arrive $0xFFFF  }
0x140: {  	[sflag:s0] =	ssyncadd.tile.s32 @!p0 $0x1;
	_ =	shalt  }
.Lfunc_end2:
_tile_overlayer_lowered:
.L_overlay_start_2:
0x141: {  	(tag) =	ssettag $0x2  }
0x142: {  	s0 =	rddreg [dreg:$0x0];
	s2 =	stileid.u32  }
0x143: {  	s1 =	rddreg [dreg:$0x1];
	p0 =	sne.s32 s2, $0x0  }
0x144: {  	s3 =	rddreg [dreg:$0x2];
	[bflag:$0x3] =	sbarrier.arrive $0xFFFF;
	s2 =	simm.s32 @!p0 $0x1C03  }
0x145: {  	[timem:s3], [sflag:s2] =	dma.local @!p0 [hbm:s0], s1  }
0x146: {  	s0 =	simm.s32 @!p0 $0x3  }
0x147: {  	_ =	swait.ge @!p0 [sflag:s0], s1  }
0x148: {  	s1 =	ssub.s32 @!p0 $0x0, s1;
	[sflag:s0] =	ssyncset.done @!p0 $0x0  }
0x149: {  	[sflag:s0] =	ssyncadd.s32 @!p0 s1  }
0x14a: {  	[bflag:$0x3] =	sbarrier.arrive $0xFFFF  }
0x14b: {  	_ =	shalt  }

// kernel: _run.7.cloned.1.call-start
scs
__scs_entry_jumppad:
0x0: {  	(pc) =	sbr.rel $0x88, $3  }
0x1: {  	(tag) =	ssettag $0x0;
	lr =	simm.s32 $0x1  }
0x2: {  	[smem:$0x3F9D] =	sst lr;
	_ =	strace $0xD0000000  }
0x3: {  	_ = 	snop  }
0x4: {  	_ = 	snop  }
0x5: {  	_ = 	snop  }
0x6: {  	_ = 	snop  }
0x7: {  	_ = 	snop  }
__scs_overlays_trampoline_lowered:
0x8: {  	[smem:$0x3FAC] =	sst s0  }
0x9: {  	[smem:$0x3FAD] =	sst s1  }
0xa: {  	[smem:$0x3FAE] =	sst s2  }
0xb: {  	[smem:$0x3FAF] =	sst s3  }
0xc: {  	[smem:$0x3FB0] =	sst s4  }
0xd: {  	[smem:$0x3FB1] =	sst s5  }
0xe: {  	[smem:$0x3FB2] =	sst s6  }
0xf: {  	[smem:$0x3FB3] =	sst s7  }
0x10: {  	[smem:$0x3FB4] =	sst s8  }
0x11: {  	[smem:$0x3FB5] =	sst s9;
	s0 =	simm.s32 @!p0 $0x0  }
0x12: {  	s1 =	sld [smem:$0x3F9B];
	s0 =	simm.s32 @p0 $0x1  }
0x13: {  	[smem:$0x3FB6] =	sst s0;
	s0 =	simm.s32 @!p1 $0x0  }
0x14: {  	s2 =	sld [smem:$0x3F9A];
	s0 =	simm.s32 @p1 $0x1  }
0x15: {  	[smem:$0x3FB7] =	sst s0;
	s0 =	simm.s32 @!p2 $0x0  }
0x16: {  	s3 =	sld [smem:$0x3FDB];
	s0 =	simm.s32 @p2 $0x1  }
0x17: {  	s4 =	simm.s32 $0x1BF5;
	[smem:$0x3FB9] =	sst s0  }
0x18: {  	s0 =	sld [smem:$0x3F9C];
	_ =	swait.ge [sflag:s4], $0x0  }
0x19: {  	s7 =	sld [smem:$0x3F9D]  }
0x1a: {  	s8 =	sadd.s32 $0xFFFFE003, lr  }
0x1b: {  	s9 =	sadd.s32 $0xFFFFFEF7, lr;
	s5 =	simm.s32 $0xFFFFFFFF;
	p2 =	slt.u32 s8, $0xFFFFF086  }
0x1c: {  	p1 =	slt.u32 s9, $0xF7A;
	s5 =	simm.s32 @!p2 $0x0  }
0x1d: {  	s5 =	simm.s32 @p1 $0x1;
	p0 =	seq.s32 s7, s2  }
0x1e: {  	s7 =	smul.u32 @!p0 $0xF7A, s2;
	p2 =	seq.s32 @!p0 s5, $0x0  }
0x1f: {  	s9 =	smul.u32 $0xF7A, s1;
	s8 =	simm.s32 @!p0 $0x1BF5;
	p2 =	por !p2, p0  }
0x20: {  	[sflag:s8] =	ssyncset.s32 @!p0 $0xFFFFF086;
	s6 =	sadd.s32 @!p0 s3, s7;
	s7 =	simm.s32 @!p0 $0x108  }
0x21: {  	s3 =	sadd.s32 s3, s9;
	s6 =	sadd.s32 @!p0 $0x88, s6;
	s7 =	simm.s32 @p2 $0x1082  }
0x22: {  	[simem:s7], [sflag:s8] =	dma.local @!p0 [hbm:s6], $0xF7A  }
0x23: {  	s9 =	sor.u32 $0xD0000000, s2;
	s6 =	simm.s32 $0x108;
	_ =	swait.ge @!p0 [sflag:s8], $0x0  }
0x24: {  	s3 =	sadd.s32 $0x88, s3;
	s6 =	simm.s32 @!p1 $0x1082;
	[sflag:s4] =	ssyncset.s32 $0xFFFFF086  }
0x25: {  	[simem:s6], [sflag:s4] =	dma.local [hbm:s3], $0xF7A  }
0x26: {  	[smem:$0x3F9D] =	sst s1;
	(tag) =	ssettag s2;
	_ =	strace s9  }
0x27: {  	s1 =	sld [smem:$0x3FAD]  }
0x28: {  	s2 =	sld [smem:$0x3FAE]  }
0x29: {  	s4 =	sld [smem:$0x3FB0]  }
0x2a: {  	p0 =	seq.s32 s5, $0x0;
	s5 =	sld [smem:$0x3FB1]  }
0x2b: {  	s6 =	sld [smem:$0x3FB2]  }
0x2c: {  	s7 =	sld [smem:$0x3FB3]  }
0x2d: {  	s3 =	simm.s32 $0x108;
	s8 =	sld [smem:$0x3FB4]  }
0x2e: {  	s3 =	simm.s32 @!p0 $0x1082;
	s9 =	sld [smem:$0x3FB5]  }
0x2f: {  	lr =	sadd.s32 s0, s3;
	s0 =	sld [smem:$0x3FAC]  }
0x30: {  	s3 =	sld [smem:$0x3FAF]  }
0x31: {  	[smem:$0x3FB8] =	sst s10  }
0x32: {  	s10 =	sld [smem:$0x3FB6];
	_ =	sdelay $0x3  }
0x33: {  	p0 =	seq.s32 s10, $0x1;
	s10 =	sld [smem:$0x3FB8];
	_ =	sdelay $0x3  }
0x34: {  	[smem:$0x3FB8] =	sst s10  }
0x35: {  	s10 =	sld [smem:$0x3FB7];
	_ =	sdelay $0x3  }
0x36: {  	p1 =	seq.s32 s10, $0x1;
	s10 =	sld [smem:$0x3FB8];
	_ =	sdelay $0x3  }
0x37: {  	[smem:$0x3FB8] =	sst s10  }
0x38: {  	s10 =	sld [smem:$0x3FB9]  }
0x39: {  	_ = 	snop;
	(pc) =	sbr.ind lr, $3  }
0x3a: {  	_ = 	snop  }
0x3b: {  	_ = 	snop  }
0x3c: {  	p2 =	seq.s32 s10, $0x1;
	s10 =	sld [smem:$0x3FB8]  }
0x3d: {  	_ =	shalt  }
0x3e: {  	_ =	shalt  }
0x3f: {  	_ =	shalt  }
0x40: {  	_ =	shalt  }
0x41: {  	_ =	shalt  }
0x42: {  	_ =	shalt  }
0x43: {  	_ =	shalt  }
0x44: {  	_ =	shalt  }
0x45: {  	_ =	shalt  }
0x46: {  	_ =	shalt  }
0x47: {  	_ =	shalt  }
0x48: {  	_ =	shalt  }
0x49: {  	_ =	shalt  }
0x4a: {  	_ =	shalt  }
0x4b: {  	_ =	shalt  }
0x4c: {  	_ =	shalt  }
0x4d: {  	_ =	shalt  }
0x4e: {  	_ =	shalt  }
0x4f: {  	_ =	shalt  }
0x50: {  	_ =	shalt  }
0x51: {  	_ =	shalt  }
0x52: {  	_ =	shalt  }
0x53: {  	_ =	shalt  }
0x54: {  	_ =	shalt  }
0x55: {  	_ =	shalt  }
0x56: {  	_ =	shalt  }
0x57: {  	_ =	shalt  }
0x58: {  	_ =	shalt  }
0x59: {  	_ =	shalt  }
0x5a: {  	_ =	shalt  }
0x5b: {  	_ =	shalt  }
0x5c: {  	_ =	shalt  }
0x5d: {  	_ =	shalt  }
0x5e: {  	_ =	shalt  }
0x5f: {  	_ =	shalt  }
0x60: {  	_ =	shalt  }
0x61: {  	_ =	shalt  }
0x62: {  	_ =	shalt  }
0x63: {  	_ =	shalt  }
0x64: {  	_ =	shalt  }
0x65: {  	_ =	shalt  }
0x66: {  	_ =	shalt  }
0x67: {  	_ =	shalt  }
0x68: {  	_ =	shalt  }
0x69: {  	_ =	shalt  }
0x6a: {  	_ =	shalt  }
0x6b: {  	_ =	shalt  }
0x6c: {  	_ =	shalt  }
0x6d: {  	_ =	shalt  }
0x6e: {  	_ =	shalt  }
0x6f: {  	_ =	shalt  }
0x70: {  	_ =	shalt  }
0x71: {  	_ =	shalt  }
0x72: {  	_ =	shalt  }
0x73: {  	_ =	shalt  }
0x74: {  	_ =	shalt  }
0x75: {  	_ =	shalt  }
0x76: {  	_ =	shalt  }
0x77: {  	_ =	shalt  }
0x78: {  	_ =	shalt  }
0x79: {  	_ =	shalt  }
0x7a: {  	_ =	shalt  }
0x7b: {  	_ =	shalt  }
0x7c: {  	_ =	shalt  }
0x7d: {  	_ =	shalt  }
0x7e: {  	_ =	shalt  }
0x7f: {  	_ =	shalt  }
0x80: {  	_ =	shalt  }
0x81: {  	_ =	shalt  }
0x82: {  	_ =	shalt  }
0x83: {  	_ =	shalt  }
0x84: {  	_ =	shalt  }
0x85: {  	_ =	shalt  }
0x86: {  	_ =	shalt  }
0x87: {  	_ =	shalt  }
.Lfunc_end0:
.L_simem_size_0:
called_computation.1_lowered:
.L_overlay_start_0:
0x88: {  	s2 =	sld [smem:$0x3FD9]  }
0x89: {  	s3 =	sld [smem:$0x3FFE];
	_ =	sdelay $0x1  }
0x8a: {  	s1 =	srdreg.scid  }
0x8b: {  	s0 =	sand.u32 $0x1, s1  }
0x8c: {  	s17 =	sshll.u32 s0, $0xA;
	s2 =	sadd.s32 s3, s2  }
0x8d: {  	s2 =	sadd.s32 s2, s17  }
0x8e: {  	[smem:$0x3FC4] =	sst s2  }
0x8f: {  	_ = 	snop  }
0x90: {  	s2 =	sld [smem:$0x3FC8]  }
0x91: {  	s18 =	sld [smem:$0x3FC7]  }
0x92: {  	s4 =	sld [smem:$0x3FC6]  }
0x93: {  	s5 =	sld [smem:$0x3FD0];
	(tm) =	ssettm $0x1  }
0x94: {  	s6 =	sld [smem:$0x3FFB];
	_ =	sdelay $0x3  }
0x95: {  	_ =	strace s6  }
0x96: {  	s6 =	sld [smem:$0x3FFC];
	_ =	sdelay $0x3  }
0x97: {  	_ =	strace s6  }
0x98: {  	s6 =	sld [smem:$0x3FFD];
	_ =	sdelay $0x3  }
0x99: {  	_ =	strace s6  }
0x9a: {  	_ =	strace $0x8FFFFFFF  }
0x9b: {  	s19 =	sld [smem:$0x3FDB];
	_ =	sdelay $0x1  }
0x9c: {  	s7 =	simm.s32 $_scs_section_size  }
0x9d: {  	s8 =	simm.s32 $_size__tile_overlayer_lowered;
	s9 =	simm.s32 $_tile_overlayer_lowered  }
0x9e: {  	s22 =	simm.s32 $0x1BFF;
	s21 =	sshll.u32 s9, $0x1;
	s6 =	sadd.s32 s7, s19  }
0x9f: {  	s10 =	simm.s32 $0x0;
	s20 =	sshll.u32 s8, $0x1;
	s8 =	sadd.s32 s21, s6  }
0xa0: {  	[timem:s10], [sflag:s22] =	dma.local [hbm:s8], s20  }
0xa1: {  	_ =	swait.ge [sflag:s22], s20  }
0xa2: {  	s7 =	ssub.s32 $0x0, s20;
	[sflag:s22] =	ssyncset.done $0x0  }
0xa3: {  	[sflag:s22] =	ssyncadd.s32 s7;
	_ =	sdelay $0x1  }
0xa4: {  	s23 =	simm.s32 $0x1B8B  }
0xa5: {  	_ =	swait.ge [sflag:s23], $0x1  }
0xa6: {  	[sflag:s23] =	ssyncset.done $0x0  }
0xa7: {  	s25 =	simm.s32 $0x1B8E;
	s24 =	sld [smem:$0x3FFE];
	[sflag:s23] =	ssyncadd.s32 $0xFFFFFFFF  }
0xa8: {  	s26 =	simm.s32 $execute0_lowered;
	[smem:$0x3FD2] =	sst s25  }
0xa9: {  	s8 =	sshll.u32 s26, $0x1;
	_ =	strace $0x80000049;
	[dreg:$0x1] =	wrdreg $0xFFFFFFFF  }
0xaa: {  	s28 =	simm.s32 $_size_execute0_lowered;
	s6 =	sadd.s32 s6, s8;
	[dreg:$0x0] =	wrdreg $0x0  }
0xab: {  	s8 =	sshll.u32 s28, $0x1;
	[dreg:$0x2] =	wrdreg s6  }
0xac: {  	[dreg:$0x3] =	wrdreg s8  }
0xad: {  	[dreg:$0x4] =	wrdreg $0xC0  }
0xae: {  	_ =	task [dreg:s10], $0x5FFFF  }
0xaf: {  	[dreg:$0x1] =	wrdreg $0xFFFFFFFF  }
0xb0: {  	[dreg:$0x0] =	wrdreg $0x60  }
0xb1: {  	[dreg:$0x2] =	wrdreg s24  }
0xb2: {  	[dreg:$0x3] =	wrdreg s2  }
0xb3: {  	[dreg:$0x4] =	wrdreg s18  }
0xb4: {  	[dreg:$0x5] =	wrdreg s4  }
0xb5: {  	[dreg:$0x6] =	wrdreg s5  }
0xb6: {  	[dreg:$0x7] =	wrdreg $0x9  }
0xb7: {  	_ =	task.clear_ibuf [dreg:s10], $0x8FFFF;
	_ =	strace $0x90000049  }
0xb8: {  	s29 =	simm.s32 $0x9;
	_ =	strace $0x8000004B  }
0xb9: {  	_ =	swait.ge [sflag:s29], $0x1  }
0xba: {  	[sflag:s29] =	ssyncadd.s32 $0xFFFFFFFF  }
0xbb: {  	_ =	strace $0x9000004B  }
0xbc: {  	_ =	sfence  }
0xbd: {  	s30 =	sld [smem:$0x0];
	_ =	sdelay $0x2  }
0xbe: {  	s31 =	sshll.u32 s1, $0xD;
	s1 =	sshrl.u32 s1, $0x2  }
0xbf: {  	s3 =	sand.u32 $0x4000, s31;
	s1 =	sadd.s32 s1, s30  }
0xc0: {  	s0 =	sor.u32 s3, s0;
	s1 =	sshll.u32 s1, $0x11  }
0xc1: {  	s0 =	sor.u32 s1, s0  }
0xc2: {  	s0 =	sadd.s32 $0x8F2B, s0  }
0xc3: {  	[sflag:s0] =	ssyncadd.remote.s32 $0x1  }
0xc4: {  	_ =	sfence.sel $0xFFFF  }
0xc5: {  	[dreg:$0x0] =	wrdreg $0xFFFFFFFF;
	(pc) =	sbr.abs _section_cstart, $3  }
0xc6: {  	[dreg:$0x1] =	wrdreg $0xFFFFFFFF  }
0xc7: {  	_ =	task.clear_ibuf [dreg:s10], $0x2FFFF;
	_ =	strace $0x9FFFFFFF  }
0xc8: {  	(tm) =	ssettm $0x7FFFFFFF  }
0xc9: {  	_ =	shalt  }
tec
execute0_lowered:
.L_overlay_start_1:
0x0: {  	(tag) =	ssettag $0x1  }
0x1: {  	s0 =	rddreg [dreg:$0x0]  }
0x2: {  	s1 =	rddreg [dreg:$0x1]  }
0x3: {  	s2 =	rddreg [dreg:$0x2]  }
0x4: {  	s3 =	rddreg [dreg:$0x3]  }
0x5: {  	s4 =	rddreg [dreg:$0x4]  }
0x6: {  	s5 =	simm.s32 $0x0;
	s6 =	srdreg.scid;
	s10 =	stileid.u32  }
0x7: {  	s11 =	simm.s32 $0x280;
	s12 =	simm.s32 $0x1;
	s13 =	simm.s32 $0x300  }
0x8: {  	s14 =	simm.s32 $0x4300;
	s21 =	simm.s32 $0x1D00;
	s22 =	simm.s32 $0x9100  }
0x9: {  	s23 =	simm.s32 $0x1F00;
	s24 =	simm.s32 $0x9700;
	s28 =	simm.s32 $0x2  }
0xa: {  	s29 =	simm.s32 $0x10300;
	s6 =	sand.u32 $0x1, s6;
	s7 =	sshll.u32 s10, $0x1  }
0xb: {  	v0 =	vlaneseq.u32;
	s30 =	simm.s32 $0x13400;
	s8 =	ssub.s32 $0x2, s6;
	s6 =	sor.u32 s6, s7  }
0xc: {  	v6 =	vimm.f32 $0.0e+00;
	s31 =	simm.s32 $0x0;
	[smem:$0x7FF] =	sst s5;
	v3 =	vmul.u32 $0x600, v0;
	s15 =	sshll.u32 s6, $0x4  }
0xd: {  	v7 =	vmul.u32 $0x200, v0;
	v10 =	vor.u32 $0x10, v0;
	_ =	strace $0x8000004A;
	s7 =	sadd.s32 $0x3FEA, s10;
	s10 =	simm.s32 $0x3;
	v1 =	vmov s15  }
0xe: {  	v11 =	vor.u32 $0x20, v0;
	s25 =	sshrl.u32 s8, $0x1;
	s9 =	smul.u32 $0x188, s6;
	s6 =	sadd.s32 $0x186A800, s0;
	v5 =	vmul.u32 $0xC4, v1;
	v1 =	vmul.u32 $0xC4, v0  }
0xf: {  	v12 =	vor.u32 $0x30, v0;
	v8 =	vor.u32 $0x2, v3;
	v9 =	vor.u32 $0x1, v3;
	s26 =	ssub.s32 s8, s25;
	s16 =	sor.u32 $0x1, s15;
	s25 =	simm.s32 $0x2100  }
0x10: {  	v2 =	vor.u32 s15, v0;
	s8 =	sadd.s32 s4, s9;
	s9 =	smax.u32 s26, $0x1;
	v4 =	vadd.s32 s16, v0;
	s26 =	simm.s32 $0x9D00;
	v5 =	vadd.s32 v1, v5  }
.LBB2_1:
0x11: {  	[tilespmem:s5], [sflag:$0x3] =	stream.linear.gather [hbm4b:s2+s5], $0x280, $0x38;
	[tilespmem:$0x14080] =	vst v63  }
0x12: {  	_ =	swait.ge [sflag:s10], $0x280  }
0x13: {  	[sflag:s10] =	ssyncset.done $0x0  }
0x14: {  	[sflag:s10] =	ssyncadd.s32 $0xFFFFFD80  }
0x15: {  	[tilespmem:s11], [sflag:$0x3] =	stream.linear.gather [hbm4b:s3+s5], $0x80, $0x38;
	[tilespmem:$0x14080] =	vst v63  }
0x16: {  	_ =	swait.ge [sflag:s10], $0x80  }
0x17: {  	[sflag:s10] =	ssyncset.done $0x0  }
0x18: {  	[sflag:s10] =	ssyncadd.s32 $0xFFFFFF80  }
0x19: {  	v13 =	vld.idx.msk [tilespmem:v2+s5+$0x0], $0xffff  }
0x1a: {  	s0 =	simm.s32 $0x40;
	s4 =	simm.s32 $0x0;
	v14 =	vld.idx.msk [tilespmem:v4+s5+$0x0], $0xffff  }
.LBB2_2:
0x1b: {  	p0 =	sne.s32 s0, $0xC3C0;
	[tilespmem:s4+$0x10300] =	vst v6;
	s4 =	smov.u32 s0;
	s0 =	sadd.s32 $0x40, s0  }
.Ltmp0:
0x1c: {  	(pc) =	sbr.rel @p0 .LBB2_2-.Ltmp0, $2  }
0x1d: {  	_ =	sdelay $0x2  }
0x1e: {  	s4 =	sshra.s32 s4, $0x2  }
0x1f: {  	v15 =	vand.u32 $0xFFFFFFF8, v13  }
0x20: {  	v16 =	vsub.s32 v14, v15  }
0x21: {  	v16 =	vxor.u32 $0x80000000, v16  }
0x22: {  	(xrf0) =	vmax.scan.msk.u32 $0xffff, v16;
	_ =	sdelay $0x5  }
0x23: {  	v16, _, _ =	vpop (xrf0)  }
0x24: {  	(v2sf) =	vpush v16, $0xF;
	_ =	sdelay $0xe  }
0x25: {  	s0 =	spop (v2sf)  }
0x26: {  	s0 =	sadd.s32 $0x800001FF, s0  }
0x27: {  	s15 =	sand.u32 $0x1FF, s0  }
0x28: {  	s20 =	sshra.s32 s0, $0x1F;
	p1 =	slt.s32 s0, $0x1;
	p0 =	sne.s32 s15, $0x0  }
0x29: {  	s15 =	sshrl.u32 s20, $0x17;
	p0 =	por !p1, !p0  }
0x2a: {  	s0 =	sadd.s32 s15, s0;
	s15 =	simm.s32 $0x1;
	p0 =	por !p0, !p0  }
0x2b: {  	s0 =	sshra.s32 s0, $0x9;
	s15 =	simm.s32 @!p0 $0x0  }
0x2c: {  	s0 =	ssub.s32 s0, s15  }
0x2d: {  	p0 =	slt.s32 s0, $0x1  }
.Ltmp1:
0x2e: {  	_ = 	snop;
	(pc) =	sbr.rel @p0 .LBB2_10-.Ltmp1, $2  }
0x2f: {  	_ =	sdelay $0x2  }
0x30: {  	[tilespmem:s4+$0x10300] =	vst v6  }
0x31: {  	vm0 =	vlt.s32 v15, $0x186800  }
0x32: {  	v16 =	vnsel vm0, $0x186800, v15  }
0x33: {  	(v2sf) =	vpush v16, $0x0;
	_ =	sdelay $0x3  }
0x34: {  	(v2sf) =	vpush v16, $0x1;
	_ =	sdelay $0x4  }
0x35: {  	(v2sf) =	vpush v16, $0x2;
	_ =	sdelay $0x5  }
0x36: {  	s15 =	spop (v2sf)  }
0x37: {  	s4 =	sshrl.u32 s15, $0x3  }
0x38: {  	(v2sf) =	vpush v16, $0x3;
	s15 =	smul.u32 $0x3, s15;
	s16 =	sadd.s32 s1, s4;
	s4 =	simm.s32 $0x0  }
0x39: {  	[tilespmem:s13], [sflag:$0x1] =	stream.linear.gather [hbm4b:s16+s4], $0x200, $0x38;
	[tilespmem:$0x14080] =	vst v63  }
0x3a: {  	s17 =	spop (v2sf);
	s15 =	sshrl.u32 s15, $0x3  }
0x3b: {  	s18 =	sshrl.u32 s17, $0x3;
	s15 =	sadd.s32 s6, s15  }
0x3c: {  	(v2sf) =	vpush v16, $0x4;
	[tilespmem:s14], [sflag:$0x2] =	stream.linear.gather [hbm4b:s15+s4], $0x600, $0x38;
	[tilespmem:$0x14080] =	vst v63  }
0x3d: {  	s16 =	sadd.s32 s1, s18;
	s15 =	smul.u32 $0x3, s17;
	s17 =	simm.s32 $0x500  }
0x3e: {  	[tilespmem:s17], [sflag:$0x1] =	stream.linear.gather [hbm4b:s16+s4], $0x200, $0x38;
	[tilespmem:$0x14080] =	vst v63  }
0x3f: {  	s20 =	spop (v2sf);
	s15 =	sshrl.u32 s15, $0x3  }
0x40: {  	s19 =	simm.s32 $0x4900;
	s17 =	sshrl.u32 s20, $0x3;
	s15 =	sadd.s32 s6, s15  }
0x41: {  	(v2sf) =	vpush v16, $0x5;
	[tilespmem:s19], [sflag:$0x2] =	stream.linear.gather [hbm4b:s15+s4], $0x600, $0x38;
	[tilespmem:$0x14080] =	vst v63  }
0x42: {  	s18 =	simm.s32 $0x700;
	s16 =	sadd.s32 s1, s17;
	s15 =	smul.u32 $0x3, s20  }
0x43: {  	[tilespmem:s18], [sflag:$0x1] =	stream.linear.gather [hbm4b:s16+s4], $0x200, $0x38;
	[tilespmem:$0x14080] =	vst v63  }
0x44: {  	s15 =	sshrl.u32 s15, $0x3  }
0x45: {  	s19 =	simm.s32 $0x4F00;
	s15 =	sadd.s32 s6, s15  }
0x46: {  	[tilespmem:s19], [sflag:$0x2] =	stream.linear.gather [hbm4b:s15+s4], $0x600, $0x38;
	[tilespmem:$0x14080] =	vst v63  }
0x47: {  	s20 =	spop (v2sf)  }
0x48: {  	s17 =	sshrl.u32 s20, $0x3  }
0x49: {  	s18 =	simm.s32 $0x900;
	(v2sf) =	vpush v16, $0x6;
	s15 =	smul.u32 $0x3, s20;
	s16 =	sadd.s32 s1, s17  }
0x4a: {  	[tilespmem:s18], [sflag:$0x1] =	stream.linear.gather [hbm4b:s16+s4], $0x200, $0x38;
	[tilespmem:$0x14080] =	vst v63  }
0x4b: {  	s20 =	spop (v2sf);
	s15 =	sshrl.u32 s15, $0x3  }
0x4c: {  	s19 =	simm.s32 $0x5500;
	s17 =	sshrl.u32 s20, $0x3;
	s15 =	sadd.s32 s6, s15  }
0x4d: {  	(v2sf) =	vpush v16, $0x7;
	[tilespmem:s19], [sflag:$0x2] =	stream.linear.gather [hbm4b:s15+s4], $0x600, $0x38;
	[tilespmem:$0x14080] =	vst v63  }
0x4e: {  	s16 =	sadd.s32 s1, s17;
	s18 =	simm.s32 $0xB00;
	s15 =	smul.u32 $0x3, s20  }
0x4f: {  	[tilespmem:s18], [sflag:$0x1] =	stream.linear.gather [hbm4b:s16+s4], $0x200, $0x38;
	[tilespmem:$0x14080] =	vst v63  }
0x50: {  	s20 =	spop (v2sf);
	s15 =	sshrl.u32 s15, $0x3  }
0x51: {  	s19 =	simm.s32 $0x5B00;
	s17 =	sshrl.u32 s20, $0x3;
	s15 =	sadd.s32 s6, s15  }
0x52: {  	(v2sf) =	vpush v16, $0x8;
	[tilespmem:s19], [sflag:$0x2] =	stream.linear.gather [hbm4b:s15+s4], $0x600, $0x38;
	[tilespmem:$0x14080] =	vst v63  }
0x53: {  	s16 =	sadd.s32 s1, s17;
	s18 =	simm.s32 $0xD00;
	s15 =	smul.u32 $0x3, s20  }
0x54: {  	[tilespmem:s18], [sflag:$0x1] =	stream.linear.gather [hbm4b:s16+s4], $0x200, $0x38;
	[tilespmem:$0x14080] =	vst v63  }
0x55: {  	s15 =	sshrl.u32 s15, $0x3  }
0x56: {  	s19 =	simm.s32 $0x6100;
	s15 =	sadd.s32 s6, s15  }
0x57: {  	[tilespmem:s19], [sflag:$0x2] =	stream.linear.gather [hbm4b:s15+s4], $0x600, $0x38;
	[tilespmem:$0x14080] =	vst v63  }
0x58: {  	s20 =	spop (v2sf)  }
0x59: {  	s17 =	sshrl.u32 s20, $0x3  }
0x5a: {  	s18 =	simm.s32 $0xF00;
	(v2sf) =	vpush v16, $0x9;
	s15 =	smul.u32 $0x3, s20;
	s16 =	sadd.s32 s1, s17  }
0x5b: {  	[tilespmem:s18], [sflag:$0x1] =	stream.linear.gather [hbm4b:s16+s4], $0x200, $0x38;
	[tilespmem:$0x14080] =	vst v63  }
0x5c: {  	s20 =	spop (v2sf);
	s15 =	sshrl.u32 s15, $0x3  }
0x5d: {  	s19 =	simm.s32 $0x6700;
	s17 =	sshrl.u32 s20, $0x3;
	s15 =	sadd.s32 s6, s15  }
0x5e: {  	(v2sf) =	vpush v16, $0xA;
	[tilespmem:s19], [sflag:$0x2] =	stream.linear.gather [hbm4b:s15+s4], $0x600, $0x38;
	[tilespmem:$0x14080] =	vst v63  }
0x5f: {  	s16 =	sadd.s32 s1, s17;
	s18 =	simm.s32 $0x1100;
	s15 =	smul.u32 $0x3, s20  }
0x60: {  	[tilespmem:s18], [sflag:$0x1] =	stream.linear.gather [hbm4b:s16+s4], $0x200, $0x38;
	[tilespmem:$0x14080] =	vst v63  }
0x61: {  	s20 =	spop (v2sf);
	s15 =	sshrl.u32 s15, $0x3  }
0x62: {  	s19 =	simm.s32 $0x6D00;
	s17 =	sshrl.u32 s20, $0x3;
	s15 =	sadd.s32 s6, s15  }
0x63: {  	(v2sf) =	vpush v16, $0xB;
	[tilespmem:s19], [sflag:$0x2] =	stream.linear.gather [hbm4b:s15+s4], $0x600, $0x38;
	[tilespmem:$0x14080] =	vst v63  }
0x64: {  	s16 =	sadd.s32 s1, s17;
	s18 =	simm.s32 $0x1300;
	s15 =	smul.u32 $0x3, s20  }
0x65: {  	[tilespmem:s18], [sflag:$0x1] =	stream.linear.gather [hbm4b:s16+s4], $0x200, $0x38;
	[tilespmem:$0x14080] =	vst v63  }
0x66: {  	s15 =	sshrl.u32 s15, $0x3  }
0x67: {  	s19 =	simm.s32 $0x7300;
	s15 =	sadd.s32 s6, s15  }
0x68: {  	[tilespmem:s19], [sflag:$0x2] =	stream.linear.gather [hbm4b:s15+s4], $0x600, $0x38;
	[tilespmem:$0x14080] =	vst v63  }
0x69: {  	s20 =	spop (v2sf)  }
0x6a: {  	s17 =	sshrl.u32 s20, $0x3  }
0x6b: {  	s18 =	simm.s32 $0x1500;
	(v2sf) =	vpush v16, $0xC;
	s15 =	smul.u32 $0x3, s20;
	s16 =	sadd.s32 s1, s17  }
0x6c: {  	[tilespmem:s18], [sflag:$0x1] =	stream.linear.gather [hbm4b:s16+s4], $0x200, $0x38;
	[tilespmem:$0x14080] =	vst v63  }
0x6d: {  	s20 =	spop (v2sf);
	s15 =	sshrl.u32 s15, $0x3  }
0x6e: {  	s19 =	simm.s32 $0x7900;
	s17 =	sshrl.u32 s20, $0x3;
	s15 =	sadd.s32 s6, s15  }
0x6f: {  	(v2sf) =	vpush v16, $0xD;
	[tilespmem:s19], [sflag:$0x2] =	stream.linear.gather [hbm4b:s15+s4], $0x600, $0x38;
	[tilespmem:$0x14080] =	vst v63  }
0x70: {  	s16 =	sadd.s32 s1, s17;
	s18 =	simm.s32 $0x1700;
	s15 =	smul.u32 $0x3, s20  }
0x71: {  	[tilespmem:s18], [sflag:$0x1] =	stream.linear.gather [hbm4b:s16+s4], $0x200, $0x38;
	[tilespmem:$0x14080] =	vst v63  }
0x72: {  	s20 =	spop (v2sf);
	(v2sf) =	vpush v16, $0xE;
	s15 =	sshrl.u32 s15, $0x3  }
0x73: {  	s19 =	simm.s32 $0x7F00;
	s17 =	sshrl.u32 s20, $0x3;
	s15 =	sadd.s32 s6, s15  }
0x74: {  	[tilespmem:s19], [sflag:$0x2] =	stream.linear.gather [hbm4b:s15+s4], $0x600, $0x38;
	[tilespmem:$0x14080] =	vst v63  }
0x75: {  	s16 =	sadd.s32 s1, s17;
	s18 =	simm.s32 $0x1900;
	s15 =	smul.u32 $0x3, s20  }
0x76: {  	[tilespmem:s18], [sflag:$0x1] =	stream.linear.gather [hbm4b:s16+s4], $0x200, $0x38;
	[tilespmem:$0x14080] =	vst v63  }
0x77: {  	s15 =	sshrl.u32 s15, $0x3  }
0x78: {  	s19 =	simm.s32 $0x8500;
	s15 =	sadd.s32 s6, s15  }
0x79: {  	[tilespmem:s19], [sflag:$0x2] =	stream.linear.gather [hbm4b:s15+s4], $0x600, $0x38;
	[tilespmem:$0x14080] =	vst v63  }
0x7a: {  	s20 =	spop (v2sf);
	(v2sf) =	vpush v16, $0xF  }
0x7b: {  	s17 =	sshrl.u32 s20, $0x3  }
0x7c: {  	s18 =	simm.s32 $0x1B00;
	s15 =	smul.u32 $0x3, s20;
	s16 =	sadd.s32 s1, s17  }
0x7d: {  	[tilespmem:s18], [sflag:$0x1] =	stream.linear.gather [hbm4b:s16+s4], $0x200, $0x38;
	[tilespmem:$0x14080] =	vst v63  }
0x7e: {  	s19 =	spop (v2sf);
	s20 =	simm.s32 $0x8B00;
	s15 =	sshrl.u32 s15, $0x3  }
0x7f: {  	s18 =	sshrl.u32 s19, $0x3;
	s16 =	smul.u32 $0x3, s19;
	s15 =	sadd.s32 s6, s15  }
0x80: {  	[tilespmem:s20], [sflag:$0x2] =	stream.linear.gather [hbm4b:s15+s4], $0x600, $0x38;
	[tilespmem:$0x14080] =	vst v63  }
0x81: {  	s15 =	sadd.s32 s1, s18;
	s19 =	sshrl.u32 s16, $0x3;
	s20 =	spop (v2sf)  }
0x82: {  	[tilespmem:s21], [sflag:$0x1] =	stream.linear.gather [hbm4b:s15+s4], $0x200, $0x38;
	[tilespmem:$0x14080] =	vst v63  }
0x83: {  	s17 =	sshrl.u32 s20, $0x3;
	s16 =	smul.u32 $0x3, s20;
	s15 =	sadd.s32 s6, s19  }
0x84: {  	[tilespmem:s22], [sflag:$0x2] =	stream.linear.gather [hbm4b:s15+s4], $0x600, $0x38;
	[tilespmem:$0x14080] =	vst v63  }
0x85: {  	s18 =	sshrl.u32 s16, $0x3;
	s15 =	sadd.s32 s1, s17  }
0x86: {  	[tilespmem:s23], [sflag:$0x1] =	stream.linear.gather [hbm4b:s15+s4], $0x200, $0x38;
	[tilespmem:$0x14080] =	vst v63  }
0x87: {  	s15 =	sadd.s32 s6, s18  }
0x88: {  	[tilespmem:s24], [sflag:$0x2] =	stream.linear.gather [hbm4b:s15+s4], $0x600, $0x38;
	[tilespmem:$0x14080] =	vst v63  }
0x89: {  	s19 =	spop (v2sf)  }
0x8a: {  	s20 =	sshrl.u32 s19, $0x3  }
0x8b: {  	s15 =	smul.u32 $0x3, s19;
	s16 =	sadd.s32 s1, s20  }
0x8c: {  	[tilespmem:s25], [sflag:$0x1] =	stream.linear.gather [hbm4b:s16+s4], $0x200, $0x38;
	[tilespmem:$0x14080] =	vst v63  }
0x8d: {  	s15 =	sshrl.u32 s15, $0x3  }
0x8e: {  	s15 =	sadd.s32 s6, s15  }
0x8f: {  	[tilespmem:s26], [sflag:$0x2] =	stream.linear.gather [hbm4b:s15+s4], $0x600, $0x38;
	[tilespmem:$0x14080] =	vst v63  }
.LBB2_6:
0x90: {  	s15 =	sadd.s32 $0x1, s4  }
0x91: {  	p0 =	sge.s32 s15, s0  }
.Ltmp2:
0x92: {  	_ = 	snop;
	(pc) =	sbr.rel @p0 .LBB2_8-.Ltmp2, $1  }
0x93: {  	_ =	sdelay $0x3  }
0x94: {  	s16 =	sshll.u32 s15, $0x9  }
0x95: {  	v16 =	vadd.s32 s16, v15  }
0x96: {  	vm0 =	vlt.s32 v16, $0x186800  }
0x97: {  	v16 =	vnsel vm0, $0x186800, v16  }
0x98: {  	(v2sf) =	vpush v16, $0x0;
	_ =	sdelay $0xe  }
0x99: {  	s17 =	sand.u32 $0x1, s15;
	s18 =	spop (v2sf)  }
0x9a: {  	s16 =	sshll.u32 s17, $0xD;
	s19 =	sshrl.u32 s18, $0x3  }
0x9b: {  	s20 =	sor.u32 $0x300, s16;
	s19 =	sadd.s32 s1, s19  }
0x9c: {  	[tilespmem:s20], [sflag:$0x1] =	stream.linear.gather [hbm4b:s19+s5], $0x200, $0x38;
	[tilespmem:$0x14080] =	vst v63  }
0x9d: {  	s19 =	smul.u32 $0x60, s18  }
0x9e: {  	s20 =	sld [smem:$0x7FF]  }
0x9f: {  	s19 =	sand.u32 $0xE0, s19  }
0xa0: {  	p0 =	seq.s32 s19, $0x0  }
0xa1: {  	p1 =	sne.s32 @!p0 s20, $0x1  }
0xa2: {  	p0 =	por !p1, p0  }
0xa3: {  	s19 =	sor.u32 @!p0 $0x100000, s7  }
0xa4: {  	[smem:s19], [sflag:$0x0] =	smem.add.s32 @!p0 $0x132;
	s19 =	simm.s32 @!p0 $0x0  }
0xa5: {  	s20 =	simm.s32 @!p0 $0x1;
	_ =	swait.done @!p0 [sflag:s19]  }
0xa6: {  	[smem:$0x7FF] =	sst @!p0 s20  }
0xa7: {  	_ =	sint @!p0 $0x2  }
0xa8: {  	_ =	swait.notdone @!p0 [sflag:s19]  }
0xa9: {  	(v2sf) =	vpush v16, $0x1;
	_ =	sdelay $0x8  }
0xaa: {  	s17 =	smul.u32 $0x18000, s17  }
0xab: {  	s18 =	smul.u32 $0x3, s18;
	_ =	sdelay $0x1  }
0xac: {  	s17 =	sshrl.u32 s17, $0x2;
	s18 =	sshrl.u32 s18, $0x3  }
0xad: {  	s18 =	sadd.s32 s6, s18;
	s20 =	sadd.s32 $0x4300, s17  }
0xae: {  	[tilespmem:s20], [sflag:$0x2] =	stream.linear.gather [hbm4b:s18+s5], $0x600, $0x38;
	[tilespmem:$0x14080] =	vst v63  }
0xaf: {  	s18 =	spop (v2sf)  }
0xb0: {  	s19 =	sshrl.u32 s18, $0x3  }
0xb1: {  	s20 =	sadd.s32 $0x500, s16;
	s19 =	sadd.s32 s1, s19  }
0xb2: {  	[tilespmem:s20], [sflag:$0x1] =	stream.linear.gather [hbm4b:s19+s5], $0x200, $0x38;
	[tilespmem:$0x14080] =	vst v63  }
0xb3: {  	s19 =	smul.u32 $0x60, s18  }
0xb4: {  	s20 =	sld [smem:$0x7FF]  }
0xb5: {  	s19 =	sand.u32 $0xE0, s19  }
0xb6: {  	p0 =	seq.s32 s19, $0x0  }
0xb7: {  	p1 =	sne.s32 @!p0 s20, $0x1  }
0xb8: {  	p0 =	por !p1, p0  }
0xb9: {  	s19 =	sor.u32 @!p0 $0x100000, s7  }
0xba: {  	[smem:s19], [sflag:$0x0] =	smem.add.s32 @!p0 $0x13D;
	s19 =	simm.s32 @!p0 $0x0  }
0xbb: {  	s20 =	simm.s32 @!p0 $0x1;
	_ =	swait.done @!p0 [sflag:s19]  }
0xbc: {  	[smem:$0x7FF] =	sst @!p0 s20  }
0xbd: {  	_ =	sint @!p0 $0x2  }
0xbe: {  	_ =	swait.notdone @!p0 [sflag:s19]  }
0xbf: {  	(v2sf) =	vpush v16, $0x2;
	_ =	sdelay $0x9  }
0xc0: {  	s18 =	smul.u32 $0x3, s18;
	_ =	sdelay $0x1  }
0xc1: {  	s18 =	sshrl.u32 s18, $0x3  }
0xc2: {  	s18 =	sadd.s32 s6, s18;
	s20 =	sadd.s32 $0x4900, s17  }
0xc3: {  	[tilespmem:s20], [sflag:$0x2] =	stream.linear.gather [hbm4b:s18+s5], $0x600, $0x38;
	[tilespmem:$0x14080] =	vst v63  }
0xc4: {  	s18 =	spop (v2sf)  }
0xc5: {  	s19 =	sshrl.u32 s18, $0x3  }
0xc6: {  	s20 =	sadd.s32 $0x700, s16;
	s19 =	sadd.s32 s1, s19  }
0xc7: {  	[tilespmem:s20], [sflag:$0x1] =	stream.linear.gather [hbm4b:s19+s5], $0x200, $0x38;
	[tilespmem:$0x14080] =	vst v63  }
0xc8: {  	s19 =	smul.u32 $0x60, s18  }
0xc9: {  	s20 =	sld [smem:$0x7FF]  }
0xca: {  	s19 =	sand.u32 $0xE0, s19  }
0xcb: {  	p0 =	seq.s32 s19, $0x0  }
0xcc: {  	p1 =	sne.s32 @!p0 s20, $0x1  }
0xcd: {  	p0 =	por !p1, p0  }
0xce: {  	s19 =	sor.u32 @!p0 $0x100000, s7  }
0xcf: {  	[smem:s19], [sflag:$0x0] =	smem.add.s32 @!p0 $0x148;
	s19 =	simm.s32 @!p0 $0x0  }
0xd0: {  	s20 =	simm.s32 @!p0 $0x1;
	_ =	swait.done @!p0 [sflag:s19]  }
0xd1: {  	[smem:$0x7FF] =	sst @!p0 s20  }
0xd2: {  	_ =	sint @!p0 $0x2  }
0xd3: {  	_ =	swait.notdone @!p0 [sflag:s19]  }
0xd4: {  	(v2sf) =	vpush v16, $0x3;
	_ =	sdelay $0x9  }
0xd5: {  	s18 =	smul.u32 $0x3, s18;
	_ =	sdelay $0x1  }
0xd6: {  	s18 =	sshrl.u32 s18, $0x3  }
0xd7: {  	s18 =	sadd.s32 s6, s18;
	s20 =	sadd.s32 $0x4F00, s17  }
0xd8: {  	[tilespmem:s20], [sflag:$0x2] =	stream.linear.gather [hbm4b:s18+s5], $0x600, $0x38;
	[tilespmem:$0x14080] =	vst v63  }
0xd9: {  	s18 =	spop (v2sf)  }
0xda: {  	s19 =	sshrl.u32 s18, $0x3  }
0xdb: {  	s20 =	sadd.s32 $0x900, s16;
	s19 =	sadd.s32 s1, s19  }
0xdc: {  	[tilespmem:s20], [sflag:$0x1] =	stream.linear.gather [hbm4b:s19+s5], $0x200, $0x38;
	[tilespmem:$0x14080] =	vst v63  }
0xdd: {  	s19 =	smul.u32 $0x60, s18  }
0xde: {  	s20 =	sld [smem:$0x7FF]  }
0xdf: {  	s19 =	sand.u32 $0xE0, s19  }
0xe0: {  	p0 =	seq.s32 s19, $0x0  }
0xe1: {  	p1 =	sne.s32 @!p0 s20, $0x1  }
0xe2: {  	p0 =	por !p1, p0  }
0xe3: {  	s19 =	sor.u32 @!p0 $0x100000, s7  }
0xe4: {  	[smem:s19], [sflag:$0x0] =	smem.add.s32 @!p0 $0x153;
	s19 =	simm.s32 @!p0 $0x0  }
0xe5: {  	s20 =	simm.s32 @!p0 $0x1;
	_ =	swait.done @!p0 [sflag:s19]  }
0xe6: {  	[smem:$0x7FF] =	sst @!p0 s20  }
0xe7: {  	_ =	sint @!p0 $0x2  }
0xe8: {  	_ =	swait.notdone @!p0 [sflag:s19]  }
0xe9: {  	(v2sf) =	vpush v16, $0x4;
	_ =	sdelay $0x9  }
0xea: {  	s18 =	smul.u32 $0x3, s18;
	_ =	sdelay $0x1  }
0xeb: {  	s18 =	sshrl.u32 s18, $0x3  }
0xec: {  	s18 =	sadd.s32 s6, s18;
	s20 =	sadd.s32 $0x5500, s17  }
0xed: {  	[tilespmem:s20], [sflag:$0x2] =	stream.linear.gather [hbm4b:s18+s5], $0x600, $0x38;
	[tilespmem:$0x14080] =	vst v63  }
0xee: {  	s18 =	spop (v2sf)  }
0xef: {  	s19 =	sshrl.u32 s18, $0x3  }
0xf0: {  	s20 =	sadd.s32 $0xB00, s16;
	s19 =	sadd.s32 s1, s19  }
0xf1: {  	[tilespmem:s20], [sflag:$0x1] =	stream.linear.gather [hbm4b:s19+s5], $0x200, $0x38;
	[tilespmem:$0x14080] =	vst v63  }
0xf2: {  	s19 =	smul.u32 $0x60, s18  }
0xf3: {  	s20 =	sld [smem:$0x7FF]  }
0xf4: {  	s19 =	sand.u32 $0xE0, s19  }
0xf5: {  	p0 =	seq.s32 s19, $0x0  }
0xf6: {  	p1 =	sne.s32 @!p0 s20, $0x1  }
0xf7: {  	p0 =	por !p1, p0  }
0xf8: {  	s19 =	sor.u32 @!p0 $0x100000, s7  }
0xf9: {  	[smem:s19], [sflag:$0x0] =	smem.add.s32 @!p0 $0x15E;
	s19 =	simm.s32 @!p0 $0x0  }
0xfa: {  	s20 =	simm.s32 @!p0 $0x1;
	_ =	swait.done @!p0 [sflag:s19]  }
0xfb: {  	[smem:$0x7FF] =	sst @!p0 s20  }
0xfc: {  	_ =	sint @!p0 $0x2  }
0xfd: {  	_ =	swait.notdone @!p0 [sflag:s19]  }
0xfe: {  	(v2sf) =	vpush v16, $0x5;
	_ =	sdelay $0x9  }
0xff: {  	s18 =	smul.u32 $0x3, s18;
	_ =	sdelay $0x1  }
0x100: {  	s18 =	sshrl.u32 s18, $0x3  }
0x101: {  	s18 =	sadd.s32 s6, s18;
	s20 =	sadd.s32 $0x5B00, s17  }
0x102: {  	[tilespmem:s20], [sflag:$0x2] =	stream.linear.gather [hbm4b:s18+s5], $0x600, $0x38;
	[tilespmem:$0x14080] =	vst v63  }
0x103: {  	s18 =	spop (v2sf)  }
0x104: {  	s19 =	sshrl.u32 s18, $0x3  }
0x105: {  	s20 =	sadd.s32 $0xD00, s16;
	s19 =	sadd.s32 s1, s19  }
0x106: {  	[tilespmem:s20], [sflag:$0x1] =	stream.linear.gather [hbm4b:s19+s5], $0x200, $0x38;
	[tilespmem:$0x14080] =	vst v63  }
0x107: {  	s19 =	smul.u32 $0x60, s18  }
0x108: {  	s20 =	sld [smem:$0x7FF]  }
0x109: {  	s19 =	sand.u32 $0xE0, s19  }
0x10a: {  	p0 =	seq.s32 s19, $0x0  }
0x10b: {  	p1 =	sne.s32 @!p0 s20, $0x1  }
0x10c: {  	p0 =	por !p1, p0  }
0x10d: {  	s19 =	sor.u32 @!p0 $0x100000, s7  }
0x10e: {  	[smem:s19], [sflag:$0x0] =	smem.add.s32 @!p0 $0x169;
	s19 =	simm.s32 @!p0 $0x0  }
0x10f: {  	s20 =	simm.s32 @!p0 $0x1;
	_ =	swait.done @!p0 [sflag:s19]  }
0x110: {  	[smem:$0x7FF] =	sst @!p0 s20  }
0x111: {  	_ =	sint @!p0 $0x2  }
0x112: {  	_ =	swait.notdone @!p0 [sflag:s19]  }
0x113: {  	(v2sf) =	vpush v16, $0x6;
	_ =	sdelay $0x9  }
0x114: {  	s18 =	smul.u32 $0x3, s18;
	_ =	sdelay $0x1  }
0x115: {  	s18 =	sshrl.u32 s18, $0x3  }
0x116: {  	s18 =	sadd.s32 s6, s18;
	s20 =	sadd.s32 $0x6100, s17  }
0x117: {  	[tilespmem:s20], [sflag:$0x2] =	stream.linear.gather [hbm4b:s18+s5], $0x600, $0x38;
	[tilespmem:$0x14080] =	vst v63  }
0x118: {  	s18 =	spop (v2sf)  }
0x119: {  	s19 =	sshrl.u32 s18, $0x3  }
0x11a: {  	s20 =	sadd.s32 $0xF00, s16;
	s19 =	sadd.s32 s1, s19  }
0x11b: {  	[tilespmem:s20], [sflag:$0x1] =	stream.linear.gather [hbm4b:s19+s5], $0x200, $0x38;
	[tilespmem:$0x14080] =	vst v63  }
0x11c: {  	s19 =	smul.u32 $0x60, s18  }
0x11d: {  	s20 =	sld [smem:$0x7FF]  }
0x11e: {  	s19 =	sand.u32 $0xE0, s19  }
0x11f: {  	p0 =	seq.s32 s19, $0x0  }
0x120: {  	p1 =	sne.s32 @!p0 s20, $0x1  }
0x121: {  	p0 =	por !p1, p0  }
0x122: {  	s19 =	sor.u32 @!p0 $0x100000, s7  }
0x123: {  	[smem:s19], [sflag:$0x0] =	smem.add.s32 @!p0 $0x174;
	s19 =	simm.s32 @!p0 $0x0  }
0x124: {  	s20 =	simm.s32 @!p0 $0x1;
	_ =	swait.done @!p0 [sflag:s19]  }
0x125: {  	[smem:$0x7FF] =	sst @!p0 s20  }
0x126: {  	_ =	sint @!p0 $0x2  }
0x127: {  	_ =	swait.notdone @!p0 [sflag:s19]  }
0x128: {  	(v2sf) =	vpush v16, $0x7;
	_ =	sdelay $0x9  }
0x129: {  	s18 =	smul.u32 $0x3, s18;
	_ =	sdelay $0x1  }
0x12a: {  	s18 =	sshrl.u32 s18, $0x3  }
0x12b: {  	s18 =	sadd.s32 s6, s18;
	s20 =	sadd.s32 $0x6700, s17  }
0x12c: {  	[tilespmem:s20], [sflag:$0x2] =	stream.linear.gather [hbm4b:s18+s5], $0x600, $0x38;
	[tilespmem:$0x14080] =	vst v63  }
0x12d: {  	s18 =	spop (v2sf)  }
0x12e: {  	s19 =	sshrl.u32 s18, $0x3  }
0x12f: {  	s20 =	sadd.s32 $0x1100, s16;
	s19 =	sadd.s32 s1, s19  }
0x130: {  	[tilespmem:s20], [sflag:$0x1] =	stream.linear.gather [hbm4b:s19+s5], $0x200, $0x38;
	[tilespmem:$0x14080] =	vst v63  }
0x131: {  	s19 =	smul.u32 $0x60, s18  }
0x132: {  	s20 =	sld [smem:$0x7FF]  }
0x133: {  	s19 =	sand.u32 $0xE0, s19  }
0x134: {  	p0 =	seq.s32 s19, $0x0  }
0x135: {  	p1 =	sne.s32 @!p0 s20, $0x1  }
0x136: {  	p0 =	por !p1, p0  }
0x137: {  	s19 =	sor.u32 @!p0 $0x100000, s7  }
0x138: {  	[smem:s19], [sflag:$0x0] =	smem.add.s32 @!p0 $0x17F;
	s19 =	simm.s32 @!p0 $0x0  }
0x139: {  	s20 =	simm.s32 @!p0 $0x1;
	_ =	swait.done @!p0 [sflag:s19]  }
0x13a: {  	[smem:$0x7FF] =	sst @!p0 s20  }
0x13b: {  	_ =	sint @!p0 $0x2  }
0x13c: {  	_ =	swait.notdone @!p0 [sflag:s19]  }
0x13d: {  	(v2sf) =	vpush v16, $0x8;
	_ =	sdelay $0x9  }
0x13e: {  	s18 =	smul.u32 $0x3, s18;
	_ =	sdelay $0x1  }
0x13f: {  	s18 =	sshrl.u32 s18, $0x3  }
0x140: {  	s18 =	sadd.s32 s6, s18;
	s20 =	sadd.s32 $0x6D00, s17  }
0x141: {  	[tilespmem:s20], [sflag:$0x2] =	stream.linear.gather [hbm4b:s18+s5], $0x600, $0x38;
	[tilespmem:$0x14080] =	vst v63  }
0x142: {  	s18 =	spop (v2sf)  }
0x143: {  	s19 =	sshrl.u32 s18, $0x3  }
0x144: {  	s20 =	sadd.s32 $0x1300, s16;
	s19 =	sadd.s32 s1, s19  }
0x145: {  	[tilespmem:s20], [sflag:$0x1] =	stream.linear.gather [hbm4b:s19+s5], $0x200, $0x38;
	[tilespmem:$0x14080] =	vst v63  }
0x146: {  	s19 =	smul.u32 $0x60, s18  }
0x147: {  	s20 =	sld [smem:$0x7FF]  }
0x148: {  	s19 =	sand.u32 $0xE0, s19  }
0x149: {  	p0 =	seq.s32 s19, $0x0  }
0x14a: {  	p1 =	sne.s32 @!p0 s20, $0x1  }
0x14b: {  	p0 =	por !p1, p0  }
0x14c: {  	s19 =	sor.u32 @!p0 $0x100000, s7  }
0x14d: {  	[smem:s19], [sflag:$0x0] =	smem.add.s32 @!p0 $0x18A;
	s19 =	simm.s32 @!p0 $0x0  }
0x14e: {  	s20 =	simm.s32 @!p0 $0x1;
	_ =	swait.done @!p0 [sflag:s19]  }
0x14f: {  	[smem:$0x7FF] =	sst @!p0 s20  }
0x150: {  	_ =	sint @!p0 $0x2  }
0x151: {  	_ =	swait.notdone @!p0 [sflag:s19]  }
0x152: {  	(v2sf) =	vpush v16, $0x9;
	_ =	sdelay $0x9  }
0x153: {  	s18 =	smul.u32 $0x3, s18;
	_ =	sdelay $0x1  }
0x154: {  	s18 =	sshrl.u32 s18, $0x3  }
0x155: {  	s18 =	sadd.s32 s6, s18;
	s20 =	sadd.s32 $0x7300, s17  }
0x156: {  	[tilespmem:s20], [sflag:$0x2] =	stream.linear.gather [hbm4b:s18+s5], $0x600, $0x38;
	[tilespmem:$0x14080] =	vst v63  }
0x157: {  	s18 =	spop (v2sf)  }
0x158: {  	s19 =	sshrl.u32 s18, $0x3  }
0x159: {  	s20 =	sadd.s32 $0x1500, s16;
	s19 =	sadd.s32 s1, s19  }
0x15a: {  	[tilespmem:s20], [sflag:$0x1] =	stream.linear.gather [hbm4b:s19+s5], $0x200, $0x38;
	[tilespmem:$0x14080] =	vst v63  }
0x15b: {  	s19 =	smul.u32 $0x60, s18  }
0x15c: {  	s20 =	sld [smem:$0x7FF]  }
0x15d: {  	s19 =	sand.u32 $0xE0, s19  }
0x15e: {  	p0 =	seq.s32 s19, $0x0  }
0x15f: {  	p1 =	sne.s32 @!p0 s20, $0x1  }
0x160: {  	p0 =	por !p1, p0  }
0x161: {  	s19 =	sor.u32 @!p0 $0x100000, s7  }
0x162: {  	[smem:s19], [sflag:$0x0] =	smem.add.s32 @!p0 $0x195;
	s19 =	simm.s32 @!p0 $0x0  }
0x163: {  	s20 =	simm.s32 @!p0 $0x1;
	_ =	swait.done @!p0 [sflag:s19]  }
0x164: {  	[smem:$0x7FF] =	sst @!p0 s20  }
0x165: {  	_ =	sint @!p0 $0x2  }
0x166: {  	_ =	swait.notdone @!p0 [sflag:s19]  }
0x167: {  	(v2sf) =	vpush v16, $0xA;
	_ =	sdelay $0x9  }
0x168: {  	s18 =	smul.u32 $0x3, s18;
	_ =	sdelay $0x1  }
0x169: {  	s18 =	sshrl.u32 s18, $0x3  }
0x16a: {  	s18 =	sadd.s32 s6, s18;
	s20 =	sadd.s32 $0x7900, s17  }
0x16b: {  	[tilespmem:s20], [sflag:$0x2] =	stream.linear.gather [hbm4b:s18+s5], $0x600, $0x38;
	[tilespmem:$0x14080] =	vst v63  }
0x16c: {  	s18 =	spop (v2sf)  }
0x16d: {  	s19 =	sshrl.u32 s18, $0x3  }
0x16e: {  	s20 =	sadd.s32 $0x1700, s16;
	s19 =	sadd.s32 s1, s19  }
0x16f: {  	[tilespmem:s20], [sflag:$0x1] =	stream.linear.gather [hbm4b:s19+s5], $0x200, $0x38;
	[tilespmem:$0x14080] =	vst v63  }
0x170: {  	s19 =	smul.u32 $0x60, s18  }
0x171: {  	s20 =	sld [smem:$0x7FF]  }
0x172: {  	s19 =	sand.u32 $0xE0, s19  }
0x173: {  	p0 =	seq.s32 s19, $0x0  }
0x174: {  	p1 =	sne.s32 @!p0 s20, $0x1  }
0x175: {  	p0 =	por !p1, p0  }
0x176: {  	s19 =	sor.u32 @!p0 $0x100000, s7  }
0x177: {  	[smem:s19], [sflag:$0x0] =	smem.add.s32 @!p0 $0x1A0;
	s19 =	simm.s32 @!p0 $0x0  }
0x178: {  	s20 =	simm.s32 @!p0 $0x1;
	_ =	swait.done @!p0 [sflag:s19]  }
0x179: {  	[smem:$0x7FF] =	sst @!p0 s20  }
0x17a: {  	_ =	sint @!p0 $0x2  }
0x17b: {  	_ =	swait.notdone @!p0 [sflag:s19]  }
0x17c: {  	(v2sf) =	vpush v16, $0xB;
	_ =	sdelay $0x9  }
0x17d: {  	s18 =	smul.u32 $0x3, s18;
	_ =	sdelay $0x1  }
0x17e: {  	s18 =	sshrl.u32 s18, $0x3  }
0x17f: {  	s18 =	sadd.s32 s6, s18;
	s20 =	sadd.s32 $0x7F00, s17  }
0x180: {  	[tilespmem:s20], [sflag:$0x2] =	stream.linear.gather [hbm4b:s18+s5], $0x600, $0x38;
	[tilespmem:$0x14080] =	vst v63  }
0x181: {  	s18 =	spop (v2sf)  }
0x182: {  	s19 =	sshrl.u32 s18, $0x3  }
0x183: {  	s20 =	sadd.s32 $0x1900, s16;
	s19 =	sadd.s32 s1, s19  }
0x184: {  	[tilespmem:s20], [sflag:$0x1] =	stream.linear.gather [hbm4b:s19+s5], $0x200, $0x38;
	[tilespmem:$0x14080] =	vst v63  }
0x185: {  	s19 =	smul.u32 $0x60, s18  }
0x186: {  	s20 =	sld [smem:$0x7FF]  }
0x187: {  	s19 =	sand.u32 $0xE0, s19  }
0x188: {  	p0 =	seq.s32 s19, $0x0  }
0x189: {  	p1 =	sne.s32 @!p0 s20, $0x1  }
0x18a: {  	p0 =	por !p1, p0  }
0x18b: {  	s19 =	sor.u32 @!p0 $0x100000, s7  }
0x18c: {  	[smem:s19], [sflag:$0x0] =	smem.add.s32 @!p0 $0x1AB;
	s19 =	simm.s32 @!p0 $0x0  }
0x18d: {  	s20 =	simm.s32 @!p0 $0x1;
	_ =	swait.done @!p0 [sflag:s19]  }
0x18e: {  	[smem:$0x7FF] =	sst @!p0 s20  }
0x18f: {  	_ =	sint @!p0 $0x2  }
0x190: {  	_ =	swait.notdone @!p0 [sflag:s19]  }
0x191: {  	(v2sf) =	vpush v16, $0xC;
	_ =	sdelay $0x9  }
0x192: {  	s18 =	smul.u32 $0x3, s18;
	_ =	sdelay $0x1  }
0x193: {  	s18 =	sshrl.u32 s18, $0x3  }
0x194: {  	s18 =	sadd.s32 s6, s18;
	s20 =	sadd.s32 $0x8500, s17  }
0x195: {  	[tilespmem:s20], [sflag:$0x2] =	stream.linear.gather [hbm4b:s18+s5], $0x600, $0x38;
	[tilespmem:$0x14080] =	vst v63  }
0x196: {  	s18 =	spop (v2sf)  }
0x197: {  	s19 =	sshrl.u32 s18, $0x3  }
0x198: {  	s20 =	sadd.s32 $0x1B00, s16;
	s19 =	sadd.s32 s1, s19  }
0x199: {  	[tilespmem:s20], [sflag:$0x1] =	stream.linear.gather [hbm4b:s19+s5], $0x200, $0x38;
	[tilespmem:$0x14080] =	vst v63  }
0x19a: {  	s19 =	smul.u32 $0x60, s18  }
0x19b: {  	s20 =	sld [smem:$0x7FF]  }
0x19c: {  	s19 =	sand.u32 $0xE0, s19  }
0x19d: {  	p0 =	seq.s32 s19, $0x0  }
0x19e: {  	p1 =	sne.s32 @!p0 s20, $0x1  }
0x19f: {  	p0 =	por !p1, p0  }
0x1a0: {  	s19 =	sor.u32 @!p0 $0x100000, s7  }
0x1a1: {  	[smem:s19], [sflag:$0x0] =	smem.add.s32 @!p0 $0x1B6;
	s19 =	simm.s32 @!p0 $0x0  }
0x1a2: {  	s20 =	simm.s32 @!p0 $0x1;
	_ =	swait.done @!p0 [sflag:s19]  }
0x1a3: {  	[smem:$0x7FF] =	sst @!p0 s20  }
0x1a4: {  	_ =	sint @!p0 $0x2  }
0x1a5: {  	_ =	swait.notdone @!p0 [sflag:s19]  }
0x1a6: {  	(v2sf) =	vpush v16, $0xD;
	_ =	sdelay $0x9  }
0x1a7: {  	s18 =	smul.u32 $0x3, s18;
	_ =	sdelay $0x1  }
0x1a8: {  	s18 =	sshrl.u32 s18, $0x3  }
0x1a9: {  	s18 =	sadd.s32 s6, s18;
	s20 =	sadd.s32 $0x8B00, s17  }
0x1aa: {  	[tilespmem:s20], [sflag:$0x2] =	stream.linear.gather [hbm4b:s18+s5], $0x600, $0x38;
	[tilespmem:$0x14080] =	vst v63  }
0x1ab: {  	s18 =	spop (v2sf)  }
0x1ac: {  	s19 =	sshrl.u32 s18, $0x3  }
0x1ad: {  	s20 =	sadd.s32 $0x1D00, s16;
	s19 =	sadd.s32 s1, s19  }
0x1ae: {  	[tilespmem:s20], [sflag:$0x1] =	stream.linear.gather [hbm4b:s19+s5], $0x200, $0x38;
	[tilespmem:$0x14080] =	vst v63  }
0x1af: {  	s19 =	smul.u32 $0x60, s18  }
0x1b0: {  	s20 =	sld [smem:$0x7FF]  }
0x1b1: {  	s19 =	sand.u32 $0xE0, s19  }
0x1b2: {  	p0 =	seq.s32 s19, $0x0  }
0x1b3: {  	p1 =	sne.s32 @!p0 s20, $0x1  }
0x1b4: {  	p0 =	por !p1, p0  }
0x1b5: {  	s19 =	sor.u32 @!p0 $0x100000, s7  }
0x1b6: {  	[smem:s19], [sflag:$0x0] =	smem.add.s32 @!p0 $0x1C1;
	s19 =	simm.s32 @!p0 $0x0  }
0x1b7: {  	s20 =	simm.s32 @!p0 $0x1;
	_ =	swait.done @!p0 [sflag:s19]  }
0x1b8: {  	[smem:$0x7FF] =	sst @!p0 s20  }
0x1b9: {  	_ =	sint @!p0 $0x2  }
0x1ba: {  	_ =	swait.notdone @!p0 [sflag:s19]  }
0x1bb: {  	(v2sf) =	vpush v16, $0xE;
	_ =	sdelay $0x9  }
0x1bc: {  	s18 =	smul.u32 $0x3, s18;
	_ =	sdelay $0x1  }
0x1bd: {  	s18 =	sshrl.u32 s18, $0x3  }
0x1be: {  	s18 =	sadd.s32 s6, s18;
	s20 =	sadd.s32 $0x9100, s17  }
0x1bf: {  	[tilespmem:s20], [sflag:$0x2] =	stream.linear.gather [hbm4b:s18+s5], $0x600, $0x38;
	[tilespmem:$0x14080] =	vst v63  }
0x1c0: {  	s18 =	spop (v2sf)  }
0x1c1: {  	s19 =	sshrl.u32 s18, $0x3  }
0x1c2: {  	s20 =	sadd.s32 $0x1F00, s16;
	s19 =	sadd.s32 s1, s19  }
0x1c3: {  	[tilespmem:s20], [sflag:$0x1] =	stream.linear.gather [hbm4b:s19+s5], $0x200, $0x38;
	[tilespmem:$0x14080] =	vst v63  }
0x1c4: {  	s19 =	smul.u32 $0x60, s18  }
0x1c5: {  	s20 =	sld [smem:$0x7FF]  }
0x1c6: {  	s19 =	sand.u32 $0xE0, s19  }
0x1c7: {  	p0 =	seq.s32 s19, $0x0  }
0x1c8: {  	p1 =	sne.s32 @!p0 s20, $0x1  }
0x1c9: {  	p0 =	por !p1, p0  }
0x1ca: {  	s19 =	sor.u32 @!p0 $0x100000, s7  }
0x1cb: {  	[smem:s19], [sflag:$0x0] =	smem.add.s32 @!p0 $0x1CC;
	s19 =	simm.s32 @!p0 $0x0  }
0x1cc: {  	s20 =	simm.s32 @!p0 $0x1;
	_ =	swait.done @!p0 [sflag:s19]  }
0x1cd: {  	[smem:$0x7FF] =	sst @!p0 s20  }
0x1ce: {  	_ =	sint @!p0 $0x2  }
0x1cf: {  	_ =	swait.notdone @!p0 [sflag:s19]  }
0x1d0: {  	(v2sf) =	vpush v16, $0xF;
	_ =	sdelay $0x9  }
0x1d1: {  	s18 =	smul.u32 $0x3, s18;
	_ =	sdelay $0x1  }
0x1d2: {  	s18 =	sshrl.u32 s18, $0x3  }
0x1d3: {  	s18 =	sadd.s32 s6, s18;
	s20 =	sadd.s32 $0x9700, s17  }
0x1d4: {  	[tilespmem:s20], [sflag:$0x2] =	stream.linear.gather [hbm4b:s18+s5], $0x600, $0x38;
	[tilespmem:$0x14080] =	vst v63  }
0x1d5: {  	s18 =	spop (v2sf)  }
0x1d6: {  	s20 =	sshrl.u32 s18, $0x3  }
0x1d7: {  	s16 =	sadd.s32 $0x2100, s16;
	s19 =	sadd.s32 s1, s20;
	s20 =	smul.u32 $0x60, s18  }
0x1d8: {  	[tilespmem:s16], [sflag:$0x1] =	stream.linear.gather [hbm4b:s19+s5], $0x200, $0x38;
	[tilespmem:$0x14080] =	vst v63  }
0x1d9: {  	s19 =	sld [smem:$0x7FF]  }
0x1da: {  	s16 =	sand.u32 $0xE0, s20  }
0x1db: {  	p0 =	seq.s32 s16, $0x0  }
0x1dc: {  	p1 =	sne.s32 @!p0 s19, $0x1  }
0x1dd: {  	p0 =	por !p1, p0  }
0x1de: {  	s16 =	sor.u32 @!p0 $0x100000, s7  }
0x1df: {  	[smem:s16], [sflag:$0x0] =	smem.add.s32 @!p0 $0x1D7;
	s16 =	simm.s32 @!p0 $0x0  }
0x1e0: {  	s18 =	smul.u32 $0x3, s18;
	s19 =	simm.s32 @!p0 $0x1;
	_ =	swait.done @!p0 [sflag:s16]  }
0x1e1: {  	[smem:$0x7FF] =	sst @!p0 s19  }
0x1e2: {  	s18 =	sshrl.u32 s18, $0x3;
	_ =	sint @!p0 $0x2  }
0x1e3: {  	s17 =	sadd.s32 $0x9D00, s17;
	s20 =	sadd.s32 s6, s18;
	_ =	swait.notdone @!p0 [sflag:s16]  }
0x1e4: {  	[tilespmem:s17], [sflag:$0x2] =	stream.linear.gather [hbm4b:s20+s5], $0x600, $0x38;
	[tilespmem:$0x14080] =	vst v63  }
.LBB2_8:
0x1e5: {  	_ =	swait.ge [sflag:s12], $0x200  }
0x1e6: {  	[sflag:s12] =	ssyncset.done $0x0  }
0x1e7: {  	[sflag:s12] =	ssyncadd.s32 $0xFFFFFE00  }
0x1e8: {  	_ =	swait.ge [sflag:s28], $0x600  }
0x1e9: {  	[sflag:s28] =	ssyncset.done $0x0  }
0x1ea: {  	[sflag:s28] =	ssyncadd.s32 $0xFFFFFA00  }
0x1eb: {  	_ =	swait.ge [sflag:s12], $0x200  }
0x1ec: {  	[sflag:s12] =	ssyncset.done $0x0  }
0x1ed: {  	[sflag:s12] =	ssyncadd.s32 $0xFFFFFE00  }
0x1ee: {  	_ =	swait.ge [sflag:s28], $0x600  }
0x1ef: {  	[sflag:s28] =	ssyncset.done $0x0  }
0x1f0: {  	[sflag:s28] =	ssyncadd.s32 $0xFFFFFA00  }
0x1f1: {  	_ =	swait.ge [sflag:s12], $0x200  }
0x1f2: {  	[sflag:s12] =	ssyncset.done $0x0  }
0x1f3: {  	[sflag:s12] =	ssyncadd.s32 $0xFFFFFE00  }
0x1f4: {  	_ =	swait.ge [sflag:s28], $0x600  }
0x1f5: {  	[sflag:s28] =	ssyncset.done $0x0  }
0x1f6: {  	[sflag:s28] =	ssyncadd.s32 $0xFFFFFA00  }
0x1f7: {  	_ =	swait.ge [sflag:s12], $0x200  }
0x1f8: {  	[sflag:s12] =	ssyncset.done $0x0  }
0x1f9: {  	[sflag:s12] =	ssyncadd.s32 $0xFFFFFE00  }
0x1fa: {  	_ =	swait.ge [sflag:s28], $0x600  }
0x1fb: {  	[sflag:s28] =	ssyncset.done $0x0  }
0x1fc: {  	[sflag:s28] =	ssyncadd.s32 $0xFFFFFA00  }
0x1fd: {  	_ =	swait.ge [sflag:s12], $0x200  }
0x1fe: {  	[sflag:s12] =	ssyncset.done $0x0  }
0x1ff: {  	[sflag:s12] =	ssyncadd.s32 $0xFFFFFE00  }
0x200: {  	_ =	swait.ge [sflag:s28], $0x600  }
0x201: {  	[sflag:s28] =	ssyncset.done $0x0  }
0x202: {  	[sflag:s28] =	ssyncadd.s32 $0xFFFFFA00  }
0x203: {  	_ =	swait.ge [sflag:s12], $0x200  }
0x204: {  	[sflag:s12] =	ssyncset.done $0x0  }
0x205: {  	[sflag:s12] =	ssyncadd.s32 $0xFFFFFE00  }
0x206: {  	_ =	swait.ge [sflag:s28], $0x600  }
0x207: {  	[sflag:s28] =	ssyncset.done $0x0  }
0x208: {  	[sflag:s28] =	ssyncadd.s32 $0xFFFFFA00  }
0x209: {  	_ =	swait.ge [sflag:s12], $0x200  }
0x20a: {  	[sflag:s12] =	ssyncset.done $0x0  }
0x20b: {  	[sflag:s12] =	ssyncadd.s32 $0xFFFFFE00  }
0x20c: {  	_ =	swait.ge [sflag:s28], $0x600  }
0x20d: {  	[sflag:s28] =	ssyncset.done $0x0  }
0x20e: {  	[sflag:s28] =	ssyncadd.s32 $0xFFFFFA00  }
0x20f: {  	_ =	swait.ge [sflag:s12], $0x200  }
0x210: {  	[sflag:s12] =	ssyncset.done $0x0  }
0x211: {  	[sflag:s12] =	ssyncadd.s32 $0xFFFFFE00  }
0x212: {  	_ =	swait.ge [sflag:s28], $0x600  }
0x213: {  	[sflag:s28] =	ssyncset.done $0x0  }
0x214: {  	[sflag:s28] =	ssyncadd.s32 $0xFFFFFA00  }
0x215: {  	_ =	swait.ge [sflag:s12], $0x200  }
0x216: {  	[sflag:s12] =	ssyncset.done $0x0  }
0x217: {  	[sflag:s12] =	ssyncadd.s32 $0xFFFFFE00  }
0x218: {  	_ =	swait.ge [sflag:s28], $0x600  }
0x219: {  	[sflag:s28] =	ssyncset.done $0x0  }
0x21a: {  	[sflag:s28] =	ssyncadd.s32 $0xFFFFFA00  }
0x21b: {  	_ =	swait.ge [sflag:s12], $0x200  }
0x21c: {  	[sflag:s12] =	ssyncset.done $0x0  }
0x21d: {  	[sflag:s12] =	ssyncadd.s32 $0xFFFFFE00  }
0x21e: {  	_ =	swait.ge [sflag:s28], $0x600  }
0x21f: {  	[sflag:s28] =	ssyncset.done $0x0  }
0x220: {  	[sflag:s28] =	ssyncadd.s32 $0xFFFFFA00  }
0x221: {  	_ =	swait.ge [sflag:s12], $0x200  }
0x222: {  	[sflag:s12] =	ssyncset.done $0x0  }
0x223: {  	[sflag:s12] =	ssyncadd.s32 $0xFFFFFE00  }
0x224: {  	_ =	swait.ge [sflag:s28], $0x600  }
0x225: {  	[sflag:s28] =	ssyncset.done $0x0  }
0x226: {  	[sflag:s28] =	ssyncadd.s32 $0xFFFFFA00  }
0x227: {  	_ =	swait.ge [sflag:s12], $0x200  }
0x228: {  	[sflag:s12] =	ssyncset.done $0x0  }
0x229: {  	[sflag:s12] =	ssyncadd.s32 $0xFFFFFE00  }
0x22a: {  	_ =	swait.ge [sflag:s28], $0x600  }
0x22b: {  	[sflag:s28] =	ssyncset.done $0x0  }
0x22c: {  	[sflag:s28] =	ssyncadd.s32 $0xFFFFFA00  }
0x22d: {  	_ =	swait.ge [sflag:s12], $0x200  }
0x22e: {  	[sflag:s12] =	ssyncset.done $0x0  }
0x22f: {  	[sflag:s12] =	ssyncadd.s32 $0xFFFFFE00  }
0x230: {  	_ =	swait.ge [sflag:s28], $0x600  }
0x231: {  	[sflag:s28] =	ssyncset.done $0x0  }
0x232: {  	[sflag:s28] =	ssyncadd.s32 $0xFFFFFA00  }
0x233: {  	_ =	swait.ge [sflag:s12], $0x200  }
0x234: {  	[sflag:s12] =	ssyncset.done $0x0  }
0x235: {  	[sflag:s12] =	ssyncadd.s32 $0xFFFFFE00  }
0x236: {  	_ =	swait.ge [sflag:s28], $0x600  }
0x237: {  	[sflag:s28] =	ssyncset.done $0x0  }
0x238: {  	[sflag:s28] =	ssyncadd.s32 $0xFFFFFA00  }
0x239: {  	_ =	swait.ge [sflag:s12], $0x200  }
0x23a: {  	[sflag:s12] =	ssyncset.done $0x0  }
0x23b: {  	[sflag:s12] =	ssyncadd.s32 $0xFFFFFE00  }
0x23c: {  	_ =	swait.ge [sflag:s28], $0x600  }
0x23d: {  	[sflag:s28] =	ssyncset.done $0x0  }
0x23e: {  	[sflag:s28] =	ssyncadd.s32 $0xFFFFFA00  }
0x23f: {  	_ =	swait.ge [sflag:s12], $0x200  }
0x240: {  	s16 =	sshll.u32 s4, $0x9;
	[sflag:s12] =	ssyncset.done $0x0  }
0x241: {  	s19 =	sand.u32 $0x1, s4;
	v17 =	vadd.s32 s16, v15;
	[sflag:s12] =	ssyncadd.s32 $0xFFFFFE00  }
0x242: {  	s20 =	sshll.u32 s19, $0xD;
	s4 =	smul.u32 $0x6000, s19;
	vm0 =	vlt.s32 v17, $0x186800;
	vm1 =	vgt.s32 v13, v17;
	_ =	swait.ge [sflag:s28], $0x600  }
0x243: {  	v18 =	vor.u32 s20, v7;
	v16 =	vnsel vm0, $0x186800, v17;
	v17 =	vsel vm1, v13, v17;
	[sflag:s28] =	ssyncset.done $0x0  }
0x244: {  	s16 =	simm.s32 $0x9;
	v19 =	vadd.s32 s4, v3;
	v20 =	vadd.s32 s4, v8;
	v21 =	vadd.s32 s4, v9;
	s4 =	simm.s32 $0x0;
	[sflag:s28] =	ssyncadd.s32 $0xFFFFFA00  }
.LBB2_9:
0x245: {  	v22 =	vor.u32 s4, v18;
	_ =	sdelay $0x4  }
0x246: {  	v22 =	vld.idx.msk [tilespmem:v22+s13+$0x0], $0xffff  }
0x247: {  	s17 =	sadd.s32 $0xFFFFFFF7, s16  }
0x248: {  	v23 =	vmov s17;
	v24 =	vadd.s32 s17, v19  }
0x249: {  	v24 =	vand.u32 $0x1FF80, v24;
	v23 =	vand.u32 $0x7C, v23  }
0x24a: {  	v23 =	vor.u32 v23, v24  }
0x24b: {  	v24 =	vor.u32 $0x1, v23;
	v22 =	vsub.s32 v22, v5  }
0x24c: {  	v25 =	vor.u32 $0x2, v23;
	vm0 =	vgt.s32 v22, $0x0  }
0x24d: {  	v22 =	vnsel vm0, $0x0, v22  }
0x24e: {  	v22 =	vmin.u32 v22, $0xC3  }
0x24f: {  	v23 =	vld.idx.msk [tilespmem:v23+s14+$0x0], $0xffff;
	v22 =	vshll.u32 v22, $0x6  }
0x250: {  	v24 =	vld.idx.msk [tilespmem:v24+s14+$0x0], $0xffff;
	v26 =	vor.u32 v0, v22  }
0x251: {  	v27 =	vadd.s32 s4, v16;
	v25 =	vld.idx.msk [tilespmem:v25+s14+$0x0], $0xffff;
	v28 =	vor.u32 v10, v22  }
0x252: {  	vm6 =	vge.s32 v27, v17;
	vm1 =	vlt.s32 v27, v14;
	v42 =	vor.u32 v11, v22  }
0x253: {  	s19 =	sadd.s32 $0x1, s4;
	vm0 =	vmand vm6, vm1;
	v22 =	vor.u32 v12, v22  }
0x254: {  	v29 =	vor.u32 s19, v18;
	v23 =	vnsel vm0, $0x0, v23  }
0x255: {  	[tilespmem:v26+s29+$0x0] =	vst.idx.add.f32.msk $0xffff, v23;
	v23 =	vnsel vm0, $0x0, v24  }
0x256: {  	[tilespmem:v28+s29+$0x0] =	vst.idx.add.f32.msk $0xffff, v23;
	v23 =	vnsel vm0, $0x0, v25  }
0x257: {  	[tilespmem:v42+s29+$0x0] =	vst.idx.add.f32.msk $0xffff, v23;
	v23 =	vsel vm0, $0x3F800000, v6  }
0x258: {  	[tilespmem:v22+s29+$0x0] =	vst.idx.add.f32.msk $0xffff, v23  }
0x259: {  	v22 =	vld.idx.msk [tilespmem:v29+s13+$0x0], $0xffff;
	_ =	sdelay $0x2  }
0x25a: {  	s18 =	sadd.s32 $0xFFFFFFFA, s16  }
0x25b: {  	v23 =	vadd.s32 s18, v19  }
0x25c: {  	v43 =	vadd.s32 $0x1, v23;
	v22 =	vsub.s32 v22, v5  }
0x25d: {  	v44 =	vadd.s32 $0x2, v23;
	vm7 =	vgt.s32 v22, $0x0  }
0x25e: {  	v22 =	vnsel vm7, $0x0, v22  }
0x25f: {  	v22 =	vmin.u32 v22, $0xC3  }
0x260: {  	v23 =	vld.idx.msk [tilespmem:v23+s14+$0x0], $0xffff;
	v22 =	vshll.u32 v22, $0x6  }
0x261: {  	v24 =	vld.idx.msk [tilespmem:v43+s14+$0x0], $0xffff;
	v45 =	vor.u32 v0, v22  }
0x262: {  	v46 =	vadd.s32 s19, v16;
	v25 =	vld.idx.msk [tilespmem:v44+s14+$0x0], $0xffff;
	v47 =	vor.u32 v10, v22  }
0x263: {  	vm8 =	vge.s32 v46, v17;
	vm9 =	vlt.s32 v46, v14;
	v48 =	vor.u32 v11, v22  }
0x264: {  	s20 =	sadd.s32 $0x2, s4;
	vm0 =	vmand vm8, vm9;
	v22 =	vor.u32 v12, v22  }
0x265: {  	v49 =	vor.u32 s20, v18;
	v23 =	vnsel vm0, $0x0, v23  }
0x266: {  	[tilespmem:v45+s29+$0x0] =	vst.idx.add.f32.msk $0xffff, v23;
	v23 =	vnsel vm0, $0x0, v24  }
0x267: {  	[tilespmem:v47+s29+$0x0] =	vst.idx.add.f32.msk $0xffff, v23;
	v23 =	vnsel vm0, $0x0, v25  }
0x268: {  	[tilespmem:v48+s29+$0x0] =	vst.idx.add.f32.msk $0xffff, v23;
	v23 =	vsel vm0, $0x3F800000, v6  }
0x269: {  	[tilespmem:v22+s29+$0x0] =	vst.idx.add.f32.msk $0xffff, v23  }
0x26a: {  	v22 =	vld.idx.msk [tilespmem:v49+s13+$0x0], $0xffff  }
0x26b: {  	s19 =	sadd.s32 $0xFFFFFFFD, s16  }
0x26c: {  	v50 =	vadd.s32 s19, v19;
	v23 =	vmov s19  }
0x26d: {  	v24 =	vand.u32 $0x1FF80, v50;
	v23 =	vand.u32 $0x7E, v23  }
0x26e: {  	v23 =	vor.u32 v23, v24  }
0x26f: {  	v24 =	vor.u32 $0x1, v23;
	v22 =	vsub.s32 v22, v5  }
0x270: {  	v51 =	vadd.s32 s19, v20;
	vm10 =	vgt.s32 v22, $0x0  }
0x271: {  	v22 =	vnsel vm10, $0x0, v22  }
0x272: {  	v22 =	vmin.u32 v22, $0xC3  }
0x273: {  	v23 =	vld.idx.msk [tilespmem:v23+s14+$0x0], $0xffff;
	v22 =	vshll.u32 v22, $0x6  }
0x274: {  	v24 =	vld.idx.msk [tilespmem:v24+s14+$0x0], $0xffff;
	v52 =	vor.u32 v0, v22  }
0x275: {  	v53 =	vadd.s32 s20, v16;
	v25 =	vld.idx.msk [tilespmem:v51+s14+$0x0], $0xffff;
	v54 =	vor.u32 v10, v22  }
0x276: {  	vm11 =	vge.s32 v53, v17;
	vm12 =	vlt.s32 v53, v14;
	v55 =	vor.u32 v11, v22  }
0x277: {  	s20 =	sadd.s32 $0x3, s4;
	vm0 =	vmand vm11, vm12;
	v22 =	vor.u32 v12, v22  }
0x278: {  	v56 =	vor.u32 s20, v18;
	v23 =	vnsel vm0, $0x0, v23  }
0x279: {  	[tilespmem:v52+s29+$0x0] =	vst.idx.add.f32.msk $0xffff, v23;
	v23 =	vnsel vm0, $0x0, v24  }
0x27a: {  	[tilespmem:v54+s29+$0x0] =	vst.idx.add.f32.msk $0xffff, v23;
	v23 =	vnsel vm0, $0x0, v25  }
0x27b: {  	[tilespmem:v55+s29+$0x0] =	vst.idx.add.f32.msk $0xffff, v23;
	v23 =	vsel vm0, $0x3F800000, v6  }
0x27c: {  	[tilespmem:v22+s29+$0x0] =	vst.idx.add.f32.msk $0xffff, v23  }
0x27d: {  	v22 =	vld.idx.msk [tilespmem:v56+s13+$0x0], $0xffff;
	_ =	sdelay $0x1  }
0x27e: {  	v57 =	vadd.s32 s16, v19;
	v23 =	vmov s16  }
0x27f: {  	v24 =	vand.u32 $0x1FF80, v57;
	v23 =	vand.u32 $0x7D, v23  }
0x280: {  	v23 =	vor.u32 v23, v24  }
0x281: {  	v58 =	vadd.s32 s16, v21;
	v22 =	vsub.s32 v22, v5  }
0x282: {  	v59 =	vor.u32 $0x2, v23;
	vm13 =	vgt.s32 v22, $0x0  }
0x283: {  	v22 =	vnsel vm13, $0x0, v22  }
0x284: {  	v22 =	vmin.u32 v22, $0xC3  }
0x285: {  	v23 =	vld.idx.msk [tilespmem:v23+s14+$0x0], $0xffff;
	v22 =	vshll.u32 v22, $0x6  }
0x286: {  	v24 =	vld.idx.msk [tilespmem:v58+s14+$0x0], $0xffff;
	v60 =	vor.u32 v0, v22  }
0x287: {  	v61 =	vadd.s32 s20, v16;
	v25 =	vld.idx.msk [tilespmem:v59+s14+$0x0], $0xffff;
	v62 =	vor.u32 v10, v22  }
0x288: {  	vm14 =	vge.s32 v61, v17;
	vm15 =	vlt.s32 v61, v14;
	v63 =	vor.u32 v11, v22  }
0x289: {  	p0 =	slt.u32 s4, $0x1FC;
	vm0 =	vmand vm14, vm15;
	v22 =	vor.u32 v12, v22  }
.Ltmp3:
0x28a: {  	v23 =	vnsel vm0, $0x0, v23;
	(pc) =	sbr.rel @p0 .LBB2_9-.Ltmp3, $4  }
0x28b: {  	[tilespmem:v60+s29+$0x0] =	vst.idx.add.f32.msk $0xffff, v23;
	v23 =	vnsel vm0, $0x0, v24  }
0x28c: {  	[tilespmem:v62+s29+$0x0] =	vst.idx.add.f32.msk $0xffff, v23;
	v23 =	vnsel vm0, $0x0, v25  }
0x28d: {  	[tilespmem:v63+s29+$0x0] =	vst.idx.add.f32.msk $0xffff, v23;
	v23 =	vsel vm0, $0x3F800000, v6  }
0x28e: {  	s4 =	sadd.s32 $0x4, s4;
	s16 =	sadd.s32 $0xC, s16;
	[tilespmem:v22+s29+$0x0] =	vst.idx.add.f32.msk $0xffff, v23  }
0x28f: {  	p0 =	seq.s32 s15, s0  }
.Ltmp4:
0x290: {  	_ = 	snop;
	(pc) =	sbr.rel @!p0 .LBB2_6-.Ltmp4, $2  }
0x291: {  	_ =	sdelay $0x2  }
0x292: {  	s4 =	smov.u32 s15  }
.LBB2_10:
0x293: {  	v13 =	vld [tilespmem:$0x280];
	_ =	sdelay $0x4  }
0x294: {  	v15 =	vbroadcast v13, $0x0;
	v14 =	vbroadcast v13, $0x3  }
0x295: {  	v22 =	vbroadcast v13, $0x1;
	v16 =	vbroadcast v13, $0x4  }
0x296: {  	v17 =	vbroadcast v13, $0x2;
	v18 =	vbroadcast v13, $0x5  }
0x297: {  	s4 =	simm.s32 $0x10320;
	v19 =	vbroadcast v13, $0x6;
	v20 =	vbroadcast v13, $0x7  }
0x298: {  	s0 =	simm.s32 $0x0;
	s15 =	simm.s32 $0x1;
	v23 =	vld [tilespmem:s4+$0x10];
	v21 =	vbroadcast v13, $0x8;
	v13 =	vbroadcast v13, $0x9  }
.LBB2_11:
0x299: {  	p0 =	sne.s32 s15, $0xC3;
	_ =	sdelay $0x3  }
0x29a: {  	v23 =	vmax.f32 v23, $1.000000000e+00  }
0x29b: {  	(erf) = vrcp.f32 v23;
	_ =	sdelay $0x8  }
0x29c: {  	v24 =	vpop (erf)  }
0x29d: {  	v25 =	vld [tilespmem:s4+$0xFFFFFFF0];
	v23 =	vmul.f32 v24, v23  }
0x29e: {  	v26 =	vld [tilespmem:s4+$0xFFFFFFE0]  }
0x29f: {  	v23 =	vsub.f32 $2.000000000e+00, v23  }
0x2a0: {  	v27 =	vld [tilespmem:s4+$0x0]  }
0x2a1: {  	v23 =	vmul.f32 v23, v24;
	_ =	sdelay $0x1  }
0x2a2: {  	v24 =	vmul.f32 v23, v26;
	v25 =	vmul.f32 v23, v25;
	_ =	sdelay $0x1  }
0x2a3: {  	v23 =	vmul.f32 v23, v27;
	v26 =	vadd.f32 v25, v24;
	_ =	sdelay $0x1  }
0x2a4: {  	v26 =	vadd.f32 v26, v23;
	_ =	sdelay $0x1  }
0x2a5: {  	v26 =	vmul.f32 $3.333333430e-01, v26;
	_ =	sdelay $0x1  }
0x2a6: {  	v24 =	vsub.f32 v24, v26;
	v25 =	vsub.f32 v25, v26;
	_ =	sdelay $0x1  }
0x2a7: {  	v23 =	vsub.f32 v23, v26;
	v26 =	vmul.f32 v24, v24;
	v27 =	vmul.f32 v25, v25;
	_ =	sdelay $0x1  }
0x2a8: {  	v26 =	vadd.f32 v27, v26;
	v27 =	vmul.f32 v23, v23;
	_ =	sdelay $0x1  }
0x2a9: {  	v26 =	vadd.f32 v26, v27;
	_ =	sdelay $0x1  }
0x2aa: {  	v26 =	vmul.f32 $3.333333430e-01, v26;
	_ =	sdelay $0x1  }
0x2ab: {  	v26 =	vadd.f32 $9.999999740e-06, v26;
	_ =	sdelay $0x1  }
0x2ac: {  	v27 =	vshra.s32 v26, $0x1;
	v26 =	vmul.f32 $5.000000000e-01, v26  }
0x2ad: {  	v27 =	vsub.s32 $0x5F3759DF, v27  }
0x2ae: {  	v28 =	vmul.f32 v27, v26;
	_ =	sdelay $0x1  }
0x2af: {  	v28 =	vmul.f32 v27, v28;
	_ =	sdelay $0x1  }
0x2b0: {  	v28 =	vsub.f32 $1.500000000e+00, v28;
	_ =	sdelay $0x1  }
0x2b1: {  	v27 =	vmul.f32 v27, v28;
	_ =	sdelay $0x1  }
0x2b2: {  	v28 =	vmul.f32 v27, v26;
	_ =	sdelay $0x1  }
0x2b3: {  	v28 =	vmul.f32 v28, v27;
	_ =	sdelay $0x1  }
0x2b4: {  	v28 =	vsub.f32 $1.500000000e+00, v28;
	_ =	sdelay $0x1  }
0x2b5: {  	v27 =	vmul.f32 v28, v27;
	_ =	sdelay $0x1  }
0x2b6: {  	v28 =	vmul.f32 v27, v26;
	_ =	sdelay $0x1  }
0x2b7: {  	v28 =	vmul.f32 v28, v27;
	_ =	sdelay $0x1  }
0x2b8: {  	v28 =	vsub.f32 $1.500000000e+00, v28;
	_ =	sdelay $0x1  }
0x2b9: {  	v27 =	vmul.f32 v28, v27;
	_ =	sdelay $0x1  }
0x2ba: {  	v26 =	vmul.f32 v27, v26;
	_ =	sdelay $0x1  }
0x2bb: {  	v26 =	vmul.f32 v26, v27;
	_ =	sdelay $0x1  }
0x2bc: {  	v26 =	vsub.f32 $1.500000000e+00, v26;
	_ =	sdelay $0x1  }
0x2bd: {  	v26 =	vmul.f32 v26, v27;
	_ =	sdelay $0x1  }
0x2be: {  	v24 =	vmul.f32 v26, v24;
	v25 =	vmul.f32 v26, v25  }
0x2bf: {  	v23 =	vmul.f32 v26, v23  }
0x2c0: {  	v24 =	vmul.f32 v24, v15;
	v25 =	vmul.f32 v25, v22;
	_ =	sdelay $0x1  }
0x2c1: {  	v23 =	vmul.f32 v23, v17;
	v24 =	vadd.f32 v24, v14;
	v25 =	vadd.f32 v25, v16;
	_ =	sdelay $0x1  }
0x2c2: {  	v23 =	vadd.f32 v23, v18;
	v24 =	vmul.f32 v24, v19;
	v25 =	vmul.f32 v25, v20;
	_ =	sdelay $0x1  }
0x2c3: {  	v23 =	vmul.f32 v23, v21;
	v24 =	vadd.f32 v25, v24  }
0x2c4: {  	v25 =	vadd.s32 s0, v1;
	s0 =	smov.u32 s15  }
0x2c5: {  	v23 =	vadd.f32 v24, v23  }
.Ltmp5:
0x2c6: {  	(pc) =	sbr.rel @p0 .LBB2_11-.Ltmp5, $3  }
0x2c7: {  	v23 =	vadd.f32 v23, v13;
	_ =	sdelay $0x1  }
0x2c8: {  	s4 =	sadd.s32 $0x40, s4;
	[tilespmem:v25+s30+$0x0] =	vst.idx.msk $0xffff, v23  }
0x2c9: {  	s15 =	sadd.s32 $0x1, s15;
	v23 =	vld [tilespmem:s4+$0x10]  }
0x2ca: {  	_ =	sdelay $0x3  }
0x2cb: {  	v23 =	vmax.f32 v23, $1.000000000e+00  }
0x2cc: {  	(erf) = vrcp.f32 v23;
	_ =	sdelay $0x8  }
0x2cd: {  	v24 =	vpop (erf)  }
0x2ce: {  	v25 =	vld [tilespmem:s4+$0xFFFFFFF0];
	v23 =	vmul.f32 v24, v23  }
0x2cf: {  	v26 =	vld [tilespmem:s4+$0xFFFFFFE0]  }
0x2d0: {  	v23 =	vsub.f32 $2.000000000e+00, v23  }
0x2d1: {  	v27 =	vld [tilespmem:s4+$0x0]  }
0x2d2: {  	v23 =	vmul.f32 v23, v24;
	_ =	sdelay $0x1  }
0x2d3: {  	v24 =	vmul.f32 v23, v26;
	v25 =	vmul.f32 v23, v25;
	_ =	sdelay $0x1  }
0x2d4: {  	v23 =	vmul.f32 v23, v27;
	v26 =	vadd.f32 v25, v24;
	_ =	sdelay $0x1  }
0x2d5: {  	v26 =	vadd.f32 v26, v23;
	_ =	sdelay $0x1  }
0x2d6: {  	v26 =	vmul.f32 $3.333333430e-01, v26;
	_ =	sdelay $0x1  }
0x2d7: {  	v24 =	vsub.f32 v24, v26;
	v25 =	vsub.f32 v25, v26;
	_ =	sdelay $0x1  }
0x2d8: {  	v23 =	vsub.f32 v23, v26;
	v58 =	vmul.f32 v24, v24;
	v59 =	vmul.f32 v25, v25;
	_ =	sdelay $0x1  }
0x2d9: {  	v60 =	vmul.f32 v23, v23;
	v26 =	vadd.f32 v59, v58;
	_ =	sdelay $0x1  }
0x2da: {  	v26 =	vadd.f32 v26, v60;
	_ =	sdelay $0x1  }
0x2db: {  	v26 =	vmul.f32 $3.333333430e-01, v26;
	_ =	sdelay $0x1  }
0x2dc: {  	v26 =	vadd.f32 $9.999999740e-06, v26;
	_ =	sdelay $0x1  }
0x2dd: {  	v61 =	vshra.s32 v26, $0x1;
	v26 =	vmul.f32 $5.000000000e-01, v26  }
0x2de: {  	v27 =	vsub.s32 $0x5F3759DF, v61  }
0x2df: {  	v28 =	vmul.f32 v27, v26;
	_ =	sdelay $0x1  }
0x2e0: {  	v28 =	vmul.f32 v27, v28;
	_ =	sdelay $0x1  }
0x2e1: {  	v28 =	vsub.f32 $1.500000000e+00, v28;
	_ =	sdelay $0x1  }
0x2e2: {  	v27 =	vmul.f32 v27, v28;
	_ =	sdelay $0x1  }
0x2e3: {  	v28 =	vmul.f32 v27, v26;
	_ =	sdelay $0x1  }
0x2e4: {  	v28 =	vmul.f32 v28, v27;
	_ =	sdelay $0x1  }
0x2e5: {  	v28 =	vsub.f32 $1.500000000e+00, v28;
	_ =	sdelay $0x1  }
0x2e6: {  	v27 =	vmul.f32 v28, v27;
	_ =	sdelay $0x1  }
0x2e7: {  	v28 =	vmul.f32 v27, v26;
	_ =	sdelay $0x1  }
0x2e8: {  	v28 =	vmul.f32 v28, v27;
	_ =	sdelay $0x1  }
0x2e9: {  	v28 =	vsub.f32 $1.500000000e+00, v28;
	_ =	sdelay $0x1  }
0x2ea: {  	v27 =	vmul.f32 v28, v27;
	_ =	sdelay $0x1  }
0x2eb: {  	v26 =	vmul.f32 v27, v26;
	_ =	sdelay $0x1  }
0x2ec: {  	v26 =	vmul.f32 v26, v27;
	_ =	sdelay $0x1  }
0x2ed: {  	v26 =	vsub.f32 $1.500000000e+00, v26;
	_ =	sdelay $0x1  }
0x2ee: {  	v26 =	vmul.f32 v26, v27;
	_ =	sdelay $0x1  }
0x2ef: {  	v24 =	vmul.f32 v26, v24;
	v25 =	vmul.f32 v26, v25  }
0x2f0: {  	v23 =	vmul.f32 v26, v23  }
0x2f1: {  	v15 =	vmul.f32 v24, v15;
	v22 =	vmul.f32 v25, v22;
	_ =	sdelay $0x1  }
0x2f2: {  	v62 =	vmul.f32 v23, v17;
	v14 =	vadd.f32 v15, v14;
	v15 =	vadd.f32 v22, v16;
	_ =	sdelay $0x1  }
0x2f3: {  	v16 =	vadd.f32 v62, v18;
	v14 =	vmul.f32 v14, v19;
	v15 =	vmul.f32 v15, v20;
	_ =	sdelay $0x1  }
0x2f4: {  	v14 =	vadd.f32 v15, v14;
	v15 =	vmul.f32 v16, v21  }
0x2f5: {  	v63 =	vadd.s32 s0, v1  }
0x2f6: {  	v14 =	vadd.f32 v14, v15;
	_ =	sdelay $0x1  }
0x2f7: {  	s31 =	sadd.s32 $0x1, s31;
	v13 =	vadd.f32 v14, v13  }
0x2f8: {  	p0 =	sne.s32 s31, s9  }
.Ltmp6:
0x2f9: {  	[tilespmem:v63+s30+$0x0] =	vst.idx.msk $0xffff, v13;
	(pc) =	sbr.rel @p0 .LBB2_1-.Ltmp6, $4  }
0x2fa: {  	[hbm4b:s8+s5] =	stream.linear.scatter [tilespmem:s30], [sflag:$0x3], $0xC40, $0x38;
	[tilespmem:$0x14080] =	vst v63  }
0x2fb: {  	_ =	swait.ge [sflag:s10], $0xC40  }
0x2fc: {  	[sflag:s10] =	ssyncset.done $0x0  }
0x2fd: {  	[sflag:s10] =	ssyncadd.s32 $0xFFFFF3C0  }
0x2fe: {  	_ =	sfence.sel $0x180000  }
0x2ff: {  	[bflag:$0x0] =	sbarrier.arrive $0xFFFF  }
0x300: {  	_ =	strace $0x9000004A  }
0x301: {  	s0 =	stileid.u32;
	[bflag:$0x2] =	sbarrier.arrive $0xFFFF  }
0x302: {  	p0 =	sne.s32 s0, $0x0;
	s0 =	rddreg [dreg:$0x5]  }
0x303: {  	s0 =	sadd.s32 @!p0 $0x100000, s0  }
0x304: {  	[sflag:s0] =	ssyncadd.tile.s32 @!p0 $0x1;
	_ =	shalt  }
.Lfunc_end2:
_tile_overlayer_lowered:
.L_overlay_start_2:
0x305: {  	(tag) =	ssettag $0x2  }
0x306: {  	s0 =	rddreg [dreg:$0x0];
	s2 =	stileid.u32  }
0x307: {  	s1 =	rddreg [dreg:$0x1];
	p0 =	sne.s32 s2, $0x0  }
0x308: {  	s3 =	rddreg [dreg:$0x2];
	[bflag:$0x3] =	sbarrier.arrive $0xFFFF;
	s2 =	simm.s32 @!p0 $0x1C03  }
0x309: {  	[timem:s3], [sflag:s2] =	dma.local @!p0 [hbm:s0], s1  }
0x30a: {  	s0 =	simm.s32 @!p0 $0x3  }
0x30b: {  	_ =	swait.ge @!p0 [sflag:s0], s1  }
0x30c: {  	s1 =	ssub.s32 @!p0 $0x0, s1;
	[sflag:s0] =	ssyncset.done @!p0 $0x0  }
0x30d: {  	[sflag:s0] =	ssyncadd.s32 @!p0 s1  }
0x30e: {  	[bflag:$0x3] =	sbarrier.arrive $0xFFFF  }
0x30f: {  	_ =	shalt  }

</sc_bundles>
